<compile_context>
chip_gen: v7x
topology: tpu7x:2x2x1
jax: 0.10.2.dev20260603
libtpu: 0.0.44.dev20260713+nightly
codegen_flags: <defaults>
</compile_context>

<pallas_src>
import functools

import jax
import jax.numpy as jnp
from jax import lax
from jax.experimental import pallas as pl
from jax.experimental.pallas import tpu as pltpu
from jax.experimental.pallas import tpu_sc as plsc

TOPK = 2
CAPF = 1.25
R = 256


def _sc_mesh():
    return plsc.VectorSubcoreMesh(core_axis_name="c", subcore_axis_name="s",
                                  num_cores=2, num_subcores=16)


_SC_PARAMS = pltpu.CompilerParams(needs_layout_passes=False)


def _router_body(E, CAP, S, TB, x_ref, wr_ref, se_ref, so_ref, we_ref, wo_ref,
                 hist_ref):
    b = pl.program_id(0)

    @pl.when(b == 0)
    def _():
        hist_ref[...] = jnp.zeros_like(hist_ref)

    logits = jnp.dot(x_ref[...].astype(jnp.bfloat16),
                     wr_ref[...].astype(jnp.bfloat16),
                     preferred_element_type=jnp.float32)
    iota = lax.broadcasted_iota(jnp.int32, (TB, E), 1)
    m1 = jnp.max(logits, axis=1, keepdims=True)
    a1 = jnp.min(jnp.where(logits >= m1, iota, E), axis=1, keepdims=True)
    masked = jnp.where(iota == a1, -1e30, logits)
    m2 = jnp.max(masked, axis=1, keepdims=True)
    a2 = jnp.min(jnp.where(masked >= m2, iota, E), axis=1, keepdims=True)
    e2 = jnp.exp(m2 - m1)
    w1 = 1.0 / (1.0 + e2)
    w2 = 1.0 - w1

    oh0 = (iota == a1).astype(jnp.float32)
    oh1 = (iota == a2).astype(jnp.float32)
    ohsum = oh0 + oh1
    cs = ohsum
    sh = 1
    while sh < TB:
        z = jnp.zeros((sh, E), jnp.float32)
        cs = cs + jnp.concatenate([z, cs[:TB - sh]], axis=0)
        sh *= 2
    aex = cs - ohsum + hist_ref[...]
    rank0 = jnp.sum(aex * oh0, axis=1, keepdims=True)
    rank1 = jnp.sum(aex * oh1, axis=1, keepdims=True)
    hist_ref[...] = hist_ref[...] + jnp.sum(ohsum, axis=0, keepdims=True)

    slot0 = a1.astype(jnp.float32) * float(CAP) + rank0
    slot1 = a2.astype(jnp.float32) * float(CAP) + rank1
    v0 = rank0 < float(CAP)
    v1 = rank1 < float(CAP)
    se_ref[0] = jnp.where(v0, slot0, float(S)).astype(jnp.int32)
    so_ref[0] = jnp.where(v1, slot1, float(S)).astype(jnp.int32)
    we_ref[0] = jnp.where(v0, w1, 0.0)
    wo_ref[0] = jnp.where(v1, w2, 0.0)


def _router_call(xf, W_router, E, CAP, S, TB):
    T, D = xf.shape
    nb = T // TB
    outs = pl.pallas_call(
        functools.partial(_router_body, E, CAP, S, TB),
        grid=(nb,),
        in_specs=[
            pl.BlockSpec((TB, D), lambda b: (b, 0)),
            pl.BlockSpec((D, E), lambda b: (0, 0)),
        ],
        out_specs=[pl.BlockSpec((1, TB, 1), lambda b: (b, 0, 0))] * 4,
        out_shape=[
            jax.ShapeDtypeStruct((nb, TB, 1), jnp.int32),
            jax.ShapeDtypeStruct((nb, TB, 1), jnp.int32),
            jax.ShapeDtypeStruct((nb, TB, 1), jnp.float32),
            jax.ShapeDtypeStruct((nb, TB, 1), jnp.float32),
        ],
        scratch_shapes=[pltpu.VMEM((1, E), jnp.float32)],
    )(xf, W_router)
    T_ = nb * TB
    return tuple(o.reshape(T_) for o in outs)


def _scatter_body(T, S, SP, se_hbm, so_hbm, we_hbm, wo_hbm, tokf_hbm,
                  wslot_hbm, se_v, so_v, we_v, wo_v, tokf_v, wslot_v):
    c = lax.axis_index("c")
    s = lax.axis_index("s")
    wid = s * 2 + c

    @pl.when(wid == 0)
    def _():
        pltpu.sync_copy(se_hbm, se_v)
        pltpu.sync_copy(so_hbm, so_v)
        pltpu.sync_copy(we_hbm, we_v)
        pltpu.sync_copy(wo_hbm, wo_v)

        def init(i, carry):
            off = pl.multiple_of(i * 16, 16)
            tokf_v[pl.ds(off, 16)] = jnp.zeros((16,), jnp.int32)
            wslot_v[pl.ds(off, 16)] = jnp.zeros((16,), jnp.float32)
            return carry

        lax.fori_loop(0, SP // 16, init, 0)

        def scat(i, carry):
            off = pl.multiple_of(i * 16, 16)
            tv = jnp.arange(16, dtype=jnp.int32) + i * 16
            sv = se_v[pl.ds(off, 16)]
            m = sv < S
            plsc.store_scatter(tokf_v, [sv], tv, mask=m)
            plsc.store_scatter(wslot_v, [sv], we_v[pl.ds(off, 16)], mask=m)
            sv2 = so_v[pl.ds(off, 16)]
            m2 = sv2 < S
            plsc.store_scatter(tokf_v, [sv2], tv, mask=m2)
            plsc.store_scatter(wslot_v, [sv2], wo_v[pl.ds(off, 16)], mask=m2)
            return carry

        lax.fori_loop(0, T // 16, scat, 0)
        pltpu.sync_copy(tokf_v, tokf_hbm)
        pltpu.sync_copy(wslot_v, wslot_hbm)


def _scatter_call(se, so, we, wo, T, S, SP):
    return pl.kernel(
        functools.partial(_scatter_body, T, S, SP),
        out_type=[
            jax.ShapeDtypeStruct((SP,), jnp.int32),
            jax.ShapeDtypeStruct((SP,), jnp.float32),
        ],
        mesh=_sc_mesh(),
        compiler_params=_SC_PARAMS,
        scratch_types=[
            pltpu.VMEM((T,), jnp.int32),
            pltpu.VMEM((T,), jnp.int32),
            pltpu.VMEM((T,), jnp.float32),
            pltpu.VMEM((T,), jnp.float32),
            pltpu.VMEM((SP,), jnp.int32),
            pltpu.VMEM((SP,), jnp.float32),
        ],
    )(se, so, we, wo)


def _gather_body(NQ, QSTART, NW, CH, tokf_hbm, xf_hbm, cf_hbm, gx_hbm, gc_hbm,
                 idx_v, rx0, rx1, rc0, rc1, sx0, sx1, sc0, sc1):
    c = lax.axis_index("c")
    s = lax.axis_index("s")
    wid = s * 2 + c
    per = NQ // NW
    base = pl.multiple_of(wid * per, 8)
    pltpu.sync_copy(tokf_hbm.at[pl.ds(QSTART + base, per)], idx_v)
    nch = per // CH
    tail = per % CH
    bufs = ((rx0, rc0, sx0, sc0), (rx1, rc1, sx1, sc1))

    def fire(j, bx, bc, sx, sc):
        idx = idx_v.at[pl.ds(pl.multiple_of(j * CH, CH), CH)]
        pltpu.async_copy(xf_hbm.at[idx], bx, sx)
        pltpu.async_copy(cf_hbm.at[idx], bc, sc)

    def drain_out(j, bx, bc, sx, sc):
        pltpu.make_async_copy(xf_hbm.at[pl.ds(0, CH)], bx, sx).wait()
        pltpu.sync_copy(bx, gx_hbm.at[pl.ds(base + j * CH, CH)])
        pltpu.make_async_copy(cf_hbm.at[pl.ds(0, CH)], bc, sc).wait()
        pltpu.sync_copy(bc, gc_hbm.at[pl.ds(base + j * CH, CH)])

    fire(0, *bufs[0])

    def pair(g, carry):
        j0 = 2 * g
        j1 = 2 * g + 1

        @pl.when(j1 < nch)
        def _():
            fire(j1, *bufs[1])

        drain_out(j0, *bufs[0])

        @pl.when(j1 + 1 < nch)
        def _():
            fire(j1 + 1, *bufs[0])

        @pl.when(j1 < nch)
        def _():
            drain_out(j1, *bufs[1])

        return carry

    lax.fori_loop(0, (nch + 1) // 2, pair, 0)
    if tail:
        toff = nch * CH
        idx = idx_v.at[pl.ds(toff, tail)]
        rx_t = rx0.at[pl.ds(0, tail)]
        rc_t = rc0.at[pl.ds(0, tail)]
        cpx = pltpu.async_copy(xf_hbm.at[idx], rx_t, sx0)
        cpc = pltpu.async_copy(cf_hbm.at[idx], rc_t, sc0)
        cpx.wait()
        pltpu.sync_copy(rx_t, gx_hbm.at[pl.ds(base + toff, tail)])
        cpc.wait()
        pltpu.sync_copy(rc_t, gc_hbm.at[pl.ds(base + toff, tail)])


def _gather_call(tokf, xf, cf, NQ, QSTART, CH):
    T, D = xf.shape
    DC = cf.shape[1]
    NW = 32
    return pl.kernel(
        functools.partial(_gather_body, NQ, QSTART, NW, CH),
        out_type=[
            jax.ShapeDtypeStruct((NQ, D), jnp.float32),
            jax.ShapeDtypeStruct((NQ, DC), jnp.float32),
        ],
        mesh=_sc_mesh(),
        compiler_params=_SC_PARAMS,
        scratch_types=[
            pltpu.VMEM((NQ // NW,), jnp.int32),
            pltpu.VMEM((CH, D), jnp.float32),
            pltpu.VMEM((CH, D), jnp.float32),
            pltpu.VMEM((CH, DC), jnp.float32),
            pltpu.VMEM((CH, DC), jnp.float32),
            pltpu.SemaphoreType.DMA,
            pltpu.SemaphoreType.DMA,
            pltpu.SemaphoreType.DMA,
            pltpu.SemaphoreType.DMA,
        ],
    )(tokf, xf, cf)


def _ffn_body(TPE, D, QT0, has_alias, *refs):
    if has_alias:
        refs = refs[1:]
    (x_ref, c_ref, w1_ref, wc_ref, b1_ref, w2_ref, b2_ref, ws_ref,
     o_ref) = refs
    xb = x_ref[...]
    cb = c_ref[...]
    h = jnp.dot(xb, w1_ref[0], preferred_element_type=jnp.float32)
    h = h + jnp.dot(cb, wc_ref[0], preferred_element_type=jnp.float32)
    h = h + b1_ref[0]
    h = jax.nn.gelu(h)
    o = jnp.dot(h, w2_ref[0], preferred_element_type=jnp.float32)
    o = o + b2_ref[0]
    o_ref[...] = o * ws_ref[0]


def _ffn_call(gx_q, gc_q, xo_in, eW1, eWc, eb1, eW2, eb2, wslot, E, CAP, SP,
              QT0, qt):
    DFF = eW1.shape[2]
    D = eW1.shape[1]
    DC = gc_q.shape[1]
    TPE = CAP // R
    ntiles = gx_q.shape[0] // R
    eidx = lambda i: (jnp.minimum((i + QT0) // TPE, E - 1), 0, 0)
    has_alias = xo_in is not None
    in_specs = [
        pl.BlockSpec((R, D), lambda i: (i, 0)),
        pl.BlockSpec((R, DC), lambda i: (i, 0)),
        pl.BlockSpec((1, D, DFF), eidx),
        pl.BlockSpec((1, DC, DFF), eidx),
        pl.BlockSpec((1, 1, DFF), eidx),
        pl.BlockSpec((1, DFF, D), eidx),
        pl.BlockSpec((1, 1, D), eidx),
        pl.BlockSpec((1, R, 1), lambda i: (i + QT0, 0, 0)),
    ]
    args = [gx_q, gc_q, eW1, eWc, eb1.reshape(E, 1, DFF), eW2,
            eb2.reshape(E, 1, D), wslot.reshape(SP // R, R, 1)]
    kwargs = {}
    if has_alias:
        in_specs = [pl.BlockSpec(memory_space=pl.ANY)] + in_specs
        args = [xo_in] + args
        kwargs["input_output_aliases"] = {0: 0}
    return pl.pallas_call(
        functools.partial(_ffn_body, TPE, D, QT0, has_alias),
        grid=(ntiles,),
        in_specs=in_specs,
        out_specs=pl.BlockSpec((R, D), lambda i: (i + QT0, 0)),
        out_shape=jax.ShapeDtypeStruct((SP, D), jnp.float32),
        compiler_params=pltpu.CompilerParams(
            vmem_limit_bytes=112 * 1024 * 1024),
        **kwargs,
    )(*args)


def _pair_body(T, NW, CH, se_hbm, so_hbm, xo_hbm, re_hbm, ro_hbm,
               ie_v, io_v, rows_v, sem):
    c = lax.axis_index("c")
    s = lax.axis_index("s")
    wid = s * 2 + c
    per = T // NW
    base = pl.multiple_of(wid * per, 8)
    pltpu.sync_copy(se_hbm.at[pl.ds(base, per)], ie_v)
    pltpu.sync_copy(so_hbm.at[pl.ds(base, per)], io_v)

    def chunk(j, carry):
        off = pl.multiple_of(j * CH, CH)
        pltpu.async_copy(xo_hbm.at[ie_v.at[pl.ds(off, CH)]], rows_v, sem).wait()
        pltpu.sync_copy(rows_v, re_hbm.at[pl.ds(base + off, CH)])
        pltpu.async_copy(xo_hbm.at[io_v.at[pl.ds(off, CH)]], rows_v, sem).wait()
        pltpu.sync_copy(rows_v, ro_hbm.at[pl.ds(base + off, CH)])
        return carry

    lax.fori_loop(0, per // CH, chunk, 0)


def _pair_call(se, so, xo_w, T, CH):
    D = xo_w.shape[1]
    NW = 32
    return pl.kernel(
        functools.partial(_pair_body, T, NW, CH),
        out_type=[
            jax.ShapeDtypeStruct((T, D), jnp.float32),
            jax.ShapeDtypeStruct((T, D), jnp.float32),
        ],
        mesh=_sc_mesh(),
        compiler_params=_SC_PARAMS,
        scratch_types=[
            pltpu.VMEM((T // NW,), jnp.int32),
            pltpu.VMEM((T // NW,), jnp.int32),
            pltpu.VMEM((CH, D), jnp.float32),
            pltpu.SemaphoreType.DMA,
        ],
    )(se, so, xo_w)


def _shared_body(x_ref, c_ref, w1_ref, wc_ref, b1_ref, w2_ref, b2_ref,
                 o_ref):
    h = jnp.dot(x_ref[...], w1_ref[...], preferred_element_type=jnp.float32)
    h = h + jnp.dot(c_ref[...], wc_ref[...],
                    preferred_element_type=jnp.float32)
    h = h + b1_ref[...]
    h = jax.nn.gelu(h)
    sh = jnp.dot(h, w2_ref[...], preferred_element_type=jnp.float32)
    o_ref[...] = sh + b2_ref[...]


def _shared_call(xf, cf, sW1, sWc, sb1, sW2, sb2):
    T, D = xf.shape
    DC = cf.shape[1]
    DFF = sW1.shape[1]
    nt = T // R
    return pl.pallas_call(
        _shared_body,
        grid=(nt,),
        in_specs=[
            pl.BlockSpec((R, D), lambda i: (i, 0)),
            pl.BlockSpec((R, DC), lambda i: (i, 0)),
            pl.BlockSpec((D, DFF), lambda i: (0, 0)),
            pl.BlockSpec((DC, DFF), lambda i: (0, 0)),
            pl.BlockSpec((1, DFF), lambda i: (0, 0)),
            pl.BlockSpec((DFF, D), lambda i: (0, 0)),
            pl.BlockSpec((1, D), lambda i: (0, 0)),
        ],
        out_specs=pl.BlockSpec((R, D), lambda i: (i, 0)),
        out_shape=jax.ShapeDtypeStruct((T, D), jnp.float32),
        compiler_params=pltpu.CompilerParams(
            vmem_limit_bytes=112 * 1024 * 1024),
    )(xf, cf, sW1, sWc, sb1.reshape(1, DFF), sW2, sb2.reshape(1, D))


def _combine_body(sh_ref, m_ref, re_ref, ro_ref, o_ref):
    o_ref[...] = m_ref[0] * (
        sh_ref[...] + 2.0 * (re_ref[...] + ro_ref[...])) / 3.0


def _combine_call(shared, mf, rE, rO):
    T, D = shared.shape
    nt = T // R
    return pl.pallas_call(
        _combine_body,
        grid=(nt,),
        in_specs=[
            pl.BlockSpec((R, D), lambda i: (i, 0)),
            pl.BlockSpec((1, R, 1), lambda i: (i, 0, 0)),
            pl.BlockSpec((R, D), lambda i: (i, 0)),
            pl.BlockSpec((R, D), lambda i: (i, 0)),
        ],
        out_specs=pl.BlockSpec((R, D), lambda i: (i, 0)),
        out_shape=jax.ShapeDtypeStruct((T, D), jnp.float32),
    )(shared, mf.reshape(nt, R, 1), rE, rO)


def kernel(x, cond, mask, W_router, sW1, sWc, sb1, sW2, sb2, eW1, eWc, eb1,
           eW2, eb2):
    b, n, d = x.shape
    T = b * n
    E = W_router.shape[1]
    dc = cond.shape[2]
    CAP = max(int(CAPF * TOPK * T / E), 1)
    S = E * CAP
    SP = S + R

    xf = x.reshape(T, d)
    cf = cond.reshape(T, dc)
    mf = mask.reshape(T)

    se, so, we, wo = _router_call(xf, W_router, E, CAP, S, TB=1024)
    tokf, wslot = _scatter_call(se, so, we, wo, T, S, SP)
    shared = _shared_call(xf, cf, sW1, sWc, sb1, sW2, sb2)

    NPARTS = 4
    EPP = E // NPARTS
    QROWS = EPP * CAP
    xo_w = None
    for q in range(NPARTS):
        qstart = q * QROWS
        nq = QROWS + (SP - NPARTS * QROWS if q == NPARTS - 1 else 0)
        gx_q, gc_q = _gather_call(tokf, xf, cf, nq, qstart, CH=24)
        xo_w = _ffn_call(gx_q, gc_q, xo_w, eW1, eWc, eb1, eW2, eb2, wslot, E,
                         CAP, SP, qstart // R, q)
    rE, rO = _pair_call(se, so, xo_w, T, CH=32)
    out = _combine_call(shared, mf, rE, rO)
    return out.reshape(b, n, d)

# --- scband reference (transcript-rebuilt; emitter-appended) ---
"""Pipeline reference for scband-mo-e-60361470378718 (READ-ONLY COPY).

The authoritative reference and input builder live on the scoring server;
editing this copy changes nothing except your own understanding.
"""

import jax, jax.numpy as jnp
import numpy as np

E = 8
TOP_K = 2
D = 1024
DC = 1024
DFF = 2048
CAPF = 1.25
B, N = 2, 2048


def expert_apply(W1, Wc, b1, W2, b2, x, cond, mask):
    h = jax.nn.gelu(x @ W1 + cond @ Wc + b1)
    return (h @ W2 + b2) * mask[:, None]


def setup_inputs(seed: int = 0) -> dict:
    key = jax.random.key(seed)
    ks = jax.random.split(key, 10)
    x = jax.random.normal(ks[0], (B, N, D), jnp.float32)
    cond = jax.random.normal(ks[1], (B, N, DC), jnp.float32)
    mask = jnp.ones((B, N), jnp.float32)
    W_router = jax.random.normal(ks[2], (D, E), jnp.float32) * 0.02
    sW1 = jax.random.normal(ks[3], (D, DFF), jnp.float32) * 0.02
    sWc = jax.random.normal(ks[4], (DC, DFF), jnp.float32) * 0.02
    sb1 = jnp.zeros((DFF,), jnp.float32)
    sW2 = jax.random.normal(ks[5], (DFF, D), jnp.float32) * 0.02
    sb2 = jnp.zeros((D,), jnp.float32)
    eW1 = jax.random.normal(ks[6], (E, D, DFF), jnp.float32) * 0.02
    eWc = jax.random.normal(ks[7], (E, DC, DFF), jnp.float32) * 0.02
    eb1 = jnp.zeros((E, DFF), jnp.float32)
    eW2 = jax.random.normal(ks[8], (E, DFF, D), jnp.float32) * 0.02
    eb2 = jnp.zeros((E, D), jnp.float32)
    return {"x": x, "cond": cond, "mask": mask, "W_router": W_router,
            "sW1": sW1, "sWc": sWc, "sb1": sb1, "sW2": sW2, "sb2": sb2,
            "eW1": eW1, "eWc": eWc, "eb1": eb1, "eW2": eW2, "eb2": eb2}


def _routing_plan(top_experts, T):
    # mirrors ops.sort (stable radix sort), ops.histogram, ops.inclusive_cumsum
    capacity = max(int(CAPF * TOP_K * T / E), 1)
    L = top_experts.shape[0]
    order = jnp.argsort(top_experts, stable=True).astype(jnp.int32)
    sorted_e = top_experts[order]
    tpe = jnp.zeros((E,), jnp.int32).at[top_experts].add(1)
    starts = jnp.cumsum(tpe) - tpe
    rank = jnp.arange(L, dtype=jnp.int32) - starts[sorted_e]
    pos = jnp.zeros((E, capacity), jnp.int32).at[sorted_e, rank].set(order, mode='drop')
    valid = jnp.zeros((E, capacity), jnp.float32).at[sorted_e, rank].set(1.0, mode='drop')
    return pos, valid, capacity


def reference(x, cond, mask, W_router, sW1, sWc, sb1, sW2, sb2, eW1, eWc, eb1, eW2, eb2):
    b, n, d = x.shape
    T = b * n
    xf = x.reshape(T, d)
    cf = cond.reshape(T, -1)
    mf = mask.reshape(T)
    # router: softmax then top-k, normalize expert weights
    scores = jax.nn.softmax(xf @ W_router, axis=-1)
    ew, eidx = jax.lax.top_k(scores, TOP_K)
    ew = ew / jnp.sum(ew, axis=-1, keepdims=True)
    pos, valid, capacity = _routing_plan(eidx.reshape(-1), T)
    tokf = (pos // TOP_K).reshape(-1)
    posf = pos.reshape(-1)
    vf = valid.reshape(-1)
    # binned_gather of x, cond, mask into [E, capacity, .]
    gx = xf[tokf].reshape(E, capacity, d) * valid[..., None]
    gc = cf[tokf].reshape(E, capacity, cf.shape[-1]) * valid[..., None]
    gm = mf[tokf].reshape(E, capacity) * valid
    # per-expert compute (vmapped over experts)
    xo = jax.vmap(expert_apply)(eW1, eWc, eb1, eW2, eb2, gx, gc, gm)
    # binned_scatter with expert weights
    wslot = ew.reshape(-1)[posf] * vf
    routed = jnp.zeros((T, d), x.dtype).at[tokf].add(xo.reshape(E * capacity, d) * wslot[:, None])
    # shared expert + normalized combination
    shared = expert_apply(sW1, sWc, sb1, sW2, sb2, xf, cf, mf)
    out = (shared + routed * TOP_K) / (TOP_K + 1)
    return out.reshape(b, n, d)

if __name__ == "__main__":
    import jax
    _d = setup_inputs()
    print(jax.jit(kernel)(*tuple(_d.values())))

</pallas_src>

<mosaic_0001>
#map = affine_map<(d0, d1) -> (0)>
#map1 = affine_map<(d0, d1) -> (0, 0)>
module attributes {stable_mosaic.version = 14 : i64} {
  func.func @_gather_body(%arg0: i32, %arg1: i32, %arg2: memref<10496xi32, #tpu.memory_space<hbm>>, %arg3: memref<4096x1024xf32, #tpu.memory_space<hbm>>, %arg4: memref<4096x1024xf32, #tpu.memory_space<hbm>>, %arg5: memref<2560x1024xf32, #tpu.memory_space<hbm>>, %arg6: memref<2560x1024xf32, #tpu.memory_space<hbm>>, %arg7: memref<80xi32, #tpu.memory_space<vmem>>, %arg8: memref<24x1024xf32, #tpu.memory_space<vmem>>, %arg9: memref<24x1024xf32, #tpu.memory_space<vmem>>, %arg10: memref<24x1024xf32, #tpu.memory_space<vmem>>, %arg11: memref<24x1024xf32, #tpu.memory_space<vmem>>, %arg12: memref<!tpu.dma_semaphore, #tpu.memory_space<semaphore_mem>>, %arg13: memref<!tpu.dma_semaphore, #tpu.memory_space<semaphore_mem>>, %arg14: memref<!tpu.dma_semaphore, #tpu.memory_space<semaphore_mem>>, %arg15: memref<!tpu.dma_semaphore, #tpu.memory_space<semaphore_mem>>) attributes {dimension_semantics = [#tpu.dimension_semantics<core_parallel>, #tpu.dimension_semantics<subcore_parallel>], iteration_bounds = array<i64: 2, 16>, scalar_prefetch = 0 : i64, scratch_operands = 9 : i64, tpu.core_type = #tpu.core_type<sc_vector_subcore>, window_params = [{transform_indices = #map}, {transform_indices = #map1}, {transform_indices = #map1}, {transform_indices = #map1}, {transform_indices = #map1}]} {
    %mul3A = arith.constant 2 : i32
    %mul3A_0 = arith.muli %arg1, %mul3A : i32
    %add3A = arith.addi %mul3A_0, %arg0 : i32
    %mul3A_1 = arith.constant 80 : i32
    %mul3A_2 = arith.muli %add3A, %mul3A_1 : i32
    %multiple_of3A = tpu.assume_multiple %mul3A_2, 8 : i32
    %add3A_3 = arith.constant 0 : i32
    %add3A_4 = arith.addi %add3A_3, %multiple_of3A : i32
    "tpu.region"() ({
      %run_scoped3A = tpu.sem_alloc : memref<!tpu.dma_semaphore, #tpu.memory_space<semaphore_mem>>
      %dma_start3A_54 = tpu.memref_slice %arg2[%add3A_4] : memref<10496xi32, #tpu.memory_space<hbm>> -> memref<80xi32, #tpu.memory_space<hbm>>
      %dma_start3A_55 = tpu.memref_slice %arg2[%add3A_4] : memref<10496xi32, #tpu.memory_space<hbm>> -> memref<80xi32, #tpu.memory_space<hbm>>
      tpu.enqueue_dma source(%dma_start3A_55 : memref<80xi32, #tpu.memory_space<hbm>>) target(%arg7 : memref<80xi32, #tpu.memory_space<vmem>>) target_semaphore(%run_scoped3A : memref<!tpu.dma_semaphore, #tpu.memory_space<semaphore_mem>>)
      %dma_wait3A_56 = tpu.memref_slice %arg2[%add3A_4] : memref<10496xi32, #tpu.memory_space<hbm>> -> memref<80xi32, #tpu.memory_space<hbm>>
      %dma_wait3A_57 = tpu.memref_slice %arg2[%add3A_4] : memref<10496xi32, #tpu.memory_space<hbm>> -> memref<80xi32, #tpu.memory_space<hbm>>
      tpu.wait_dma2 semaphore(%run_scoped3A : memref<!tpu.dma_semaphore, #tpu.memory_space<semaphore_mem>>) src(%dma_wait3A_57 : memref<80xi32, #tpu.memory_space<hbm>>) dst(%arg7 : memref<80xi32, #tpu.memory_space<vmem>>)
      tpu.yield
    }) : () -> ()
    %multiple_of3A_5 = arith.constant 0 : i32
    %multiple_of3A_6 = tpu.assume_multiple %multiple_of3A_5, 24 : i32
    %dma_start3A = tpu.memref_slice %arg7[%multiple_of3A_6] : memref<80xi32, #tpu.memory_space<vmem>> -> memref<24xi32, #tpu.memory_space<vmem>>
    %dma_start3A_7 = arith.constant 0 : i32
    %dma_start3A_8 = arith.constant 0 : i32
    %dma_start3A_9 = tpu.memref_slice %arg3[%dma_start3A_7, %dma_start3A_8] : memref<4096x1024xf32, #tpu.memory_space<hbm>> -> memref<4096x1024xf32, #tpu.memory_space<hbm>>
    tpu.enqueue_indirect_dma source(%dma_start3A_9 : memref<4096x1024xf32, #tpu.memory_space<hbm>>) target(%arg8 : memref<24x1024xf32, #tpu.memory_space<vmem>>) offsets(%dma_start3A : memref<24xi32, #tpu.memory_space<vmem>>) semaphore(%arg12 : memref<!tpu.dma_semaphore, #tpu.memory_space<semaphore_mem>>)
    %dma_start3A_10 = tpu.memref_slice %arg7[%multiple_of3A_6] : memref<80xi32, #tpu.memory_space<vmem>> -> memref<24xi32, #tpu.memory_space<vmem>>
    %dma_start3A_11 = arith.constant 0 : i32
    %dma_start3A_12 = arith.constant 0 : i32
    %dma_start3A_13 = tpu.memref_slice %arg4[%dma_start3A_11, %dma_start3A_12] : memref<4096x1024xf32, #tpu.memory_space<hbm>> -> memref<4096x1024xf32, #tpu.memory_space<hbm>>
    tpu.enqueue_indirect_dma source(%dma_start3A_13 : memref<4096x1024xf32, #tpu.memory_space<hbm>>) target(%arg10 : memref<24x1024xf32, #tpu.memory_space<vmem>>) offsets(%dma_start3A_10 : memref<24xi32, #tpu.memory_space<vmem>>) semaphore(%arg14 : memref<!tpu.dma_semaphore, #tpu.memory_space<semaphore_mem>>)
    %scan3A = arith.constant 0 : i32
    %scan3A_14 = arith.constant 0 : i32
    %scan3A_15 = arith.constant 2 : i32
    %scan3A_16 = arith.addi %scan3A_14, %scan3A_15 : i32
    %scan3A_17 = arith.constant 1 : i32
    scf.for %scan3A_54 = %scan3A_14 to %scan3A_16 step %scan3A_17  : i32 {
      %mul3A_55 = arith.constant 2 : i32
      %mul3A_56 = arith.muli %mul3A_55, %scan3A_54 : i32
      %mul3A_57 = arith.constant 2 : i32
      %mul3A_58 = arith.muli %mul3A_57, %scan3A_54 : i32
      %add3A_59 = arith.constant 1 : i32
      %add3A_60 = arith.addi %mul3A_58, %add3A_59 : i32
      %lt3A = arith.constant 3 : i32
      %lt3A_61 = arith.cmpi slt, %add3A_60, %lt3A : i32
      %convert_element_type3A = arith.extui %lt3A_61 : i1 to i32
      %cond3A = arith.constant 0 : i32
      %cond3A_62 = arith.cmpi ne, %convert_element_type3A, %cond3A : i32
      scf.if %cond3A_62 {
        %mul3A_93 = arith.constant 24 : i32
        %mul3A_94 = arith.muli %add3A_60, %mul3A_93 : i32
        %multiple_of3A_95 = tpu.assume_multiple %mul3A_94, 24 : i32
        %dma_start3A_96 = tpu.memref_slice %arg7[%multiple_of3A_95] : memref<80xi32, #tpu.memory_space<vmem>> -> memref<24xi32, #tpu.memory_space<vmem>>
        %dma_start3A_97 = arith.constant 0 : i32
        %dma_start3A_98 = arith.constant 0 : i32
        %dma_start3A_99 = tpu.memref_slice %arg3[%dma_start3A_97, %dma_start3A_98] : memref<4096x1024xf32, #tpu.memory_space<hbm>> -> memref<4096x1024xf32, #tpu.memory_space<hbm>>
        tpu.enqueue_indirect_dma source(%dma_start3A_99 : memref<4096x1024xf32, #tpu.memory_space<hbm>>) target(%arg9 : memref<24x1024xf32, #tpu.memory_space<vmem>>) offsets(%dma_start3A_96 : memref<24xi32, #tpu.memory_space<vmem>>) semaphore(%arg13 : memref<!tpu.dma_semaphore, #tpu.memory_space<semaphore_mem>>)
        %dma_start3A_100 = tpu.memref_slice %arg7[%multiple_of3A_95] : memref<80xi32, #tpu.memory_space<vmem>> -> memref<24xi32, #tpu.memory_space<vmem>>
        %dma_start3A_101 = arith.constant 0 : i32
        %dma_start3A_102 = arith.constant 0 : i32
        %dma_start3A_103 = tpu.memref_slice %arg4[%dma_start3A_101, %dma_start3A_102] : memref<4096x1024xf32, #tpu.memory_space<hbm>> -> memref<4096x1024xf32, #tpu.memory_space<hbm>>
        tpu.enqueue_indirect_dma source(%dma_start3A_103 : memref<4096x1024xf32, #tpu.memory_space<hbm>>) target(%arg11 : memref<24x1024xf32, #tpu.memory_space<vmem>>) offsets(%dma_start3A_100 : memref<24xi32, #tpu.memory_space<vmem>>) semaphore(%arg15 : memref<!tpu.dma_semaphore, #tpu.memory_space<semaphore_mem>>)
      } else {
      }
      %dma_wait3A_63 = arith.constant 0 : i32
      %dma_wait3A_64 = arith.constant 0 : i32
      %dma_wait3A_65 = tpu.memref_slice %arg3[%dma_wait3A_63, %dma_wait3A_64] : memref<4096x1024xf32, #tpu.memory_space<hbm>> -> memref<24x1024xf32, #tpu.memory_space<hbm>>
      %dma_wait3A_66 = arith.constant 0 : i32
      %dma_wait3A_67 = arith.constant 0 : i32
      %dma_wait3A_68 = tpu.memref_slice %arg3[%dma_wait3A_66, %dma_wait3A_67] : memref<4096x1024xf32, #tpu.memory_space<hbm>> -> memref<24x1024xf32, #tpu.memory_space<hbm>>
      tpu.wait_dma2 semaphore(%arg12 : memref<!tpu.dma_semaphore, #tpu.memory_space<semaphore_mem>>) src(%dma_wait3A_68 : memref<24x1024xf32, #tpu.memory_space<hbm>>) dst(%arg8 : memref<24x1024xf32, #tpu.memory_space<vmem>>)
      %mul3A_69 = arith.constant 24 : i32
      %mul3A_70 = arith.muli %mul3A_56, %mul3A_69 : i32
      %add3A_71 = arith.addi %multiple_of3A, %mul3A_70 : i32
      "tpu.region"() ({
        %run_scoped3A = tpu.sem_alloc : memref<!tpu.dma_semaphore, #tpu.memory_space<semaphore_mem>>
        %dma_start3A_93 = arith.constant 0 : i32
        %dma_start3A_94 = tpu.memref_slice %arg5[%add3A_71, %dma_start3A_93] : memref<2560x1024xf32, #tpu.memory_space<hbm>> -> memref<24x1024xf32, #tpu.memory_space<hbm>>
        %dma_start3A_95 = arith.constant 0 : i32
        %dma_start3A_96 = tpu.memref_slice %arg5[%add3A_71, %dma_start3A_95] : memref<2560x1024xf32, #tpu.memory_space<hbm>> -> memref<24x1024xf32, #tpu.memory_space<hbm>>
        tpu.enqueue_dma source(%arg8 : memref<24x1024xf32, #tpu.memory_space<vmem>>) target(%dma_start3A_96 : memref<24x1024xf32, #tpu.memory_space<hbm>>) target_semaphore(%run_scoped3A : memref<!tpu.dma_semaphore, #tpu.memory_space<semaphore_mem>>)
        %dma_wait3A_97 = arith.constant 0 : i32
        %dma_wait3A_98 = tpu.memref_slice %arg5[%add3A_71, %dma_wait3A_97] : memref<2560x1024xf32, #tpu.memory_space<hbm>> -> memref<24x1024xf32, #tpu.memory_space<hbm>>
        %dma_wait3A_99 = arith.constant 0 : i32
        %dma_wait3A_100 = tpu.memref_slice %arg5[%add3A_71, %dma_wait3A_99] : memref<2560x1024xf32, #tpu.memory_space<hbm>> -> memref<24x1024xf32, #tpu.memory_space<hbm>>
        tpu.wait_dma2 semaphore(%run_scoped3A : memref<!tpu.dma_semaphore, #tpu.memory_space<semaphore_mem>>) src(%arg8 : memref<24x1024xf32, #tpu.memory_space<vmem>>) dst(%dma_wait3A_100 : memref<24x1024xf32, #tpu.memory_space<hbm>>)
        tpu.yield
      }) : () -> ()
      %dma_wait3A_72 = arith.constant 0 : i32
      %dma_wait3A_73 = arith.constant 0 : i32
      %dma_wait3A_74 = tpu.memref_slice %arg4[%dma_wait3A_72, %dma_wait3A_73] : memref<4096x1024xf32, #tpu.memory_space<hbm>> -> memref<24x1024xf32, #tpu.memory_space<hbm>>
      %dma_wait3A_75 = arith.constant 0 : i32
      %dma_wait3A_76 = arith.constant 0 : i32
      %dma_wait3A_77 = tpu.memref_slice %arg4[%dma_wait3A_75, %dma_wait3A_76] : memref<4096x1024xf32, #tpu.memory_space<hbm>> -> memref<24x1024xf32, #tpu.memory_space<hbm>>
      tpu.wait_dma2 semaphore(%arg14 : memref<!tpu.dma_semaphore, #tpu.memory_space<semaphore_mem>>) src(%dma_wait3A_77 : memref<24x1024xf32, #tpu.memory_space<hbm>>) dst(%arg10 : memref<24x1024xf32, #tpu.memory_space<vmem>>)
      %mul3A_78 = arith.constant 24 : i32
      %mul3A_79 = arith.muli %mul3A_56, %mul3A_78 : i32
      %add3A_80 = arith.addi %multiple_of3A, %mul3A_79 : i32
      "tpu.region"() ({
        %run_scoped3A = tpu.sem_alloc : memref<!tpu.dma_semaphore, #tpu.memory_space<semaphore_mem>>
        %dma_start3A_93 = arith.constant 0 : i32
        %dma_start3A_94 = tpu.memref_slice %arg6[%add3A_80, %dma_start3A_93] : memref<2560x1024xf32, #tpu.memory_space<hbm>> -> memref<24x1024xf32, #tpu.memory_space<hbm>>
        %dma_start3A_95 = arith.constant 0 : i32
        %dma_start3A_96 = tpu.memref_slice %arg6[%add3A_80, %dma_start3A_95] : memref<2560x1024xf32, #tpu.memory_space<hbm>> -> memref<24x1024xf32, #tpu.memory_space<hbm>>
        tpu.enqueue_dma source(%arg10 : memref<24x1024xf32, #tpu.memory_space<vmem>>) target(%dma_start3A_96 : memref<24x1024xf32, #tpu.memory_space<hbm>>) target_semaphore(%run_scoped3A : memref<!tpu.dma_semaphore, #tpu.memory_space<semaphore_mem>>)
        %dma_wait3A_97 = arith.constant 0 : i32
        %dma_wait3A_98 = tpu.memref_slice %arg6[%add3A_80, %dma_wait3A_97] : memref<2560x1024xf32, #tpu.memory_space<hbm>> -> memref<24x1024xf32, #tpu.memory_space<hbm>>
        %dma_wait3A_99 = arith.constant 0 : i32
        %dma_wait3A_100 = tpu.memref_slice %arg6[%add3A_80, %dma_wait3A_99] : memref<2560x1024xf32, #tpu.memory_space<hbm>> -> memref<24x1024xf32, #tpu.memory_space<hbm>>
        tpu.wait_dma2 semaphore(%run_scoped3A : memref<!tpu.dma_semaphore, #tpu.memory_space<semaphore_mem>>) src(%arg10 : memref<24x1024xf32, #tpu.memory_space<vmem>>) dst(%dma_wait3A_100 : memref<24x1024xf32, #tpu.memory_space<hbm>>)
        tpu.yield
      }) : () -> ()
      %add3A_81 = arith.constant 1 : i32
      %add3A_82 = arith.addi %add3A_60, %add3A_81 : i32
      %lt3A_83 = arith.constant 3 : i32
      %lt3A_84 = arith.cmpi slt, %add3A_82, %lt3A_83 : i32
      %convert_element_type3A_85 = arith.extui %lt3A_84 : i1 to i32
      %cond3A_86 = arith.constant 0 : i32
      %cond3A_87 = arith.cmpi ne, %convert_element_type3A_85, %cond3A_86 : i32
      scf.if %cond3A_87 {
        %add3A_93 = arith.constant 1 : i32
        %add3A_94 = arith.addi %add3A_60, %add3A_93 : i32
        %mul3A_95 = arith.constant 24 : i32
        %mul3A_96 = arith.muli %add3A_94, %mul3A_95 : i32
        %multiple_of3A_97 = tpu.assume_multiple %mul3A_96, 24 : i32
        %dma_start3A_98 = tpu.memref_slice %arg7[%multiple_of3A_97] : memref<80xi32, #tpu.memory_space<vmem>> -> memref<24xi32, #tpu.memory_space<vmem>>
        %dma_start3A_99 = arith.constant 0 : i32
        %dma_start3A_100 = arith.constant 0 : i32
        %dma_start3A_101 = tpu.memref_slice %arg3[%dma_start3A_99, %dma_start3A_100] : memref<4096x1024xf32, #tpu.memory_space<hbm>> -> memref<4096x1024xf32, #tpu.memory_space<hbm>>
        tpu.enqueue_indirect_dma source(%dma_start3A_101 : memref<4096x1024xf32, #tpu.memory_space<hbm>>) target(%arg8 : memref<24x1024xf32, #tpu.memory_space<vmem>>) offsets(%dma_start3A_98 : memref<24xi32, #tpu.memory_space<vmem>>) semaphore(%arg12 : memref<!tpu.dma_semaphore, #tpu.memory_space<semaphore_mem>>)
        %dma_start3A_102 = tpu.memref_slice %arg7[%multiple_of3A_97] : memref<80xi32, #tpu.memory_space<vmem>> -> memref<24xi32, #tpu.memory_space<vmem>>
        %dma_start3A_103 = arith.constant 0 : i32
        %dma_start3A_104 = arith.constant 0 : i32
        %dma_start3A_105 = tpu.memref_slice %arg4[%dma_start3A_103, %dma_start3A_104] : memref<4096x1024xf32, #tpu.memory_space<hbm>> -> memref<4096x1024xf32, #tpu.memory_space<hbm>>
        tpu.enqueue_indirect_dma source(%dma_start3A_105 : memref<4096x1024xf32, #tpu.memory_space<hbm>>) target(%arg10 : memref<24x1024xf32, #tpu.memory_space<vmem>>) offsets(%dma_start3A_102 : memref<24xi32, #tpu.memory_space<vmem>>) semaphore(%arg14 : memref<!tpu.dma_semaphore, #tpu.memory_space<semaphore_mem>>)
      } else {
      }
      %lt3A_88 = arith.constant 3 : i32
      %lt3A_89 = arith.cmpi slt, %add3A_60, %lt3A_88 : i32
      %convert_element_type3A_90 = arith.extui %lt3A_89 : i1 to i32
      %cond3A_91 = arith.constant 0 : i32
      %cond3A_92 = arith.cmpi ne, %convert_element_type3A_90, %cond3A_91 : i32
      scf.if %cond3A_92 {
        %dma_wait3A_93 = arith.constant 0 : i32
        %dma_wait3A_94 = arith.constant 0 : i32
        %dma_wait3A_95 = tpu.memref_slice %arg3[%dma_wait3A_93, %dma_wait3A_94] : memref<4096x1024xf32, #tpu.memory_space<hbm>> -> memref<24x1024xf32, #tpu.memory_space<hbm>>
        %dma_wait3A_96 = arith.constant 0 : i32
        %dma_wait3A_97 = arith.constant 0 : i32
        %dma_wait3A_98 = tpu.memref_slice %arg3[%dma_wait3A_96, %dma_wait3A_97] : memref<4096x1024xf32, #tpu.memory_space<hbm>> -> memref<24x1024xf32, #tpu.memory_space<hbm>>
        tpu.wait_dma2 semaphore(%arg13 : memref<!tpu.dma_semaphore, #tpu.memory_space<semaphore_mem>>) src(%dma_wait3A_98 : memref<24x1024xf32, #tpu.memory_space<hbm>>) dst(%arg9 : memref<24x1024xf32, #tpu.memory_space<vmem>>)
        %mul3A_99 = arith.constant 24 : i32
        %mul3A_100 = arith.muli %add3A_60, %mul3A_99 : i32
        %add3A_101 = arith.addi %multiple_of3A, %mul3A_100 : i32
        "tpu.region"() ({
          %run_scoped3A = tpu.sem_alloc : memref<!tpu.dma_semaphore, #tpu.memory_space<semaphore_mem>>
          %dma_start3A_111 = arith.constant 0 : i32
          %dma_start3A_112 = tpu.memref_slice %arg5[%add3A_101, %dma_start3A_111] : memref<2560x1024xf32, #tpu.memory_space<hbm>> -> memref<24x1024xf32, #tpu.memory_space<hbm>>
          %dma_start3A_113 = arith.constant 0 : i32
          %dma_start3A_114 = tpu.memref_slice %arg5[%add3A_101, %dma_start3A_113] : memref<2560x1024xf32, #tpu.memory_space<hbm>> -> memref<24x1024xf32, #tpu.memory_space<hbm>>
          tpu.enqueue_dma source(%arg9 : memref<24x1024xf32, #tpu.memory_space<vmem>>) target(%dma_start3A_114 : memref<24x1024xf32, #tpu.memory_space<hbm>>) target_semaphore(%run_scoped3A : memref<!tpu.dma_semaphore, #tpu.memory_space<semaphore_mem>>)
          %dma_wait3A_115 = arith.constant 0 : i32
          %dma_wait3A_116 = tpu.memref_slice %arg5[%add3A_101, %dma_wait3A_115] : memref<2560x1024xf32, #tpu.memory_space<hbm>> -> memref<24x1024xf32, #tpu.memory_space<hbm>>
          %dma_wait3A_117 = arith.constant 0 : i32
          %dma_wait3A_118 = tpu.memref_slice %arg5[%add3A_101, %dma_wait3A_117] : memref<2560x1024xf32, #tpu.memory_space<hbm>> -> memref<24x1024xf32, #tpu.memory_space<hbm>>
          tpu.wait_dma2 semaphore(%run_scoped3A : memref<!tpu.dma_semaphore, #tpu.memory_space<semaphore_mem>>) src(%arg9 : memref<24x1024xf32, #tpu.memory_space<vmem>>) dst(%dma_wait3A_118 : memref<24x1024xf32, #tpu.memory_space<hbm>>)
          tpu.yield
        }) : () -> ()
        %dma_wait3A_102 = arith.constant 0 : i32
        %dma_wait3A_103 = arith.constant 0 : i32
        %dma_wait3A_104 = tpu.memref_slice %arg4[%dma_wait3A_102, %dma_wait3A_103] : memref<4096x1024xf32, #tpu.memory_space<hbm>> -> memref<24x1024xf32, #tpu.memory_space<hbm>>
        %dma_wait3A_105 = arith.constant 0 : i32
        %dma_wait3A_106 = arith.constant 0 : i32
        %dma_wait3A_107 = tpu.memref_slice %arg4[%dma_wait3A_105, %dma_wait3A_106] : memref<4096x1024xf32, #tpu.memory_space<hbm>> -> memref<24x1024xf32, #tpu.memory_space<hbm>>
        tpu.wait_dma2 semaphore(%arg15 : memref<!tpu.dma_semaphore, #tpu.memory_space<semaphore_mem>>) src(%dma_wait3A_107 : memref<24x1024xf32, #tpu.memory_space<hbm>>) dst(%arg11 : memref<24x1024xf32, #tpu.memory_space<vmem>>)
        %mul3A_108 = arith.constant 24 : i32
        %mul3A_109 = arith.muli %add3A_60, %mul3A_108 : i32
        %add3A_110 = arith.addi %multiple_of3A, %mul3A_109 : i32
        "tpu.region"() ({
          %run_scoped3A = tpu.sem_alloc : memref<!tpu.dma_semaphore, #tpu.memory_space<semaphore_mem>>
          %dma_start3A_111 = arith.constant 0 : i32
          %dma_start3A_112 = tpu.memref_slice %arg6[%add3A_110, %dma_start3A_111] : memref<2560x1024xf32, #tpu.memory_space<hbm>> -> memref<24x1024xf32, #tpu.memory_space<hbm>>
          %dma_start3A_113 = arith.constant 0 : i32
          %dma_start3A_114 = tpu.memref_slice %arg6[%add3A_110, %dma_start3A_113] : memref<2560x1024xf32, #tpu.memory_space<hbm>> -> memref<24x1024xf32, #tpu.memory_space<hbm>>
          tpu.enqueue_dma source(%arg11 : memref<24x1024xf32, #tpu.memory_space<vmem>>) target(%dma_start3A_114 : memref<24x1024xf32, #tpu.memory_space<hbm>>) target_semaphore(%run_scoped3A : memref<!tpu.dma_semaphore, #tpu.memory_space<semaphore_mem>>)
          %dma_wait3A_115 = arith.constant 0 : i32
          %dma_wait3A_116 = tpu.memref_slice %arg6[%add3A_110, %dma_wait3A_115] : memref<2560x1024xf32, #tpu.memory_space<hbm>> -> memref<24x1024xf32, #tpu.memory_space<hbm>>
          %dma_wait3A_117 = arith.constant 0 : i32
          %dma_wait3A_118 = tpu.memref_slice %arg6[%add3A_110, %dma_wait3A_117] : memref<2560x1024xf32, #tpu.memory_space<hbm>> -> memref<24x1024xf32, #tpu.memory_space<hbm>>
          tpu.wait_dma2 semaphore(%run_scoped3A : memref<!tpu.dma_semaphore, #tpu.memory_space<semaphore_mem>>) src(%arg11 : memref<24x1024xf32, #tpu.memory_space<vmem>>) dst(%dma_wait3A_118 : memref<24x1024xf32, #tpu.memory_space<hbm>>)
          tpu.yield
        }) : () -> ()
      } else {
      }
    }
    %scan3A_18 = arith.constant 2 : i32
    %dma_start3A_19 = arith.constant 0 : i32
    %dma_start3A_20 = arith.constant 0 : i32
    %dma_start3A_21 = tpu.memref_slice %arg8[%dma_start3A_19, %dma_start3A_20] : memref<24x1024xf32, #tpu.memory_space<vmem>> -> memref<8x1024xf32, #tpu.memory_space<vmem>>
    %dma_start3A_22 = arith.constant 72 : i32
    %dma_start3A_23 = tpu.memref_slice %arg7[%dma_start3A_22] : memref<80xi32, #tpu.memory_space<vmem>> -> memref<8xi32, #tpu.memory_space<vmem>>
    %dma_start3A_24 = arith.constant 0 : i32
    %dma_start3A_25 = arith.constant 0 : i32
    %dma_start3A_26 = tpu.memref_slice %arg3[%dma_start3A_24, %dma_start3A_25] : memref<4096x1024xf32, #tpu.memory_space<hbm>> -> memref<4096x1024xf32, #tpu.memory_space<hbm>>
    tpu.enqueue_indirect_dma source(%dma_start3A_26 : memref<4096x1024xf32, #tpu.memory_space<hbm>>) target(%dma_start3A_21 : memref<8x1024xf32, #tpu.memory_space<vmem>>) offsets(%dma_start3A_23 : memref<8xi32, #tpu.memory_space<vmem>>) semaphore(%arg12 : memref<!tpu.dma_semaphore, #tpu.memory_space<semaphore_mem>>)
    %dma_start3A_27 = arith.constant 0 : i32
    %dma_start3A_28 = arith.constant 0 : i32
    %dma_start3A_29 = tpu.memref_slice %arg10[%dma_start3A_27, %dma_start3A_28] : memref<24x1024xf32, #tpu.memory_space<vmem>> -> memref<8x1024xf32, #tpu.memory_space<vmem>>
    %dma_start3A_30 = arith.constant 72 : i32
    %dma_start3A_31 = tpu.memref_slice %arg7[%dma_start3A_30] : memref<80xi32, #tpu.memory_space<vmem>> -> memref<8xi32, #tpu.memory_space<vmem>>
    %dma_start3A_32 = arith.constant 0 : i32
    %dma_start3A_33 = arith.constant 0 : i32
    %dma_start3A_34 = tpu.memref_slice %arg4[%dma_start3A_32, %dma_start3A_33] : memref<4096x1024xf32, #tpu.memory_space<hbm>> -> memref<4096x1024xf32, #tpu.memory_space<hbm>>
    tpu.enqueue_indirect_dma source(%dma_start3A_34 : memref<4096x1024xf32, #tpu.memory_space<hbm>>) target(%dma_start3A_29 : memref<8x1024xf32, #tpu.memory_space<vmem>>) offsets(%dma_start3A_31 : memref<8xi32, #tpu.memory_space<vmem>>) semaphore(%arg14 : memref<!tpu.dma_semaphore, #tpu.memory_space<semaphore_mem>>)
    %dma_wait3A = arith.constant 0 : i32
    %dma_wait3A_35 = arith.constant 0 : i32
    %dma_wait3A_36 = tpu.memref_slice %arg8[%dma_wait3A, %dma_wait3A_35] : memref<24x1024xf32, #tpu.memory_space<vmem>> -> memref<8x1024xf32, #tpu.memory_space<vmem>>
    %dma_wait3A_37 = arith.constant 72 : i32
    %dma_wait3A_38 = tpu.memref_slice %arg7[%dma_wait3A_37] : memref<80xi32, #tpu.memory_space<vmem>> -> memref<8xi32, #tpu.memory_space<vmem>>
    %dma_wait3A_39 = arith.constant 0 : i32
    %dma_wait3A_40 = arith.constant 0 : i32
    %dma_wait3A_41 = tpu.memref_slice %arg3[%dma_wait3A_39, %dma_wait3A_40] : memref<4096x1024xf32, #tpu.memory_space<hbm>> -> memref<4096x1024xf32, #tpu.memory_space<hbm>>
    tpu.wait_indirect_dma semaphore(%arg12 : memref<!tpu.dma_semaphore, #tpu.memory_space<semaphore_mem>>) src(%dma_wait3A_41 : memref<4096x1024xf32, #tpu.memory_space<hbm>>) dst(%dma_wait3A_36 : memref<8x1024xf32, #tpu.memory_space<vmem>>)
    %add3A_42 = arith.constant 72 : i32
    %add3A_43 = arith.addi %multiple_of3A, %add3A_42 : i32
    "tpu.region"() ({
      %run_scoped3A = tpu.sem_alloc : memref<!tpu.dma_semaphore, #tpu.memory_space<semaphore_mem>>
      %dma_start3A_54 = arith.constant 0 : i32
      %dma_start3A_55 = arith.constant 0 : i32
      %dma_start3A_56 = tpu.memref_slice %arg8[%dma_start3A_54, %dma_start3A_55] : memref<24x1024xf32, #tpu.memory_space<vmem>> -> memref<8x1024xf32, #tpu.memory_space<vmem>>
      %dma_start3A_57 = arith.constant 0 : i32
      %dma_start3A_58 = tpu.memref_slice %arg5[%add3A_43, %dma_start3A_57] : memref<2560x1024xf32, #tpu.memory_space<hbm>> -> memref<8x1024xf32, #tpu.memory_space<hbm>>
      %dma_start3A_59 = arith.constant 0 : i32
      %dma_start3A_60 = tpu.memref_slice %arg5[%add3A_43, %dma_start3A_59] : memref<2560x1024xf32, #tpu.memory_space<hbm>> -> memref<8x1024xf32, #tpu.memory_space<hbm>>
      %dma_start3A_61 = arith.constant 0 : i32
      %dma_start3A_62 = arith.constant 0 : i32
      %dma_start3A_63 = tpu.memref_slice %arg8[%dma_start3A_61, %dma_start3A_62] : memref<24x1024xf32, #tpu.memory_space<vmem>> -> memref<8x1024xf32, #tpu.memory_space<vmem>>
      tpu.enqueue_dma source(%dma_start3A_63 : memref<8x1024xf32, #tpu.memory_space<vmem>>) target(%dma_start3A_60 : memref<8x1024xf32, #tpu.memory_space<hbm>>) target_semaphore(%run_scoped3A : memref<!tpu.dma_semaphore, #tpu.memory_space<semaphore_mem>>)
      %dma_wait3A_64 = arith.constant 0 : i32
      %dma_wait3A_65 = arith.constant 0 : i32
      %dma_wait3A_66 = tpu.memref_slice %arg8[%dma_wait3A_64, %dma_wait3A_65] : memref<24x1024xf32, #tpu.memory_space<vmem>> -> memref<8x1024xf32, #tpu.memory_space<vmem>>
      %dma_wait3A_67 = arith.constant 0 : i32
      %dma_wait3A_68 = tpu.memref_slice %arg5[%add3A_43, %dma_wait3A_67] : memref<2560x1024xf32, #tpu.memory_space<hbm>> -> memref<8x1024xf32, #tpu.memory_space<hbm>>
      %dma_wait3A_69 = arith.constant 0 : i32
      %dma_wait3A_70 = tpu.memref_slice %arg5[%add3A_43, %dma_wait3A_69] : memref<2560x1024xf32, #tpu.memory_space<hbm>> -> memref<8x1024xf32, #tpu.memory_space<hbm>>
      %dma_wait3A_71 = arith.constant 0 : i32
      %dma_wait3A_72 = arith.constant 0 : i32
      %dma_wait3A_73 = tpu.memref_slice %arg8[%dma_wait3A_71, %dma_wait3A_72] : memref<24x1024xf32, #tpu.memory_space<vmem>> -> memref<8x1024xf32, #tpu.memory_space<vmem>>
      tpu.wait_dma2 semaphore(%run_scoped3A : memref<!tpu.dma_semaphore, #tpu.memory_space<semaphore_mem>>) src(%dma_wait3A_73 : memref<8x1024xf32, #tpu.memory_space<vmem>>) dst(%dma_wait3A_70 : memref<8x1024xf32, #tpu.memory_space<hbm>>)
      tpu.yield
    }) : () -> ()
    %dma_wait3A_44 = arith.constant 0 : i32
    %dma_wait3A_45 = arith.constant 0 : i32
    %dma_wait3A_46 = tpu.memref_slice %arg10[%dma_wait3A_44, %dma_wait3A_45] : memref<24x1024xf32, #tpu.memory_space<vmem>> -> memref<8x1024xf32, #tpu.memory_space<vmem>>
    %dma_wait3A_47 = arith.constant 72 : i32
    %dma_wait3A_48 = tpu.memref_slice %arg7[%dma_wait3A_47] : memref<80xi32, #tpu.memory_space<vmem>> -> memref<8xi32, #tpu.memory_space<vmem>>
    %dma_wait3A_49 = arith.constant 0 : i32
    %dma_wait3A_50 = arith.constant 0 : i32
    %dma_wait3A_51 = tpu.memref_slice %arg4[%dma_wait3A_49, %dma_wait3A_50] : memref<4096x1024xf32, #tpu.memory_space<hbm>> -> memref<4096x1024xf32, #tpu.memory_space<hbm>>
    tpu.wait_indirect_dma semaphore(%arg14 : memref<!tpu.dma_semaphore, #tpu.memory_space<semaphore_mem>>) src(%dma_wait3A_51 : memref<4096x1024xf32, #tpu.memory_space<hbm>>) dst(%dma_wait3A_46 : memref<8x1024xf32, #tpu.memory_space<vmem>>)
    %add3A_52 = arith.constant 72 : i32
    %add3A_53 = arith.addi %multiple_of3A, %add3A_52 : i32
    "tpu.region"() ({
      %run_scoped3A = tpu.sem_alloc : memref<!tpu.dma_semaphore, #tpu.memory_space<semaphore_mem>>
      %dma_start3A_54 = arith.constant 0 : i32
      %dma_start3A_55 = arith.constant 0 : i32
      %dma_start3A_56 = tpu.memref_slice %arg10[%dma_start3A_54, %dma_start3A_55] : memref<24x1024xf32, #tpu.memory_space<vmem>> -> memref<8x1024xf32, #tpu.memory_space<vmem>>
      %dma_start3A_57 = arith.constant 0 : i32
      %dma_start3A_58 = tpu.memref_slice %arg6[%add3A_53, %dma_start3A_57] : memref<2560x1024xf32, #tpu.memory_space<hbm>> -> memref<8x1024xf32, #tpu.memory_space<hbm>>
      %dma_start3A_59 = arith.constant 0 : i32
      %dma_start3A_60 = tpu.memref_slice %arg6[%add3A_53, %dma_start3A_59] : memref<2560x1024xf32, #tpu.memory_space<hbm>> -> memref<8x1024xf32, #tpu.memory_space<hbm>>
      %dma_start3A_61 = arith.constant 0 : i32
      %dma_start3A_62 = arith.constant 0 : i32
      %dma_start3A_63 = tpu.memref_slice %arg10[%dma_start3A_61, %dma_start3A_62] : memref<24x1024xf32, #tpu.memory_space<vmem>> -> memref<8x1024xf32, #tpu.memory_space<vmem>>
      tpu.enqueue_dma source(%dma_start3A_63 : memref<8x1024xf32, #tpu.memory_space<vmem>>) target(%dma_start3A_60 : memref<8x1024xf32, #tpu.memory_space<hbm>>) target_semaphore(%run_scoped3A : memref<!tpu.dma_semaphore, #tpu.memory_space<semaphore_mem>>)
      %dma_wait3A_64 = arith.constant 0 : i32
      %dma_wait3A_65 = arith.constant 0 : i32
      %dma_wait3A_66 = tpu.memref_slice %arg10[%dma_wait3A_64, %dma_wait3A_65] : memref<24x1024xf32, #tpu.memory_space<vmem>> -> memref<8x1024xf32, #tpu.memory_space<vmem>>
      %dma_wait3A_67 = arith.constant 0 : i32
      %dma_wait3A_68 = tpu.memref_slice %arg6[%add3A_53, %dma_wait3A_67] : memref<2560x1024xf32, #tpu.memory_space<hbm>> -> memref<8x1024xf32, #tpu.memory_space<hbm>>
      %dma_wait3A_69 = arith.constant 0 : i32
      %dma_wait3A_70 = tpu.memref_slice %arg6[%add3A_53, %dma_wait3A_69] : memref<2560x1024xf32, #tpu.memory_space<hbm>> -> memref<8x1024xf32, #tpu.memory_space<hbm>>
      %dma_wait3A_71 = arith.constant 0 : i32
      %dma_wait3A_72 = arith.constant 0 : i32
      %dma_wait3A_73 = tpu.memref_slice %arg10[%dma_wait3A_71, %dma_wait3A_72] : memref<24x1024xf32, #tpu.memory_space<vmem>> -> memref<8x1024xf32, #tpu.memory_space<vmem>>
      tpu.wait_dma2 semaphore(%run_scoped3A : memref<!tpu.dma_semaphore, #tpu.memory_space<semaphore_mem>>) src(%dma_wait3A_73 : memref<8x1024xf32, #tpu.memory_space<vmem>>) dst(%dma_wait3A_70 : memref<8x1024xf32, #tpu.memory_space<hbm>>)
      tpu.yield
    }) : () -> ()
    return
  }
}

#map = affine_map<(d0, d1) -> (0)>
#map1 = affine_map<(d0, d1) -> (0, 0)>
module attributes {stable_mosaic.version = 14 : i64} {
  func.func @_gather_body(%arg0: i32, %arg1: i32, %arg2: memref<10496xi32, #tpu.memory_space<hbm>>, %arg3: memref<4096x1024xf32, #tpu.memory_space<hbm>>, %arg4: memref<4096x1024xf32, #tpu.memory_space<hbm>>, %arg5: memref<2560x1024xf32, #tpu.memory_space<hbm>>, %arg6: memref<2560x1024xf32, #tpu.memory_space<hbm>>, %arg7: memref<80xi32, #tpu.memory_space<vmem>>, %arg8: memref<24x1024xf32, #tpu.memory_space<vmem>>, %arg9: memref<24x1024xf32, #tpu.memory_space<vmem>>, %arg10: memref<24x1024xf32, #tpu.memory_space<vmem>>, %arg11: memref<24x1024xf32, #tpu.memory_space<vmem>>, %arg12: memref<!tpu.dma_semaphore, #tpu.memory_space<semaphore_mem>>, %arg13: memref<!tpu.dma_semaphore, #tpu.memory_space<semaphore_mem>>, %arg14: memref<!tpu.dma_semaphore, #tpu.memory_space<semaphore_mem>>, %arg15: memref<!tpu.dma_semaphore, #tpu.memory_space<semaphore_mem>>) attributes {dimension_semantics = [#tpu.dimension_semantics<core_parallel>, #tpu.dimension_semantics<subcore_parallel>], iteration_bounds = array<i64: 2, 16>, scalar_prefetch = 0 : i64, scratch_operands = 9 : i64, tpu.core_type = #tpu.core_type<sc_vector_subcore>, window_params = [{transform_indices = #map}, {transform_indices = #map1}, {transform_indices = #map1}, {transform_indices = #map1}, {transform_indices = #map1}]} {
    %mul3A = arith.constant 2 : i32
    %mul3A_0 = arith.muli %arg1, %mul3A : i32
    %add3A = arith.addi %mul3A_0, %arg0 : i32
    %mul3A_1 = arith.constant 80 : i32
    %mul3A_2 = arith.muli %add3A, %mul3A_1 : i32
    %multiple_of3A = tpu.assume_multiple %mul3A_2, 8 : i32
    %add3A_3 = arith.constant 5120 : i32
    %add3A_4 = arith.addi %add3A_3, %multiple_of3A : i32
    "tpu.region"() ({
      %run_scoped3A = tpu.sem_alloc : memref<!tpu.dma_semaphore, #tpu.memory_space<semaphore_mem>>
      %dma_start3A_54 = tpu.memref_slice %arg2[%add3A_4] : memref<10496xi32, #tpu.memory_space<hbm>> -> memref<80xi32, #tpu.memory_space<hbm>>
      %dma_start3A_55 = tpu.memref_slice %arg2[%add3A_4] : memref<10496xi32, #tpu.memory_space<hbm>> -> memref<80xi32, #tpu.memory_space<hbm>>
      tpu.enqueue_dma source(%dma_start3A_55 : memref<80xi32, #tpu.memory_space<hbm>>) target(%arg7 : memref<80xi32, #tpu.memory_space<vmem>>) target_semaphore(%run_scoped3A : memref<!tpu.dma_semaphore, #tpu.memory_space<semaphore_mem>>)
      %dma_wait3A_56 = tpu.memref_slice %arg2[%add3A_4] : memref<10496xi32, #tpu.memory_space<hbm>> -> memref<80xi32, #tpu.memory_space<hbm>>
      %dma_wait3A_57 = tpu.memref_slice %arg2[%add3A_4] : memref<10496xi32, #tpu.memory_space<hbm>> -> memref<80xi32, #tpu.memory_space<hbm>>
      tpu.wait_dma2 semaphore(%run_scoped3A : memref<!tpu.dma_semaphore, #tpu.memory_space<semaphore_mem>>) src(%dma_wait3A_57 : memref<80xi32, #tpu.memory_space<hbm>>) dst(%arg7 : memref<80xi32, #tpu.memory_space<vmem>>)
      tpu.yield
    }) : () -> ()
    %multiple_of3A_5 = arith.constant 0 : i32
    %multiple_of3A_6 = tpu.assume_multiple %multiple_of3A_5, 24 : i32
    %dma_start3A = tpu.memref_slice %arg7[%multiple_of3A_6] : memref<80xi32, #tpu.memory_space<vmem>> -> memref<24xi32, #tpu.memory_space<vmem>>
    %dma_start3A_7 = arith.constant 0 : i32
    %dma_start3A_8 = arith.constant 0 : i32
    %dma_start3A_9 = tpu.memref_slice %arg3[%dma_start3A_7, %dma_start3A_8] : memref<4096x1024xf32, #tpu.memory_space<hbm>> -> memref<4096x1024xf32, #tpu.memory_space<hbm>>
    tpu.enqueue_indirect_dma source(%dma_start3A_9 : memref<4096x1024xf32, #tpu.memory_space<hbm>>) target(%arg8 : memref<24x1024xf32, #tpu.memory_space<vmem>>) offsets(%dma_start3A : memref<24xi32, #tpu.memory_space<vmem>>) semaphore(%arg12 : memref<!tpu.dma_semaphore, #tpu.memory_space<semaphore_mem>>)
    %dma_start3A_10 = tpu.memref_slice %arg7[%multiple_of3A_6] : memref<80xi32, #tpu.memory_space<vmem>> -> memref<24xi32, #tpu.memory_space<vmem>>
    %dma_start3A_11 = arith.constant 0 : i32
    %dma_start3A_12 = arith.constant 0 : i32
    %dma_start3A_13 = tpu.memref_slice %arg4[%dma_start3A_11, %dma_start3A_12] : memref<4096x1024xf32, #tpu.memory_space<hbm>> -> memref<4096x1024xf32, #tpu.memory_space<hbm>>
    tpu.enqueue_indirect_dma source(%dma_start3A_13 : memref<4096x1024xf32, #tpu.memory_space<hbm>>) target(%arg10 : memref<24x1024xf32, #tpu.memory_space<vmem>>) offsets(%dma_start3A_10 : memref<24xi32, #tpu.memory_space<vmem>>) semaphore(%arg14 : memref<!tpu.dma_semaphore, #tpu.memory_space<semaphore_mem>>)
    %scan3A = arith.constant 0 : i32
    %scan3A_14 = arith.constant 0 : i32
    %scan3A_15 = arith.constant 2 : i32
    %scan3A_16 = arith.addi %scan3A_14, %scan3A_15 : i32
    %scan3A_17 = arith.constant 1 : i32
    scf.for %scan3A_54 = %scan3A_14 to %scan3A_16 step %scan3A_17  : i32 {
      %mul3A_55 = arith.constant 2 : i32
      %mul3A_56 = arith.muli %mul3A_55, %scan3A_54 : i32
      %mul3A_57 = arith.constant 2 : i32
      %mul3A_58 = arith.muli %mul3A_57, %scan3A_54 : i32
      %add3A_59 = arith.constant 1 : i32
      %add3A_60 = arith.addi %mul3A_58, %add3A_59 : i32
      %lt3A = arith.constant 3 : i32
      %lt3A_61 = arith.cmpi slt, %add3A_60, %lt3A : i32
      %convert_element_type3A = arith.extui %lt3A_61 : i1 to i32
      %cond3A = arith.constant 0 : i32
      %cond3A_62 = arith.cmpi ne, %convert_element_type3A, %cond3A : i32
      scf.if %cond3A_62 {
        %mul3A_93 = arith.constant 24 : i32
        %mul3A_94 = arith.muli %add3A_60, %mul3A_93 : i32
        %multiple_of3A_95 = tpu.assume_multiple %mul3A_94, 24 : i32
        %dma_start3A_96 = tpu.memref_slice %arg7[%multiple_of3A_95] : memref<80xi32, #tpu.memory_space<vmem>> -> memref<24xi32, #tpu.memory_space<vmem>>
        %dma_start3A_97 = arith.constant 0 : i32
        %dma_start3A_98 = arith.constant 0 : i32
        %dma_start3A_99 = tpu.memref_slice %arg3[%dma_start3A_97, %dma_start3A_98] : memref<4096x1024xf32, #tpu.memory_space<hbm>> -> memref<4096x1024xf32, #tpu.memory_space<hbm>>
        tpu.enqueue_indirect_dma source(%dma_start3A_99 : memref<4096x1024xf32, #tpu.memory_space<hbm>>) target(%arg9 : memref<24x1024xf32, #tpu.memory_space<vmem>>) offsets(%dma_start3A_96 : memref<24xi32, #tpu.memory_space<vmem>>) semaphore(%arg13 : memref<!tpu.dma_semaphore, #tpu.memory_space<semaphore_mem>>)
        %dma_start3A_100 = tpu.memref_slice %arg7[%multiple_of3A_95] : memref<80xi32, #tpu.memory_space<vmem>> -> memref<24xi32, #tpu.memory_space<vmem>>
        %dma_start3A_101 = arith.constant 0 : i32
        %dma_start3A_102 = arith.constant 0 : i32
        %dma_start3A_103 = tpu.memref_slice %arg4[%dma_start3A_101, %dma_start3A_102] : memref<4096x1024xf32, #tpu.memory_space<hbm>> -> memref<4096x1024xf32, #tpu.memory_space<hbm>>
        tpu.enqueue_indirect_dma source(%dma_start3A_103 : memref<4096x1024xf32, #tpu.memory_space<hbm>>) target(%arg11 : memref<24x1024xf32, #tpu.memory_space<vmem>>) offsets(%dma_start3A_100 : memref<24xi32, #tpu.memory_space<vmem>>) semaphore(%arg15 : memref<!tpu.dma_semaphore, #tpu.memory_space<semaphore_mem>>)
      } else {
      }
      %dma_wait3A_63 = arith.constant 0 : i32
      %dma_wait3A_64 = arith.constant 0 : i32
      %dma_wait3A_65 = tpu.memref_slice %arg3[%dma_wait3A_63, %dma_wait3A_64] : memref<4096x1024xf32, #tpu.memory_space<hbm>> -> memref<24x1024xf32, #tpu.memory_space<hbm>>
      %dma_wait3A_66 = arith.constant 0 : i32
      %dma_wait3A_67 = arith.constant 0 : i32
      %dma_wait3A_68 = tpu.memref_slice %arg3[%dma_wait3A_66, %dma_wait3A_67] : memref<4096x1024xf32, #tpu.memory_space<hbm>> -> memref<24x1024xf32, #tpu.memory_space<hbm>>
      tpu.wait_dma2 semaphore(%arg12 : memref<!tpu.dma_semaphore, #tpu.memory_space<semaphore_mem>>) src(%dma_wait3A_68 : memref<24x1024xf32, #tpu.memory_space<hbm>>) dst(%arg8 : memref<24x1024xf32, #tpu.memory_space<vmem>>)
      %mul3A_69 = arith.constant 24 : i32
      %mul3A_70 = arith.muli %mul3A_56, %mul3A_69 : i32
      %add3A_71 = arith.addi %multiple_of3A, %mul3A_70 : i32
      "tpu.region"() ({
        %run_scoped3A = tpu.sem_alloc : memref<!tpu.dma_semaphore, #tpu.memory_space<semaphore_mem>>
        %dma_start3A_93 = arith.constant 0 : i32
        %dma_start3A_94 = tpu.memref_slice %arg5[%add3A_71, %dma_start3A_93] : memref<2560x1024xf32, #tpu.memory_space<hbm>> -> memref<24x1024xf32, #tpu.memory_space<hbm>>
        %dma_start3A_95 = arith.constant 0 : i32
        %dma_start3A_96 = tpu.memref_slice %arg5[%add3A_71, %dma_start3A_95] : memref<2560x1024xf32, #tpu.memory_space<hbm>> -> memref<24x1024xf32, #tpu.memory_space<hbm>>
        tpu.enqueue_dma source(%arg8 : memref<24x1024xf32, #tpu.memory_space<vmem>>) target(%dma_start3A_96 : memref<24x1024xf32, #tpu.memory_space<hbm>>) target_semaphore(%run_scoped3A : memref<!tpu.dma_semaphore, #tpu.memory_space<semaphore_mem>>)
        %dma_wait3A_97 = arith.constant 0 : i32
        %dma_wait3A_98 = tpu.memref_slice %arg5[%add3A_71, %dma_wait3A_97] : memref<2560x1024xf32, #tpu.memory_space<hbm>> -> memref<24x1024xf32, #tpu.memory_space<hbm>>
        %dma_wait3A_99 = arith.constant 0 : i32
        %dma_wait3A_100 = tpu.memref_slice %arg5[%add3A_71, %dma_wait3A_99] : memref<2560x1024xf32, #tpu.memory_space<hbm>> -> memref<24x1024xf32, #tpu.memory_space<hbm>>
        tpu.wait_dma2 semaphore(%run_scoped3A : memref<!tpu.dma_semaphore, #tpu.memory_space<semaphore_mem>>) src(%arg8 : memref<24x1024xf32, #tpu.memory_space<vmem>>) dst(%dma_wait3A_100 : memref<24x1024xf32, #tpu.memory_space<hbm>>)
        tpu.yield
      }) : () -> ()
      %dma_wait3A_72 = arith.constant 0 : i32
      %dma_wait3A_73 = arith.constant 0 : i32
      %dma_wait3A_74 = tpu.memref_slice %arg4[%dma_wait3A_72, %dma_wait3A_73] : memref<4096x1024xf32, #tpu.memory_space<hbm>> -> memref<24x1024xf32, #tpu.memory_space<hbm>>
      %dma_wait3A_75 = arith.constant 0 : i32
      %dma_wait3A_76 = arith.constant 0 : i32
      %dma_wait3A_77 = tpu.memref_slice %arg4[%dma_wait3A_75, %dma_wait3A_76] : memref<4096x1024xf32, #tpu.memory_space<hbm>> -> memref<24x1024xf32, #tpu.memory_space<hbm>>
      tpu.wait_dma2 semaphore(%arg14 : memref<!tpu.dma_semaphore, #tpu.memory_space<semaphore_mem>>) src(%dma_wait3A_77 : memref<24x1024xf32, #tpu.memory_space<hbm>>) dst(%arg10 : memref<24x1024xf32, #tpu.memory_space<vmem>>)
      %mul3A_78 = arith.constant 24 : i32
      %mul3A_79 = arith.muli %mul3A_56, %mul3A_78 : i32
      %add3A_80 = arith.addi %multiple_of3A, %mul3A_79 : i32
      "tpu.region"() ({
        %run_scoped3A = tpu.sem_alloc : memref<!tpu.dma_semaphore, #tpu.memory_space<semaphore_mem>>
        %dma_start3A_93 = arith.constant 0 : i32
        %dma_start3A_94 = tpu.memref_slice %arg6[%add3A_80, %dma_start3A_93] : memref<2560x1024xf32, #tpu.memory_space<hbm>> -> memref<24x1024xf32, #tpu.memory_space<hbm>>
        %dma_start3A_95 = arith.constant 0 : i32
        %dma_start3A_96 = tpu.memref_slice %arg6[%add3A_80, %dma_start3A_95] : memref<2560x1024xf32, #tpu.memory_space<hbm>> -> memref<24x1024xf32, #tpu.memory_space<hbm>>
        tpu.enqueue_dma source(%arg10 : memref<24x1024xf32, #tpu.memory_space<vmem>>) target(%dma_start3A_96 : memref<24x1024xf32, #tpu.memory_space<hbm>>) target_semaphore(%run_scoped3A : memref<!tpu.dma_semaphore, #tpu.memory_space<semaphore_mem>>)
        %dma_wait3A_97 = arith.constant 0 : i32
        %dma_wait3A_98 = tpu.memref_slice %arg6[%add3A_80, %dma_wait3A_97] : memref<2560x1024xf32, #tpu.memory_space<hbm>> -> memref<24x1024xf32, #tpu.memory_space<hbm>>
        %dma_wait3A_99 = arith.constant 0 : i32
        %dma_wait3A_100 = tpu.memref_slice %arg6[%add3A_80, %dma_wait3A_99] : memref<2560x1024xf32, #tpu.memory_space<hbm>> -> memref<24x1024xf32, #tpu.memory_space<hbm>>
        tpu.wait_dma2 semaphore(%run_scoped3A : memref<!tpu.dma_semaphore, #tpu.memory_space<semaphore_mem>>) src(%arg10 : memref<24x1024xf32, #tpu.memory_space<vmem>>) dst(%dma_wait3A_100 : memref<24x1024xf32, #tpu.memory_space<hbm>>)
        tpu.yield
      }) : () -> ()
      %add3A_81 = arith.constant 1 : i32
      %add3A_82 = arith.addi %add3A_60, %add3A_81 : i32
      %lt3A_83 = arith.constant 3 : i32
      %lt3A_84 = arith.cmpi slt, %add3A_82, %lt3A_83 : i32
      %convert_element_type3A_85 = arith.extui %lt3A_84 : i1 to i32
      %cond3A_86 = arith.constant 0 : i32
      %cond3A_87 = arith.cmpi ne, %convert_element_type3A_85, %cond3A_86 : i32
      scf.if %cond3A_87 {
        %add3A_93 = arith.constant 1 : i32
        %add3A_94 = arith.addi %add3A_60, %add3A_93 : i32
        %mul3A_95 = arith.constant 24 : i32
        %mul3A_96 = arith.muli %add3A_94, %mul3A_95 : i32
        %multiple_of3A_97 = tpu.assume_multiple %mul3A_96, 24 : i32
        %dma_start3A_98 = tpu.memref_slice %arg7[%multiple_of3A_97] : memref<80xi32, #tpu.memory_space<vmem>> -> memref<24xi32, #tpu.memory_space<vmem>>
        %dma_start3A_99 = arith.constant 0 : i32
        %dma_start3A_100 = arith.constant 0 : i32
        %dma_start3A_101 = tpu.memref_slice %arg3[%dma_start3A_99, %dma_start3A_100] : memref<4096x1024xf32, #tpu.memory_space<hbm>> -> memref<4096x1024xf32, #tpu.memory_space<hbm>>
        tpu.enqueue_indirect_dma source(%dma_start3A_101 : memref<4096x1024xf32, #tpu.memory_space<hbm>>) target(%arg8 : memref<24x1024xf32, #tpu.memory_space<vmem>>) offsets(%dma_start3A_98 : memref<24xi32, #tpu.memory_space<vmem>>) semaphore(%arg12 : memref<!tpu.dma_semaphore, #tpu.memory_space<semaphore_mem>>)
        %dma_start3A_102 = tpu.memref_slice %arg7[%multiple_of3A_97] : memref<80xi32, #tpu.memory_space<vmem>> -> memref<24xi32, #tpu.memory_space<vmem>>
        %dma_start3A_103 = arith.constant 0 : i32
        %dma_start3A_104 = arith.constant 0 : i32
        %dma_start3A_105 = tpu.memref_slice %arg4[%dma_start3A_103, %dma_start3A_104] : memref<4096x1024xf32, #tpu.memory_space<hbm>> -> memref<4096x1024xf32, #tpu.memory_space<hbm>>
        tpu.enqueue_indirect_dma source(%dma_start3A_105 : memref<4096x1024xf32, #tpu.memory_space<hbm>>) target(%arg10 : memref<24x1024xf32, #tpu.memory_space<vmem>>) offsets(%dma_start3A_102 : memref<24xi32, #tpu.memory_space<vmem>>) semaphore(%arg14 : memref<!tpu.dma_semaphore, #tpu.memory_space<semaphore_mem>>)
      } else {
      }
      %lt3A_88 = arith.constant 3 : i32
      %lt3A_89 = arith.cmpi slt, %add3A_60, %lt3A_88 : i32
      %convert_element_type3A_90 = arith.extui %lt3A_89 : i1 to i32
      %cond3A_91 = arith.constant 0 : i32
      %cond3A_92 = arith.cmpi ne, %convert_element_type3A_90, %cond3A_91 : i32
      scf.if %cond3A_92 {
        %dma_wait3A_93 = arith.constant 0 : i32
        %dma_wait3A_94 = arith.constant 0 : i32
        %dma_wait3A_95 = tpu.memref_slice %arg3[%dma_wait3A_93, %dma_wait3A_94] : memref<4096x1024xf32, #tpu.memory_space<hbm>> -> memref<24x1024xf32, #tpu.memory_space<hbm>>
        %dma_wait3A_96 = arith.constant 0 : i32
        %dma_wait3A_97 = arith.constant 0 : i32
        %dma_wait3A_98 = tpu.memref_slice %arg3[%dma_wait3A_96, %dma_wait3A_97] : memref<4096x1024xf32, #tpu.memory_space<hbm>> -> memref<24x1024xf32, #tpu.memory_space<hbm>>
        tpu.wait_dma2 semaphore(%arg13 : memref<!tpu.dma_semaphore, #tpu.memory_space<semaphore_mem>>) src(%dma_wait3A_98 : memref<24x1024xf32, #tpu.memory_space<hbm>>) dst(%arg9 : memref<24x1024xf32, #tpu.memory_space<vmem>>)
        %mul3A_99 = arith.constant 24 : i32
        %mul3A_100 = arith.muli %add3A_60, %mul3A_99 : i32
        %add3A_101 = arith.addi %multiple_of3A, %mul3A_100 : i32
        "tpu.region"() ({
          %run_scoped3A = tpu.sem_alloc : memref<!tpu.dma_semaphore, #tpu.memory_space<semaphore_mem>>
          %dma_start3A_111 = arith.constant 0 : i32
          %dma_start3A_112 = tpu.memref_slice %arg5[%add3A_101, %dma_start3A_111] : memref<2560x1024xf32, #tpu.memory_space<hbm>> -> memref<24x1024xf32, #tpu.memory_space<hbm>>
          %dma_start3A_113 = arith.constant 0 : i32
          %dma_start3A_114 = tpu.memref_slice %arg5[%add3A_101, %dma_start3A_113] : memref<2560x1024xf32, #tpu.memory_space<hbm>> -> memref<24x1024xf32, #tpu.memory_space<hbm>>
          tpu.enqueue_dma source(%arg9 : memref<24x1024xf32, #tpu.memory_space<vmem>>) target(%dma_start3A_114 : memref<24x1024xf32, #tpu.memory_space<hbm>>) target_semaphore(%run_scoped3A : memref<!tpu.dma_semaphore, #tpu.memory_space<semaphore_mem>>)
          %dma_wait3A_115 = arith.constant 0 : i32
          %dma_wait3A_116 = tpu.memref_slice %arg5[%add3A_101, %dma_wait3A_115] : memref<2560x1024xf32, #tpu.memory_space<hbm>> -> memref<24x1024xf32, #tpu.memory_space<hbm>>
          %dma_wait3A_117 = arith.constant 0 : i32
          %dma_wait3A_118 = tpu.memref_slice %arg5[%add3A_101, %dma_wait3A_117] : memref<2560x1024xf32, #tpu.memory_space<hbm>> -> memref<24x1024xf32, #tpu.memory_space<hbm>>
          tpu.wait_dma2 semaphore(%run_scoped3A : memref<!tpu.dma_semaphore, #tpu.memory_space<semaphore_mem>>) src(%arg9 : memref<24x1024xf32, #tpu.memory_space<vmem>>) dst(%dma_wait3A_118 : memref<24x1024xf32, #tpu.memory_space<hbm>>)
          tpu.yield
        }) : () -> ()
        %dma_wait3A_102 = arith.constant 0 : i32
        %dma_wait3A_103 = arith.constant 0 : i32
        %dma_wait3A_104 = tpu.memref_slice %arg4[%dma_wait3A_102, %dma_wait3A_103] : memref<4096x1024xf32, #tpu.memory_space<hbm>> -> memref<24x1024xf32, #tpu.memory_space<hbm>>
        %dma_wait3A_105 = arith.constant 0 : i32
        %dma_wait3A_106 = arith.constant 0 : i32
        %dma_wait3A_107 = tpu.memref_slice %arg4[%dma_wait3A_105, %dma_wait3A_106] : memref<4096x1024xf32, #tpu.memory_space<hbm>> -> memref<24x1024xf32, #tpu.memory_space<hbm>>
        tpu.wait_dma2 semaphore(%arg15 : memref<!tpu.dma_semaphore, #tpu.memory_space<semaphore_mem>>) src(%dma_wait3A_107 : memref<24x1024xf32, #tpu.memory_space<hbm>>) dst(%arg11 : memref<24x1024xf32, #tpu.memory_space<vmem>>)
        %mul3A_108 = arith.constant 24 : i32
        %mul3A_109 = arith.muli %add3A_60, %mul3A_108 : i32
        %add3A_110 = arith.addi %multiple_of3A, %mul3A_109 : i32
        "tpu.region"() ({
          %run_scoped3A = tpu.sem_alloc : memref<!tpu.dma_semaphore, #tpu.memory_space<semaphore_mem>>
          %dma_start3A_111 = arith.constant 0 : i32
          %dma_start3A_112 = tpu.memref_slice %arg6[%add3A_110, %dma_start3A_111] : memref<2560x1024xf32, #tpu.memory_space<hbm>> -> memref<24x1024xf32, #tpu.memory_space<hbm>>
          %dma_start3A_113 = arith.constant 0 : i32
          %dma_start3A_114 = tpu.memref_slice %arg6[%add3A_110, %dma_start3A_113] : memref<2560x1024xf32, #tpu.memory_space<hbm>> -> memref<24x1024xf32, #tpu.memory_space<hbm>>
          tpu.enqueue_dma source(%arg11 : memref<24x1024xf32, #tpu.memory_space<vmem>>) target(%dma_start3A_114 : memref<24x1024xf32, #tpu.memory_space<hbm>>) target_semaphore(%run_scoped3A : memref<!tpu.dma_semaphore, #tpu.memory_space<semaphore_mem>>)
          %dma_wait3A_115 = arith.constant 0 : i32
          %dma_wait3A_116 = tpu.memref_slice %arg6[%add3A_110, %dma_wait3A_115] : memref<2560x1024xf32, #tpu.memory_space<hbm>> -> memref<24x1024xf32, #tpu.memory_space<hbm>>
          %dma_wait3A_117 = arith.constant 0 : i32
          %dma_wait3A_118 = tpu.memref_slice %arg6[%add3A_110, %dma_wait3A_117] : memref<2560x1024xf32, #tpu.memory_space<hbm>> -> memref<24x1024xf32, #tpu.memory_space<hbm>>
          tpu.wait_dma2 semaphore(%run_scoped3A : memref<!tpu.dma_semaphore, #tpu.memory_space<semaphore_mem>>) src(%arg11 : memref<24x1024xf32, #tpu.memory_space<vmem>>) dst(%dma_wait3A_118 : memref<24x1024xf32, #tpu.memory_space<hbm>>)
          tpu.yield
        }) : () -> ()
      } else {
      }
    }
    %scan3A_18 = arith.constant 2 : i32
    %dma_start3A_19 = arith.constant 0 : i32
    %dma_start3A_20 = arith.constant 0 : i32
    %dma_start3A_21 = tpu.memref_slice %arg8[%dma_start3A_19, %dma_start3A_20] : memref<24x1024xf32, #tpu.memory_space<vmem>> -> memref<8x1024xf32, #tpu.memory_space<vmem>>
    %dma_start3A_22 = arith.constant 72 : i32
    %dma_start3A_23 = tpu.memref_slice %arg7[%dma_start3A_22] : memref<80xi32, #tpu.memory_space<vmem>> -> memref<8xi32, #tpu.memory_space<vmem>>
    %dma_start3A_24 = arith.constant 0 : i32
    %dma_start3A_25 = arith.constant 0 : i32
    %dma_start3A_26 = tpu.memref_slice %arg3[%dma_start3A_24, %dma_start3A_25] : memref<4096x1024xf32, #tpu.memory_space<hbm>> -> memref<4096x1024xf32, #tpu.memory_space<hbm>>
    tpu.enqueue_indirect_dma source(%dma_start3A_26 : memref<4096x1024xf32, #tpu.memory_space<hbm>>) target(%dma_start3A_21 : memref<8x1024xf32, #tpu.memory_space<vmem>>) offsets(%dma_start3A_23 : memref<8xi32, #tpu.memory_space<vmem>>) semaphore(%arg12 : memref<!tpu.dma_semaphore, #tpu.memory_space<semaphore_mem>>)
    %dma_start3A_27 = arith.constant 0 : i32
    %dma_start3A_28 = arith.constant 0 : i32
    %dma_start3A_29 = tpu.memref_slice %arg10[%dma_start3A_27, %dma_start3A_28] : memref<24x1024xf32, #tpu.memory_space<vmem>> -> memref<8x1024xf32, #tpu.memory_space<vmem>>
    %dma_start3A_30 = arith.constant 72 : i32
    %dma_start3A_31 = tpu.memref_slice %arg7[%dma_start3A_30] : memref<80xi32, #tpu.memory_space<vmem>> -> memref<8xi32, #tpu.memory_space<vmem>>
    %dma_start3A_32 = arith.constant 0 : i32
    %dma_start3A_33 = arith.constant 0 : i32
    %dma_start3A_34 = tpu.memref_slice %arg4[%dma_start3A_32, %dma_start3A_33] : memref<4096x1024xf32, #tpu.memory_space<hbm>> -> memref<4096x1024xf32, #tpu.memory_space<hbm>>
    tpu.enqueue_indirect_dma source(%dma_start3A_34 : memref<4096x1024xf32, #tpu.memory_space<hbm>>) target(%dma_start3A_29 : memref<8x1024xf32, #tpu.memory_space<vmem>>) offsets(%dma_start3A_31 : memref<8xi32, #tpu.memory_space<vmem>>) semaphore(%arg14 : memref<!tpu.dma_semaphore, #tpu.memory_space<semaphore_mem>>)
    %dma_wait3A = arith.constant 0 : i32
    %dma_wait3A_35 = arith.constant 0 : i32
    %dma_wait3A_36 = tpu.memref_slice %arg8[%dma_wait3A, %dma_wait3A_35] : memref<24x1024xf32, #tpu.memory_space<vmem>> -> memref<8x1024xf32, #tpu.memory_space<vmem>>
    %dma_wait3A_37 = arith.constant 72 : i32
    %dma_wait3A_38 = tpu.memref_slice %arg7[%dma_wait3A_37] : memref<80xi32, #tpu.memory_space<vmem>> -> memref<8xi32, #tpu.memory_space<vmem>>
    %dma_wait3A_39 = arith.constant 0 : i32
    %dma_wait3A_40 = arith.constant 0 : i32
    %dma_wait3A_41 = tpu.memref_slice %arg3[%dma_wait3A_39, %dma_wait3A_40] : memref<4096x1024xf32, #tpu.memory_space<hbm>> -> memref<4096x1024xf32, #tpu.memory_space<hbm>>
    tpu.wait_indirect_dma semaphore(%arg12 : memref<!tpu.dma_semaphore, #tpu.memory_space<semaphore_mem>>) src(%dma_wait3A_41 : memref<4096x1024xf32, #tpu.memory_space<hbm>>) dst(%dma_wait3A_36 : memref<8x1024xf32, #tpu.memory_space<vmem>>)
    %add3A_42 = arith.constant 72 : i32
    %add3A_43 = arith.addi %multiple_of3A, %add3A_42 : i32
    "tpu.region"() ({
      %run_scoped3A = tpu.sem_alloc : memref<!tpu.dma_semaphore, #tpu.memory_space<semaphore_mem>>
      %dma_start3A_54 = arith.constant 0 : i32
      %dma_start3A_55 = arith.constant 0 : i32
      %dma_start3A_56 = tpu.memref_slice %arg8[%dma_start3A_54, %dma_start3A_55] : memref<24x1024xf32, #tpu.memory_space<vmem>> -> memref<8x1024xf32, #tpu.memory_space<vmem>>
      %dma_start3A_57 = arith.constant 0 : i32
      %dma_start3A_58 = tpu.memref_slice %arg5[%add3A_43, %dma_start3A_57] : memref<2560x1024xf32, #tpu.memory_space<hbm>> -> memref<8x1024xf32, #tpu.memory_space<hbm>>
      %dma_start3A_59 = arith.constant 0 : i32
      %dma_start3A_60 = tpu.memref_slice %arg5[%add3A_43, %dma_start3A_59] : memref<2560x1024xf32, #tpu.memory_space<hbm>> -> memref<8x1024xf32, #tpu.memory_space<hbm>>
      %dma_start3A_61 = arith.constant 0 : i32
      %dma_start3A_62 = arith.constant 0 : i32
      %dma_start3A_63 = tpu.memref_slice %arg8[%dma_start3A_61, %dma_start3A_62] : memref<24x1024xf32, #tpu.memory_space<vmem>> -> memref<8x1024xf32, #tpu.memory_space<vmem>>
      tpu.enqueue_dma source(%dma_start3A_63 : memref<8x1024xf32, #tpu.memory_space<vmem>>) target(%dma_start3A_60 : memref<8x1024xf32, #tpu.memory_space<hbm>>) target_semaphore(%run_scoped3A : memref<!tpu.dma_semaphore, #tpu.memory_space<semaphore_mem>>)
      %dma_wait3A_64 = arith.constant 0 : i32
      %dma_wait3A_65 = arith.constant 0 : i32
      %dma_wait3A_66 = tpu.memref_slice %arg8[%dma_wait3A_64, %dma_wait3A_65] : memref<24x1024xf32, #tpu.memory_space<vmem>> -> memref<8x1024xf32, #tpu.memory_space<vmem>>
      %dma_wait3A_67 = arith.constant 0 : i32
      %dma_wait3A_68 = tpu.memref_slice %arg5[%add3A_43, %dma_wait3A_67] : memref<2560x1024xf32, #tpu.memory_space<hbm>> -> memref<8x1024xf32, #tpu.memory_space<hbm>>
      %dma_wait3A_69 = arith.constant 0 : i32
      %dma_wait3A_70 = tpu.memref_slice %arg5[%add3A_43, %dma_wait3A_69] : memref<2560x1024xf32, #tpu.memory_space<hbm>> -> memref<8x1024xf32, #tpu.memory_space<hbm>>
      %dma_wait3A_71 = arith.constant 0 : i32
      %dma_wait3A_72 = arith.constant 0 : i32
      %dma_wait3A_73 = tpu.memref_slice %arg8[%dma_wait3A_71, %dma_wait3A_72] : memref<24x1024xf32, #tpu.memory_space<vmem>> -> memref<8x1024xf32, #tpu.memory_space<vmem>>
      tpu.wait_dma2 semaphore(%run_scoped3A : memref<!tpu.dma_semaphore, #tpu.memory_space<semaphore_mem>>) src(%dma_wait3A_73 : memref<8x1024xf32, #tpu.memory_space<vmem>>) dst(%dma_wait3A_70 : memref<8x1024xf32, #tpu.memory_space<hbm>>)
      tpu.yield
    }) : () -> ()
    %dma_wait3A_44 = arith.constant 0 : i32
    %dma_wait3A_45 = arith.constant 0 : i32
    %dma_wait3A_46 = tpu.memref_slice %arg10[%dma_wait3A_44, %dma_wait3A_45] : memref<24x1024xf32, #tpu.memory_space<vmem>> -> memref<8x1024xf32, #tpu.memory_space<vmem>>
    %dma_wait3A_47 = arith.constant 72 : i32
    %dma_wait3A_48 = tpu.memref_slice %arg7[%dma_wait3A_47] : memref<80xi32, #tpu.memory_space<vmem>> -> memref<8xi32, #tpu.memory_space<vmem>>
    %dma_wait3A_49 = arith.constant 0 : i32
    %dma_wait3A_50 = arith.constant 0 : i32
    %dma_wait3A_51 = tpu.memref_slice %arg4[%dma_wait3A_49, %dma_wait3A_50] : memref<4096x1024xf32, #tpu.memory_space<hbm>> -> memref<4096x1024xf32, #tpu.memory_space<hbm>>
    tpu.wait_indirect_dma semaphore(%arg14 : memref<!tpu.dma_semaphore, #tpu.memory_space<semaphore_mem>>) src(%dma_wait3A_51 : memref<4096x1024xf32, #tpu.memory_space<hbm>>) dst(%dma_wait3A_46 : memref<8x1024xf32, #tpu.memory_space<vmem>>)
    %add3A_52 = arith.constant 72 : i32
    %add3A_53 = arith.addi %multiple_of3A, %add3A_52 : i32
    "tpu.region"() ({
      %run_scoped3A = tpu.sem_alloc : memref<!tpu.dma_semaphore, #tpu.memory_space<semaphore_mem>>
      %dma_start3A_54 = arith.constant 0 : i32
      %dma_start3A_55 = arith.constant 0 : i32
      %dma_start3A_56 = tpu.memref_slice %arg10[%dma_start3A_54, %dma_start3A_55] : memref<24x1024xf32, #tpu.memory_space<vmem>> -> memref<8x1024xf32, #tpu.memory_space<vmem>>
      %dma_start3A_57 = arith.constant 0 : i32
      %dma_start3A_58 = tpu.memref_slice %arg6[%add3A_53, %dma_start3A_57] : memref<2560x1024xf32, #tpu.memory_space<hbm>> -> memref<8x1024xf32, #tpu.memory_space<hbm>>
      %dma_start3A_59 = arith.constant 0 : i32
      %dma_start3A_60 = tpu.memref_slice %arg6[%add3A_53, %dma_start3A_59] : memref<2560x1024xf32, #tpu.memory_space<hbm>> -> memref<8x1024xf32, #tpu.memory_space<hbm>>
      %dma_start3A_61 = arith.constant 0 : i32
      %dma_start3A_62 = arith.constant 0 : i32
      %dma_start3A_63 = tpu.memref_slice %arg10[%dma_start3A_61, %dma_start3A_62] : memref<24x1024xf32, #tpu.memory_space<vmem>> -> memref<8x1024xf32, #tpu.memory_space<vmem>>
      tpu.enqueue_dma source(%dma_start3A_63 : memref<8x1024xf32, #tpu.memory_space<vmem>>) target(%dma_start3A_60 : memref<8x1024xf32, #tpu.memory_space<hbm>>) target_semaphore(%run_scoped3A : memref<!tpu.dma_semaphore, #tpu.memory_space<semaphore_mem>>)
      %dma_wait3A_64 = arith.constant 0 : i32
      %dma_wait3A_65 = arith.constant 0 : i32
      %dma_wait3A_66 = tpu.memref_slice %arg10[%dma_wait3A_64, %dma_wait3A_65] : memref<24x1024xf32, #tpu.memory_space<vmem>> -> memref<8x1024xf32, #tpu.memory_space<vmem>>
      %dma_wait3A_67 = arith.constant 0 : i32
      %dma_wait3A_68 = tpu.memref_slice %arg6[%add3A_53, %dma_wait3A_67] : memref<2560x1024xf32, #tpu.memory_space<hbm>> -> memref<8x1024xf32, #tpu.memory_space<hbm>>
      %dma_wait3A_69 = arith.constant 0 : i32
      %dma_wait3A_70 = tpu.memref_slice %arg6[%add3A_53, %dma_wait3A_69] : memref<2560x1024xf32, #tpu.memory_space<hbm>> -> memref<8x1024xf32, #tpu.memory_space<hbm>>
      %dma_wait3A_71 = arith.constant 0 : i32
      %dma_wait3A_72 = arith.constant 0 : i32
      %dma_wait3A_73 = tpu.memref_slice %arg10[%dma_wait3A_71, %dma_wait3A_72] : memref<24x1024xf32, #tpu.memory_space<vmem>> -> memref<8x1024xf32, #tpu.memory_space<vmem>>
      tpu.wait_dma2 semaphore(%run_scoped3A : memref<!tpu.dma_semaphore, #tpu.memory_space<semaphore_mem>>) src(%dma_wait3A_73 : memref<8x1024xf32, #tpu.memory_space<vmem>>) dst(%dma_wait3A_70 : memref<8x1024xf32, #tpu.memory_space<hbm>>)
      tpu.yield
    }) : () -> ()
    return
  }
}

#map = affine_map<(d0, d1) -> (0)>
#map1 = affine_map<(d0, d1) -> (0, 0)>
module attributes {stable_mosaic.version = 14 : i64} {
  func.func @_gather_body(%arg0: i32, %arg1: i32, %arg2: memref<10496xi32, #tpu.memory_space<hbm>>, %arg3: memref<4096x1024xf32, #tpu.memory_space<hbm>>, %arg4: memref<4096x1024xf32, #tpu.memory_space<hbm>>, %arg5: memref<2560x1024xf32, #tpu.memory_space<hbm>>, %arg6: memref<2560x1024xf32, #tpu.memory_space<hbm>>, %arg7: memref<80xi32, #tpu.memory_space<vmem>>, %arg8: memref<24x1024xf32, #tpu.memory_space<vmem>>, %arg9: memref<24x1024xf32, #tpu.memory_space<vmem>>, %arg10: memref<24x1024xf32, #tpu.memory_space<vmem>>, %arg11: memref<24x1024xf32, #tpu.memory_space<vmem>>, %arg12: memref<!tpu.dma_semaphore, #tpu.memory_space<semaphore_mem>>, %arg13: memref<!tpu.dma_semaphore, #tpu.memory_space<semaphore_mem>>, %arg14: memref<!tpu.dma_semaphore, #tpu.memory_space<semaphore_mem>>, %arg15: memref<!tpu.dma_semaphore, #tpu.memory_space<semaphore_mem>>) attributes {dimension_semantics = [#tpu.dimension_semantics<core_parallel>, #tpu.dimension_semantics<subcore_parallel>], iteration_bounds = array<i64: 2, 16>, scalar_prefetch = 0 : i64, scratch_operands = 9 : i64, tpu.core_type = #tpu.core_type<sc_vector_subcore>, window_params = [{transform_indices = #map}, {transform_indices = #map1}, {transform_indices = #map1}, {transform_indices = #map1}, {transform_indices = #map1}]} {
    %mul3A = arith.constant 2 : i32
    %mul3A_0 = arith.muli %arg1, %mul3A : i32
    %add3A = arith.addi %mul3A_0, %arg0 : i32
    %mul3A_1 = arith.constant 80 : i32
    %mul3A_2 = arith.muli %add3A, %mul3A_1 : i32
    %multiple_of3A = tpu.assume_multiple %mul3A_2, 8 : i32
    %add3A_3 = arith.constant 2560 : i32
    %add3A_4 = arith.addi %add3A_3, %multiple_of3A : i32
    "tpu.region"() ({
      %run_scoped3A = tpu.sem_alloc : memref<!tpu.dma_semaphore, #tpu.memory_space<semaphore_mem>>
      %dma_start3A_54 = tpu.memref_slice %arg2[%add3A_4] : memref<10496xi32, #tpu.memory_space<hbm>> -> memref<80xi32, #tpu.memory_space<hbm>>
      %dma_start3A_55 = tpu.memref_slice %arg2[%add3A_4] : memref<10496xi32, #tpu.memory_space<hbm>> -> memref<80xi32, #tpu.memory_space<hbm>>
      tpu.enqueue_dma source(%dma_start3A_55 : memref<80xi32, #tpu.memory_space<hbm>>) target(%arg7 : memref<80xi32, #tpu.memory_space<vmem>>) target_semaphore(%run_scoped3A : memref<!tpu.dma_semaphore, #tpu.memory_space<semaphore_mem>>)
      %dma_wait3A_56 = tpu.memref_slice %arg2[%add3A_4] : memref<10496xi32, #tpu.memory_space<hbm>> -> memref<80xi32, #tpu.memory_space<hbm>>
      %dma_wait3A_57 = tpu.memref_slice %arg2[%add3A_4] : memref<10496xi32, #tpu.memory_space<hbm>> -> memref<80xi32, #tpu.memory_space<hbm>>
      tpu.wait_dma2 semaphore(%run_scoped3A : memref<!tpu.dma_semaphore, #tpu.memory_space<semaphore_mem>>) src(%dma_wait3A_57 : memref<80xi32, #tpu.memory_space<hbm>>) dst(%arg7 : memref<80xi32, #tpu.memory_space<vmem>>)
      tpu.yield
    }) : () -> ()
    %multiple_of3A_5 = arith.constant 0 : i32
    %multiple_of3A_6 = tpu.assume_multiple %multiple_of3A_5, 24 : i32
    %dma_start3A = tpu.memref_slice %arg7[%multiple_of3A_6] : memref<80xi32, #tpu.memory_space<vmem>> -> memref<24xi32, #tpu.memory_space<vmem>>
    %dma_start3A_7 = arith.constant 0 : i32
    %dma_start3A_8 = arith.constant 0 : i32
    %dma_start3A_9 = tpu.memref_slice %arg3[%dma_start3A_7, %dma_start3A_8] : memref<4096x1024xf32, #tpu.memory_space<hbm>> -> memref<4096x1024xf32, #tpu.memory_space<hbm>>
    tpu.enqueue_indirect_dma source(%dma_start3A_9 : memref<4096x1024xf32, #tpu.memory_space<hbm>>) target(%arg8 : memref<24x1024xf32, #tpu.memory_space<vmem>>) offsets(%dma_start3A : memref<24xi32, #tpu.memory_space<vmem>>) semaphore(%arg12 : memref<!tpu.dma_semaphore, #tpu.memory_space<semaphore_mem>>)
    %dma_start3A_10 = tpu.memref_slice %arg7[%multiple_of3A_6] : memref<80xi32, #tpu.memory_space<vmem>> -> memref<24xi32, #tpu.memory_space<vmem>>
    %dma_start3A_11 = arith.constant 0 : i32
    %dma_start3A_12 = arith.constant 0 : i32
    %dma_start3A_13 = tpu.memref_slice %arg4[%dma_start3A_11, %dma_start3A_12] : memref<4096x1024xf32, #tpu.memory_space<hbm>> -> memref<4096x1024xf32, #tpu.memory_space<hbm>>
    tpu.enqueue_indirect_dma source(%dma_start3A_13 : memref<4096x1024xf32, #tpu.memory_space<hbm>>) target(%arg10 : memref<24x1024xf32, #tpu.memory_space<vmem>>) offsets(%dma_start3A_10 : memref<24xi32, #tpu.memory_space<vmem>>) semaphore(%arg14 : memref<!tpu.dma_semaphore, #tpu.memory_space<semaphore_mem>>)
    %scan3A = arith.constant 0 : i32
    %scan3A_14 = arith.constant 0 : i32
    %scan3A_15 = arith.constant 2 : i32
    %scan3A_16 = arith.addi %scan3A_14, %scan3A_15 : i32
    %scan3A_17 = arith.constant 1 : i32
    scf.for %scan3A_54 = %scan3A_14 to %scan3A_16 step %scan3A_17  : i32 {
      %mul3A_55 = arith.constant 2 : i32
      %mul3A_56 = arith.muli %mul3A_55, %scan3A_54 : i32
      %mul3A_57 = arith.constant 2 : i32
      %mul3A_58 = arith.muli %mul3A_57, %scan3A_54 : i32
      %add3A_59 = arith.constant 1 : i32
      %add3A_60 = arith.addi %mul3A_58, %add3A_59 : i32
      %lt3A = arith.constant 3 : i32
      %lt3A_61 = arith.cmpi slt, %add3A_60, %lt3A : i32
      %convert_element_type3A = arith.extui %lt3A_61 : i1 to i32
      %cond3A = arith.constant 0 : i32
      %cond3A_62 = arith.cmpi ne, %convert_element_type3A, %cond3A : i32
      scf.if %cond3A_62 {
        %mul3A_93 = arith.constant 24 : i32
        %mul3A_94 = arith.muli %add3A_60, %mul3A_93 : i32
        %multiple_of3A_95 = tpu.assume_multiple %mul3A_94, 24 : i32
        %dma_start3A_96 = tpu.memref_slice %arg7[%multiple_of3A_95] : memref<80xi32, #tpu.memory_space<vmem>> -> memref<24xi32, #tpu.memory_space<vmem>>
        %dma_start3A_97 = arith.constant 0 : i32
        %dma_start3A_98 = arith.constant 0 : i32
        %dma_start3A_99 = tpu.memref_slice %arg3[%dma_start3A_97, %dma_start3A_98] : memref<4096x1024xf32, #tpu.memory_space<hbm>> -> memref<4096x1024xf32, #tpu.memory_space<hbm>>
        tpu.enqueue_indirect_dma source(%dma_start3A_99 : memref<4096x1024xf32, #tpu.memory_space<hbm>>) target(%arg9 : memref<24x1024xf32, #tpu.memory_space<vmem>>) offsets(%dma_start3A_96 : memref<24xi32, #tpu.memory_space<vmem>>) semaphore(%arg13 : memref<!tpu.dma_semaphore, #tpu.memory_space<semaphore_mem>>)
        %dma_start3A_100 = tpu.memref_slice %arg7[%multiple_of3A_95] : memref<80xi32, #tpu.memory_space<vmem>> -> memref<24xi32, #tpu.memory_space<vmem>>
        %dma_start3A_101 = arith.constant 0 : i32
        %dma_start3A_102 = arith.constant 0 : i32
        %dma_start3A_103 = tpu.memref_slice %arg4[%dma_start3A_101, %dma_start3A_102] : memref<4096x1024xf32, #tpu.memory_space<hbm>> -> memref<4096x1024xf32, #tpu.memory_space<hbm>>
        tpu.enqueue_indirect_dma source(%dma_start3A_103 : memref<4096x1024xf32, #tpu.memory_space<hbm>>) target(%arg11 : memref<24x1024xf32, #tpu.memory_space<vmem>>) offsets(%dma_start3A_100 : memref<24xi32, #tpu.memory_space<vmem>>) semaphore(%arg15 : memref<!tpu.dma_semaphore, #tpu.memory_space<semaphore_mem>>)
      } else {
      }
      %dma_wait3A_63 = arith.constant 0 : i32
      %dma_wait3A_64 = arith.constant 0 : i32
      %dma_wait3A_65 = tpu.memref_slice %arg3[%dma_wait3A_63, %dma_wait3A_64] : memref<4096x1024xf32, #tpu.memory_space<hbm>> -> memref<24x1024xf32, #tpu.memory_space<hbm>>
      %dma_wait3A_66 = arith.constant 0 : i32
      %dma_wait3A_67 = arith.constant 0 : i32
      %dma_wait3A_68 = tpu.memref_slice %arg3[%dma_wait3A_66, %dma_wait3A_67] : memref<4096x1024xf32, #tpu.memory_space<hbm>> -> memref<24x1024xf32, #tpu.memory_space<hbm>>
      tpu.wait_dma2 semaphore(%arg12 : memref<!tpu.dma_semaphore, #tpu.memory_space<semaphore_mem>>) src(%dma_wait3A_68 : memref<24x1024xf32, #tpu.memory_space<hbm>>) dst(%arg8 : memref<24x1024xf32, #tpu.memory_space<vmem>>)
      %mul3A_69 = arith.constant 24 : i32
      %mul3A_70 = arith.muli %mul3A_56, %mul3A_69 : i32
      %add3A_71 = arith.addi %multiple_of3A, %mul3A_70 : i32
      "tpu.region"() ({
        %run_scoped3A = tpu.sem_alloc : memref<!tpu.dma_semaphore, #tpu.memory_space<semaphore_mem>>
        %dma_start3A_93 = arith.constant 0 : i32
        %dma_start3A_94 = tpu.memref_slice %arg5[%add3A_71, %dma_start3A_93] : memref<2560x1024xf32, #tpu.memory_space<hbm>> -> memref<24x1024xf32, #tpu.memory_space<hbm>>
        %dma_start3A_95 = arith.constant 0 : i32
        %dma_start3A_96 = tpu.memref_slice %arg5[%add3A_71, %dma_start3A_95] : memref<2560x1024xf32, #tpu.memory_space<hbm>> -> memref<24x1024xf32, #tpu.memory_space<hbm>>
        tpu.enqueue_dma source(%arg8 : memref<24x1024xf32, #tpu.memory_space<vmem>>) target(%dma_start3A_96 : memref<24x1024xf32, #tpu.memory_space<hbm>>) target_semaphore(%run_scoped3A : memref<!tpu.dma_semaphore, #tpu.memory_space<semaphore_mem>>)
        %dma_wait3A_97 = arith.constant 0 : i32
        %dma_wait3A_98 = tpu.memref_slice %arg5[%add3A_71, %dma_wait3A_97] : memref<2560x1024xf32, #tpu.memory_space<hbm>> -> memref<24x1024xf32, #tpu.memory_space<hbm>>
        %dma_wait3A_99 = arith.constant 0 : i32
        %dma_wait3A_100 = tpu.memref_slice %arg5[%add3A_71, %dma_wait3A_99] : memref<2560x1024xf32, #tpu.memory_space<hbm>> -> memref<24x1024xf32, #tpu.memory_space<hbm>>
        tpu.wait_dma2 semaphore(%run_scoped3A : memref<!tpu.dma_semaphore, #tpu.memory_space<semaphore_mem>>) src(%arg8 : memref<24x1024xf32, #tpu.memory_space<vmem>>) dst(%dma_wait3A_100 : memref<24x1024xf32, #tpu.memory_space<hbm>>)
        tpu.yield
      }) : () -> ()
      %dma_wait3A_72 = arith.constant 0 : i32
      %dma_wait3A_73 = arith.constant 0 : i32
      %dma_wait3A_74 = tpu.memref_slice %arg4[%dma_wait3A_72, %dma_wait3A_73] : memref<4096x1024xf32, #tpu.memory_space<hbm>> -> memref<24x1024xf32, #tpu.memory_space<hbm>>
      %dma_wait3A_75 = arith.constant 0 : i32
      %dma_wait3A_76 = arith.constant 0 : i32
      %dma_wait3A_77 = tpu.memref_slice %arg4[%dma_wait3A_75, %dma_wait3A_76] : memref<4096x1024xf32, #tpu.memory_space<hbm>> -> memref<24x1024xf32, #tpu.memory_space<hbm>>
      tpu.wait_dma2 semaphore(%arg14 : memref<!tpu.dma_semaphore, #tpu.memory_space<semaphore_mem>>) src(%dma_wait3A_77 : memref<24x1024xf32, #tpu.memory_space<hbm>>) dst(%arg10 : memref<24x1024xf32, #tpu.memory_space<vmem>>)
      %mul3A_78 = arith.constant 24 : i32
      %mul3A_79 = arith.muli %mul3A_56, %mul3A_78 : i32
      %add3A_80 = arith.addi %multiple_of3A, %mul3A_79 : i32
      "tpu.region"() ({
        %run_scoped3A = tpu.sem_alloc : memref<!tpu.dma_semaphore, #tpu.memory_space<semaphore_mem>>
        %dma_start3A_93 = arith.constant 0 : i32
        %dma_start3A_94 = tpu.memref_slice %arg6[%add3A_80, %dma_start3A_93] : memref<2560x1024xf32, #tpu.memory_space<hbm>> -> memref<24x1024xf32, #tpu.memory_space<hbm>>
        %dma_start3A_95 = arith.constant 0 : i32
        %dma_start3A_96 = tpu.memref_slice %arg6[%add3A_80, %dma_start3A_95] : memref<2560x1024xf32, #tpu.memory_space<hbm>> -> memref<24x1024xf32, #tpu.memory_space<hbm>>
        tpu.enqueue_dma source(%arg10 : memref<24x1024xf32, #tpu.memory_space<vmem>>) target(%dma_start3A_96 : memref<24x1024xf32, #tpu.memory_space<hbm>>) target_semaphore(%run_scoped3A : memref<!tpu.dma_semaphore, #tpu.memory_space<semaphore_mem>>)
        %dma_wait3A_97 = arith.constant 0 : i32
        %dma_wait3A_98 = tpu.memref_slice %arg6[%add3A_80, %dma_wait3A_97] : memref<2560x1024xf32, #tpu.memory_space<hbm>> -> memref<24x1024xf32, #tpu.memory_space<hbm>>
        %dma_wait3A_99 = arith.constant 0 : i32
        %dma_wait3A_100 = tpu.memref_slice %arg6[%add3A_80, %dma_wait3A_99] : memref<2560x1024xf32, #tpu.memory_space<hbm>> -> memref<24x1024xf32, #tpu.memory_space<hbm>>
        tpu.wait_dma2 semaphore(%run_scoped3A : memref<!tpu.dma_semaphore, #tpu.memory_space<semaphore_mem>>) src(%arg10 : memref<24x1024xf32, #tpu.memory_space<vmem>>) dst(%dma_wait3A_100 : memref<24x1024xf32, #tpu.memory_space<hbm>>)
        tpu.yield
      }) : () -> ()
      %add3A_81 = arith.constant 1 : i32
      %add3A_82 = arith.addi %add3A_60, %add3A_81 : i32
      %lt3A_83 = arith.constant 3 : i32
      %lt3A_84 = arith.cmpi slt, %add3A_82, %lt3A_83 : i32
      %convert_element_type3A_85 = arith.extui %lt3A_84 : i1 to i32
      %cond3A_86 = arith.constant 0 : i32
      %cond3A_87 = arith.cmpi ne, %convert_element_type3A_85, %cond3A_86 : i32
      scf.if %cond3A_87 {
        %add3A_93 = arith.constant 1 : i32
        %add3A_94 = arith.addi %add3A_60, %add3A_93 : i32
        %mul3A_95 = arith.constant 24 : i32
        %mul3A_96 = arith.muli %add3A_94, %mul3A_95 : i32
        %multiple_of3A_97 = tpu.assume_multiple %mul3A_96, 24 : i32
        %dma_start3A_98 = tpu.memref_slice %arg7[%multiple_of3A_97] : memref<80xi32, #tpu.memory_space<vmem>> -> memref<24xi32, #tpu.memory_space<vmem>>
        %dma_start3A_99 = arith.constant 0 : i32
        %dma_start3A_100 = arith.constant 0 : i32
        %dma_start3A_101 = tpu.memref_slice %arg3[%dma_start3A_99, %dma_start3A_100] : memref<4096x1024xf32, #tpu.memory_space<hbm>> -> memref<4096x1024xf32, #tpu.memory_space<hbm>>
        tpu.enqueue_indirect_dma source(%dma_start3A_101 : memref<4096x1024xf32, #tpu.memory_space<hbm>>) target(%arg8 : memref<24x1024xf32, #tpu.memory_space<vmem>>) offsets(%dma_start3A_98 : memref<24xi32, #tpu.memory_space<vmem>>) semaphore(%arg12 : memref<!tpu.dma_semaphore, #tpu.memory_space<semaphore_mem>>)
        %dma_start3A_102 = tpu.memref_slice %arg7[%multiple_of3A_97] : memref<80xi32, #tpu.memory_space<vmem>> -> memref<24xi32, #tpu.memory_space<vmem>>
        %dma_start3A_103 = arith.constant 0 : i32
        %dma_start3A_104 = arith.constant 0 : i32
        %dma_start3A_105 = tpu.memref_slice %arg4[%dma_start3A_103, %dma_start3A_104] : memref<4096x1024xf32, #tpu.memory_space<hbm>> -> memref<4096x1024xf32, #tpu.memory_space<hbm>>
        tpu.enqueue_indirect_dma source(%dma_start3A_105 : memref<4096x1024xf32, #tpu.memory_space<hbm>>) target(%arg10 : memref<24x1024xf32, #tpu.memory_space<vmem>>) offsets(%dma_start3A_102 : memref<24xi32, #tpu.memory_space<vmem>>) semaphore(%arg14 : memref<!tpu.dma_semaphore, #tpu.memory_space<semaphore_mem>>)
      } else {
      }
      %lt3A_88 = arith.constant 3 : i32
      %lt3A_89 = arith.cmpi slt, %add3A_60, %lt3A_88 : i32
      %convert_element_type3A_90 = arith.extui %lt3A_89 : i1 to i32
      %cond3A_91 = arith.constant 0 : i32
      %cond3A_92 = arith.cmpi ne, %convert_element_type3A_90, %cond3A_91 : i32
      scf.if %cond3A_92 {
        %dma_wait3A_93 = arith.constant 0 : i32
        %dma_wait3A_94 = arith.constant 0 : i32
        %dma_wait3A_95 = tpu.memref_slice %arg3[%dma_wait3A_93, %dma_wait3A_94] : memref<4096x1024xf32, #tpu.memory_space<hbm>> -> memref<24x1024xf32, #tpu.memory_space<hbm>>
        %dma_wait3A_96 = arith.constant 0 : i32
        %dma_wait3A_97 = arith.constant 0 : i32
        %dma_wait3A_98 = tpu.memref_slice %arg3[%dma_wait3A_96, %dma_wait3A_97] : memref<4096x1024xf32, #tpu.memory_space<hbm>> -> memref<24x1024xf32, #tpu.memory_space<hbm>>
        tpu.wait_dma2 semaphore(%arg13 : memref<!tpu.dma_semaphore, #tpu.memory_space<semaphore_mem>>) src(%dma_wait3A_98 : memref<24x1024xf32, #tpu.memory_space<hbm>>) dst(%arg9 : memref<24x1024xf32, #tpu.memory_space<vmem>>)
        %mul3A_99 = arith.constant 24 : i32
        %mul3A_100 = arith.muli %add3A_60, %mul3A_99 : i32
        %add3A_101 = arith.addi %multiple_of3A, %mul3A_100 : i32
        "tpu.region"() ({
          %run_scoped3A = tpu.sem_alloc : memref<!tpu.dma_semaphore, #tpu.memory_space<semaphore_mem>>
          %dma_start3A_111 = arith.constant 0 : i32
          %dma_start3A_112 = tpu.memref_slice %arg5[%add3A_101, %dma_start3A_111] : memref<2560x1024xf32, #tpu.memory_space<hbm>> -> memref<24x1024xf32, #tpu.memory_space<hbm>>
          %dma_start3A_113 = arith.constant 0 : i32
          %dma_start3A_114 = tpu.memref_slice %arg5[%add3A_101, %dma_start3A_113] : memref<2560x1024xf32, #tpu.memory_space<hbm>> -> memref<24x1024xf32, #tpu.memory_space<hbm>>
          tpu.enqueue_dma source(%arg9 : memref<24x1024xf32, #tpu.memory_space<vmem>>) target(%dma_start3A_114 : memref<24x1024xf32, #tpu.memory_space<hbm>>) target_semaphore(%run_scoped3A : memref<!tpu.dma_semaphore, #tpu.memory_space<semaphore_mem>>)
          %dma_wait3A_115 = arith.constant 0 : i32
          %dma_wait3A_116 = tpu.memref_slice %arg5[%add3A_101, %dma_wait3A_115] : memref<2560x1024xf32, #tpu.memory_space<hbm>> -> memref<24x1024xf32, #tpu.memory_space<hbm>>
          %dma_wait3A_117 = arith.constant 0 : i32
          %dma_wait3A_118 = tpu.memref_slice %arg5[%add3A_101, %dma_wait3A_117] : memref<2560x1024xf32, #tpu.memory_space<hbm>> -> memref<24x1024xf32, #tpu.memory_space<hbm>>
          tpu.wait_dma2 semaphore(%run_scoped3A : memref<!tpu.dma_semaphore, #tpu.memory_space<semaphore_mem>>) src(%arg9 : memref<24x1024xf32, #tpu.memory_space<vmem>>) dst(%dma_wait3A_118 : memref<24x1024xf32, #tpu.memory_space<hbm>>)
          tpu.yield
        }) : () -> ()
        %dma_wait3A_102 = arith.constant 0 : i32
        %dma_wait3A_103 = arith.constant 0 : i32
        %dma_wait3A_104 = tpu.memref_slice %arg4[%dma_wait3A_102, %dma_wait3A_103] : memref<4096x1024xf32, #tpu.memory_space<hbm>> -> memref<24x1024xf32, #tpu.memory_space<hbm>>
        %dma_wait3A_105 = arith.constant 0 : i32
        %dma_wait3A_106 = arith.constant 0 : i32
        %dma_wait3A_107 = tpu.memref_slice %arg4[%dma_wait3A_105, %dma_wait3A_106] : memref<4096x1024xf32, #tpu.memory_space<hbm>> -> memref<24x1024xf32, #tpu.memory_space<hbm>>
        tpu.wait_dma2 semaphore(%arg15 : memref<!tpu.dma_semaphore, #tpu.memory_space<semaphore_mem>>) src(%dma_wait3A_107 : memref<24x1024xf32, #tpu.memory_space<hbm>>) dst(%arg11 : memref<24x1024xf32, #tpu.memory_space<vmem>>)
        %mul3A_108 = arith.constant 24 : i32
        %mul3A_109 = arith.muli %add3A_60, %mul3A_108 : i32
        %add3A_110 = arith.addi %multiple_of3A, %mul3A_109 : i32
        "tpu.region"() ({
          %run_scoped3A = tpu.sem_alloc : memref<!tpu.dma_semaphore, #tpu.memory_space<semaphore_mem>>
          %dma_start3A_111 = arith.constant 0 : i32
          %dma_start3A_112 = tpu.memref_slice %arg6[%add3A_110, %dma_start3A_111] : memref<2560x1024xf32, #tpu.memory_space<hbm>> -> memref<24x1024xf32, #tpu.memory_space<hbm>>
          %dma_start3A_113 = arith.constant 0 : i32
          %dma_start3A_114 = tpu.memref_slice %arg6[%add3A_110, %dma_start3A_113] : memref<2560x1024xf32, #tpu.memory_space<hbm>> -> memref<24x1024xf32, #tpu.memory_space<hbm>>
          tpu.enqueue_dma source(%arg11 : memref<24x1024xf32, #tpu.memory_space<vmem>>) target(%dma_start3A_114 : memref<24x1024xf32, #tpu.memory_space<hbm>>) target_semaphore(%run_scoped3A : memref<!tpu.dma_semaphore, #tpu.memory_space<semaphore_mem>>)
          %dma_wait3A_115 = arith.constant 0 : i32
          %dma_wait3A_116 = tpu.memref_slice %arg6[%add3A_110, %dma_wait3A_115] : memref<2560x1024xf32, #tpu.memory_space<hbm>> -> memref<24x1024xf32, #tpu.memory_space<hbm>>
          %dma_wait3A_117 = arith.constant 0 : i32
          %dma_wait3A_118 = tpu.memref_slice %arg6[%add3A_110, %dma_wait3A_117] : memref<2560x1024xf32, #tpu.memory_space<hbm>> -> memref<24x1024xf32, #tpu.memory_space<hbm>>
          tpu.wait_dma2 semaphore(%run_scoped3A : memref<!tpu.dma_semaphore, #tpu.memory_space<semaphore_mem>>) src(%arg11 : memref<24x1024xf32, #tpu.memory_space<vmem>>) dst(%dma_wait3A_118 : memref<24x1024xf32, #tpu.memory_space<hbm>>)
          tpu.yield
        }) : () -> ()
      } else {
      }
    }
    %scan3A_18 = arith.constant 2 : i32
    %dma_start3A_19 = arith.constant 0 : i32
    %dma_start3A_20 = arith.constant 0 : i32
    %dma_start3A_21 = tpu.memref_slice %arg8[%dma_start3A_19, %dma_start3A_20] : memref<24x1024xf32, #tpu.memory_space<vmem>> -> memref<8x1024xf32, #tpu.memory_space<vmem>>
    %dma_start3A_22 = arith.constant 72 : i32
    %dma_start3A_23 = tpu.memref_slice %arg7[%dma_start3A_22] : memref<80xi32, #tpu.memory_space<vmem>> -> memref<8xi32, #tpu.memory_space<vmem>>
    %dma_start3A_24 = arith.constant 0 : i32
    %dma_start3A_25 = arith.constant 0 : i32
    %dma_start3A_26 = tpu.memref_slice %arg3[%dma_start3A_24, %dma_start3A_25] : memref<4096x1024xf32, #tpu.memory_space<hbm>> -> memref<4096x1024xf32, #tpu.memory_space<hbm>>
    tpu.enqueue_indirect_dma source(%dma_start3A_26 : memref<4096x1024xf32, #tpu.memory_space<hbm>>) target(%dma_start3A_21 : memref<8x1024xf32, #tpu.memory_space<vmem>>) offsets(%dma_start3A_23 : memref<8xi32, #tpu.memory_space<vmem>>) semaphore(%arg12 : memref<!tpu.dma_semaphore, #tpu.memory_space<semaphore_mem>>)
    %dma_start3A_27 = arith.constant 0 : i32
    %dma_start3A_28 = arith.constant 0 : i32
    %dma_start3A_29 = tpu.memref_slice %arg10[%dma_start3A_27, %dma_start3A_28] : memref<24x1024xf32, #tpu.memory_space<vmem>> -> memref<8x1024xf32, #tpu.memory_space<vmem>>
    %dma_start3A_30 = arith.constant 72 : i32
    %dma_start3A_31 = tpu.memref_slice %arg7[%dma_start3A_30] : memref<80xi32, #tpu.memory_space<vmem>> -> memref<8xi32, #tpu.memory_space<vmem>>
    %dma_start3A_32 = arith.constant 0 : i32
    %dma_start3A_33 = arith.constant 0 : i32
    %dma_start3A_34 = tpu.memref_slice %arg4[%dma_start3A_32, %dma_start3A_33] : memref<4096x1024xf32, #tpu.memory_space<hbm>> -> memref<4096x1024xf32, #tpu.memory_space<hbm>>
    tpu.enqueue_indirect_dma source(%dma_start3A_34 : memref<4096x1024xf32, #tpu.memory_space<hbm>>) target(%dma_start3A_29 : memref<8x1024xf32, #tpu.memory_space<vmem>>) offsets(%dma_start3A_31 : memref<8xi32, #tpu.memory_space<vmem>>) semaphore(%arg14 : memref<!tpu.dma_semaphore, #tpu.memory_space<semaphore_mem>>)
    %dma_wait3A = arith.constant 0 : i32
    %dma_wait3A_35 = arith.constant 0 : i32
    %dma_wait3A_36 = tpu.memref_slice %arg8[%dma_wait3A, %dma_wait3A_35] : memref<24x1024xf32, #tpu.memory_space<vmem>> -> memref<8x1024xf32, #tpu.memory_space<vmem>>
    %dma_wait3A_37 = arith.constant 72 : i32
    %dma_wait3A_38 = tpu.memref_slice %arg7[%dma_wait3A_37] : memref<80xi32, #tpu.memory_space<vmem>> -> memref<8xi32, #tpu.memory_space<vmem>>
    %dma_wait3A_39 = arith.constant 0 : i32
    %dma_wait3A_40 = arith.constant 0 : i32
    %dma_wait3A_41 = tpu.memref_slice %arg3[%dma_wait3A_39, %dma_wait3A_40] : memref<4096x1024xf32, #tpu.memory_space<hbm>> -> memref<4096x1024xf32, #tpu.memory_space<hbm>>
    tpu.wait_indirect_dma semaphore(%arg12 : memref<!tpu.dma_semaphore, #tpu.memory_space<semaphore_mem>>) src(%dma_wait3A_41 : memref<4096x1024xf32, #tpu.memory_space<hbm>>) dst(%dma_wait3A_36 : memref<8x1024xf32, #tpu.memory_space<vmem>>)
    %add3A_42 = arith.constant 72 : i32
    %add3A_43 = arith.addi %multiple_of3A, %add3A_42 : i32
    "tpu.region"() ({
      %run_scoped3A = tpu.sem_alloc : memref<!tpu.dma_semaphore, #tpu.memory_space<semaphore_mem>>
      %dma_start3A_54 = arith.constant 0 : i32
      %dma_start3A_55 = arith.constant 0 : i32
      %dma_start3A_56 = tpu.memref_slice %arg8[%dma_start3A_54, %dma_start3A_55] : memref<24x1024xf32, #tpu.memory_space<vmem>> -> memref<8x1024xf32, #tpu.memory_space<vmem>>
      %dma_start3A_57 = arith.constant 0 : i32
      %dma_start3A_58 = tpu.memref_slice %arg5[%add3A_43, %dma_start3A_57] : memref<2560x1024xf32, #tpu.memory_space<hbm>> -> memref<8x1024xf32, #tpu.memory_space<hbm>>
      %dma_start3A_59 = arith.constant 0 : i32
      %dma_start3A_60 = tpu.memref_slice %arg5[%add3A_43, %dma_start3A_59] : memref<2560x1024xf32, #tpu.memory_space<hbm>> -> memref<8x1024xf32, #tpu.memory_space<hbm>>
      %dma_start3A_61 = arith.constant 0 : i32
      %dma_start3A_62 = arith.constant 0 : i32
      %dma_start3A_63 = tpu.memref_slice %arg8[%dma_start3A_61, %dma_start3A_62] : memref<24x1024xf32, #tpu.memory_space<vmem>> -> memref<8x1024xf32, #tpu.memory_space<vmem>>
      tpu.enqueue_dma source(%dma_start3A_63 : memref<8x1024xf32, #tpu.memory_space<vmem>>) target(%dma_start3A_60 : memref<8x1024xf32, #tpu.memory_space<hbm>>) target_semaphore(%run_scoped3A : memref<!tpu.dma_semaphore, #tpu.memory_space<semaphore_mem>>)
      %dma_wait3A_64 = arith.constant 0 : i32
      %dma_wait3A_65 = arith.constant 0 : i32
      %dma_wait3A_66 = tpu.memref_slice %arg8[%dma_wait3A_64, %dma_wait3A_65] : memref<24x1024xf32, #tpu.memory_space<vmem>> -> memref<8x1024xf32, #tpu.memory_space<vmem>>
      %dma_wait3A_67 = arith.constant 0 : i32
      %dma_wait3A_68 = tpu.memref_slice %arg5[%add3A_43, %dma_wait3A_67] : memref<2560x1024xf32, #tpu.memory_space<hbm>> -> memref<8x1024xf32, #tpu.memory_space<hbm>>
      %dma_wait3A_69 = arith.constant 0 : i32
      %dma_wait3A_70 = tpu.memref_slice %arg5[%add3A_43, %dma_wait3A_69] : memref<2560x1024xf32, #tpu.memory_space<hbm>> -> memref<8x1024xf32, #tpu.memory_space<hbm>>
      %dma_wait3A_71 = arith.constant 0 : i32
      %dma_wait3A_72 = arith.constant 0 : i32
      %dma_wait3A_73 = tpu.memref_slice %arg8[%dma_wait3A_71, %dma_wait3A_72] : memref<24x1024xf32, #tpu.memory_space<vmem>> -> memref<8x1024xf32, #tpu.memory_space<vmem>>
      tpu.wait_dma2 semaphore(%run_scoped3A : memref<!tpu.dma_semaphore, #tpu.memory_space<semaphore_mem>>) src(%dma_wait3A_73 : memref<8x1024xf32, #tpu.memory_space<vmem>>) dst(%dma_wait3A_70 : memref<8x1024xf32, #tpu.memory_space<hbm>>)
      tpu.yield
    }) : () -> ()
    %dma_wait3A_44 = arith.constant 0 : i32
    %dma_wait3A_45 = arith.constant 0 : i32
    %dma_wait3A_46 = tpu.memref_slice %arg10[%dma_wait3A_44, %dma_wait3A_45] : memref<24x1024xf32, #tpu.memory_space<vmem>> -> memref<8x1024xf32, #tpu.memory_space<vmem>>
    %dma_wait3A_47 = arith.constant 72 : i32
    %dma_wait3A_48 = tpu.memref_slice %arg7[%dma_wait3A_47] : memref<80xi32, #tpu.memory_space<vmem>> -> memref<8xi32, #tpu.memory_space<vmem>>
    %dma_wait3A_49 = arith.constant 0 : i32
    %dma_wait3A_50 = arith.constant 0 : i32
    %dma_wait3A_51 = tpu.memref_slice %arg4[%dma_wait3A_49, %dma_wait3A_50] : memref<4096x1024xf32, #tpu.memory_space<hbm>> -> memref<4096x1024xf32, #tpu.memory_space<hbm>>
    tpu.wait_indirect_dma semaphore(%arg14 : memref<!tpu.dma_semaphore, #tpu.memory_space<semaphore_mem>>) src(%dma_wait3A_51 : memref<4096x1024xf32, #tpu.memory_space<hbm>>) dst(%dma_wait3A_46 : memref<8x1024xf32, #tpu.memory_space<vmem>>)
    %add3A_52 = arith.constant 72 : i32
    %add3A_53 = arith.addi %multiple_of3A, %add3A_52 : i32
    "tpu.region"() ({
      %run_scoped3A = tpu.sem_alloc : memref<!tpu.dma_semaphore, #tpu.memory_space<semaphore_mem>>
      %dma_start3A_54 = arith.constant 0 : i32
      %dma_start3A_55 = arith.constant 0 : i32
      %dma_start3A_56 = tpu.memref_slice %arg10[%dma_start3A_54, %dma_start3A_55] : memref<24x1024xf32, #tpu.memory_space<vmem>> -> memref<8x1024xf32, #tpu.memory_space<vmem>>
      %dma_start3A_57 = arith.constant 0 : i32
      %dma_start3A_58 = tpu.memref_slice %arg6[%add3A_53, %dma_start3A_57] : memref<2560x1024xf32, #tpu.memory_space<hbm>> -> memref<8x1024xf32, #tpu.memory_space<hbm>>
      %dma_start3A_59 = arith.constant 0 : i32
      %dma_start3A_60 = tpu.memref_slice %arg6[%add3A_53, %dma_start3A_59] : memref<2560x1024xf32, #tpu.memory_space<hbm>> -> memref<8x1024xf32, #tpu.memory_space<hbm>>
      %dma_start3A_61 = arith.constant 0 : i32
      %dma_start3A_62 = arith.constant 0 : i32
      %dma_start3A_63 = tpu.memref_slice %arg10[%dma_start3A_61, %dma_start3A_62] : memref<24x1024xf32, #tpu.memory_space<vmem>> -> memref<8x1024xf32, #tpu.memory_space<vmem>>
      tpu.enqueue_dma source(%dma_start3A_63 : memref<8x1024xf32, #tpu.memory_space<vmem>>) target(%dma_start3A_60 : memref<8x1024xf32, #tpu.memory_space<hbm>>) target_semaphore(%run_scoped3A : memref<!tpu.dma_semaphore, #tpu.memory_space<semaphore_mem>>)
      %dma_wait3A_64 = arith.constant 0 : i32
      %dma_wait3A_65 = arith.constant 0 : i32
      %dma_wait3A_66 = tpu.memref_slice %arg10[%dma_wait3A_64, %dma_wait3A_65] : memref<24x1024xf32, #tpu.memory_space<vmem>> -> memref<8x1024xf32, #tpu.memory_space<vmem>>
      %dma_wait3A_67 = arith.constant 0 : i32
      %dma_wait3A_68 = tpu.memref_slice %arg6[%add3A_53, %dma_wait3A_67] : memref<2560x1024xf32, #tpu.memory_space<hbm>> -> memref<8x1024xf32, #tpu.memory_space<hbm>>
      %dma_wait3A_69 = arith.constant 0 : i32
      %dma_wait3A_70 = tpu.memref_slice %arg6[%add3A_53, %dma_wait3A_69] : memref<2560x1024xf32, #tpu.memory_space<hbm>> -> memref<8x1024xf32, #tpu.memory_space<hbm>>
      %dma_wait3A_71 = arith.constant 0 : i32
      %dma_wait3A_72 = arith.constant 0 : i32
      %dma_wait3A_73 = tpu.memref_slice %arg10[%dma_wait3A_71, %dma_wait3A_72] : memref<24x1024xf32, #tpu.memory_space<vmem>> -> memref<8x1024xf32, #tpu.memory_space<vmem>>
      tpu.wait_dma2 semaphore(%run_scoped3A : memref<!tpu.dma_semaphore, #tpu.memory_space<semaphore_mem>>) src(%dma_wait3A_73 : memref<8x1024xf32, #tpu.memory_space<vmem>>) dst(%dma_wait3A_70 : memref<8x1024xf32, #tpu.memory_space<hbm>>)
      tpu.yield
    }) : () -> ()
    return
  }
}

#map = affine_map<(d0, d1) -> (0)>
module attributes {stable_mosaic.version = 14 : i64} {
  func.func @_scatter_body(%arg0: i32, %arg1: i32, %arg2: memref<4096xi32, #tpu.memory_space<hbm>>, %arg3: memref<4096xi32, #tpu.memory_space<hbm>>, %arg4: memref<4096xf32, #tpu.memory_space<hbm>>, %arg5: memref<4096xf32, #tpu.memory_space<hbm>>, %arg6: memref<10496xi32, #tpu.memory_space<hbm>>, %arg7: memref<10496xf32, #tpu.memory_space<hbm>>, %arg8: memref<4096xi32, #tpu.memory_space<vmem>>, %arg9: memref<4096xi32, #tpu.memory_space<vmem>>, %arg10: memref<4096xf32, #tpu.memory_space<vmem>>, %arg11: memref<4096xf32, #tpu.memory_space<vmem>>, %arg12: memref<10496xi32, #tpu.memory_space<vmem>>, %arg13: memref<10496xf32, #tpu.memory_space<vmem>>) attributes {dimension_semantics = [#tpu.dimension_semantics<core_parallel>, #tpu.dimension_semantics<subcore_parallel>], iteration_bounds = array<i64: 2, 16>, scalar_prefetch = 0 : i64, scratch_operands = 6 : i64, tpu.core_type = #tpu.core_type<sc_vector_subcore>, window_params = [{transform_indices = #map}, {transform_indices = #map}, {transform_indices = #map}, {transform_indices = #map}, {transform_indices = #map}, {transform_indices = #map}]} {
    %mul3A = arith.constant 2 : i32
    %mul3A_0 = arith.muli %arg1, %mul3A : i32
    %add3A = arith.addi %mul3A_0, %arg0 : i32
    %eq3A = arith.constant 0 : i32
    %eq3A_1 = arith.cmpi eq, %add3A, %eq3A : i32
    %convert_element_type3A = arith.extui %eq3A_1 : i1 to i32
    %cond3A = arith.constant 0 : i32
    %cond3A_2 = arith.cmpi ne, %convert_element_type3A, %cond3A : i32
    scf.if %cond3A_2 {
      "tpu.region"() ({
        %run_scoped3A = tpu.sem_alloc : memref<!tpu.dma_semaphore, #tpu.memory_space<semaphore_mem>>
        tpu.enqueue_dma source(%arg2 : memref<4096xi32, #tpu.memory_space<hbm>>) target(%arg8 : memref<4096xi32, #tpu.memory_space<vmem>>) target_semaphore(%run_scoped3A : memref<!tpu.dma_semaphore, #tpu.memory_space<semaphore_mem>>)
        tpu.wait_dma2 semaphore(%run_scoped3A : memref<!tpu.dma_semaphore, #tpu.memory_space<semaphore_mem>>) src(%arg2 : memref<4096xi32, #tpu.memory_space<hbm>>) dst(%arg8 : memref<4096xi32, #tpu.memory_space<vmem>>)
        tpu.yield
      }) : () -> ()
      "tpu.region"() ({
        %run_scoped3A = tpu.sem_alloc : memref<!tpu.dma_semaphore, #tpu.memory_space<semaphore_mem>>
        tpu.enqueue_dma source(%arg3 : memref<4096xi32, #tpu.memory_space<hbm>>) target(%arg9 : memref<4096xi32, #tpu.memory_space<vmem>>) target_semaphore(%run_scoped3A : memref<!tpu.dma_semaphore, #tpu.memory_space<semaphore_mem>>)
        tpu.wait_dma2 semaphore(%run_scoped3A : memref<!tpu.dma_semaphore, #tpu.memory_space<semaphore_mem>>) src(%arg3 : memref<4096xi32, #tpu.memory_space<hbm>>) dst(%arg9 : memref<4096xi32, #tpu.memory_space<vmem>>)
        tpu.yield
      }) : () -> ()
      "tpu.region"() ({
        %run_scoped3A = tpu.sem_alloc : memref<!tpu.dma_semaphore, #tpu.memory_space<semaphore_mem>>
        tpu.enqueue_dma source(%arg4 : memref<4096xf32, #tpu.memory_space<hbm>>) target(%arg10 : memref<4096xf32, #tpu.memory_space<vmem>>) target_semaphore(%run_scoped3A : memref<!tpu.dma_semaphore, #tpu.memory_space<semaphore_mem>>)
        tpu.wait_dma2 semaphore(%run_scoped3A : memref<!tpu.dma_semaphore, #tpu.memory_space<semaphore_mem>>) src(%arg4 : memref<4096xf32, #tpu.memory_space<hbm>>) dst(%arg10 : memref<4096xf32, #tpu.memory_space<vmem>>)
        tpu.yield
      }) : () -> ()
      "tpu.region"() ({
        %run_scoped3A = tpu.sem_alloc : memref<!tpu.dma_semaphore, #tpu.memory_space<semaphore_mem>>
        tpu.enqueue_dma source(%arg5 : memref<4096xf32, #tpu.memory_space<hbm>>) target(%arg11 : memref<4096xf32, #tpu.memory_space<vmem>>) target_semaphore(%run_scoped3A : memref<!tpu.dma_semaphore, #tpu.memory_space<semaphore_mem>>)
        tpu.wait_dma2 semaphore(%run_scoped3A : memref<!tpu.dma_semaphore, #tpu.memory_space<semaphore_mem>>) src(%arg5 : memref<4096xf32, #tpu.memory_space<hbm>>) dst(%arg11 : memref<4096xf32, #tpu.memory_space<vmem>>)
        tpu.yield
      }) : () -> ()
      %scan3A = arith.constant 0 : i32
      %scan3A_3 = arith.constant 0 : i32
      %scan3A_4 = arith.constant 656 : i32
      %scan3A_5 = arith.addi %scan3A_3, %scan3A_4 : i32
      %scan3A_6 = arith.constant 1 : i32
      scf.for %scan3A_14 = %scan3A_3 to %scan3A_5 step %scan3A_6  : i32 {
        %mul3A_15 = arith.constant 16 : i32
        %mul3A_16 = arith.muli %scan3A_14, %mul3A_15 : i32
        %multiple_of3A = tpu.assume_multiple %mul3A_16, 16 : i32
        %broadcast_in_dim3A = arith.constant 0 : i32
        %broadcast_in_dim3A_17 = vector.broadcast %broadcast_in_dim3A : i32 to vector<16xi32>
        %swap3A = arith.index_cast %multiple_of3A : i32 to index
        %swap3A_18 = tpu.vector_load %arg12[%swap3A] {strides = array<i32>} : memref<10496xi32, #tpu.memory_space<vmem>>, vector<16xi32>,
        tpu.vector_store %arg12[%swap3A], %broadcast_in_dim3A_17 {strides = array<i32>} : memref<10496xi32, #tpu.memory_space<vmem>>, vector<16xi32>,
        %broadcast_in_dim3A_19 = arith.constant 0.000000e+00 : f32
        %broadcast_in_dim3A_20 = vector.broadcast %broadcast_in_dim3A_19 : f32 to vector<16xf32>
        %swap3A_21 = arith.index_cast %multiple_of3A : i32 to index
        %swap3A_22 = tpu.vector_load %arg13[%swap3A_21] {strides = array<i32>} : memref<10496xf32, #tpu.memory_space<vmem>>, vector<16xf32>,
        tpu.vector_store %arg13[%swap3A_21], %broadcast_in_dim3A_20 {strides = array<i32>} : memref<10496xf32, #tpu.memory_space<vmem>>, vector<16xf32>,
      }
      %scan3A_7 = arith.constant 656 : i32
      %scan3A_8 = arith.constant 0 : i32
      %scan3A_9 = arith.constant 0 : i32
      %scan3A_10 = arith.constant 256 : i32
      %scan3A_11 = arith.addi %scan3A_9, %scan3A_10 : i32
      %scan3A_12 = arith.constant 1 : i32
      scf.for %scan3A_14 = %scan3A_9 to %scan3A_11 step %scan3A_12  : i32 {
        %mul3A_15 = arith.constant 16 : i32
        %mul3A_16 = arith.muli %scan3A_14, %mul3A_15 : i32
        %multiple_of3A = tpu.assume_multiple %mul3A_16, 16 : i32
        %iota3A = tpu.iota {dimensions = array<i32: 0>} : vector<16xi32>
        %mul3A_17 = arith.constant 16 : i32
        %mul3A_18 = arith.muli %scan3A_14, %mul3A_17 : i32
        %add3A_19 = vector.broadcast %mul3A_18 : i32 to vector<16xi32>
        %add3A_20 = arith.addi %iota3A, %add3A_19 : vector<16xi32>
        %get3A = arith.index_cast %multiple_of3A : i32 to index
        %get3A_21 = tpu.vector_load %arg8[%get3A] {strides = array<i32>} : memref<4096xi32, #tpu.memory_space<vmem>>, vector<16xi32>,
        %lt3A = arith.constant 10240 : i32
        %lt3A_22 = vector.broadcast %lt3A : i32 to vector<16xi32>
        %lt3A_23 = arith.cmpi slt, %get3A_21, %lt3A_22 : vector<16xi32>
        tpu.vector_store_idx %arg12[%get3A_21], %add3A_20 masked %lt3A_23 : memref<10496xi32, #tpu.memory_space<vmem>>[vector<16xi32>], vector<16xi32>, vector<16xi1>
        %get3A_24 = arith.index_cast %multiple_of3A : i32 to index
        %get3A_25 = tpu.vector_load %arg10[%get3A_24] {strides = array<i32>} : memref<4096xf32, #tpu.memory_space<vmem>>, vector<16xf32>,
        tpu.vector_store_idx %arg13[%get3A_21], %get3A_25 masked %lt3A_23 : memref<10496xf32, #tpu.memory_space<vmem>>[vector<16xi32>], vector<16xf32>, vector<16xi1>
        %get3A_26 = arith.index_cast %multiple_of3A : i32 to index
        %get3A_27 = tpu.vector_load %arg9[%get3A_26] {strides = array<i32>} : memref<4096xi32, #tpu.memory_space<vmem>>, vector<16xi32>,
        %lt3A_28 = arith.constant 10240 : i32
        %lt3A_29 = vector.broadcast %lt3A_28 : i32 to vector<16xi32>
        %lt3A_30 = arith.cmpi slt, %get3A_27, %lt3A_29 : vector<16xi32>
        tpu.vector_store_idx %arg12[%get3A_27], %add3A_20 masked %lt3A_30 : memref<10496xi32, #tpu.memory_space<vmem>>[vector<16xi32>], vector<16xi32>, vector<16xi1>
        %get3A_31 = arith.index_cast %multiple_of3A : i32 to index
        %get3A_32 = tpu.vector_load %arg11[%get3A_31] {strides = array<i32>} : memref<4096xf32, #tpu.memory_space<vmem>>, vector<16xf32>,
        tpu.vector_store_idx %arg13[%get3A_27], %get3A_32 masked %lt3A_30 : memref<10496xf32, #tpu.memory_space<vmem>>[vector<16xi32>], vector<16xf32>, vector<16xi1>
      }
      %scan3A_13 = arith.constant 256 : i32
      "tpu.region"() ({
        %run_scoped3A = tpu.sem_alloc : memref<!tpu.dma_semaphore, #tpu.memory_space<semaphore_mem>>
        tpu.enqueue_dma source(%arg12 : memref<10496xi32, #tpu.memory_space<vmem>>) target(%arg6 : memref<10496xi32, #tpu.memory_space<hbm>>) target_semaphore(%run_scoped3A : memref<!tpu.dma_semaphore, #tpu.memory_space<semaphore_mem>>)
        tpu.wait_dma2 semaphore(%run_scoped3A : memref<!tpu.dma_semaphore, #tpu.memory_space<semaphore_mem>>) src(%arg12 : memref<10496xi32, #tpu.memory_space<vmem>>) dst(%arg6 : memref<10496xi32, #tpu.memory_space<hbm>>)
        tpu.yield
      }) : () -> ()
      "tpu.region"() ({
        %run_scoped3A = tpu.sem_alloc : memref<!tpu.dma_semaphore, #tpu.memory_space<semaphore_mem>>
        tpu.enqueue_dma source(%arg13 : memref<10496xf32, #tpu.memory_space<vmem>>) target(%arg7 : memref<10496xf32, #tpu.memory_space<hbm>>) target_semaphore(%run_scoped3A : memref<!tpu.dma_semaphore, #tpu.memory_space<semaphore_mem>>)
        tpu.wait_dma2 semaphore(%run_scoped3A : memref<!tpu.dma_semaphore, #tpu.memory_space<semaphore_mem>>) src(%arg13 : memref<10496xf32, #tpu.memory_space<vmem>>) dst(%arg7 : memref<10496xf32, #tpu.memory_space<hbm>>)
        tpu.yield
      }) : () -> ()
    } else {
    }
    return
  }
}

#map = affine_map<(d0, d1) -> (0)>
#map1 = affine_map<(d0, d1) -> (0, 0)>
module attributes {stable_mosaic.version = 14 : i64} {
  func.func @_gather_body(%arg0: i32, %arg1: i32, %arg2: memref<10496xi32, #tpu.memory_space<hbm>>, %arg3: memref<4096x1024xf32, #tpu.memory_space<hbm>>, %arg4: memref<4096x1024xf32, #tpu.memory_space<hbm>>, %arg5: memref<2816x1024xf32, #tpu.memory_space<hbm>>, %arg6: memref<2816x1024xf32, #tpu.memory_space<hbm>>, %arg7: memref<88xi32, #tpu.memory_space<vmem>>, %arg8: memref<24x1024xf32, #tpu.memory_space<vmem>>, %arg9: memref<24x1024xf32, #tpu.memory_space<vmem>>, %arg10: memref<24x1024xf32, #tpu.memory_space<vmem>>, %arg11: memref<24x1024xf32, #tpu.memory_space<vmem>>, %arg12: memref<!tpu.dma_semaphore, #tpu.memory_space<semaphore_mem>>, %arg13: memref<!tpu.dma_semaphore, #tpu.memory_space<semaphore_mem>>, %arg14: memref<!tpu.dma_semaphore, #tpu.memory_space<semaphore_mem>>, %arg15: memref<!tpu.dma_semaphore, #tpu.memory_space<semaphore_mem>>) attributes {dimension_semantics = [#tpu.dimension_semantics<core_parallel>, #tpu.dimension_semantics<subcore_parallel>], iteration_bounds = array<i64: 2, 16>, scalar_prefetch = 0 : i64, scratch_operands = 9 : i64, tpu.core_type = #tpu.core_type<sc_vector_subcore>, window_params = [{transform_indices = #map}, {transform_indices = #map1}, {transform_indices = #map1}, {transform_indices = #map1}, {transform_indices = #map1}]} {
    %mul3A = arith.constant 2 : i32
    %mul3A_0 = arith.muli %arg1, %mul3A : i32
    %add3A = arith.addi %mul3A_0, %arg0 : i32
    %mul3A_1 = arith.constant 88 : i32
    %mul3A_2 = arith.muli %add3A, %mul3A_1 : i32
    %multiple_of3A = tpu.assume_multiple %mul3A_2, 8 : i32
    %add3A_3 = arith.constant 7680 : i32
    %add3A_4 = arith.addi %add3A_3, %multiple_of3A : i32
    "tpu.region"() ({
      %run_scoped3A = tpu.sem_alloc : memref<!tpu.dma_semaphore, #tpu.memory_space<semaphore_mem>>
      %dma_start3A_54 = tpu.memref_slice %arg2[%add3A_4] : memref<10496xi32, #tpu.memory_space<hbm>> -> memref<88xi32, #tpu.memory_space<hbm>>
      %dma_start3A_55 = tpu.memref_slice %arg2[%add3A_4] : memref<10496xi32, #tpu.memory_space<hbm>> -> memref<88xi32, #tpu.memory_space<hbm>>
      tpu.enqueue_dma source(%dma_start3A_55 : memref<88xi32, #tpu.memory_space<hbm>>) target(%arg7 : memref<88xi32, #tpu.memory_space<vmem>>) target_semaphore(%run_scoped3A : memref<!tpu.dma_semaphore, #tpu.memory_space<semaphore_mem>>)
      %dma_wait3A_56 = tpu.memref_slice %arg2[%add3A_4] : memref<10496xi32, #tpu.memory_space<hbm>> -> memref<88xi32, #tpu.memory_space<hbm>>
      %dma_wait3A_57 = tpu.memref_slice %arg2[%add3A_4] : memref<10496xi32, #tpu.memory_space<hbm>> -> memref<88xi32, #tpu.memory_space<hbm>>
      tpu.wait_dma2 semaphore(%run_scoped3A : memref<!tpu.dma_semaphore, #tpu.memory_space<semaphore_mem>>) src(%dma_wait3A_57 : memref<88xi32, #tpu.memory_space<hbm>>) dst(%arg7 : memref<88xi32, #tpu.memory_space<vmem>>)
      tpu.yield
    }) : () -> ()
    %multiple_of3A_5 = arith.constant 0 : i32
    %multiple_of3A_6 = tpu.assume_multiple %multiple_of3A_5, 24 : i32
    %dma_start3A = tpu.memref_slice %arg7[%multiple_of3A_6] : memref<88xi32, #tpu.memory_space<vmem>> -> memref<24xi32, #tpu.memory_space<vmem>>
    %dma_start3A_7 = arith.constant 0 : i32
    %dma_start3A_8 = arith.constant 0 : i32
    %dma_start3A_9 = tpu.memref_slice %arg3[%dma_start3A_7, %dma_start3A_8] : memref<4096x1024xf32, #tpu.memory_space<hbm>> -> memref<4096x1024xf32, #tpu.memory_space<hbm>>
    tpu.enqueue_indirect_dma source(%dma_start3A_9 : memref<4096x1024xf32, #tpu.memory_space<hbm>>) target(%arg8 : memref<24x1024xf32, #tpu.memory_space<vmem>>) offsets(%dma_start3A : memref<24xi32, #tpu.memory_space<vmem>>) semaphore(%arg12 : memref<!tpu.dma_semaphore, #tpu.memory_space<semaphore_mem>>)
    %dma_start3A_10 = tpu.memref_slice %arg7[%multiple_of3A_6] : memref<88xi32, #tpu.memory_space<vmem>> -> memref<24xi32, #tpu.memory_space<vmem>>
    %dma_start3A_11 = arith.constant 0 : i32
    %dma_start3A_12 = arith.constant 0 : i32
    %dma_start3A_13 = tpu.memref_slice %arg4[%dma_start3A_11, %dma_start3A_12] : memref<4096x1024xf32, #tpu.memory_space<hbm>> -> memref<4096x1024xf32, #tpu.memory_space<hbm>>
    tpu.enqueue_indirect_dma source(%dma_start3A_13 : memref<4096x1024xf32, #tpu.memory_space<hbm>>) target(%arg10 : memref<24x1024xf32, #tpu.memory_space<vmem>>) offsets(%dma_start3A_10 : memref<24xi32, #tpu.memory_space<vmem>>) semaphore(%arg14 : memref<!tpu.dma_semaphore, #tpu.memory_space<semaphore_mem>>)
    %scan3A = arith.constant 0 : i32
    %scan3A_14 = arith.constant 0 : i32
    %scan3A_15 = arith.constant 2 : i32
    %scan3A_16 = arith.addi %scan3A_14, %scan3A_15 : i32
    %scan3A_17 = arith.constant 1 : i32
    scf.for %scan3A_54 = %scan3A_14 to %scan3A_16 step %scan3A_17  : i32 {
      %mul3A_55 = arith.constant 2 : i32
      %mul3A_56 = arith.muli %mul3A_55, %scan3A_54 : i32
      %mul3A_57 = arith.constant 2 : i32
      %mul3A_58 = arith.muli %mul3A_57, %scan3A_54 : i32
      %add3A_59 = arith.constant 1 : i32
      %add3A_60 = arith.addi %mul3A_58, %add3A_59 : i32
      %lt3A = arith.constant 3 : i32
      %lt3A_61 = arith.cmpi slt, %add3A_60, %lt3A : i32
      %convert_element_type3A = arith.extui %lt3A_61 : i1 to i32
      %cond3A = arith.constant 0 : i32
      %cond3A_62 = arith.cmpi ne, %convert_element_type3A, %cond3A : i32
      scf.if %cond3A_62 {
        %mul3A_93 = arith.constant 24 : i32
        %mul3A_94 = arith.muli %add3A_60, %mul3A_93 : i32
        %multiple_of3A_95 = tpu.assume_multiple %mul3A_94, 24 : i32
        %dma_start3A_96 = tpu.memref_slice %arg7[%multiple_of3A_95] : memref<88xi32, #tpu.memory_space<vmem>> -> memref<24xi32, #tpu.memory_space<vmem>>
        %dma_start3A_97 = arith.constant 0 : i32
        %dma_start3A_98 = arith.constant 0 : i32
        %dma_start3A_99 = tpu.memref_slice %arg3[%dma_start3A_97, %dma_start3A_98] : memref<4096x1024xf32, #tpu.memory_space<hbm>> -> memref<4096x1024xf32, #tpu.memory_space<hbm>>
        tpu.enqueue_indirect_dma source(%dma_start3A_99 : memref<4096x1024xf32, #tpu.memory_space<hbm>>) target(%arg9 : memref<24x1024xf32, #tpu.memory_space<vmem>>) offsets(%dma_start3A_96 : memref<24xi32, #tpu.memory_space<vmem>>) semaphore(%arg13 : memref<!tpu.dma_semaphore, #tpu.memory_space<semaphore_mem>>)
        %dma_start3A_100 = tpu.memref_slice %arg7[%multiple_of3A_95] : memref<88xi32, #tpu.memory_space<vmem>> -> memref<24xi32, #tpu.memory_space<vmem>>
        %dma_start3A_101 = arith.constant 0 : i32
        %dma_start3A_102 = arith.constant 0 : i32
        %dma_start3A_103 = tpu.memref_slice %arg4[%dma_start3A_101, %dma_start3A_102] : memref<4096x1024xf32, #tpu.memory_space<hbm>> -> memref<4096x1024xf32, #tpu.memory_space<hbm>>
        tpu.enqueue_indirect_dma source(%dma_start3A_103 : memref<4096x1024xf32, #tpu.memory_space<hbm>>) target(%arg11 : memref<24x1024xf32, #tpu.memory_space<vmem>>) offsets(%dma_start3A_100 : memref<24xi32, #tpu.memory_space<vmem>>) semaphore(%arg15 : memref<!tpu.dma_semaphore, #tpu.memory_space<semaphore_mem>>)
      } else {
      }
      %dma_wait3A_63 = arith.constant 0 : i32
      %dma_wait3A_64 = arith.constant 0 : i32
      %dma_wait3A_65 = tpu.memref_slice %arg3[%dma_wait3A_63, %dma_wait3A_64] : memref<4096x1024xf32, #tpu.memory_space<hbm>> -> memref<24x1024xf32, #tpu.memory_space<hbm>>
      %dma_wait3A_66 = arith.constant 0 : i32
      %dma_wait3A_67 = arith.constant 0 : i32
      %dma_wait3A_68 = tpu.memref_slice %arg3[%dma_wait3A_66, %dma_wait3A_67] : memref<4096x1024xf32, #tpu.memory_space<hbm>> -> memref<24x1024xf32, #tpu.memory_space<hbm>>
      tpu.wait_dma2 semaphore(%arg12 : memref<!tpu.dma_semaphore, #tpu.memory_space<semaphore_mem>>) src(%dma_wait3A_68 : memref<24x1024xf32, #tpu.memory_space<hbm>>) dst(%arg8 : memref<24x1024xf32, #tpu.memory_space<vmem>>)
      %mul3A_69 = arith.constant 24 : i32
      %mul3A_70 = arith.muli %mul3A_56, %mul3A_69 : i32
      %add3A_71 = arith.addi %multiple_of3A, %mul3A_70 : i32
      "tpu.region"() ({
        %run_scoped3A = tpu.sem_alloc : memref<!tpu.dma_semaphore, #tpu.memory_space<semaphore_mem>>
        %dma_start3A_93 = arith.constant 0 : i32
        %dma_start3A_94 = tpu.memref_slice %arg5[%add3A_71, %dma_start3A_93] : memref<2816x1024xf32, #tpu.memory_space<hbm>> -> memref<24x1024xf32, #tpu.memory_space<hbm>>
        %dma_start3A_95 = arith.constant 0 : i32
        %dma_start3A_96 = tpu.memref_slice %arg5[%add3A_71, %dma_start3A_95] : memref<2816x1024xf32, #tpu.memory_space<hbm>> -> memref<24x1024xf32, #tpu.memory_space<hbm>>
        tpu.enqueue_dma source(%arg8 : memref<24x1024xf32, #tpu.memory_space<vmem>>) target(%dma_start3A_96 : memref<24x1024xf32, #tpu.memory_space<hbm>>) target_semaphore(%run_scoped3A : memref<!tpu.dma_semaphore, #tpu.memory_space<semaphore_mem>>)
        %dma_wait3A_97 = arith.constant 0 : i32
        %dma_wait3A_98 = tpu.memref_slice %arg5[%add3A_71, %dma_wait3A_97] : memref<2816x1024xf32, #tpu.memory_space<hbm>> -> memref<24x1024xf32, #tpu.memory_space<hbm>>
        %dma_wait3A_99 = arith.constant 0 : i32
        %dma_wait3A_100 = tpu.memref_slice %arg5[%add3A_71, %dma_wait3A_99] : memref<2816x1024xf32, #tpu.memory_space<hbm>> -> memref<24x1024xf32, #tpu.memory_space<hbm>>
        tpu.wait_dma2 semaphore(%run_scoped3A : memref<!tpu.dma_semaphore, #tpu.memory_space<semaphore_mem>>) src(%arg8 : memref<24x1024xf32, #tpu.memory_space<vmem>>) dst(%dma_wait3A_100 : memref<24x1024xf32, #tpu.memory_space<hbm>>)
        tpu.yield
      }) : () -> ()
      %dma_wait3A_72 = arith.constant 0 : i32
      %dma_wait3A_73 = arith.constant 0 : i32
      %dma_wait3A_74 = tpu.memref_slice %arg4[%dma_wait3A_72, %dma_wait3A_73] : memref<4096x1024xf32, #tpu.memory_space<hbm>> -> memref<24x1024xf32, #tpu.memory_space<hbm>>
      %dma_wait3A_75 = arith.constant 0 : i32
      %dma_wait3A_76 = arith.constant 0 : i32
      %dma_wait3A_77 = tpu.memref_slice %arg4[%dma_wait3A_75, %dma_wait3A_76] : memref<4096x1024xf32, #tpu.memory_space<hbm>> -> memref<24x1024xf32, #tpu.memory_space<hbm>>
      tpu.wait_dma2 semaphore(%arg14 : memref<!tpu.dma_semaphore, #tpu.memory_space<semaphore_mem>>) src(%dma_wait3A_77 : memref<24x1024xf32, #tpu.memory_space<hbm>>) dst(%arg10 : memref<24x1024xf32, #tpu.memory_space<vmem>>)
      %mul3A_78 = arith.constant 24 : i32
      %mul3A_79 = arith.muli %mul3A_56, %mul3A_78 : i32
      %add3A_80 = arith.addi %multiple_of3A, %mul3A_79 : i32
      "tpu.region"() ({
        %run_scoped3A = tpu.sem_alloc : memref<!tpu.dma_semaphore, #tpu.memory_space<semaphore_mem>>
        %dma_start3A_93 = arith.constant 0 : i32
        %dma_start3A_94 = tpu.memref_slice %arg6[%add3A_80, %dma_start3A_93] : memref<2816x1024xf32, #tpu.memory_space<hbm>> -> memref<24x1024xf32, #tpu.memory_space<hbm>>
        %dma_start3A_95 = arith.constant 0 : i32
        %dma_start3A_96 = tpu.memref_slice %arg6[%add3A_80, %dma_start3A_95] : memref<2816x1024xf32, #tpu.memory_space<hbm>> -> memref<24x1024xf32, #tpu.memory_space<hbm>>
        tpu.enqueue_dma source(%arg10 : memref<24x1024xf32, #tpu.memory_space<vmem>>) target(%dma_start3A_96 : memref<24x1024xf32, #tpu.memory_space<hbm>>) target_semaphore(%run_scoped3A : memref<!tpu.dma_semaphore, #tpu.memory_space<semaphore_mem>>)
        %dma_wait3A_97 = arith.constant 0 : i32
        %dma_wait3A_98 = tpu.memref_slice %arg6[%add3A_80, %dma_wait3A_97] : memref<2816x1024xf32, #tpu.memory_space<hbm>> -> memref<24x1024xf32, #tpu.memory_space<hbm>>
        %dma_wait3A_99 = arith.constant 0 : i32
        %dma_wait3A_100 = tpu.memref_slice %arg6[%add3A_80, %dma_wait3A_99] : memref<2816x1024xf32, #tpu.memory_space<hbm>> -> memref<24x1024xf32, #tpu.memory_space<hbm>>
        tpu.wait_dma2 semaphore(%run_scoped3A : memref<!tpu.dma_semaphore, #tpu.memory_space<semaphore_mem>>) src(%arg10 : memref<24x1024xf32, #tpu.memory_space<vmem>>) dst(%dma_wait3A_100 : memref<24x1024xf32, #tpu.memory_space<hbm>>)
        tpu.yield
      }) : () -> ()
      %add3A_81 = arith.constant 1 : i32
      %add3A_82 = arith.addi %add3A_60, %add3A_81 : i32
      %lt3A_83 = arith.constant 3 : i32
      %lt3A_84 = arith.cmpi slt, %add3A_82, %lt3A_83 : i32
      %convert_element_type3A_85 = arith.extui %lt3A_84 : i1 to i32
      %cond3A_86 = arith.constant 0 : i32
      %cond3A_87 = arith.cmpi ne, %convert_element_type3A_85, %cond3A_86 : i32
      scf.if %cond3A_87 {
        %add3A_93 = arith.constant 1 : i32
        %add3A_94 = arith.addi %add3A_60, %add3A_93 : i32
        %mul3A_95 = arith.constant 24 : i32
        %mul3A_96 = arith.muli %add3A_94, %mul3A_95 : i32
        %multiple_of3A_97 = tpu.assume_multiple %mul3A_96, 24 : i32
        %dma_start3A_98 = tpu.memref_slice %arg7[%multiple_of3A_97] : memref<88xi32, #tpu.memory_space<vmem>> -> memref<24xi32, #tpu.memory_space<vmem>>
        %dma_start3A_99 = arith.constant 0 : i32
        %dma_start3A_100 = arith.constant 0 : i32
        %dma_start3A_101 = tpu.memref_slice %arg3[%dma_start3A_99, %dma_start3A_100] : memref<4096x1024xf32, #tpu.memory_space<hbm>> -> memref<4096x1024xf32, #tpu.memory_space<hbm>>
        tpu.enqueue_indirect_dma source(%dma_start3A_101 : memref<4096x1024xf32, #tpu.memory_space<hbm>>) target(%arg8 : memref<24x1024xf32, #tpu.memory_space<vmem>>) offsets(%dma_start3A_98 : memref<24xi32, #tpu.memory_space<vmem>>) semaphore(%arg12 : memref<!tpu.dma_semaphore, #tpu.memory_space<semaphore_mem>>)
        %dma_start3A_102 = tpu.memref_slice %arg7[%multiple_of3A_97] : memref<88xi32, #tpu.memory_space<vmem>> -> memref<24xi32, #tpu.memory_space<vmem>>
        %dma_start3A_103 = arith.constant 0 : i32
        %dma_start3A_104 = arith.constant 0 : i32
        %dma_start3A_105 = tpu.memref_slice %arg4[%dma_start3A_103, %dma_start3A_104] : memref<4096x1024xf32, #tpu.memory_space<hbm>> -> memref<4096x1024xf32, #tpu.memory_space<hbm>>
        tpu.enqueue_indirect_dma source(%dma_start3A_105 : memref<4096x1024xf32, #tpu.memory_space<hbm>>) target(%arg10 : memref<24x1024xf32, #tpu.memory_space<vmem>>) offsets(%dma_start3A_102 : memref<24xi32, #tpu.memory_space<vmem>>) semaphore(%arg14 : memref<!tpu.dma_semaphore, #tpu.memory_space<semaphore_mem>>)
      } else {
      }
      %lt3A_88 = arith.constant 3 : i32
      %lt3A_89 = arith.cmpi slt, %add3A_60, %lt3A_88 : i32
      %convert_element_type3A_90 = arith.extui %lt3A_89 : i1 to i32
      %cond3A_91 = arith.constant 0 : i32
      %cond3A_92 = arith.cmpi ne, %convert_element_type3A_90, %cond3A_91 : i32
      scf.if %cond3A_92 {
        %dma_wait3A_93 = arith.constant 0 : i32
        %dma_wait3A_94 = arith.constant 0 : i32
        %dma_wait3A_95 = tpu.memref_slice %arg3[%dma_wait3A_93, %dma_wait3A_94] : memref<4096x1024xf32, #tpu.memory_space<hbm>> -> memref<24x1024xf32, #tpu.memory_space<hbm>>
        %dma_wait3A_96 = arith.constant 0 : i32
        %dma_wait3A_97 = arith.constant 0 : i32
        %dma_wait3A_98 = tpu.memref_slice %arg3[%dma_wait3A_96, %dma_wait3A_97] : memref<4096x1024xf32, #tpu.memory_space<hbm>> -> memref<24x1024xf32, #tpu.memory_space<hbm>>
        tpu.wait_dma2 semaphore(%arg13 : memref<!tpu.dma_semaphore, #tpu.memory_space<semaphore_mem>>) src(%dma_wait3A_98 : memref<24x1024xf32, #tpu.memory_space<hbm>>) dst(%arg9 : memref<24x1024xf32, #tpu.memory_space<vmem>>)
        %mul3A_99 = arith.constant 24 : i32
        %mul3A_100 = arith.muli %add3A_60, %mul3A_99 : i32
        %add3A_101 = arith.addi %multiple_of3A, %mul3A_100 : i32
        "tpu.region"() ({
          %run_scoped3A = tpu.sem_alloc : memref<!tpu.dma_semaphore, #tpu.memory_space<semaphore_mem>>
          %dma_start3A_111 = arith.constant 0 : i32
          %dma_start3A_112 = tpu.memref_slice %arg5[%add3A_101, %dma_start3A_111] : memref<2816x1024xf32, #tpu.memory_space<hbm>> -> memref<24x1024xf32, #tpu.memory_space<hbm>>
          %dma_start3A_113 = arith.constant 0 : i32
          %dma_start3A_114 = tpu.memref_slice %arg5[%add3A_101, %dma_start3A_113] : memref<2816x1024xf32, #tpu.memory_space<hbm>> -> memref<24x1024xf32, #tpu.memory_space<hbm>>
          tpu.enqueue_dma source(%arg9 : memref<24x1024xf32, #tpu.memory_space<vmem>>) target(%dma_start3A_114 : memref<24x1024xf32, #tpu.memory_space<hbm>>) target_semaphore(%run_scoped3A : memref<!tpu.dma_semaphore, #tpu.memory_space<semaphore_mem>>)
          %dma_wait3A_115 = arith.constant 0 : i32
          %dma_wait3A_116 = tpu.memref_slice %arg5[%add3A_101, %dma_wait3A_115] : memref<2816x1024xf32, #tpu.memory_space<hbm>> -> memref<24x1024xf32, #tpu.memory_space<hbm>>
          %dma_wait3A_117 = arith.constant 0 : i32
          %dma_wait3A_118 = tpu.memref_slice %arg5[%add3A_101, %dma_wait3A_117] : memref<2816x1024xf32, #tpu.memory_space<hbm>> -> memref<24x1024xf32, #tpu.memory_space<hbm>>
          tpu.wait_dma2 semaphore(%run_scoped3A : memref<!tpu.dma_semaphore, #tpu.memory_space<semaphore_mem>>) src(%arg9 : memref<24x1024xf32, #tpu.memory_space<vmem>>) dst(%dma_wait3A_118 : memref<24x1024xf32, #tpu.memory_space<hbm>>)
          tpu.yield
        }) : () -> ()
        %dma_wait3A_102 = arith.constant 0 : i32
        %dma_wait3A_103 = arith.constant 0 : i32
        %dma_wait3A_104 = tpu.memref_slice %arg4[%dma_wait3A_102, %dma_wait3A_103] : memref<4096x1024xf32, #tpu.memory_space<hbm>> -> memref<24x1024xf32, #tpu.memory_space<hbm>>
        %dma_wait3A_105 = arith.constant 0 : i32
        %dma_wait3A_106 = arith.constant 0 : i32
        %dma_wait3A_107 = tpu.memref_slice %arg4[%dma_wait3A_105, %dma_wait3A_106] : memref<4096x1024xf32, #tpu.memory_space<hbm>> -> memref<24x1024xf32, #tpu.memory_space<hbm>>
        tpu.wait_dma2 semaphore(%arg15 : memref<!tpu.dma_semaphore, #tpu.memory_space<semaphore_mem>>) src(%dma_wait3A_107 : memref<24x1024xf32, #tpu.memory_space<hbm>>) dst(%arg11 : memref<24x1024xf32, #tpu.memory_space<vmem>>)
        %mul3A_108 = arith.constant 24 : i32
        %mul3A_109 = arith.muli %add3A_60, %mul3A_108 : i32
        %add3A_110 = arith.addi %multiple_of3A, %mul3A_109 : i32
        "tpu.region"() ({
          %run_scoped3A = tpu.sem_alloc : memref<!tpu.dma_semaphore, #tpu.memory_space<semaphore_mem>>
          %dma_start3A_111 = arith.constant 0 : i32
          %dma_start3A_112 = tpu.memref_slice %arg6[%add3A_110, %dma_start3A_111] : memref<2816x1024xf32, #tpu.memory_space<hbm>> -> memref<24x1024xf32, #tpu.memory_space<hbm>>
          %dma_start3A_113 = arith.constant 0 : i32
          %dma_start3A_114 = tpu.memref_slice %arg6[%add3A_110, %dma_start3A_113] : memref<2816x1024xf32, #tpu.memory_space<hbm>> -> memref<24x1024xf32, #tpu.memory_space<hbm>>
          tpu.enqueue_dma source(%arg11 : memref<24x1024xf32, #tpu.memory_space<vmem>>) target(%dma_start3A_114 : memref<24x1024xf32, #tpu.memory_space<hbm>>) target_semaphore(%run_scoped3A : memref<!tpu.dma_semaphore, #tpu.memory_space<semaphore_mem>>)
          %dma_wait3A_115 = arith.constant 0 : i32
          %dma_wait3A_116 = tpu.memref_slice %arg6[%add3A_110, %dma_wait3A_115] : memref<2816x1024xf32, #tpu.memory_space<hbm>> -> memref<24x1024xf32, #tpu.memory_space<hbm>>
          %dma_wait3A_117 = arith.constant 0 : i32
          %dma_wait3A_118 = tpu.memref_slice %arg6[%add3A_110, %dma_wait3A_117] : memref<2816x1024xf32, #tpu.memory_space<hbm>> -> memref<24x1024xf32, #tpu.memory_space<hbm>>
          tpu.wait_dma2 semaphore(%run_scoped3A : memref<!tpu.dma_semaphore, #tpu.memory_space<semaphore_mem>>) src(%arg11 : memref<24x1024xf32, #tpu.memory_space<vmem>>) dst(%dma_wait3A_118 : memref<24x1024xf32, #tpu.memory_space<hbm>>)
          tpu.yield
        }) : () -> ()
      } else {
      }
    }
    %scan3A_18 = arith.constant 2 : i32
    %dma_start3A_19 = arith.constant 0 : i32
    %dma_start3A_20 = arith.constant 0 : i32
    %dma_start3A_21 = tpu.memref_slice %arg8[%dma_start3A_19, %dma_start3A_20] : memref<24x1024xf32, #tpu.memory_space<vmem>> -> memref<16x1024xf32, #tpu.memory_space<vmem>>
    %dma_start3A_22 = arith.constant 72 : i32
    %dma_start3A_23 = tpu.memref_slice %arg7[%dma_start3A_22] : memref<88xi32, #tpu.memory_space<vmem>> -> memref<16xi32, #tpu.memory_space<vmem>>
    %dma_start3A_24 = arith.constant 0 : i32
    %dma_start3A_25 = arith.constant 0 : i32
    %dma_start3A_26 = tpu.memref_slice %arg3[%dma_start3A_24, %dma_start3A_25] : memref<4096x1024xf32, #tpu.memory_space<hbm>> -> memref<4096x1024xf32, #tpu.memory_space<hbm>>
    tpu.enqueue_indirect_dma source(%dma_start3A_26 : memref<4096x1024xf32, #tpu.memory_space<hbm>>) target(%dma_start3A_21 : memref<16x1024xf32, #tpu.memory_space<vmem>>) offsets(%dma_start3A_23 : memref<16xi32, #tpu.memory_space<vmem>>) semaphore(%arg12 : memref<!tpu.dma_semaphore, #tpu.memory_space<semaphore_mem>>)
    %dma_start3A_27 = arith.constant 0 : i32
    %dma_start3A_28 = arith.constant 0 : i32
    %dma_start3A_29 = tpu.memref_slice %arg10[%dma_start3A_27, %dma_start3A_28] : memref<24x1024xf32, #tpu.memory_space<vmem>> -> memref<16x1024xf32, #tpu.memory_space<vmem>>
    %dma_start3A_30 = arith.constant 72 : i32
    %dma_start3A_31 = tpu.memref_slice %arg7[%dma_start3A_30] : memref<88xi32, #tpu.memory_space<vmem>> -> memref<16xi32, #tpu.memory_space<vmem>>
    %dma_start3A_32 = arith.constant 0 : i32
    %dma_start3A_33 = arith.constant 0 : i32
    %dma_start3A_34 = tpu.memref_slice %arg4[%dma_start3A_32, %dma_start3A_33] : memref<4096x1024xf32, #tpu.memory_space<hbm>> -> memref<4096x1024xf32, #tpu.memory_space<hbm>>
    tpu.enqueue_indirect_dma source(%dma_start3A_34 : memref<4096x1024xf32, #tpu.memory_space<hbm>>) target(%dma_start3A_29 : memref<16x1024xf32, #tpu.memory_space<vmem>>) offsets(%dma_start3A_31 : memref<16xi32, #tpu.memory_space<vmem>>) semaphore(%arg14 : memref<!tpu.dma_semaphore, #tpu.memory_space<semaphore_mem>>)
    %dma_wait3A = arith.constant 0 : i32
    %dma_wait3A_35 = arith.constant 0 : i32
    %dma_wait3A_36 = tpu.memref_slice %arg8[%dma_wait3A, %dma_wait3A_35] : memref<24x1024xf32, #tpu.memory_space<vmem>> -> memref<16x1024xf32, #tpu.memory_space<vmem>>
    %dma_wait3A_37 = arith.constant 72 : i32
    %dma_wait3A_38 = tpu.memref_slice %arg7[%dma_wait3A_37] : memref<88xi32, #tpu.memory_space<vmem>> -> memref<16xi32, #tpu.memory_space<vmem>>
    %dma_wait3A_39 = arith.constant 0 : i32
    %dma_wait3A_40 = arith.constant 0 : i32
    %dma_wait3A_41 = tpu.memref_slice %arg3[%dma_wait3A_39, %dma_wait3A_40] : memref<4096x1024xf32, #tpu.memory_space<hbm>> -> memref<4096x1024xf32, #tpu.memory_space<hbm>>
    tpu.wait_indirect_dma semaphore(%arg12 : memref<!tpu.dma_semaphore, #tpu.memory_space<semaphore_mem>>) src(%dma_wait3A_41 : memref<4096x1024xf32, #tpu.memory_space<hbm>>) dst(%dma_wait3A_36 : memref<16x1024xf32, #tpu.memory_space<vmem>>)
    %add3A_42 = arith.constant 72 : i32
    %add3A_43 = arith.addi %multiple_of3A, %add3A_42 : i32
    "tpu.region"() ({
      %run_scoped3A = tpu.sem_alloc : memref<!tpu.dma_semaphore, #tpu.memory_space<semaphore_mem>>
      %dma_start3A_54 = arith.constant 0 : i32
      %dma_start3A_55 = arith.constant 0 : i32
      %dma_start3A_56 = tpu.memref_slice %arg8[%dma_start3A_54, %dma_start3A_55] : memref<24x1024xf32, #tpu.memory_space<vmem>> -> memref<16x1024xf32, #tpu.memory_space<vmem>>
      %dma_start3A_57 = arith.constant 0 : i32
      %dma_start3A_58 = tpu.memref_slice %arg5[%add3A_43, %dma_start3A_57] : memref<2816x1024xf32, #tpu.memory_space<hbm>> -> memref<16x1024xf32, #tpu.memory_space<hbm>>
      %dma_start3A_59 = arith.constant 0 : i32
      %dma_start3A_60 = tpu.memref_slice %arg5[%add3A_43, %dma_start3A_59] : memref<2816x1024xf32, #tpu.memory_space<hbm>> -> memref<16x1024xf32, #tpu.memory_space<hbm>>
      %dma_start3A_61 = arith.constant 0 : i32
      %dma_start3A_62 = arith.constant 0 : i32
      %dma_start3A_63 = tpu.memref_slice %arg8[%dma_start3A_61, %dma_start3A_62] : memref<24x1024xf32, #tpu.memory_space<vmem>> -> memref<16x1024xf32, #tpu.memory_space<vmem>>
      tpu.enqueue_dma source(%dma_start3A_63 : memref<16x1024xf32, #tpu.memory_space<vmem>>) target(%dma_start3A_60 : memref<16x1024xf32, #tpu.memory_space<hbm>>) target_semaphore(%run_scoped3A : memref<!tpu.dma_semaphore, #tpu.memory_space<semaphore_mem>>)
      %dma_wait3A_64 = arith.constant 0 : i32
      %dma_wait3A_65 = arith.constant 0 : i32
      %dma_wait3A_66 = tpu.memref_slice %arg8[%dma_wait3A_64, %dma_wait3A_65] : memref<24x1024xf32, #tpu.memory_space<vmem>> -> memref<16x1024xf32, #tpu.memory_space<vmem>>
      %dma_wait3A_67 = arith.constant 0 : i32
      %dma_wait3A_68 = tpu.memref_slice %arg5[%add3A_43, %dma_wait3A_67] : memref<2816x1024xf32, #tpu.memory_space<hbm>> -> memref<16x1024xf32, #tpu.memory_space<hbm>>
      %dma_wait3A_69 = arith.constant 0 : i32
      %dma_wait3A_70 = tpu.memref_slice %arg5[%add3A_43, %dma_wait3A_69] : memref<2816x1024xf32, #tpu.memory_space<hbm>> -> memref<16x1024xf32, #tpu.memory_space<hbm>>
      %dma_wait3A_71 = arith.constant 0 : i32
      %dma_wait3A_72 = arith.constant 0 : i32
      %dma_wait3A_73 = tpu.memref_slice %arg8[%dma_wait3A_71, %dma_wait3A_72] : memref<24x1024xf32, #tpu.memory_space<vmem>> -> memref<16x1024xf32, #tpu.memory_space<vmem>>
      tpu.wait_dma2 semaphore(%run_scoped3A : memref<!tpu.dma_semaphore, #tpu.memory_space<semaphore_mem>>) src(%dma_wait3A_73 : memref<16x1024xf32, #tpu.memory_space<vmem>>) dst(%dma_wait3A_70 : memref<16x1024xf32, #tpu.memory_space<hbm>>)
      tpu.yield
    }) : () -> ()
    %dma_wait3A_44 = arith.constant 0 : i32
    %dma_wait3A_45 = arith.constant 0 : i32
    %dma_wait3A_46 = tpu.memref_slice %arg10[%dma_wait3A_44, %dma_wait3A_45] : memref<24x1024xf32, #tpu.memory_space<vmem>> -> memref<16x1024xf32, #tpu.memory_space<vmem>>
    %dma_wait3A_47 = arith.constant 72 : i32
    %dma_wait3A_48 = tpu.memref_slice %arg7[%dma_wait3A_47] : memref<88xi32, #tpu.memory_space<vmem>> -> memref<16xi32, #tpu.memory_space<vmem>>
    %dma_wait3A_49 = arith.constant 0 : i32
    %dma_wait3A_50 = arith.constant 0 : i32
    %dma_wait3A_51 = tpu.memref_slice %arg4[%dma_wait3A_49, %dma_wait3A_50] : memref<4096x1024xf32, #tpu.memory_space<hbm>> -> memref<4096x1024xf32, #tpu.memory_space<hbm>>
    tpu.wait_indirect_dma semaphore(%arg14 : memref<!tpu.dma_semaphore, #tpu.memory_space<semaphore_mem>>) src(%dma_wait3A_51 : memref<4096x1024xf32, #tpu.memory_space<hbm>>) dst(%dma_wait3A_46 : memref<16x1024xf32, #tpu.memory_space<vmem>>)
    %add3A_52 = arith.constant 72 : i32
    %add3A_53 = arith.addi %multiple_of3A, %add3A_52 : i32
    "tpu.region"() ({
      %run_scoped3A = tpu.sem_alloc : memref<!tpu.dma_semaphore, #tpu.memory_space<semaphore_mem>>
      %dma_start3A_54 = arith.constant 0 : i32
      %dma_start3A_55 = arith.constant 0 : i32
      %dma_start3A_56 = tpu.memref_slice %arg10[%dma_start3A_54, %dma_start3A_55] : memref<24x1024xf32, #tpu.memory_space<vmem>> -> memref<16x1024xf32, #tpu.memory_space<vmem>>
      %dma_start3A_57 = arith.constant 0 : i32
      %dma_start3A_58 = tpu.memref_slice %arg6[%add3A_53, %dma_start3A_57] : memref<2816x1024xf32, #tpu.memory_space<hbm>> -> memref<16x1024xf32, #tpu.memory_space<hbm>>
      %dma_start3A_59 = arith.constant 0 : i32
      %dma_start3A_60 = tpu.memref_slice %arg6[%add3A_53, %dma_start3A_59] : memref<2816x1024xf32, #tpu.memory_space<hbm>> -> memref<16x1024xf32, #tpu.memory_space<hbm>>
      %dma_start3A_61 = arith.constant 0 : i32
      %dma_start3A_62 = arith.constant 0 : i32
      %dma_start3A_63 = tpu.memref_slice %arg10[%dma_start3A_61, %dma_start3A_62] : memref<24x1024xf32, #tpu.memory_space<vmem>> -> memref<16x1024xf32, #tpu.memory_space<vmem>>
      tpu.enqueue_dma source(%dma_start3A_63 : memref<16x1024xf32, #tpu.memory_space<vmem>>) target(%dma_start3A_60 : memref<16x1024xf32, #tpu.memory_space<hbm>>) target_semaphore(%run_scoped3A : memref<!tpu.dma_semaphore, #tpu.memory_space<semaphore_mem>>)
      %dma_wait3A_64 = arith.constant 0 : i32
      %dma_wait3A_65 = arith.constant 0 : i32
      %dma_wait3A_66 = tpu.memref_slice %arg10[%dma_wait3A_64, %dma_wait3A_65] : memref<24x1024xf32, #tpu.memory_space<vmem>> -> memref<16x1024xf32, #tpu.memory_space<vmem>>
      %dma_wait3A_67 = arith.constant 0 : i32
      %dma_wait3A_68 = tpu.memref_slice %arg6[%add3A_53, %dma_wait3A_67] : memref<2816x1024xf32, #tpu.memory_space<hbm>> -> memref<16x1024xf32, #tpu.memory_space<hbm>>
      %dma_wait3A_69 = arith.constant 0 : i32
      %dma_wait3A_70 = tpu.memref_slice %arg6[%add3A_53, %dma_wait3A_69] : memref<2816x1024xf32, #tpu.memory_space<hbm>> -> memref<16x1024xf32, #tpu.memory_space<hbm>>
      %dma_wait3A_71 = arith.constant 0 : i32
      %dma_wait3A_72 = arith.constant 0 : i32
      %dma_wait3A_73 = tpu.memref_slice %arg10[%dma_wait3A_71, %dma_wait3A_72] : memref<24x1024xf32, #tpu.memory_space<vmem>> -> memref<16x1024xf32, #tpu.memory_space<vmem>>
      tpu.wait_dma2 semaphore(%run_scoped3A : memref<!tpu.dma_semaphore, #tpu.memory_space<semaphore_mem>>) src(%dma_wait3A_73 : memref<16x1024xf32, #tpu.memory_space<vmem>>) dst(%dma_wait3A_70 : memref<16x1024xf32, #tpu.memory_space<hbm>>)
      tpu.yield
    }) : () -> ()
    return
  }
}

#map = affine_map<(d0, d1) -> (0)>
#map1 = affine_map<(d0, d1) -> (0, 0)>
module attributes {stable_mosaic.version = 14 : i64} {
  func.func @_pair_body(%arg0: i32, %arg1: i32, %arg2: memref<4096xi32, #tpu.memory_space<hbm>>, %arg3: memref<4096xi32, #tpu.memory_space<hbm>>, %arg4: memref<10496x1024xf32, #tpu.memory_space<hbm>>, %arg5: memref<4096x1024xf32, #tpu.memory_space<hbm>>, %arg6: memref<4096x1024xf32, #tpu.memory_space<hbm>>, %arg7: memref<128xi32, #tpu.memory_space<vmem>>, %arg8: memref<128xi32, #tpu.memory_space<vmem>>, %arg9: memref<32x1024xf32, #tpu.memory_space<vmem>>, %arg10: memref<!tpu.dma_semaphore, #tpu.memory_space<semaphore_mem>>) attributes {dimension_semantics = [#tpu.dimension_semantics<core_parallel>, #tpu.dimension_semantics<subcore_parallel>], iteration_bounds = array<i64: 2, 16>, scalar_prefetch = 0 : i64, scratch_operands = 4 : i64, tpu.core_type = #tpu.core_type<sc_vector_subcore>, window_params = [{transform_indices = #map}, {transform_indices = #map}, {transform_indices = #map1}, {transform_indices = #map1}, {transform_indices = #map1}]} {
    %mul3A = arith.constant 2 : i32
    %mul3A_0 = arith.muli %arg1, %mul3A : i32
    %add3A = arith.addi %mul3A_0, %arg0 : i32
    %mul3A_1 = arith.constant 128 : i32
    %mul3A_2 = arith.muli %add3A, %mul3A_1 : i32
    %multiple_of3A = tpu.assume_multiple %mul3A_2, 8 : i32
    "tpu.region"() ({
      %run_scoped3A = tpu.sem_alloc : memref<!tpu.dma_semaphore, #tpu.memory_space<semaphore_mem>>
      %dma_start3A = tpu.memref_slice %arg2[%multiple_of3A] : memref<4096xi32, #tpu.memory_space<hbm>> -> memref<128xi32, #tpu.memory_space<hbm>>
      %dma_start3A_8 = tpu.memref_slice %arg2[%multiple_of3A] : memref<4096xi32, #tpu.memory_space<hbm>> -> memref<128xi32, #tpu.memory_space<hbm>>
      tpu.enqueue_dma source(%dma_start3A_8 : memref<128xi32, #tpu.memory_space<hbm>>) target(%arg7 : memref<128xi32, #tpu.memory_space<vmem>>) target_semaphore(%run_scoped3A : memref<!tpu.dma_semaphore, #tpu.memory_space<semaphore_mem>>)
      %dma_wait3A = tpu.memref_slice %arg2[%multiple_of3A] : memref<4096xi32, #tpu.memory_space<hbm>> -> memref<128xi32, #tpu.memory_space<hbm>>
      %dma_wait3A_9 = tpu.memref_slice %arg2[%multiple_of3A] : memref<4096xi32, #tpu.memory_space<hbm>> -> memref<128xi32, #tpu.memory_space<hbm>>
      tpu.wait_dma2 semaphore(%run_scoped3A : memref<!tpu.dma_semaphore, #tpu.memory_space<semaphore_mem>>) src(%dma_wait3A_9 : memref<128xi32, #tpu.memory_space<hbm>>) dst(%arg7 : memref<128xi32, #tpu.memory_space<vmem>>)
      tpu.yield
    }) : () -> ()
    "tpu.region"() ({
      %run_scoped3A = tpu.sem_alloc : memref<!tpu.dma_semaphore, #tpu.memory_space<semaphore_mem>>
      %dma_start3A = tpu.memref_slice %arg3[%multiple_of3A] : memref<4096xi32, #tpu.memory_space<hbm>> -> memref<128xi32, #tpu.memory_space<hbm>>
      %dma_start3A_8 = tpu.memref_slice %arg3[%multiple_of3A] : memref<4096xi32, #tpu.memory_space<hbm>> -> memref<128xi32, #tpu.memory_space<hbm>>
      tpu.enqueue_dma source(%dma_start3A_8 : memref<128xi32, #tpu.memory_space<hbm>>) target(%arg8 : memref<128xi32, #tpu.memory_space<vmem>>) target_semaphore(%run_scoped3A : memref<!tpu.dma_semaphore, #tpu.memory_space<semaphore_mem>>)
      %dma_wait3A = tpu.memref_slice %arg3[%multiple_of3A] : memref<4096xi32, #tpu.memory_space<hbm>> -> memref<128xi32, #tpu.memory_space<hbm>>
      %dma_wait3A_9 = tpu.memref_slice %arg3[%multiple_of3A] : memref<4096xi32, #tpu.memory_space<hbm>> -> memref<128xi32, #tpu.memory_space<hbm>>
      tpu.wait_dma2 semaphore(%run_scoped3A : memref<!tpu.dma_semaphore, #tpu.memory_space<semaphore_mem>>) src(%dma_wait3A_9 : memref<128xi32, #tpu.memory_space<hbm>>) dst(%arg8 : memref<128xi32, #tpu.memory_space<vmem>>)
      tpu.yield
    }) : () -> ()
    %scan3A = arith.constant 0 : i32
    %scan3A_3 = arith.constant 0 : i32
    %scan3A_4 = arith.constant 4 : i32
    %scan3A_5 = arith.addi %scan3A_3, %scan3A_4 : i32
    %scan3A_6 = arith.constant 1 : i32
    scf.for %scan3A_8 = %scan3A_3 to %scan3A_5 step %scan3A_6  : i32 {
      %mul3A_9 = arith.constant 32 : i32
      %mul3A_10 = arith.muli %scan3A_8, %mul3A_9 : i32
      %multiple_of3A_11 = tpu.assume_multiple %mul3A_10, 32 : i32
      %dma_start3A = tpu.memref_slice %arg7[%multiple_of3A_11] : memref<128xi32, #tpu.memory_space<vmem>> -> memref<32xi32, #tpu.memory_space<vmem>>
      %dma_start3A_12 = arith.constant 0 : i32
      %dma_start3A_13 = arith.constant 0 : i32
      %dma_start3A_14 = tpu.memref_slice %arg4[%dma_start3A_12, %dma_start3A_13] : memref<10496x1024xf32, #tpu.memory_space<hbm>> -> memref<10496x1024xf32, #tpu.memory_space<hbm>>
      tpu.enqueue_indirect_dma source(%dma_start3A_14 : memref<10496x1024xf32, #tpu.memory_space<hbm>>) target(%arg9 : memref<32x1024xf32, #tpu.memory_space<vmem>>) offsets(%dma_start3A : memref<32xi32, #tpu.memory_space<vmem>>) semaphore(%arg10 : memref<!tpu.dma_semaphore, #tpu.memory_space<semaphore_mem>>)
      %dma_wait3A = tpu.memref_slice %arg7[%multiple_of3A_11] : memref<128xi32, #tpu.memory_space<vmem>> -> memref<32xi32, #tpu.memory_space<vmem>>
      %dma_wait3A_15 = arith.constant 0 : i32
      %dma_wait3A_16 = arith.constant 0 : i32
      %dma_wait3A_17 = tpu.memref_slice %arg4[%dma_wait3A_15, %dma_wait3A_16] : memref<10496x1024xf32, #tpu.memory_space<hbm>> -> memref<10496x1024xf32, #tpu.memory_space<hbm>>
      tpu.wait_indirect_dma semaphore(%arg10 : memref<!tpu.dma_semaphore, #tpu.memory_space<semaphore_mem>>) src(%dma_wait3A_17 : memref<10496x1024xf32, #tpu.memory_space<hbm>>) dst(%arg9 : memref<32x1024xf32, #tpu.memory_space<vmem>>)
      %add3A_18 = arith.addi %multiple_of3A, %multiple_of3A_11 : i32
      "tpu.region"() ({
        %run_scoped3A = tpu.sem_alloc : memref<!tpu.dma_semaphore, #tpu.memory_space<semaphore_mem>>
        %dma_start3A_28 = arith.constant 0 : i32
        %dma_start3A_29 = tpu.memref_slice %arg5[%add3A_18, %dma_start3A_28] : memref<4096x1024xf32, #tpu.memory_space<hbm>> -> memref<32x1024xf32, #tpu.memory_space<hbm>>
        %dma_start3A_30 = arith.constant 0 : i32
        %dma_start3A_31 = tpu.memref_slice %arg5[%add3A_18, %dma_start3A_30] : memref<4096x1024xf32, #tpu.memory_space<hbm>> -> memref<32x1024xf32, #tpu.memory_space<hbm>>
        tpu.enqueue_dma source(%arg9 : memref<32x1024xf32, #tpu.memory_space<vmem>>) target(%dma_start3A_31 : memref<32x1024xf32, #tpu.memory_space<hbm>>) target_semaphore(%run_scoped3A : memref<!tpu.dma_semaphore, #tpu.memory_space<semaphore_mem>>)
        %dma_wait3A_32 = arith.constant 0 : i32
        %dma_wait3A_33 = tpu.memref_slice %arg5[%add3A_18, %dma_wait3A_32] : memref<4096x1024xf32, #tpu.memory_space<hbm>> -> memref<32x1024xf32, #tpu.memory_space<hbm>>
        %dma_wait3A_34 = arith.constant 0 : i32
        %dma_wait3A_35 = tpu.memref_slice %arg5[%add3A_18, %dma_wait3A_34] : memref<4096x1024xf32, #tpu.memory_space<hbm>> -> memref<32x1024xf32, #tpu.memory_space<hbm>>
        tpu.wait_dma2 semaphore(%run_scoped3A : memref<!tpu.dma_semaphore, #tpu.memory_space<semaphore_mem>>) src(%arg9 : memref<32x1024xf32, #tpu.memory_space<vmem>>) dst(%dma_wait3A_35 : memref<32x1024xf32, #tpu.memory_space<hbm>>)
        tpu.yield
      }) : () -> ()
      %dma_start3A_19 = tpu.memref_slice %arg8[%multiple_of3A_11] : memref<128xi32, #tpu.memory_space<vmem>> -> memref<32xi32, #tpu.memory_space<vmem>>
      %dma_start3A_20 = arith.constant 0 : i32
      %dma_start3A_21 = arith.constant 0 : i32
      %dma_start3A_22 = tpu.memref_slice %arg4[%dma_start3A_20, %dma_start3A_21] : memref<10496x1024xf32, #tpu.memory_space<hbm>> -> memref<10496x1024xf32, #tpu.memory_space<hbm>>
      tpu.enqueue_indirect_dma source(%dma_start3A_22 : memref<10496x1024xf32, #tpu.memory_space<hbm>>) target(%arg9 : memref<32x1024xf32, #tpu.memory_space<vmem>>) offsets(%dma_start3A_19 : memref<32xi32, #tpu.memory_space<vmem>>) semaphore(%arg10 : memref<!tpu.dma_semaphore, #tpu.memory_space<semaphore_mem>>)
      %dma_wait3A_23 = tpu.memref_slice %arg8[%multiple_of3A_11] : memref<128xi32, #tpu.memory_space<vmem>> -> memref<32xi32, #tpu.memory_space<vmem>>
      %dma_wait3A_24 = arith.constant 0 : i32
      %dma_wait3A_25 = arith.constant 0 : i32
      %dma_wait3A_26 = tpu.memref_slice %arg4[%dma_wait3A_24, %dma_wait3A_25] : memref<10496x1024xf32, #tpu.memory_space<hbm>> -> memref<10496x1024xf32, #tpu.memory_space<hbm>>
      tpu.wait_indirect_dma semaphore(%arg10 : memref<!tpu.dma_semaphore, #tpu.memory_space<semaphore_mem>>) src(%dma_wait3A_26 : memref<10496x1024xf32, #tpu.memory_space<hbm>>) dst(%arg9 : memref<32x1024xf32, #tpu.memory_space<vmem>>)
      %add3A_27 = arith.addi %multiple_of3A, %multiple_of3A_11 : i32
      "tpu.region"() ({
        %run_scoped3A = tpu.sem_alloc : memref<!tpu.dma_semaphore, #tpu.memory_space<semaphore_mem>>
        %dma_start3A_28 = arith.constant 0 : i32
        %dma_start3A_29 = tpu.memref_slice %arg6[%add3A_27, %dma_start3A_28] : memref<4096x1024xf32, #tpu.memory_space<hbm>> -> memref<32x1024xf32, #tpu.memory_space<hbm>>
        %dma_start3A_30 = arith.constant 0 : i32
        %dma_start3A_31 = tpu.memref_slice %arg6[%add3A_27, %dma_start3A_30] : memref<4096x1024xf32, #tpu.memory_space<hbm>> -> memref<32x1024xf32, #tpu.memory_space<hbm>>
        tpu.enqueue_dma source(%arg9 : memref<32x1024xf32, #tpu.memory_space<vmem>>) target(%dma_start3A_31 : memref<32x1024xf32, #tpu.memory_space<hbm>>) target_semaphore(%run_scoped3A : memref<!tpu.dma_semaphore, #tpu.memory_space<semaphore_mem>>)
        %dma_wait3A_32 = arith.constant 0 : i32
        %dma_wait3A_33 = tpu.memref_slice %arg6[%add3A_27, %dma_wait3A_32] : memref<4096x1024xf32, #tpu.memory_space<hbm>> -> memref<32x1024xf32, #tpu.memory_space<hbm>>
        %dma_wait3A_34 = arith.constant 0 : i32
        %dma_wait3A_35 = tpu.memref_slice %arg6[%add3A_27, %dma_wait3A_34] : memref<4096x1024xf32, #tpu.memory_space<hbm>> -> memref<32x1024xf32, #tpu.memory_space<hbm>>
        tpu.wait_dma2 semaphore(%run_scoped3A : memref<!tpu.dma_semaphore, #tpu.memory_space<semaphore_mem>>) src(%arg9 : memref<32x1024xf32, #tpu.memory_space<vmem>>) dst(%dma_wait3A_35 : memref<32x1024xf32, #tpu.memory_space<hbm>>)
        tpu.yield
      }) : () -> ()
    }
    %scan3A_7 = arith.constant 4 : i32
    return
  }
}

module attributes {stable_mosaic.version = 14 : i64} {
  func.func @_router_body(%arg0: i32, %arg1: memref<1024x1024xf32, #tpu.memory_space<vmem>>, %arg2: memref<1024x8xf32, #tpu.memory_space<vmem>>, %arg3: memref<1x1024x1xi32, #tpu.memory_space<vmem>>, %arg4: memref<1x1024x1xi32, #tpu.memory_space<vmem>>, %arg5: memref<1x1024x1xf32, #tpu.memory_space<vmem>>, %arg6: memref<1x1024x1xf32, #tpu.memory_space<vmem>>, %arg7: memref<1x8xf32, #tpu.memory_space<vmem>>) attributes {dimension_semantics = [#tpu.dimension_semantics<arbitrary>], iteration_bounds = array<i64: 4>, scalar_prefetch = 0 : i64, scratch_operands = 1 : i64, tpu.core_type = #tpu.core_type<tc>, window_params = [{transform_indices = @transform_0, window_bounds = array<i64: 1024, 1024>}, {pipeline_mode = #tpu.pipeline_mode<synchronous>, transform_indices = @transform_1, window_bounds = array<i64: 1024, 8>}, {transform_indices = @transform_2, window_bounds = array<i64: 1, 1024, 1>}, {transform_indices = @transform_3, window_bounds = array<i64: 1, 1024, 1>}, {transform_indices = @transform_4, window_bounds = array<i64: 1, 1024, 1>}, {transform_indices = @transform_5, window_bounds = array<i64: 1, 1024, 1>}]} {
    %eq3A = arith.constant 0 : i32
    %eq3A_0 = arith.cmpi eq, %arg0, %eq3A : i32
    %convert_element_type3A = arith.extui %eq3A_0 : i1 to i32
    %cond3A = arith.constant 0 : i32
    %cond3A_1 = arith.cmpi ne, %convert_element_type3A, %cond3A : i32
    scf.if %cond3A_1 {
      %broadcast_in_dim3A_169 = arith.constant 0.000000e+00 : f32
      %broadcast_in_dim3A_170 = vector.broadcast %broadcast_in_dim3A_169 : f32 to vector<1x8xf32>
      %swap3A_171 = arith.constant 0 : index
      %swap3A_172 = arith.constant 0 : index
      %swap3A_173 = vector.load %arg7[%swap3A_171, %swap3A_172] : memref<1x8xf32, #tpu.memory_space<vmem>>, vector<1x8xf32>
      tpu.vector_store %arg7[%swap3A_171, %swap3A_172], %broadcast_in_dim3A_170 {strides = array<i32>} : memref<1x8xf32, #tpu.memory_space<vmem>>, vector<1x8xf32>,
    } else {
    }
    %get3A = arith.constant 0 : index
    %get3A_2 = arith.constant 0 : index
    %get3A_3 = vector.load %arg1[%get3A, %get3A_2] : memref<1024x1024xf32, #tpu.memory_space<vmem>>, vector<1024x1024xf32>
    %convert_element_type3A_4 = arith.truncf %get3A_3 : vector<1024x1024xf32> to vector<1024x1024xbf16>
    %get3A_5 = arith.constant 0 : index
    %get3A_6 = arith.constant 0 : index
    %get3A_7 = vector.load %arg2[%get3A_5, %get3A_6] : memref<1024x8xf32, #tpu.memory_space<vmem>>, vector<1024x8xf32>
    %convert_element_type3A_8 = arith.truncf %get3A_7 : vector<1024x8xf32> to vector<1024x8xbf16>
    %dot_general3A = arith.constant dense<0.000000e+00> : vector<1024x8xf32>
    %dot_general3A_9 = tpu.matmul %convert_element_type3A_4, %convert_element_type3A_8, %dot_general3A {dimension_numbers = #tpu.dot_dimension_numbers<[1], [0], [0], [1], [0, 0, 1, 1], [], []>, transpose_lhs_hint = false} : vector<1024x1024xbf16>, vector<1024x8xbf16>, vector<1024x8xf32> -> vector<1024x8xf32>
    %iota3A = tpu.iota {dimensions = array<i32: 1>} : vector<1024x8xi32>
    %reduce_max3A = arith.constant dense<0xFF800000> : vector<1024xf32>
    %reduce_max3A_10 = vector.multi_reduction <maximumf>, %dot_general3A_9, %reduce_max3A [1] : vector<1024x8xf32> to vector<1024xf32>
    %broadcast_in_dim3A = vector.shape_cast %reduce_max3A_10 : vector<1024xf32> to vector<1024x1xf32>
    %ge3A = vector.broadcast %broadcast_in_dim3A : vector<1024x1xf32> to vector<1024x8xf32>
    %ge3A_11 = arith.cmpf oge, %dot_general3A_9, %ge3A : vector<1024x8xf32>
    %jit3A = arith.constant 8 : i32
    %broadcast_in_dim3A_12 = vector.broadcast %jit3A : i32 to vector<1024x8xi32>
    %select_n3A = arith.select %ge3A_11, %iota3A, %broadcast_in_dim3A_12 : vector<1024x8xi1>, vector<1024x8xi32>
    %reduce_min3A = arith.constant dense<2147483647> : vector<1024xi32>
    %reduce_min3A_13 = vector.multi_reduction <minsi>, %select_n3A, %reduce_min3A [1] : vector<1024x8xi32> to vector<1024xi32>
    %broadcast_in_dim3A_14 = vector.shape_cast %reduce_min3A_13 : vector<1024xi32> to vector<1024x1xi32>
    %eq3A_15 = vector.broadcast %broadcast_in_dim3A_14 : vector<1024x1xi32> to vector<1024x8xi32>
    %eq3A_16 = arith.cmpi eq, %iota3A, %eq3A_15 : vector<1024x8xi32>
    %jit3A_17 = arith.constant -1.000000e+30 : f32
    %broadcast_in_dim3A_18 = vector.broadcast %jit3A_17 : f32 to vector<1024x8xf32>
    %select_n3A_19 = arith.select %eq3A_16, %broadcast_in_dim3A_18, %dot_general3A_9 : vector<1024x8xi1>, vector<1024x8xf32>
    %reduce_max3A_20 = arith.constant dense<0xFF800000> : vector<1024xf32>
    %reduce_max3A_21 = vector.multi_reduction <maximumf>, %select_n3A_19, %reduce_max3A_20 [1] : vector<1024x8xf32> to vector<1024xf32>
    %broadcast_in_dim3A_22 = vector.shape_cast %reduce_max3A_21 : vector<1024xf32> to vector<1024x1xf32>
    %ge3A_23 = vector.broadcast %broadcast_in_dim3A_22 : vector<1024x1xf32> to vector<1024x8xf32>
    %ge3A_24 = arith.cmpf oge, %select_n3A_19, %ge3A_23 : vector<1024x8xf32>
    %jit3A_25 = arith.constant 8 : i32
    %broadcast_in_dim3A_26 = vector.broadcast %jit3A_25 : i32 to vector<1024x8xi32>
    %select_n3A_27 = arith.select %ge3A_24, %iota3A, %broadcast_in_dim3A_26 : vector<1024x8xi1>, vector<1024x8xi32>
    %reduce_min3A_28 = arith.constant dense<2147483647> : vector<1024xi32>
    %reduce_min3A_29 = vector.multi_reduction <minsi>, %select_n3A_27, %reduce_min3A_28 [1] : vector<1024x8xi32> to vector<1024xi32>
    %broadcast_in_dim3A_30 = vector.shape_cast %reduce_min3A_29 : vector<1024xi32> to vector<1024x1xi32>
    %sub3A = arith.subf %broadcast_in_dim3A_22, %broadcast_in_dim3A : vector<1024x1xf32>
    %exp3A = math.exp %sub3A : vector<1024x1xf32>
    %add3A = arith.constant 1.000000e+00 : f32
    %add3A_31 = vector.broadcast %add3A : f32 to vector<1024x1xf32>
    %add3A_32 = arith.addf %add3A_31, %exp3A : vector<1024x1xf32>
    %div3A = arith.constant 1.000000e+00 : f32
    %div3A_33 = vector.broadcast %div3A : f32 to vector<1024x1xf32>
    %div3A_34 = arith.divf %div3A_33, %add3A_32 : vector<1024x1xf32>
    %sub3A_35 = arith.constant 1.000000e+00 : f32
    %sub3A_36 = vector.broadcast %sub3A_35 : f32 to vector<1024x1xf32>
    %sub3A_37 = arith.subf %sub3A_36, %div3A_34 : vector<1024x1xf32>
    %eq3A_38 = vector.broadcast %broadcast_in_dim3A_14 : vector<1024x1xi32> to vector<1024x8xi32>
    %eq3A_39 = arith.cmpi eq, %iota3A, %eq3A_38 : vector<1024x8xi32>
    %convert_element_type3A_40 = arith.extui %eq3A_39 : vector<1024x8xi1> to vector<1024x8xi32>
    %convert_element_type3A_41 = arith.sitofp %convert_element_type3A_40 : vector<1024x8xi32> to vector<1024x8xf32>
    %eq3A_42 = vector.broadcast %broadcast_in_dim3A_30 : vector<1024x1xi32> to vector<1024x8xi32>
    %eq3A_43 = arith.cmpi eq, %iota3A, %eq3A_42 : vector<1024x8xi32>
    %convert_element_type3A_44 = arith.extui %eq3A_43 : vector<1024x8xi1> to vector<1024x8xi32>
    %convert_element_type3A_45 = arith.sitofp %convert_element_type3A_44 : vector<1024x8xi32> to vector<1024x8xf32>
    %add3A_46 = arith.addf %convert_element_type3A_41, %convert_element_type3A_45 : vector<1024x8xf32>
    %broadcast_in_dim3A_47 = arith.constant 0.000000e+00 : f32
    %broadcast_in_dim3A_48 = vector.broadcast %broadcast_in_dim3A_47 : f32 to vector<1x8xf32>
    %slice3A = vector.extract_strided_slice %add3A_46 {offsets = [0, 0], sizes = [1023, 8], strides = [1, 1]} : vector<1024x8xf32> to vector<1023x8xf32>
    %concatenate3A = tpu.concatenate %broadcast_in_dim3A_48, %slice3A in 0 : vector<1x8xf32>, vector<1023x8xf32> -> vector<1024x8xf32>
    %add3A_49 = arith.addf %add3A_46, %concatenate3A : vector<1024x8xf32>
    %broadcast_in_dim3A_50 = arith.constant 0.000000e+00 : f32
    %broadcast_in_dim3A_51 = vector.broadcast %broadcast_in_dim3A_50 : f32 to vector<2x8xf32>
    %slice3A_52 = vector.extract_strided_slice %add3A_49 {offsets = [0, 0], sizes = [1022, 8], strides = [1, 1]} : vector<1024x8xf32> to vector<1022x8xf32>
    %concatenate3A_53 = tpu.concatenate %broadcast_in_dim3A_51, %slice3A_52 in 0 : vector<2x8xf32>, vector<1022x8xf32> -> vector<1024x8xf32>
    %add3A_54 = arith.addf %add3A_49, %concatenate3A_53 : vector<1024x8xf32>
    %broadcast_in_dim3A_55 = arith.constant 0.000000e+00 : f32
    %broadcast_in_dim3A_56 = vector.broadcast %broadcast_in_dim3A_55 : f32 to vector<4x8xf32>
    %slice3A_57 = vector.extract_strided_slice %add3A_54 {offsets = [0, 0], sizes = [1020, 8], strides = [1, 1]} : vector<1024x8xf32> to vector<1020x8xf32>
    %concatenate3A_58 = tpu.concatenate %broadcast_in_dim3A_56, %slice3A_57 in 0 : vector<4x8xf32>, vector<1020x8xf32> -> vector<1024x8xf32>
    %add3A_59 = arith.addf %add3A_54, %concatenate3A_58 : vector<1024x8xf32>
    %broadcast_in_dim3A_60 = arith.constant 0.000000e+00 : f32
    %broadcast_in_dim3A_61 = vector.broadcast %broadcast_in_dim3A_60 : f32 to vector<8x8xf32>
    %slice3A_62 = vector.extract_strided_slice %add3A_59 {offsets = [0, 0], sizes = [1016, 8], strides = [1, 1]} : vector<1024x8xf32> to vector<1016x8xf32>
    %concatenate3A_63 = tpu.concatenate %broadcast_in_dim3A_61, %slice3A_62 in 0 : vector<8x8xf32>, vector<1016x8xf32> -> vector<1024x8xf32>
    %add3A_64 = arith.addf %add3A_59, %concatenate3A_63 : vector<1024x8xf32>
    %broadcast_in_dim3A_65 = arith.constant 0.000000e+00 : f32
    %broadcast_in_dim3A_66 = vector.broadcast %broadcast_in_dim3A_65 : f32 to vector<16x8xf32>
    %slice3A_67 = vector.extract_strided_slice %add3A_64 {offsets = [0, 0], sizes = [1008, 8], strides = [1, 1]} : vector<1024x8xf32> to vector<1008x8xf32>
    %concatenate3A_68 = tpu.concatenate %broadcast_in_dim3A_66, %slice3A_67 in 0 : vector<16x8xf32>, vector<1008x8xf32> -> vector<1024x8xf32>
    %add3A_69 = arith.addf %add3A_64, %concatenate3A_68 : vector<1024x8xf32>
    %broadcast_in_dim3A_70 = arith.constant 0.000000e+00 : f32
    %broadcast_in_dim3A_71 = vector.broadcast %broadcast_in_dim3A_70 : f32 to vector<32x8xf32>
    %slice3A_72 = vector.extract_strided_slice %add3A_69 {offsets = [0, 0], sizes = [992, 8], strides = [1, 1]} : vector<1024x8xf32> to vector<992x8xf32>
    %concatenate3A_73 = tpu.concatenate %broadcast_in_dim3A_71, %slice3A_72 in 0 : vector<32x8xf32>, vector<992x8xf32> -> vector<1024x8xf32>
    %add3A_74 = arith.addf %add3A_69, %concatenate3A_73 : vector<1024x8xf32>
    %broadcast_in_dim3A_75 = arith.constant 0.000000e+00 : f32
    %broadcast_in_dim3A_76 = vector.broadcast %broadcast_in_dim3A_75 : f32 to vector<64x8xf32>
    %slice3A_77 = vector.extract_strided_slice %add3A_74 {offsets = [0, 0], sizes = [960, 8], strides = [1, 1]} : vector<1024x8xf32> to vector<960x8xf32>
    %concatenate3A_78 = tpu.concatenate %broadcast_in_dim3A_76, %slice3A_77 in 0 : vector<64x8xf32>, vector<960x8xf32> -> vector<1024x8xf32>
    %add3A_79 = arith.addf %add3A_74, %concatenate3A_78 : vector<1024x8xf32>
    %broadcast_in_dim3A_80 = arith.constant 0.000000e+00 : f32
    %broadcast_in_dim3A_81 = vector.broadcast %broadcast_in_dim3A_80 : f32 to vector<128x8xf32>
    %slice3A_82 = vector.extract_strided_slice %add3A_79 {offsets = [0, 0], sizes = [896, 8], strides = [1, 1]} : vector<1024x8xf32> to vector<896x8xf32>
    %concatenate3A_83 = tpu.concatenate %broadcast_in_dim3A_81, %slice3A_82 in 0 : vector<128x8xf32>, vector<896x8xf32> -> vector<1024x8xf32>
    %add3A_84 = arith.addf %add3A_79, %concatenate3A_83 : vector<1024x8xf32>
    %broadcast_in_dim3A_85 = arith.constant 0.000000e+00 : f32
    %broadcast_in_dim3A_86 = vector.broadcast %broadcast_in_dim3A_85 : f32 to vector<256x8xf32>
    %slice3A_87 = vector.extract_strided_slice %add3A_84 {offsets = [0, 0], sizes = [768, 8], strides = [1, 1]} : vector<1024x8xf32> to vector<768x8xf32>
    %concatenate3A_88 = tpu.concatenate %broadcast_in_dim3A_86, %slice3A_87 in 0 : vector<256x8xf32>, vector<768x8xf32> -> vector<1024x8xf32>
    %add3A_89 = arith.addf %add3A_84, %concatenate3A_88 : vector<1024x8xf32>
    %broadcast_in_dim3A_90 = arith.constant 0.000000e+00 : f32
    %broadcast_in_dim3A_91 = vector.broadcast %broadcast_in_dim3A_90 : f32 to vector<512x8xf32>
    %slice3A_92 = vector.extract_strided_slice %add3A_89 {offsets = [0, 0], sizes = [512, 8], strides = [1, 1]} : vector<1024x8xf32> to vector<512x8xf32>
    %concatenate3A_93 = tpu.concatenate %broadcast_in_dim3A_91, %slice3A_92 in 0 : vector<512x8xf32>, vector<512x8xf32> -> vector<1024x8xf32>
    %add3A_94 = arith.addf %add3A_89, %concatenate3A_93 : vector<1024x8xf32>
    %sub3A_95 = arith.subf %add3A_94, %add3A_46 : vector<1024x8xf32>
    %get3A_96 = arith.constant 0 : index
    %get3A_97 = arith.constant 0 : index
    %get3A_98 = vector.load %arg7[%get3A_96, %get3A_97] : memref<1x8xf32, #tpu.memory_space<vmem>>, vector<1x8xf32>
    %add3A_99 = vector.broadcast %get3A_98 : vector<1x8xf32> to vector<1024x8xf32>
    %add3A_100 = arith.addf %sub3A_95, %add3A_99 : vector<1024x8xf32>
    %mul3A = arith.mulf %add3A_100, %convert_element_type3A_41 : vector<1024x8xf32>
    %reduce_sum3A = arith.constant dense<0.000000e+00> : vector<1024xf32>
    %reduce_sum3A_101 = vector.multi_reduction <add>, %mul3A, %reduce_sum3A [1] : vector<1024x8xf32> to vector<1024xf32>
    %broadcast_in_dim3A_102 = vector.shape_cast %reduce_sum3A_101 : vector<1024xf32> to vector<1024x1xf32>
    %mul3A_103 = arith.mulf %add3A_100, %convert_element_type3A_45 : vector<1024x8xf32>
    %reduce_sum3A_104 = arith.constant dense<0.000000e+00> : vector<1024xf32>
    %reduce_sum3A_105 = vector.multi_reduction <add>, %mul3A_103, %reduce_sum3A_104 [1] : vector<1024x8xf32> to vector<1024xf32>
    %broadcast_in_dim3A_106 = vector.shape_cast %reduce_sum3A_105 : vector<1024xf32> to vector<1024x1xf32>
    %get3A_107 = arith.constant 0 : index
    %get3A_108 = arith.constant 0 : index
    %get3A_109 = vector.load %arg7[%get3A_107, %get3A_108] : memref<1x8xf32, #tpu.memory_space<vmem>>, vector<1x8xf32>
    %reduce_sum3A_110 = arith.constant dense<0.000000e+00> : vector<8xf32>
    %reduce_sum3A_111 = vector.multi_reduction <add>, %add3A_46, %reduce_sum3A_110 [0] : vector<1024x8xf32> to vector<8xf32>
    %broadcast_in_dim3A_112 = vector.shape_cast %reduce_sum3A_111 : vector<8xf32> to vector<1x8xf32>
    %add3A_113 = arith.addf %get3A_109, %broadcast_in_dim3A_112 : vector<1x8xf32>
    %swap3A = arith.constant 0 : index
    %swap3A_114 = arith.constant 0 : index
    %swap3A_115 = vector.load %arg7[%swap3A, %swap3A_114] : memref<1x8xf32, #tpu.memory_space<vmem>>, vector<1x8xf32>
    tpu.vector_store %arg7[%swap3A, %swap3A_114], %add3A_113 {strides = array<i32>} : memref<1x8xf32, #tpu.memory_space<vmem>>, vector<1x8xf32>,
    %convert_element_type3A_116 = arith.sitofp %broadcast_in_dim3A_14 : vector<1024x1xi32> to vector<1024x1xf32>
    %mul3A_117 = arith.constant 1.280000e+03 : f32
    %mul3A_118 = vector.broadcast %mul3A_117 : f32 to vector<1024x1xf32>
    %mul3A_119 = arith.mulf %convert_element_type3A_116, %mul3A_118 : vector<1024x1xf32>
    %add3A_120 = arith.addf %mul3A_119, %broadcast_in_dim3A_102 : vector<1024x1xf32>
    %convert_element_type3A_121 = arith.sitofp %broadcast_in_dim3A_30 : vector<1024x1xi32> to vector<1024x1xf32>
    %mul3A_122 = arith.constant 1.280000e+03 : f32
    %mul3A_123 = vector.broadcast %mul3A_122 : f32 to vector<1024x1xf32>
    %mul3A_124 = arith.mulf %convert_element_type3A_121, %mul3A_123 : vector<1024x1xf32>
    %add3A_125 = arith.addf %mul3A_124, %broadcast_in_dim3A_106 : vector<1024x1xf32>
    %lt3A = arith.constant 1.280000e+03 : f32
    %lt3A_126 = vector.broadcast %lt3A : f32 to vector<1024x1xf32>
    %lt3A_127 = arith.cmpf olt, %broadcast_in_dim3A_102, %lt3A_126 : vector<1024x1xf32>
    %lt3A_128 = arith.constant 1.280000e+03 : f32
    %lt3A_129 = vector.broadcast %lt3A_128 : f32 to vector<1024x1xf32>
    %lt3A_130 = arith.cmpf olt, %broadcast_in_dim3A_106, %lt3A_129 : vector<1024x1xf32>
    %jit3A_131 = arith.constant 1.024000e+04 : f32
    %broadcast_in_dim3A_132 = vector.broadcast %jit3A_131 : f32 to vector<1024x1xf32>
    %select_n3A_133 = arith.select %lt3A_127, %add3A_120, %broadcast_in_dim3A_132 : vector<1024x1xi1>, vector<1024x1xf32>
    %convert_element_type3A_134 = arith.fptosi %select_n3A_133 : vector<1024x1xf32> to vector<1024x1xi32>
    %swap3A_135 = arith.constant 0 : index
    %swap3A_136 = arith.constant 0 : index
    %swap3A_137 = arith.constant 0 : index
    %swap3A_138 = vector.load %arg3[%swap3A_135, %swap3A_136, %swap3A_137] : memref<1x1024x1xi32, #tpu.memory_space<vmem>>, vector<1x1024x1xi32>
    %swap3A_139 = vector.shape_cast %swap3A_138 : vector<1x1024x1xi32> to vector<1024x1xi32>
    %swap3A_140 = vector.shape_cast %convert_element_type3A_134 : vector<1024x1xi32> to vector<1x1024x1xi32>
    tpu.vector_store %arg3[%swap3A_135, %swap3A_136, %swap3A_137], %swap3A_140 {strides = array<i32>} : memref<1x1024x1xi32, #tpu.memory_space<vmem>>, vector<1x1024x1xi32>,
    %jit3A_141 = arith.constant 1.024000e+04 : f32
    %broadcast_in_dim3A_142 = vector.broadcast %jit3A_141 : f32 to vector<1024x1xf32>
    %select_n3A_143 = arith.select %lt3A_130, %add3A_125, %broadcast_in_dim3A_142 : vector<1024x1xi1>, vector<1024x1xf32>
    %convert_element_type3A_144 = arith.fptosi %select_n3A_143 : vector<1024x1xf32> to vector<1024x1xi32>
    %swap3A_145 = arith.constant 0 : index
    %swap3A_146 = arith.constant 0 : index
    %swap3A_147 = arith.constant 0 : index
    %swap3A_148 = vector.load %arg4[%swap3A_145, %swap3A_146, %swap3A_147] : memref<1x1024x1xi32, #tpu.memory_space<vmem>>, vector<1x1024x1xi32>
    %swap3A_149 = vector.shape_cast %swap3A_148 : vector<1x1024x1xi32> to vector<1024x1xi32>
    %swap3A_150 = vector.shape_cast %convert_element_type3A_144 : vector<1024x1xi32> to vector<1x1024x1xi32>
    tpu.vector_store %arg4[%swap3A_145, %swap3A_146, %swap3A_147], %swap3A_150 {strides = array<i32>} : memref<1x1024x1xi32, #tpu.memory_space<vmem>>, vector<1x1024x1xi32>,
    %jit3A_151 = arith.constant 0.000000e+00 : f32
    %broadcast_in_dim3A_152 = vector.broadcast %jit3A_151 : f32 to vector<1024x1xf32>
    %select_n3A_153 = arith.select %lt3A_127, %div3A_34, %broadcast_in_dim3A_152 : vector<1024x1xi1>, vector<1024x1xf32>
    %swap3A_154 = arith.constant 0 : index
    %swap3A_155 = arith.constant 0 : index
    %swap3A_156 = arith.constant 0 : index
    %swap3A_157 = vector.load %arg5[%swap3A_154, %swap3A_155, %swap3A_156] : memref<1x1024x1xf32, #tpu.memory_space<vmem>>, vector<1x1024x1xf32>
    %swap3A_158 = vector.shape_cast %swap3A_157 : vector<1x1024x1xf32> to vector<1024x1xf32>
    %swap3A_159 = vector.shape_cast %select_n3A_153 : vector<1024x1xf32> to vector<1x1024x1xf32>
    tpu.vector_store %arg5[%swap3A_154, %swap3A_155, %swap3A_156], %swap3A_159 {strides = array<i32>} : memref<1x1024x1xf32, #tpu.memory_space<vmem>>, vector<1x1024x1xf32>,
    %jit3A_160 = arith.constant 0.000000e+00 : f32
    %broadcast_in_dim3A_161 = vector.broadcast %jit3A_160 : f32 to vector<1024x1xf32>
    %select_n3A_162 = arith.select %lt3A_130, %sub3A_37, %broadcast_in_dim3A_161 : vector<1024x1xi1>, vector<1024x1xf32>
    %swap3A_163 = arith.constant 0 : index
    %swap3A_164 = arith.constant 0 : index
    %swap3A_165 = arith.constant 0 : index
    %swap3A_166 = vector.load %arg6[%swap3A_163, %swap3A_164, %swap3A_165] : memref<1x1024x1xf32, #tpu.memory_space<vmem>>, vector<1x1024x1xf32>
    %swap3A_167 = vector.shape_cast %swap3A_166 : vector<1x1024x1xf32> to vector<1024x1xf32>
    %swap3A_168 = vector.shape_cast %select_n3A_162 : vector<1024x1xf32> to vector<1x1024x1xf32>
    tpu.vector_store %arg6[%swap3A_163, %swap3A_164, %swap3A_165], %swap3A_168 {strides = array<i32>} : memref<1x1024x1xf32, #tpu.memory_space<vmem>>, vector<1x1024x1xf32>,
    return
  }
  func.func @transform_0(%arg0: i32) -> (i32, i32) {
    %c0_i32 = arith.constant 0 : i32
    %c0_i32_0 = arith.constant 0 : i32
    return %arg0, %c0_i32 : i32, i32
  }
  func.func @transform_1(%arg0: i32) -> (i32, i32) {
    %c0_i32 = arith.constant 0 : i32
    %c0_i32_0 = arith.constant 0 : i32
    %c0_i32_1 = arith.constant 0 : i32
    return %c0_i32, %c0_i32_0 : i32, i32
  }
  func.func @transform_2(%arg0: i32) -> (i32, i32, i32) {
    %c0_i32 = arith.constant 0 : i32
    %c0_i32_0 = arith.constant 0 : i32
    %c0_i32_1 = arith.constant 0 : i32
    return %arg0, %c0_i32, %c0_i32_0 : i32, i32, i32
  }
  func.func @transform_3(%arg0: i32) -> (i32, i32, i32) {
    %c0_i32 = arith.constant 0 : i32
    %c0_i32_0 = arith.constant 0 : i32
    %c0_i32_1 = arith.constant 0 : i32
    return %arg0, %c0_i32, %c0_i32_0 : i32, i32, i32
  }
  func.func @transform_4(%arg0: i32) -> (i32, i32, i32) {
    %c0_i32 = arith.constant 0 : i32
    %c0_i32_0 = arith.constant 0 : i32
    %c0_i32_1 = arith.constant 0 : i32
    return %arg0, %c0_i32, %c0_i32_0 : i32, i32, i32
  }
  func.func @transform_5(%arg0: i32) -> (i32, i32, i32) {
    %c0_i32 = arith.constant 0 : i32
    %c0_i32_0 = arith.constant 0 : i32
    %c0_i32_1 = arith.constant 0 : i32
    return %arg0, %c0_i32, %c0_i32_0 : i32, i32, i32
  }
}

module attributes {stable_mosaic.version = 14 : i64} {
  func.func @_ffn_body(%arg0: i32, %arg1: memref<256x1024xf32, #tpu.memory_space<vmem>>, %arg2: memref<256x1024xf32, #tpu.memory_space<vmem>>, %arg3: memref<1x1024x2048xf32, #tpu.memory_space<vmem>>, %arg4: memref<1x1024x2048xf32, #tpu.memory_space<vmem>>, %arg5: memref<1x1x2048xf32, #tpu.memory_space<vmem>>, %arg6: memref<1x2048x1024xf32, #tpu.memory_space<vmem>>, %arg7: memref<1x1x1024xf32, #tpu.memory_space<vmem>>, %arg8: memref<1x256x1xf32, #tpu.memory_space<vmem>>, %arg9: memref<256x1024xf32, #tpu.memory_space<vmem>>) attributes {dimension_semantics = [#tpu.dimension_semantics<arbitrary>], iteration_bounds = array<i64: 10>, scalar_prefetch = 0 : i64, scratch_operands = 0 : i64, tpu.core_type = #tpu.core_type<tc>, window_params = [{transform_indices = @transform_0, window_bounds = array<i64: 256, 1024>}, {transform_indices = @transform_1, window_bounds = array<i64: 256, 1024>}, {transform_indices = @transform_2, window_bounds = array<i64: 1, 1024, 2048>}, {transform_indices = @transform_3, window_bounds = array<i64: 1, 1024, 2048>}, {transform_indices = @transform_4, window_bounds = array<i64: 1, 1, 2048>}, {transform_indices = @transform_5, window_bounds = array<i64: 1, 2048, 1024>}, {transform_indices = @transform_6, window_bounds = array<i64: 1, 1, 1024>}, {transform_indices = @transform_7, window_bounds = array<i64: 1, 256, 1>}, {transform_indices = @transform_8, window_bounds = array<i64: 256, 1024>}]} {
    %get3A = arith.constant 0 : index
    %get3A_0 = arith.constant 0 : index
    %get3A_1 = vector.load %arg1[%get3A, %get3A_0] : memref<256x1024xf32, #tpu.memory_space<vmem>>, vector<256x1024xf32>
    %get3A_2 = arith.constant 0 : index
    %get3A_3 = arith.constant 0 : index
    %get3A_4 = vector.load %arg2[%get3A_2, %get3A_3] : memref<256x1024xf32, #tpu.memory_space<vmem>>, vector<256x1024xf32>
    %get3A_5 = arith.constant 0 : index
    %get3A_6 = arith.constant 0 : index
    %get3A_7 = arith.constant 0 : index
    %get3A_8 = vector.load %arg3[%get3A_5, %get3A_6, %get3A_7] : memref<1x1024x2048xf32, #tpu.memory_space<vmem>>, vector<1x1024x2048xf32>
    %get3A_9 = vector.shape_cast %get3A_8 : vector<1x1024x2048xf32> to vector<1024x2048xf32>
    %dot_general3A = arith.constant dense<0.000000e+00> : vector<256x2048xf32>
    %dot_general3A_10 = tpu.matmul %get3A_1, %get3A_9, %dot_general3A {dimension_numbers = #tpu.dot_dimension_numbers<[1], [0], [0], [1], [0, 0, 1, 1], [], []>, transpose_lhs_hint = false} : vector<256x1024xf32>, vector<1024x2048xf32>, vector<256x2048xf32> -> vector<256x2048xf32>
    %get3A_11 = arith.constant 0 : index
    %get3A_12 = arith.constant 0 : index
    %get3A_13 = arith.constant 0 : index
    %get3A_14 = vector.load %arg4[%get3A_11, %get3A_12, %get3A_13] : memref<1x1024x2048xf32, #tpu.memory_space<vmem>>, vector<1x1024x2048xf32>
    %get3A_15 = vector.shape_cast %get3A_14 : vector<1x1024x2048xf32> to vector<1024x2048xf32>
    %dot_general3A_16 = arith.constant dense<0.000000e+00> : vector<256x2048xf32>
    %dot_general3A_17 = tpu.matmul %get3A_4, %get3A_15, %dot_general3A_16 {dimension_numbers = #tpu.dot_dimension_numbers<[1], [0], [0], [1], [0, 0, 1, 1], [], []>, transpose_lhs_hint = false} : vector<256x1024xf32>, vector<1024x2048xf32>, vector<256x2048xf32> -> vector<256x2048xf32>
    %add3A = arith.addf %dot_general3A_10, %dot_general3A_17 : vector<256x2048xf32>
    %get3A_18 = arith.constant 0 : index
    %get3A_19 = arith.constant 0 : index
    %get3A_20 = arith.constant 0 : index
    %get3A_21 = vector.load %arg5[%get3A_18, %get3A_19, %get3A_20] : memref<1x1x2048xf32, #tpu.memory_space<vmem>>, vector<1x1x2048xf32>
    %get3A_22 = vector.shape_cast %get3A_21 : vector<1x1x2048xf32> to vector<1x2048xf32>
    %add3A_23 = vector.broadcast %get3A_22 : vector<1x2048xf32> to vector<256x2048xf32>
    %add3A_24 = arith.addf %add3A, %add3A_23 : vector<256x2048xf32>
    %integer_pow3A = arith.mulf %add3A_24, %add3A_24 : vector<256x2048xf32>
    %integer_pow3A_25 = arith.mulf %add3A_24, %integer_pow3A : vector<256x2048xf32>
    %mul3A = arith.constant 4.471500e-02 : f32
    %mul3A_26 = vector.broadcast %mul3A : f32 to vector<256x2048xf32>
    %mul3A_27 = arith.mulf %mul3A_26, %integer_pow3A_25 : vector<256x2048xf32>
    %add3A_28 = arith.addf %add3A_24, %mul3A_27 : vector<256x2048xf32>
    %mul3A_29 = arith.constant 0.797884583 : f32
    %mul3A_30 = vector.broadcast %mul3A_29 : f32 to vector<256x2048xf32>
    %mul3A_31 = arith.mulf %mul3A_30, %add3A_28 : vector<256x2048xf32>
    %tanh3A = math.tanh %mul3A_31 : vector<256x2048xf32>
    %add3A_32 = arith.constant 1.000000e+00 : f32
    %add3A_33 = vector.broadcast %add3A_32 : f32 to vector<256x2048xf32>
    %add3A_34 = arith.addf %add3A_33, %tanh3A : vector<256x2048xf32>
    %mul3A_35 = arith.constant 5.000000e-01 : f32
    %mul3A_36 = vector.broadcast %mul3A_35 : f32 to vector<256x2048xf32>
    %mul3A_37 = arith.mulf %mul3A_36, %add3A_34 : vector<256x2048xf32>
    %mul3A_38 = arith.mulf %add3A_24, %mul3A_37 : vector<256x2048xf32>
    %get3A_39 = arith.constant 0 : index
    %get3A_40 = arith.constant 0 : index
    %get3A_41 = arith.constant 0 : index
    %get3A_42 = vector.load %arg6[%get3A_39, %get3A_40, %get3A_41] : memref<1x2048x1024xf32, #tpu.memory_space<vmem>>, vector<1x2048x1024xf32>
    %get3A_43 = vector.shape_cast %get3A_42 : vector<1x2048x1024xf32> to vector<2048x1024xf32>
    %dot_general3A_44 = arith.constant dense<0.000000e+00> : vector<256x1024xf32>
    %dot_general3A_45 = tpu.matmul %mul3A_38, %get3A_43, %dot_general3A_44 {dimension_numbers = #tpu.dot_dimension_numbers<[1], [0], [0], [1], [0, 0, 1, 1], [], []>, transpose_lhs_hint = false} : vector<256x2048xf32>, vector<2048x1024xf32>, vector<256x1024xf32> -> vector<256x1024xf32>
    %get3A_46 = arith.constant 0 : index
    %get3A_47 = arith.constant 0 : index
    %get3A_48 = arith.constant 0 : index
    %get3A_49 = vector.load %arg7[%get3A_46, %get3A_47, %get3A_48] : memref<1x1x1024xf32, #tpu.memory_space<vmem>>, vector<1x1x1024xf32>
    %get3A_50 = vector.shape_cast %get3A_49 : vector<1x1x1024xf32> to vector<1x1024xf32>
    %add3A_51 = vector.broadcast %get3A_50 : vector<1x1024xf32> to vector<256x1024xf32>
    %add3A_52 = arith.addf %dot_general3A_45, %add3A_51 : vector<256x1024xf32>
    %get3A_53 = arith.constant 0 : index
    %get3A_54 = arith.constant 0 : index
    %get3A_55 = arith.constant 0 : index
    %get3A_56 = vector.load %arg8[%get3A_53, %get3A_54, %get3A_55] : memref<1x256x1xf32, #tpu.memory_space<vmem>>, vector<1x256x1xf32>
    %get3A_57 = vector.shape_cast %get3A_56 : vector<1x256x1xf32> to vector<256x1xf32>
    %mul3A_58 = vector.broadcast %get3A_57 : vector<256x1xf32> to vector<256x1024xf32>
    %mul3A_59 = arith.mulf %add3A_52, %mul3A_58 : vector<256x1024xf32>
    %swap3A = arith.constant 0 : index
    %swap3A_60 = arith.constant 0 : index
    %swap3A_61 = vector.load %arg9[%swap3A, %swap3A_60] : memref<256x1024xf32, #tpu.memory_space<vmem>>, vector<256x1024xf32>
    tpu.vector_store %arg9[%swap3A, %swap3A_60], %mul3A_59 {strides = array<i32>} : memref<256x1024xf32, #tpu.memory_space<vmem>>, vector<256x1024xf32>,
    return
  }
  func.func @transform_0(%arg0: i32) -> (i32, i32) {
    %c0_i32 = arith.constant 0 : i32
    %c0_i32_0 = arith.constant 0 : i32
    return %arg0, %c0_i32 : i32, i32
  }
  func.func @transform_1(%arg0: i32) -> (i32, i32) {
    %c0_i32 = arith.constant 0 : i32
    %c0_i32_0 = arith.constant 0 : i32
    return %arg0, %c0_i32 : i32, i32
  }
  func.func @transform_2(%arg0: i32) -> (i32, i32, i32) {
    %add3A = arith.constant 0 : i32
    %add3A_0 = arith.addi %arg0, %add3A : i32
    %jit3A = arith.constant 5 : i32
    %div3A = arith.divsi %add3A_0, %jit3A : i32
    %sign3A = arith.constant 0 : i32
    %sign3A_1 = arith.cmpi sgt, %add3A_0, %sign3A : i32
    %sign3A_2 = arith.extui %sign3A_1 : i1 to i32
    %sign3A_3 = arith.constant 0 : i32
    %sign3A_4 = arith.cmpi slt, %add3A_0, %sign3A_3 : i32
    %sign3A_5 = arith.extui %sign3A_4 : i1 to i32
    %sign3A_6 = arith.subi %sign3A_2, %sign3A_5 : i32
    %sign3A_7 = arith.constant 0 : i32
    %sign3A_8 = arith.cmpi sgt, %jit3A, %sign3A_7 : i32
    %sign3A_9 = arith.extui %sign3A_8 : i1 to i32
    %sign3A_10 = arith.constant 0 : i32
    %sign3A_11 = arith.cmpi slt, %jit3A, %sign3A_10 : i32
    %sign3A_12 = arith.extui %sign3A_11 : i1 to i32
    %sign3A_13 = arith.subi %sign3A_9, %sign3A_12 : i32
    %ne3A = arith.cmpi ne, %sign3A_6, %sign3A_13 : i32
    %rem3A = arith.remsi %add3A_0, %jit3A : i32
    %ne3A_14 = arith.constant 0 : i32
    %ne3A_15 = arith.cmpi ne, %rem3A, %ne3A_14 : i32
    %and3A = arith.andi %ne3A, %ne3A_15 : i1
    %sub3A = arith.constant 1 : i32
    %sub3A_16 = arith.subi %div3A, %sub3A : i32
    %select_n3A = arith.select %and3A, %sub3A_16, %div3A : i32
    %min3A = arith.constant 7 : i32
    %min3A_17 = arith.minsi %select_n3A, %min3A : i32
    %c0_i32 = arith.constant 0 : i32
    %c0_i32_18 = arith.constant 0 : i32
    %c0_i32_19 = arith.constant 0 : i32
    return %min3A_17, %c0_i32, %c0_i32_18 : i32, i32, i32
  }
  func.func @transform_3(%arg0: i32) -> (i32, i32, i32) {
    %add3A = arith.constant 0 : i32
    %add3A_0 = arith.addi %arg0, %add3A : i32
    %jit3A = arith.constant 5 : i32
    %div3A = arith.divsi %add3A_0, %jit3A : i32
    %sign3A = arith.constant 0 : i32
    %sign3A_1 = arith.cmpi sgt, %add3A_0, %sign3A : i32
    %sign3A_2 = arith.extui %sign3A_1 : i1 to i32
    %sign3A_3 = arith.constant 0 : i32
    %sign3A_4 = arith.cmpi slt, %add3A_0, %sign3A_3 : i32
    %sign3A_5 = arith.extui %sign3A_4 : i1 to i32
    %sign3A_6 = arith.subi %sign3A_2, %sign3A_5 : i32
    %sign3A_7 = arith.constant 0 : i32
    %sign3A_8 = arith.cmpi sgt, %jit3A, %sign3A_7 : i32
    %sign3A_9 = arith.extui %sign3A_8 : i1 to i32
    %sign3A_10 = arith.constant 0 : i32
    %sign3A_11 = arith.cmpi slt, %jit3A, %sign3A_10 : i32
    %sign3A_12 = arith.extui %sign3A_11 : i1 to i32
    %sign3A_13 = arith.subi %sign3A_9, %sign3A_12 : i32
    %ne3A = arith.cmpi ne, %sign3A_6, %sign3A_13 : i32
    %rem3A = arith.remsi %add3A_0, %jit3A : i32
    %ne3A_14 = arith.constant 0 : i32
    %ne3A_15 = arith.cmpi ne, %rem3A, %ne3A_14 : i32
    %and3A = arith.andi %ne3A, %ne3A_15 : i1
    %sub3A = arith.constant 1 : i32
    %sub3A_16 = arith.subi %div3A, %sub3A : i32
    %select_n3A = arith.select %and3A, %sub3A_16, %div3A : i32
    %min3A = arith.constant 7 : i32
    %min3A_17 = arith.minsi %select_n3A, %min3A : i32
    %c0_i32 = arith.constant 0 : i32
    %c0_i32_18 = arith.constant 0 : i32
    %c0_i32_19 = arith.constant 0 : i32
    return %min3A_17, %c0_i32, %c0_i32_18 : i32, i32, i32
  }
  func.func @transform_4(%arg0: i32) -> (i32, i32, i32) {
    %add3A = arith.constant 0 : i32
    %add3A_0 = arith.addi %arg0, %add3A : i32
    %jit3A = arith.constant 5 : i32
    %div3A = arith.divsi %add3A_0, %jit3A : i32
    %sign3A = arith.constant 0 : i32
    %sign3A_1 = arith.cmpi sgt, %add3A_0, %sign3A : i32
    %sign3A_2 = arith.extui %sign3A_1 : i1 to i32
    %sign3A_3 = arith.constant 0 : i32
    %sign3A_4 = arith.cmpi slt, %add3A_0, %sign3A_3 : i32
    %sign3A_5 = arith.extui %sign3A_4 : i1 to i32
    %sign3A_6 = arith.subi %sign3A_2, %sign3A_5 : i32
    %sign3A_7 = arith.constant 0 : i32
    %sign3A_8 = arith.cmpi sgt, %jit3A, %sign3A_7 : i32
    %sign3A_9 = arith.extui %sign3A_8 : i1 to i32
    %sign3A_10 = arith.constant 0 : i32
    %sign3A_11 = arith.cmpi slt, %jit3A, %sign3A_10 : i32
    %sign3A_12 = arith.extui %sign3A_11 : i1 to i32
    %sign3A_13 = arith.subi %sign3A_9, %sign3A_12 : i32
    %ne3A = arith.cmpi ne, %sign3A_6, %sign3A_13 : i32
    %rem3A = arith.remsi %add3A_0, %jit3A : i32
    %ne3A_14 = arith.constant 0 : i32
    %ne3A_15 = arith.cmpi ne, %rem3A, %ne3A_14 : i32
    %and3A = arith.andi %ne3A, %ne3A_15 : i1
    %sub3A = arith.constant 1 : i32
    %sub3A_16 = arith.subi %div3A, %sub3A : i32
    %select_n3A = arith.select %and3A, %sub3A_16, %div3A : i32
    %min3A = arith.constant 7 : i32
    %min3A_17 = arith.minsi %select_n3A, %min3A : i32
    %c0_i32 = arith.constant 0 : i32
    %c0_i32_18 = arith.constant 0 : i32
    %c0_i32_19 = arith.constant 0 : i32
    return %min3A_17, %c0_i32, %c0_i32_18 : i32, i32, i32
  }
  func.func @transform_5(%arg0: i32) -> (i32, i32, i32) {
    %add3A = arith.constant 0 : i32
    %add3A_0 = arith.addi %arg0, %add3A : i32
    %jit3A = arith.constant 5 : i32
    %div3A = arith.divsi %add3A_0, %jit3A : i32
    %sign3A = arith.constant 0 : i32
    %sign3A_1 = arith.cmpi sgt, %add3A_0, %sign3A : i32
    %sign3A_2 = arith.extui %sign3A_1 : i1 to i32
    %sign3A_3 = arith.constant 0 : i32
    %sign3A_4 = arith.cmpi slt, %add3A_0, %sign3A_3 : i32
    %sign3A_5 = arith.extui %sign3A_4 : i1 to i32
    %sign3A_6 = arith.subi %sign3A_2, %sign3A_5 : i32
    %sign3A_7 = arith.constant 0 : i32
    %sign3A_8 = arith.cmpi sgt, %jit3A, %sign3A_7 : i32
    %sign3A_9 = arith.extui %sign3A_8 : i1 to i32
    %sign3A_10 = arith.constant 0 : i32
    %sign3A_11 = arith.cmpi slt, %jit3A, %sign3A_10 : i32
    %sign3A_12 = arith.extui %sign3A_11 : i1 to i32
    %sign3A_13 = arith.subi %sign3A_9, %sign3A_12 : i32
    %ne3A = arith.cmpi ne, %sign3A_6, %sign3A_13 : i32
    %rem3A = arith.remsi %add3A_0, %jit3A : i32
    %ne3A_14 = arith.constant 0 : i32
    %ne3A_15 = arith.cmpi ne, %rem3A, %ne3A_14 : i32
    %and3A = arith.andi %ne3A, %ne3A_15 : i1
    %sub3A = arith.constant 1 : i32
    %sub3A_16 = arith.subi %div3A, %sub3A : i32
    %select_n3A = arith.select %and3A, %sub3A_16, %div3A : i32
    %min3A = arith.constant 7 : i32
    %min3A_17 = arith.minsi %select_n3A, %min3A : i32
    %c0_i32 = arith.constant 0 : i32
    %c0_i32_18 = arith.constant 0 : i32
    %c0_i32_19 = arith.constant 0 : i32
    return %min3A_17, %c0_i32, %c0_i32_18 : i32, i32, i32
  }
  func.func @transform_6(%arg0: i32) -> (i32, i32, i32) {
    %add3A = arith.constant 0 : i32
    %add3A_0 = arith.addi %arg0, %add3A : i32
    %jit3A = arith.constant 5 : i32
    %div3A = arith.divsi %add3A_0, %jit3A : i32
    %sign3A = arith.constant 0 : i32
    %sign3A_1 = arith.cmpi sgt, %add3A_0, %sign3A : i32
    %sign3A_2 = arith.extui %sign3A_1 : i1 to i32
    %sign3A_3 = arith.constant 0 : i32
    %sign3A_4 = arith.cmpi slt, %add3A_0, %sign3A_3 : i32
    %sign3A_5 = arith.extui %sign3A_4 : i1 to i32
    %sign3A_6 = arith.subi %sign3A_2, %sign3A_5 : i32
    %sign3A_7 = arith.constant 0 : i32
    %sign3A_8 = arith.cmpi sgt, %jit3A, %sign3A_7 : i32
    %sign3A_9 = arith.extui %sign3A_8 : i1 to i32
    %sign3A_10 = arith.constant 0 : i32
    %sign3A_11 = arith.cmpi slt, %jit3A, %sign3A_10 : i32
    %sign3A_12 = arith.extui %sign3A_11 : i1 to i32
    %sign3A_13 = arith.subi %sign3A_9, %sign3A_12 : i32
    %ne3A = arith.cmpi ne, %sign3A_6, %sign3A_13 : i32
    %rem3A = arith.remsi %add3A_0, %jit3A : i32
    %ne3A_14 = arith.constant 0 : i32
    %ne3A_15 = arith.cmpi ne, %rem3A, %ne3A_14 : i32
    %and3A = arith.andi %ne3A, %ne3A_15 : i1
    %sub3A = arith.constant 1 : i32
    %sub3A_16 = arith.subi %div3A, %sub3A : i32
    %select_n3A = arith.select %and3A, %sub3A_16, %div3A : i32
    %min3A = arith.constant 7 : i32
    %min3A_17 = arith.minsi %select_n3A, %min3A : i32
    %c0_i32 = arith.constant 0 : i32
    %c0_i32_18 = arith.constant 0 : i32
    %c0_i32_19 = arith.constant 0 : i32
    return %min3A_17, %c0_i32, %c0_i32_18 : i32, i32, i32
  }
  func.func @transform_7(%arg0: i32) -> (i32, i32, i32) {
    %add3A = arith.constant 0 : i32
    %add3A_0 = arith.addi %arg0, %add3A : i32
    %c0_i32 = arith.constant 0 : i32
    %c0_i32_1 = arith.constant 0 : i32
    %c0_i32_2 = arith.constant 0 : i32
    return %add3A_0, %c0_i32, %c0_i32_1 : i32, i32, i32
  }
  func.func @transform_8(%arg0: i32) -> (i32, i32) {
    %add3A = arith.constant 0 : i32
    %add3A_0 = arith.addi %arg0, %add3A : i32
    %c0_i32 = arith.constant 0 : i32
    %c0_i32_1 = arith.constant 0 : i32
    return %add3A_0, %c0_i32 : i32, i32
  }
}

module attributes {stable_mosaic.version = 14 : i64} {
  func.func @_ffn_body(%arg0: i32, %arg1: memref<10496x1024xf32, #tpu.memory_space<any>>, %arg2: memref<256x1024xf32, #tpu.memory_space<vmem>>, %arg3: memref<256x1024xf32, #tpu.memory_space<vmem>>, %arg4: memref<1x1024x2048xf32, #tpu.memory_space<vmem>>, %arg5: memref<1x1024x2048xf32, #tpu.memory_space<vmem>>, %arg6: memref<1x1x2048xf32, #tpu.memory_space<vmem>>, %arg7: memref<1x2048x1024xf32, #tpu.memory_space<vmem>>, %arg8: memref<1x1x1024xf32, #tpu.memory_space<vmem>>, %arg9: memref<1x256x1xf32, #tpu.memory_space<vmem>>, %arg10: memref<256x1024xf32, #tpu.memory_space<vmem>>) attributes {dimension_semantics = [#tpu.dimension_semantics<arbitrary>], iteration_bounds = array<i64: 10>, scalar_prefetch = 0 : i64, scratch_operands = 0 : i64, tpu.core_type = #tpu.core_type<tc>, window_params = [{}, {transform_indices = @transform_1, window_bounds = array<i64: 256, 1024>}, {transform_indices = @transform_2, window_bounds = array<i64: 256, 1024>}, {transform_indices = @transform_3, window_bounds = array<i64: 1, 1024, 2048>}, {transform_indices = @transform_4, window_bounds = array<i64: 1, 1024, 2048>}, {transform_indices = @transform_5, window_bounds = array<i64: 1, 1, 2048>}, {transform_indices = @transform_6, window_bounds = array<i64: 1, 2048, 1024>}, {transform_indices = @transform_7, window_bounds = array<i64: 1, 1, 1024>}, {transform_indices = @transform_8, window_bounds = array<i64: 1, 256, 1>}, {transform_indices = @transform_9, window_bounds = array<i64: 256, 1024>}]} {
    %get3A = arith.constant 0 : index
    %get3A_0 = arith.constant 0 : index
    %get3A_1 = vector.load %arg2[%get3A, %get3A_0] : memref<256x1024xf32, #tpu.memory_space<vmem>>, vector<256x1024xf32>
    %get3A_2 = arith.constant 0 : index
    %get3A_3 = arith.constant 0 : index
    %get3A_4 = vector.load %arg3[%get3A_2, %get3A_3] : memref<256x1024xf32, #tpu.memory_space<vmem>>, vector<256x1024xf32>
    %get3A_5 = arith.constant 0 : index
    %get3A_6 = arith.constant 0 : index
    %get3A_7 = arith.constant 0 : index
    %get3A_8 = vector.load %arg4[%get3A_5, %get3A_6, %get3A_7] : memref<1x1024x2048xf32, #tpu.memory_space<vmem>>, vector<1x1024x2048xf32>
    %get3A_9 = vector.shape_cast %get3A_8 : vector<1x1024x2048xf32> to vector<1024x2048xf32>
    %dot_general3A = arith.constant dense<0.000000e+00> : vector<256x2048xf32>
    %dot_general3A_10 = tpu.matmul %get3A_1, %get3A_9, %dot_general3A {dimension_numbers = #tpu.dot_dimension_numbers<[1], [0], [0], [1], [0, 0, 1, 1], [], []>, transpose_lhs_hint = false} : vector<256x1024xf32>, vector<1024x2048xf32>, vector<256x2048xf32> -> vector<256x2048xf32>
    %get3A_11 = arith.constant 0 : index
    %get3A_12 = arith.constant 0 : index
    %get3A_13 = arith.constant 0 : index
    %get3A_14 = vector.load %arg5[%get3A_11, %get3A_12, %get3A_13] : memref<1x1024x2048xf32, #tpu.memory_space<vmem>>, vector<1x1024x2048xf32>
    %get3A_15 = vector.shape_cast %get3A_14 : vector<1x1024x2048xf32> to vector<1024x2048xf32>
    %dot_general3A_16 = arith.constant dense<0.000000e+00> : vector<256x2048xf32>
    %dot_general3A_17 = tpu.matmul %get3A_4, %get3A_15, %dot_general3A_16 {dimension_numbers = #tpu.dot_dimension_numbers<[1], [0], [0], [1], [0, 0, 1, 1], [], []>, transpose_lhs_hint = false} : vector<256x1024xf32>, vector<1024x2048xf32>, vector<256x2048xf32> -> vector<256x2048xf32>
    %add3A = arith.addf %dot_general3A_10, %dot_general3A_17 : vector<256x2048xf32>
    %get3A_18 = arith.constant 0 : index
    %get3A_19 = arith.constant 0 : index
    %get3A_20 = arith.constant 0 : index
    %get3A_21 = vector.load %arg6[%get3A_18, %get3A_19, %get3A_20] : memref<1x1x2048xf32, #tpu.memory_space<vmem>>, vector<1x1x2048xf32>
    %get3A_22 = vector.shape_cast %get3A_21 : vector<1x1x2048xf32> to vector<1x2048xf32>
    %add3A_23 = vector.broadcast %get3A_22 : vector<1x2048xf32> to vector<256x2048xf32>
    %add3A_24 = arith.addf %add3A, %add3A_23 : vector<256x2048xf32>
    %integer_pow3A = arith.mulf %add3A_24, %add3A_24 : vector<256x2048xf32>
    %integer_pow3A_25 = arith.mulf %add3A_24, %integer_pow3A : vector<256x2048xf32>
    %mul3A = arith.constant 4.471500e-02 : f32
    %mul3A_26 = vector.broadcast %mul3A : f32 to vector<256x2048xf32>
    %mul3A_27 = arith.mulf %mul3A_26, %integer_pow3A_25 : vector<256x2048xf32>
    %add3A_28 = arith.addf %add3A_24, %mul3A_27 : vector<256x2048xf32>
    %mul3A_29 = arith.constant 0.797884583 : f32
    %mul3A_30 = vector.broadcast %mul3A_29 : f32 to vector<256x2048xf32>
    %mul3A_31 = arith.mulf %mul3A_30, %add3A_28 : vector<256x2048xf32>
    %tanh3A = math.tanh %mul3A_31 : vector<256x2048xf32>
    %add3A_32 = arith.constant 1.000000e+00 : f32
    %add3A_33 = vector.broadcast %add3A_32 : f32 to vector<256x2048xf32>
    %add3A_34 = arith.addf %add3A_33, %tanh3A : vector<256x2048xf32>
    %mul3A_35 = arith.constant 5.000000e-01 : f32
    %mul3A_36 = vector.broadcast %mul3A_35 : f32 to vector<256x2048xf32>
    %mul3A_37 = arith.mulf %mul3A_36, %add3A_34 : vector<256x2048xf32>
    %mul3A_38 = arith.mulf %add3A_24, %mul3A_37 : vector<256x2048xf32>
    %get3A_39 = arith.constant 0 : index
    %get3A_40 = arith.constant 0 : index
    %get3A_41 = arith.constant 0 : index
    %get3A_42 = vector.load %arg7[%get3A_39, %get3A_40, %get3A_41] : memref<1x2048x1024xf32, #tpu.memory_space<vmem>>, vector<1x2048x1024xf32>
    %get3A_43 = vector.shape_cast %get3A_42 : vector<1x2048x1024xf32> to vector<2048x1024xf32>
    %dot_general3A_44 = arith.constant dense<0.000000e+00> : vector<256x1024xf32>
    %dot_general3A_45 = tpu.matmul %mul3A_38, %get3A_43, %dot_general3A_44 {dimension_numbers = #tpu.dot_dimension_numbers<[1], [0], [0], [1], [0, 0, 1, 1], [], []>, transpose_lhs_hint = false} : vector<256x2048xf32>, vector<2048x1024xf32>, vector<256x1024xf32> -> vector<256x1024xf32>
    %get3A_46 = arith.constant 0 : index
    %get3A_47 = arith.constant 0 : index
    %get3A_48 = arith.constant 0 : index
    %get3A_49 = vector.load %arg8[%get3A_46, %get3A_47, %get3A_48] : memref<1x1x1024xf32, #tpu.memory_space<vmem>>, vector<1x1x1024xf32>
    %get3A_50 = vector.shape_cast %get3A_49 : vector<1x1x1024xf32> to vector<1x1024xf32>
    %add3A_51 = vector.broadcast %get3A_50 : vector<1x1024xf32> to vector<256x1024xf32>
    %add3A_52 = arith.addf %dot_general3A_45, %add3A_51 : vector<256x1024xf32>
    %get3A_53 = arith.constant 0 : index
    %get3A_54 = arith.constant 0 : index
    %get3A_55 = arith.constant 0 : index
    %get3A_56 = vector.load %arg9[%get3A_53, %get3A_54, %get3A_55] : memref<1x256x1xf32, #tpu.memory_space<vmem>>, vector<1x256x1xf32>
    %get3A_57 = vector.shape_cast %get3A_56 : vector<1x256x1xf32> to vector<256x1xf32>
    %mul3A_58 = vector.broadcast %get3A_57 : vector<256x1xf32> to vector<256x1024xf32>
    %mul3A_59 = arith.mulf %add3A_52, %mul3A_58 : vector<256x1024xf32>
    %swap3A = arith.constant 0 : index
    %swap3A_60 = arith.constant 0 : index
    %swap3A_61 = vector.load %arg10[%swap3A, %swap3A_60] : memref<256x1024xf32, #tpu.memory_space<vmem>>, vector<256x1024xf32>
    tpu.vector_store %arg10[%swap3A, %swap3A_60], %mul3A_59 {strides = array<i32>} : memref<256x1024xf32, #tpu.memory_space<vmem>>, vector<256x1024xf32>,
    return
  }
  func.func @transform_1(%arg0: i32) -> (i32, i32) {
    %c0_i32 = arith.constant 0 : i32
    %c0_i32_0 = arith.constant 0 : i32
    return %arg0, %c0_i32 : i32, i32
  }
  func.func @transform_2(%arg0: i32) -> (i32, i32) {
    %c0_i32 = arith.constant 0 : i32
    %c0_i32_0 = arith.constant 0 : i32
    return %arg0, %c0_i32 : i32, i32
  }
  func.func @transform_3(%arg0: i32) -> (i32, i32, i32) {
    %add3A = arith.constant 10 : i32
    %add3A_0 = arith.addi %arg0, %add3A : i32
    %jit3A = arith.constant 5 : i32
    %div3A = arith.divsi %add3A_0, %jit3A : i32
    %sign3A = arith.constant 0 : i32
    %sign3A_1 = arith.cmpi sgt, %add3A_0, %sign3A : i32
    %sign3A_2 = arith.extui %sign3A_1 : i1 to i32
    %sign3A_3 = arith.constant 0 : i32
    %sign3A_4 = arith.cmpi slt, %add3A_0, %sign3A_3 : i32
    %sign3A_5 = arith.extui %sign3A_4 : i1 to i32
    %sign3A_6 = arith.subi %sign3A_2, %sign3A_5 : i32
    %sign3A_7 = arith.constant 0 : i32
    %sign3A_8 = arith.cmpi sgt, %jit3A, %sign3A_7 : i32
    %sign3A_9 = arith.extui %sign3A_8 : i1 to i32
    %sign3A_10 = arith.constant 0 : i32
    %sign3A_11 = arith.cmpi slt, %jit3A, %sign3A_10 : i32
    %sign3A_12 = arith.extui %sign3A_11 : i1 to i32
    %sign3A_13 = arith.subi %sign3A_9, %sign3A_12 : i32
    %ne3A = arith.cmpi ne, %sign3A_6, %sign3A_13 : i32
    %rem3A = arith.remsi %add3A_0, %jit3A : i32
    %ne3A_14 = arith.constant 0 : i32
    %ne3A_15 = arith.cmpi ne, %rem3A, %ne3A_14 : i32
    %and3A = arith.andi %ne3A, %ne3A_15 : i1
    %sub3A = arith.constant 1 : i32
    %sub3A_16 = arith.subi %div3A, %sub3A : i32
    %select_n3A = arith.select %and3A, %sub3A_16, %div3A : i32
    %min3A = arith.constant 7 : i32
    %min3A_17 = arith.minsi %select_n3A, %min3A : i32
    %c0_i32 = arith.constant 0 : i32
    %c0_i32_18 = arith.constant 0 : i32
    %c0_i32_19 = arith.constant 0 : i32
    return %min3A_17, %c0_i32, %c0_i32_18 : i32, i32, i32
  }
  func.func @transform_4(%arg0: i32) -> (i32, i32, i32) {
    %add3A = arith.constant 10 : i32
    %add3A_0 = arith.addi %arg0, %add3A : i32
    %jit3A = arith.constant 5 : i32
    %div3A = arith.divsi %add3A_0, %jit3A : i32
    %sign3A = arith.constant 0 : i32
    %sign3A_1 = arith.cmpi sgt, %add3A_0, %sign3A : i32
    %sign3A_2 = arith.extui %sign3A_1 : i1 to i32
    %sign3A_3 = arith.constant 0 : i32
    %sign3A_4 = arith.cmpi slt, %add3A_0, %sign3A_3 : i32
    %sign3A_5 = arith.extui %sign3A_4 : i1 to i32
    %sign3A_6 = arith.subi %sign3A_2, %sign3A_5 : i32
    %sign3A_7 = arith.constant 0 : i32
    %sign3A_8 = arith.cmpi sgt, %jit3A, %sign3A_7 : i32
    %sign3A_9 = arith.extui %sign3A_8 : i1 to i32
    %sign3A_10 = arith.constant 0 : i32
    %sign3A_11 = arith.cmpi slt, %jit3A, %sign3A_10 : i32
    %sign3A_12 = arith.extui %sign3A_11 : i1 to i32
    %sign3A_13 = arith.subi %sign3A_9, %sign3A_12 : i32
    %ne3A = arith.cmpi ne, %sign3A_6, %sign3A_13 : i32
    %rem3A = arith.remsi %add3A_0, %jit3A : i32
    %ne3A_14 = arith.constant 0 : i32
    %ne3A_15 = arith.cmpi ne, %rem3A, %ne3A_14 : i32
    %and3A = arith.andi %ne3A, %ne3A_15 : i1
    %sub3A = arith.constant 1 : i32
    %sub3A_16 = arith.subi %div3A, %sub3A : i32
    %select_n3A = arith.select %and3A, %sub3A_16, %div3A : i32
    %min3A = arith.constant 7 : i32
    %min3A_17 = arith.minsi %select_n3A, %min3A : i32
    %c0_i32 = arith.constant 0 : i32
    %c0_i32_18 = arith.constant 0 : i32
    %c0_i32_19 = arith.constant 0 : i32
    return %min3A_17, %c0_i32, %c0_i32_18 : i32, i32, i32
  }
  func.func @transform_5(%arg0: i32) -> (i32, i32, i32) {
    %add3A = arith.constant 10 : i32
    %add3A_0 = arith.addi %arg0, %add3A : i32
    %jit3A = arith.constant 5 : i32
    %div3A = arith.divsi %add3A_0, %jit3A : i32
    %sign3A = arith.constant 0 : i32
    %sign3A_1 = arith.cmpi sgt, %add3A_0, %sign3A : i32
    %sign3A_2 = arith.extui %sign3A_1 : i1 to i32
    %sign3A_3 = arith.constant 0 : i32
    %sign3A_4 = arith.cmpi slt, %add3A_0, %sign3A_3 : i32
    %sign3A_5 = arith.extui %sign3A_4 : i1 to i32
    %sign3A_6 = arith.subi %sign3A_2, %sign3A_5 : i32
    %sign3A_7 = arith.constant 0 : i32
    %sign3A_8 = arith.cmpi sgt, %jit3A, %sign3A_7 : i32
    %sign3A_9 = arith.extui %sign3A_8 : i1 to i32
    %sign3A_10 = arith.constant 0 : i32
    %sign3A_11 = arith.cmpi slt, %jit3A, %sign3A_10 : i32
    %sign3A_12 = arith.extui %sign3A_11 : i1 to i32
    %sign3A_13 = arith.subi %sign3A_9, %sign3A_12 : i32
    %ne3A = arith.cmpi ne, %sign3A_6, %sign3A_13 : i32
    %rem3A = arith.remsi %add3A_0, %jit3A : i32
    %ne3A_14 = arith.constant 0 : i32
    %ne3A_15 = arith.cmpi ne, %rem3A, %ne3A_14 : i32
    %and3A = arith.andi %ne3A, %ne3A_15 : i1
    %sub3A = arith.constant 1 : i32
    %sub3A_16 = arith.subi %div3A, %sub3A : i32
    %select_n3A = arith.select %and3A, %sub3A_16, %div3A : i32
    %min3A = arith.constant 7 : i32
    %min3A_17 = arith.minsi %select_n3A, %min3A : i32
    %c0_i32 = arith.constant 0 : i32
    %c0_i32_18 = arith.constant 0 : i32
    %c0_i32_19 = arith.constant 0 : i32
    return %min3A_17, %c0_i32, %c0_i32_18 : i32, i32, i32
  }
  func.func @transform_6(%arg0: i32) -> (i32, i32, i32) {
    %add3A = arith.constant 10 : i32
    %add3A_0 = arith.addi %arg0, %add3A : i32
    %jit3A = arith.constant 5 : i32
    %div3A = arith.divsi %add3A_0, %jit3A : i32
    %sign3A = arith.constant 0 : i32
    %sign3A_1 = arith.cmpi sgt, %add3A_0, %sign3A : i32
    %sign3A_2 = arith.extui %sign3A_1 : i1 to i32
    %sign3A_3 = arith.constant 0 : i32
    %sign3A_4 = arith.cmpi slt, %add3A_0, %sign3A_3 : i32
    %sign3A_5 = arith.extui %sign3A_4 : i1 to i32
    %sign3A_6 = arith.subi %sign3A_2, %sign3A_5 : i32
    %sign3A_7 = arith.constant 0 : i32
    %sign3A_8 = arith.cmpi sgt, %jit3A, %sign3A_7 : i32
    %sign3A_9 = arith.extui %sign3A_8 : i1 to i32
    %sign3A_10 = arith.constant 0 : i32
    %sign3A_11 = arith.cmpi slt, %jit3A, %sign3A_10 : i32
    %sign3A_12 = arith.extui %sign3A_11 : i1 to i32
    %sign3A_13 = arith.subi %sign3A_9, %sign3A_12 : i32
    %ne3A = arith.cmpi ne, %sign3A_6, %sign3A_13 : i32
    %rem3A = arith.remsi %add3A_0, %jit3A : i32
    %ne3A_14 = arith.constant 0 : i32
    %ne3A_15 = arith.cmpi ne, %rem3A, %ne3A_14 : i32
    %and3A = arith.andi %ne3A, %ne3A_15 : i1
    %sub3A = arith.constant 1 : i32
    %sub3A_16 = arith.subi %div3A, %sub3A : i32
    %select_n3A = arith.select %and3A, %sub3A_16, %div3A : i32
    %min3A = arith.constant 7 : i32
    %min3A_17 = arith.minsi %select_n3A, %min3A : i32
    %c0_i32 = arith.constant 0 : i32
    %c0_i32_18 = arith.constant 0 : i32
    %c0_i32_19 = arith.constant 0 : i32
    return %min3A_17, %c0_i32, %c0_i32_18 : i32, i32, i32
  }
  func.func @transform_7(%arg0: i32) -> (i32, i32, i32) {
    %add3A = arith.constant 10 : i32
    %add3A_0 = arith.addi %arg0, %add3A : i32
    %jit3A = arith.constant 5 : i32
    %div3A = arith.divsi %add3A_0, %jit3A : i32
    %sign3A = arith.constant 0 : i32
    %sign3A_1 = arith.cmpi sgt, %add3A_0, %sign3A : i32
    %sign3A_2 = arith.extui %sign3A_1 : i1 to i32
    %sign3A_3 = arith.constant 0 : i32
    %sign3A_4 = arith.cmpi slt, %add3A_0, %sign3A_3 : i32
    %sign3A_5 = arith.extui %sign3A_4 : i1 to i32
    %sign3A_6 = arith.subi %sign3A_2, %sign3A_5 : i32
    %sign3A_7 = arith.constant 0 : i32
    %sign3A_8 = arith.cmpi sgt, %jit3A, %sign3A_7 : i32
    %sign3A_9 = arith.extui %sign3A_8 : i1 to i32
    %sign3A_10 = arith.constant 0 : i32
    %sign3A_11 = arith.cmpi slt, %jit3A, %sign3A_10 : i32
    %sign3A_12 = arith.extui %sign3A_11 : i1 to i32
    %sign3A_13 = arith.subi %sign3A_9, %sign3A_12 : i32
    %ne3A = arith.cmpi ne, %sign3A_6, %sign3A_13 : i32
    %rem3A = arith.remsi %add3A_0, %jit3A : i32
    %ne3A_14 = arith.constant 0 : i32
    %ne3A_15 = arith.cmpi ne, %rem3A, %ne3A_14 : i32
    %and3A = arith.andi %ne3A, %ne3A_15 : i1
    %sub3A = arith.constant 1 : i32
    %sub3A_16 = arith.subi %div3A, %sub3A : i32
    %select_n3A = arith.select %and3A, %sub3A_16, %div3A : i32
    %min3A = arith.constant 7 : i32
    %min3A_17 = arith.minsi %select_n3A, %min3A : i32
    %c0_i32 = arith.constant 0 : i32
    %c0_i32_18 = arith.constant 0 : i32
    %c0_i32_19 = arith.constant 0 : i32
    return %min3A_17, %c0_i32, %c0_i32_18 : i32, i32, i32
  }
  func.func @transform_8(%arg0: i32) -> (i32, i32, i32) {
    %add3A = arith.constant 10 : i32
    %add3A_0 = arith.addi %arg0, %add3A : i32
    %c0_i32 = arith.constant 0 : i32
    %c0_i32_1 = arith.constant 0 : i32
    %c0_i32_2 = arith.constant 0 : i32
    return %add3A_0, %c0_i32, %c0_i32_1 : i32, i32, i32
  }
  func.func @transform_9(%arg0: i32) -> (i32, i32) {
    %add3A = arith.constant 10 : i32
    %add3A_0 = arith.addi %arg0, %add3A : i32
    %c0_i32 = arith.constant 0 : i32
    %c0_i32_1 = arith.constant 0 : i32
    return %add3A_0, %c0_i32 : i32, i32
  }
}

module attributes {stable_mosaic.version = 14 : i64} {
  func.func @_ffn_body(%arg0: i32, %arg1: memref<10496x1024xf32, #tpu.memory_space<any>>, %arg2: memref<256x1024xf32, #tpu.memory_space<vmem>>, %arg3: memref<256x1024xf32, #tpu.memory_space<vmem>>, %arg4: memref<1x1024x2048xf32, #tpu.memory_space<vmem>>, %arg5: memref<1x1024x2048xf32, #tpu.memory_space<vmem>>, %arg6: memref<1x1x2048xf32, #tpu.memory_space<vmem>>, %arg7: memref<1x2048x1024xf32, #tpu.memory_space<vmem>>, %arg8: memref<1x1x1024xf32, #tpu.memory_space<vmem>>, %arg9: memref<1x256x1xf32, #tpu.memory_space<vmem>>, %arg10: memref<256x1024xf32, #tpu.memory_space<vmem>>) attributes {dimension_semantics = [#tpu.dimension_semantics<arbitrary>], iteration_bounds = array<i64: 10>, scalar_prefetch = 0 : i64, scratch_operands = 0 : i64, tpu.core_type = #tpu.core_type<tc>, window_params = [{}, {transform_indices = @transform_1, window_bounds = array<i64: 256, 1024>}, {transform_indices = @transform_2, window_bounds = array<i64: 256, 1024>}, {transform_indices = @transform_3, window_bounds = array<i64: 1, 1024, 2048>}, {transform_indices = @transform_4, window_bounds = array<i64: 1, 1024, 2048>}, {transform_indices = @transform_5, window_bounds = array<i64: 1, 1, 2048>}, {transform_indices = @transform_6, window_bounds = array<i64: 1, 2048, 1024>}, {transform_indices = @transform_7, window_bounds = array<i64: 1, 1, 1024>}, {transform_indices = @transform_8, window_bounds = array<i64: 1, 256, 1>}, {transform_indices = @transform_9, window_bounds = array<i64: 256, 1024>}]} {
    %get3A = arith.constant 0 : index
    %get3A_0 = arith.constant 0 : index
    %get3A_1 = vector.load %arg2[%get3A, %get3A_0] : memref<256x1024xf32, #tpu.memory_space<vmem>>, vector<256x1024xf32>
    %get3A_2 = arith.constant 0 : index
    %get3A_3 = arith.constant 0 : index
    %get3A_4 = vector.load %arg3[%get3A_2, %get3A_3] : memref<256x1024xf32, #tpu.memory_space<vmem>>, vector<256x1024xf32>
    %get3A_5 = arith.constant 0 : index
    %get3A_6 = arith.constant 0 : index
    %get3A_7 = arith.constant 0 : index
    %get3A_8 = vector.load %arg4[%get3A_5, %get3A_6, %get3A_7] : memref<1x1024x2048xf32, #tpu.memory_space<vmem>>, vector<1x1024x2048xf32>
    %get3A_9 = vector.shape_cast %get3A_8 : vector<1x1024x2048xf32> to vector<1024x2048xf32>
    %dot_general3A = arith.constant dense<0.000000e+00> : vector<256x2048xf32>
    %dot_general3A_10 = tpu.matmul %get3A_1, %get3A_9, %dot_general3A {dimension_numbers = #tpu.dot_dimension_numbers<[1], [0], [0], [1], [0, 0, 1, 1], [], []>, transpose_lhs_hint = false} : vector<256x1024xf32>, vector<1024x2048xf32>, vector<256x2048xf32> -> vector<256x2048xf32>
    %get3A_11 = arith.constant 0 : index
    %get3A_12 = arith.constant 0 : index
    %get3A_13 = arith.constant 0 : index
    %get3A_14 = vector.load %arg5[%get3A_11, %get3A_12, %get3A_13] : memref<1x1024x2048xf32, #tpu.memory_space<vmem>>, vector<1x1024x2048xf32>
    %get3A_15 = vector.shape_cast %get3A_14 : vector<1x1024x2048xf32> to vector<1024x2048xf32>
    %dot_general3A_16 = arith.constant dense<0.000000e+00> : vector<256x2048xf32>
    %dot_general3A_17 = tpu.matmul %get3A_4, %get3A_15, %dot_general3A_16 {dimension_numbers = #tpu.dot_dimension_numbers<[1], [0], [0], [1], [0, 0, 1, 1], [], []>, transpose_lhs_hint = false} : vector<256x1024xf32>, vector<1024x2048xf32>, vector<256x2048xf32> -> vector<256x2048xf32>
    %add3A = arith.addf %dot_general3A_10, %dot_general3A_17 : vector<256x2048xf32>
    %get3A_18 = arith.constant 0 : index
    %get3A_19 = arith.constant 0 : index
    %get3A_20 = arith.constant 0 : index
    %get3A_21 = vector.load %arg6[%get3A_18, %get3A_19, %get3A_20] : memref<1x1x2048xf32, #tpu.memory_space<vmem>>, vector<1x1x2048xf32>
    %get3A_22 = vector.shape_cast %get3A_21 : vector<1x1x2048xf32> to vector<1x2048xf32>
    %add3A_23 = vector.broadcast %get3A_22 : vector<1x2048xf32> to vector<256x2048xf32>
    %add3A_24 = arith.addf %add3A, %add3A_23 : vector<256x2048xf32>
    %integer_pow3A = arith.mulf %add3A_24, %add3A_24 : vector<256x2048xf32>
    %integer_pow3A_25 = arith.mulf %add3A_24, %integer_pow3A : vector<256x2048xf32>
    %mul3A = arith.constant 4.471500e-02 : f32
    %mul3A_26 = vector.broadcast %mul3A : f32 to vector<256x2048xf32>
    %mul3A_27 = arith.mulf %mul3A_26, %integer_pow3A_25 : vector<256x2048xf32>
    %add3A_28 = arith.addf %add3A_24, %mul3A_27 : vector<256x2048xf32>
    %mul3A_29 = arith.constant 0.797884583 : f32
    %mul3A_30 = vector.broadcast %mul3A_29 : f32 to vector<256x2048xf32>
    %mul3A_31 = arith.mulf %mul3A_30, %add3A_28 : vector<256x2048xf32>
    %tanh3A = math.tanh %mul3A_31 : vector<256x2048xf32>
    %add3A_32 = arith.constant 1.000000e+00 : f32
    %add3A_33 = vector.broadcast %add3A_32 : f32 to vector<256x2048xf32>
    %add3A_34 = arith.addf %add3A_33, %tanh3A : vector<256x2048xf32>
    %mul3A_35 = arith.constant 5.000000e-01 : f32
    %mul3A_36 = vector.broadcast %mul3A_35 : f32 to vector<256x2048xf32>
    %mul3A_37 = arith.mulf %mul3A_36, %add3A_34 : vector<256x2048xf32>
    %mul3A_38 = arith.mulf %add3A_24, %mul3A_37 : vector<256x2048xf32>
    %get3A_39 = arith.constant 0 : index
    %get3A_40 = arith.constant 0 : index
    %get3A_41 = arith.constant 0 : index
    %get3A_42 = vector.load %arg7[%get3A_39, %get3A_40, %get3A_41] : memref<1x2048x1024xf32, #tpu.memory_space<vmem>>, vector<1x2048x1024xf32>
    %get3A_43 = vector.shape_cast %get3A_42 : vector<1x2048x1024xf32> to vector<2048x1024xf32>
    %dot_general3A_44 = arith.constant dense<0.000000e+00> : vector<256x1024xf32>
    %dot_general3A_45 = tpu.matmul %mul3A_38, %get3A_43, %dot_general3A_44 {dimension_numbers = #tpu.dot_dimension_numbers<[1], [0], [0], [1], [0, 0, 1, 1], [], []>, transpose_lhs_hint = false} : vector<256x2048xf32>, vector<2048x1024xf32>, vector<256x1024xf32> -> vector<256x1024xf32>
    %get3A_46 = arith.constant 0 : index
    %get3A_47 = arith.constant 0 : index
    %get3A_48 = arith.constant 0 : index
    %get3A_49 = vector.load %arg8[%get3A_46, %get3A_47, %get3A_48] : memref<1x1x1024xf32, #tpu.memory_space<vmem>>, vector<1x1x1024xf32>
    %get3A_50 = vector.shape_cast %get3A_49 : vector<1x1x1024xf32> to vector<1x1024xf32>
    %add3A_51 = vector.broadcast %get3A_50 : vector<1x1024xf32> to vector<256x1024xf32>
    %add3A_52 = arith.addf %dot_general3A_45, %add3A_51 : vector<256x1024xf32>
    %get3A_53 = arith.constant 0 : index
    %get3A_54 = arith.constant 0 : index
    %get3A_55 = arith.constant 0 : index
    %get3A_56 = vector.load %arg9[%get3A_53, %get3A_54, %get3A_55] : memref<1x256x1xf32, #tpu.memory_space<vmem>>, vector<1x256x1xf32>
    %get3A_57 = vector.shape_cast %get3A_56 : vector<1x256x1xf32> to vector<256x1xf32>
    %mul3A_58 = vector.broadcast %get3A_57 : vector<256x1xf32> to vector<256x1024xf32>
    %mul3A_59 = arith.mulf %add3A_52, %mul3A_58 : vector<256x1024xf32>
    %swap3A = arith.constant 0 : index
    %swap3A_60 = arith.constant 0 : index
    %swap3A_61 = vector.load %arg10[%swap3A, %swap3A_60] : memref<256x1024xf32, #tpu.memory_space<vmem>>, vector<256x1024xf32>
    tpu.vector_store %arg10[%swap3A, %swap3A_60], %mul3A_59 {strides = array<i32>} : memref<256x1024xf32, #tpu.memory_space<vmem>>, vector<256x1024xf32>,
    return
  }
  func.func @transform_1(%arg0: i32) -> (i32, i32) {
    %c0_i32 = arith.constant 0 : i32
    %c0_i32_0 = arith.constant 0 : i32
    return %arg0, %c0_i32 : i32, i32
  }
  func.func @transform_2(%arg0: i32) -> (i32, i32) {
    %c0_i32 = arith.constant 0 : i32
    %c0_i32_0 = arith.constant 0 : i32
    return %arg0, %c0_i32 : i32, i32
  }
  func.func @transform_3(%arg0: i32) -> (i32, i32, i32) {
    %add3A = arith.constant 20 : i32
    %add3A_0 = arith.addi %arg0, %add3A : i32
    %jit3A = arith.constant 5 : i32
    %div3A = arith.divsi %add3A_0, %jit3A : i32
    %sign3A = arith.constant 0 : i32
    %sign3A_1 = arith.cmpi sgt, %add3A_0, %sign3A : i32
    %sign3A_2 = arith.extui %sign3A_1 : i1 to i32
    %sign3A_3 = arith.constant 0 : i32
    %sign3A_4 = arith.cmpi slt, %add3A_0, %sign3A_3 : i32
    %sign3A_5 = arith.extui %sign3A_4 : i1 to i32
    %sign3A_6 = arith.subi %sign3A_2, %sign3A_5 : i32
    %sign3A_7 = arith.constant 0 : i32
    %sign3A_8 = arith.cmpi sgt, %jit3A, %sign3A_7 : i32
    %sign3A_9 = arith.extui %sign3A_8 : i1 to i32
    %sign3A_10 = arith.constant 0 : i32
    %sign3A_11 = arith.cmpi slt, %jit3A, %sign3A_10 : i32
    %sign3A_12 = arith.extui %sign3A_11 : i1 to i32
    %sign3A_13 = arith.subi %sign3A_9, %sign3A_12 : i32
    %ne3A = arith.cmpi ne, %sign3A_6, %sign3A_13 : i32
    %rem3A = arith.remsi %add3A_0, %jit3A : i32
    %ne3A_14 = arith.constant 0 : i32
    %ne3A_15 = arith.cmpi ne, %rem3A, %ne3A_14 : i32
    %and3A = arith.andi %ne3A, %ne3A_15 : i1
    %sub3A = arith.constant 1 : i32
    %sub3A_16 = arith.subi %div3A, %sub3A : i32
    %select_n3A = arith.select %and3A, %sub3A_16, %div3A : i32
    %min3A = arith.constant 7 : i32
    %min3A_17 = arith.minsi %select_n3A, %min3A : i32
    %c0_i32 = arith.constant 0 : i32
    %c0_i32_18 = arith.constant 0 : i32
    %c0_i32_19 = arith.constant 0 : i32
    return %min3A_17, %c0_i32, %c0_i32_18 : i32, i32, i32
  }
  func.func @transform_4(%arg0: i32) -> (i32, i32, i32) {
    %add3A = arith.constant 20 : i32
    %add3A_0 = arith.addi %arg0, %add3A : i32
    %jit3A = arith.constant 5 : i32
    %div3A = arith.divsi %add3A_0, %jit3A : i32
    %sign3A = arith.constant 0 : i32
    %sign3A_1 = arith.cmpi sgt, %add3A_0, %sign3A : i32
    %sign3A_2 = arith.extui %sign3A_1 : i1 to i32
    %sign3A_3 = arith.constant 0 : i32
    %sign3A_4 = arith.cmpi slt, %add3A_0, %sign3A_3 : i32
    %sign3A_5 = arith.extui %sign3A_4 : i1 to i32
    %sign3A_6 = arith.subi %sign3A_2, %sign3A_5 : i32
    %sign3A_7 = arith.constant 0 : i32
    %sign3A_8 = arith.cmpi sgt, %jit3A, %sign3A_7 : i32
    %sign3A_9 = arith.extui %sign3A_8 : i1 to i32
    %sign3A_10 = arith.constant 0 : i32
    %sign3A_11 = arith.cmpi slt, %jit3A, %sign3A_10 : i32
    %sign3A_12 = arith.extui %sign3A_11 : i1 to i32
    %sign3A_13 = arith.subi %sign3A_9, %sign3A_12 : i32
    %ne3A = arith.cmpi ne, %sign3A_6, %sign3A_13 : i32
    %rem3A = arith.remsi %add3A_0, %jit3A : i32
    %ne3A_14 = arith.constant 0 : i32
    %ne3A_15 = arith.cmpi ne, %rem3A, %ne3A_14 : i32
    %and3A = arith.andi %ne3A, %ne3A_15 : i1
    %sub3A = arith.constant 1 : i32
    %sub3A_16 = arith.subi %div3A, %sub3A : i32
    %select_n3A = arith.select %and3A, %sub3A_16, %div3A : i32
    %min3A = arith.constant 7 : i32
    %min3A_17 = arith.minsi %select_n3A, %min3A : i32
    %c0_i32 = arith.constant 0 : i32
    %c0_i32_18 = arith.constant 0 : i32
    %c0_i32_19 = arith.constant 0 : i32
    return %min3A_17, %c0_i32, %c0_i32_18 : i32, i32, i32
  }
  func.func @transform_5(%arg0: i32) -> (i32, i32, i32) {
    %add3A = arith.constant 20 : i32
    %add3A_0 = arith.addi %arg0, %add3A : i32
    %jit3A = arith.constant 5 : i32
    %div3A = arith.divsi %add3A_0, %jit3A : i32
    %sign3A = arith.constant 0 : i32
    %sign3A_1 = arith.cmpi sgt, %add3A_0, %sign3A : i32
    %sign3A_2 = arith.extui %sign3A_1 : i1 to i32
    %sign3A_3 = arith.constant 0 : i32
    %sign3A_4 = arith.cmpi slt, %add3A_0, %sign3A_3 : i32
    %sign3A_5 = arith.extui %sign3A_4 : i1 to i32
    %sign3A_6 = arith.subi %sign3A_2, %sign3A_5 : i32
    %sign3A_7 = arith.constant 0 : i32
    %sign3A_8 = arith.cmpi sgt, %jit3A, %sign3A_7 : i32
    %sign3A_9 = arith.extui %sign3A_8 : i1 to i32
    %sign3A_10 = arith.constant 0 : i32
    %sign3A_11 = arith.cmpi slt, %jit3A, %sign3A_10 : i32
    %sign3A_12 = arith.extui %sign3A_11 : i1 to i32
    %sign3A_13 = arith.subi %sign3A_9, %sign3A_12 : i32
    %ne3A = arith.cmpi ne, %sign3A_6, %sign3A_13 : i32
    %rem3A = arith.remsi %add3A_0, %jit3A : i32
    %ne3A_14 = arith.constant 0 : i32
    %ne3A_15 = arith.cmpi ne, %rem3A, %ne3A_14 : i32
    %and3A = arith.andi %ne3A, %ne3A_15 : i1
    %sub3A = arith.constant 1 : i32
    %sub3A_16 = arith.subi %div3A, %sub3A : i32
    %select_n3A = arith.select %and3A, %sub3A_16, %div3A : i32
    %min3A = arith.constant 7 : i32
    %min3A_17 = arith.minsi %select_n3A, %min3A : i32
    %c0_i32 = arith.constant 0 : i32
    %c0_i32_18 = arith.constant 0 : i32
    %c0_i32_19 = arith.constant 0 : i32
    return %min3A_17, %c0_i32, %c0_i32_18 : i32, i32, i32
  }
  func.func @transform_6(%arg0: i32) -> (i32, i32, i32) {
    %add3A = arith.constant 20 : i32
    %add3A_0 = arith.addi %arg0, %add3A : i32
    %jit3A = arith.constant 5 : i32
    %div3A = arith.divsi %add3A_0, %jit3A : i32
    %sign3A = arith.constant 0 : i32
    %sign3A_1 = arith.cmpi sgt, %add3A_0, %sign3A : i32
    %sign3A_2 = arith.extui %sign3A_1 : i1 to i32
    %sign3A_3 = arith.constant 0 : i32
    %sign3A_4 = arith.cmpi slt, %add3A_0, %sign3A_3 : i32
    %sign3A_5 = arith.extui %sign3A_4 : i1 to i32
    %sign3A_6 = arith.subi %sign3A_2, %sign3A_5 : i32
    %sign3A_7 = arith.constant 0 : i32
    %sign3A_8 = arith.cmpi sgt, %jit3A, %sign3A_7 : i32
    %sign3A_9 = arith.extui %sign3A_8 : i1 to i32
    %sign3A_10 = arith.constant 0 : i32
    %sign3A_11 = arith.cmpi slt, %jit3A, %sign3A_10 : i32
    %sign3A_12 = arith.extui %sign3A_11 : i1 to i32
    %sign3A_13 = arith.subi %sign3A_9, %sign3A_12 : i32
    %ne3A = arith.cmpi ne, %sign3A_6, %sign3A_13 : i32
    %rem3A = arith.remsi %add3A_0, %jit3A : i32
    %ne3A_14 = arith.constant 0 : i32
    %ne3A_15 = arith.cmpi ne, %rem3A, %ne3A_14 : i32
    %and3A = arith.andi %ne3A, %ne3A_15 : i1
    %sub3A = arith.constant 1 : i32
    %sub3A_16 = arith.subi %div3A, %sub3A : i32
    %select_n3A = arith.select %and3A, %sub3A_16, %div3A : i32
    %min3A = arith.constant 7 : i32
    %min3A_17 = arith.minsi %select_n3A, %min3A : i32
    %c0_i32 = arith.constant 0 : i32
    %c0_i32_18 = arith.constant 0 : i32
    %c0_i32_19 = arith.constant 0 : i32
    return %min3A_17, %c0_i32, %c0_i32_18 : i32, i32, i32
  }
  func.func @transform_7(%arg0: i32) -> (i32, i32, i32) {
    %add3A = arith.constant 20 : i32
    %add3A_0 = arith.addi %arg0, %add3A : i32
    %jit3A = arith.constant 5 : i32
    %div3A = arith.divsi %add3A_0, %jit3A : i32
    %sign3A = arith.constant 0 : i32
    %sign3A_1 = arith.cmpi sgt, %add3A_0, %sign3A : i32
    %sign3A_2 = arith.extui %sign3A_1 : i1 to i32
    %sign3A_3 = arith.constant 0 : i32
    %sign3A_4 = arith.cmpi slt, %add3A_0, %sign3A_3 : i32
    %sign3A_5 = arith.extui %sign3A_4 : i1 to i32
    %sign3A_6 = arith.subi %sign3A_2, %sign3A_5 : i32
    %sign3A_7 = arith.constant 0 : i32
    %sign3A_8 = arith.cmpi sgt, %jit3A, %sign3A_7 : i32
    %sign3A_9 = arith.extui %sign3A_8 : i1 to i32
    %sign3A_10 = arith.constant 0 : i32
    %sign3A_11 = arith.cmpi slt, %jit3A, %sign3A_10 : i32
    %sign3A_12 = arith.extui %sign3A_11 : i1 to i32
    %sign3A_13 = arith.subi %sign3A_9, %sign3A_12 : i32
    %ne3A = arith.cmpi ne, %sign3A_6, %sign3A_13 : i32
    %rem3A = arith.remsi %add3A_0, %jit3A : i32
    %ne3A_14 = arith.constant 0 : i32
    %ne3A_15 = arith.cmpi ne, %rem3A, %ne3A_14 : i32
    %and3A = arith.andi %ne3A, %ne3A_15 : i1
    %sub3A = arith.constant 1 : i32
    %sub3A_16 = arith.subi %div3A, %sub3A : i32
    %select_n3A = arith.select %and3A, %sub3A_16, %div3A : i32
    %min3A = arith.constant 7 : i32
    %min3A_17 = arith.minsi %select_n3A, %min3A : i32
    %c0_i32 = arith.constant 0 : i32
    %c0_i32_18 = arith.constant 0 : i32
    %c0_i32_19 = arith.constant 0 : i32
    return %min3A_17, %c0_i32, %c0_i32_18 : i32, i32, i32
  }
  func.func @transform_8(%arg0: i32) -> (i32, i32, i32) {
    %add3A = arith.constant 20 : i32
    %add3A_0 = arith.addi %arg0, %add3A : i32
    %c0_i32 = arith.constant 0 : i32
    %c0_i32_1 = arith.constant 0 : i32
    %c0_i32_2 = arith.constant 0 : i32
    return %add3A_0, %c0_i32, %c0_i32_1 : i32, i32, i32
  }
  func.func @transform_9(%arg0: i32) -> (i32, i32) {
    %add3A = arith.constant 20 : i32
    %add3A_0 = arith.addi %arg0, %add3A : i32
    %c0_i32 = arith.constant 0 : i32
    %c0_i32_1 = arith.constant 0 : i32
    return %add3A_0, %c0_i32 : i32, i32
  }
}

module attributes {stable_mosaic.version = 14 : i64} {
  func.func @_ffn_body(%arg0: i32, %arg1: memref<10496x1024xf32, #tpu.memory_space<any>>, %arg2: memref<256x1024xf32, #tpu.memory_space<vmem>>, %arg3: memref<256x1024xf32, #tpu.memory_space<vmem>>, %arg4: memref<1x1024x2048xf32, #tpu.memory_space<vmem>>, %arg5: memref<1x1024x2048xf32, #tpu.memory_space<vmem>>, %arg6: memref<1x1x2048xf32, #tpu.memory_space<vmem>>, %arg7: memref<1x2048x1024xf32, #tpu.memory_space<vmem>>, %arg8: memref<1x1x1024xf32, #tpu.memory_space<vmem>>, %arg9: memref<1x256x1xf32, #tpu.memory_space<vmem>>, %arg10: memref<256x1024xf32, #tpu.memory_space<vmem>>) attributes {dimension_semantics = [#tpu.dimension_semantics<arbitrary>], iteration_bounds = array<i64: 11>, scalar_prefetch = 0 : i64, scratch_operands = 0 : i64, tpu.core_type = #tpu.core_type<tc>, window_params = [{}, {transform_indices = @transform_1, window_bounds = array<i64: 256, 1024>}, {transform_indices = @transform_2, window_bounds = array<i64: 256, 1024>}, {transform_indices = @transform_3, window_bounds = array<i64: 1, 1024, 2048>}, {transform_indices = @transform_4, window_bounds = array<i64: 1, 1024, 2048>}, {transform_indices = @transform_5, window_bounds = array<i64: 1, 1, 2048>}, {transform_indices = @transform_6, window_bounds = array<i64: 1, 2048, 1024>}, {transform_indices = @transform_7, window_bounds = array<i64: 1, 1, 1024>}, {transform_indices = @transform_8, window_bounds = array<i64: 1, 256, 1>}, {transform_indices = @transform_9, window_bounds = array<i64: 256, 1024>}]} {
    %get3A = arith.constant 0 : index
    %get3A_0 = arith.constant 0 : index
    %get3A_1 = vector.load %arg2[%get3A, %get3A_0] : memref<256x1024xf32, #tpu.memory_space<vmem>>, vector<256x1024xf32>
    %get3A_2 = arith.constant 0 : index
    %get3A_3 = arith.constant 0 : index
    %get3A_4 = vector.load %arg3[%get3A_2, %get3A_3] : memref<256x1024xf32, #tpu.memory_space<vmem>>, vector<256x1024xf32>
    %get3A_5 = arith.constant 0 : index
    %get3A_6 = arith.constant 0 : index
    %get3A_7 = arith.constant 0 : index
    %get3A_8 = vector.load %arg4[%get3A_5, %get3A_6, %get3A_7] : memref<1x1024x2048xf32, #tpu.memory_space<vmem>>, vector<1x1024x2048xf32>
    %get3A_9 = vector.shape_cast %get3A_8 : vector<1x1024x2048xf32> to vector<1024x2048xf32>
    %dot_general3A = arith.constant dense<0.000000e+00> : vector<256x2048xf32>
    %dot_general3A_10 = tpu.matmul %get3A_1, %get3A_9, %dot_general3A {dimension_numbers = #tpu.dot_dimension_numbers<[1], [0], [0], [1], [0, 0, 1, 1], [], []>, transpose_lhs_hint = false} : vector<256x1024xf32>, vector<1024x2048xf32>, vector<256x2048xf32> -> vector<256x2048xf32>
    %get3A_11 = arith.constant 0 : index
    %get3A_12 = arith.constant 0 : index
    %get3A_13 = arith.constant 0 : index
    %get3A_14 = vector.load %arg5[%get3A_11, %get3A_12, %get3A_13] : memref<1x1024x2048xf32, #tpu.memory_space<vmem>>, vector<1x1024x2048xf32>
    %get3A_15 = vector.shape_cast %get3A_14 : vector<1x1024x2048xf32> to vector<1024x2048xf32>
    %dot_general3A_16 = arith.constant dense<0.000000e+00> : vector<256x2048xf32>
    %dot_general3A_17 = tpu.matmul %get3A_4, %get3A_15, %dot_general3A_16 {dimension_numbers = #tpu.dot_dimension_numbers<[1], [0], [0], [1], [0, 0, 1, 1], [], []>, transpose_lhs_hint = false} : vector<256x1024xf32>, vector<1024x2048xf32>, vector<256x2048xf32> -> vector<256x2048xf32>
    %add3A = arith.addf %dot_general3A_10, %dot_general3A_17 : vector<256x2048xf32>
    %get3A_18 = arith.constant 0 : index
    %get3A_19 = arith.constant 0 : index
    %get3A_20 = arith.constant 0 : index
    %get3A_21 = vector.load %arg6[%get3A_18, %get3A_19, %get3A_20] : memref<1x1x2048xf32, #tpu.memory_space<vmem>>, vector<1x1x2048xf32>
    %get3A_22 = vector.shape_cast %get3A_21 : vector<1x1x2048xf32> to vector<1x2048xf32>
    %add3A_23 = vector.broadcast %get3A_22 : vector<1x2048xf32> to vector<256x2048xf32>
    %add3A_24 = arith.addf %add3A, %add3A_23 : vector<256x2048xf32>
    %integer_pow3A = arith.mulf %add3A_24, %add3A_24 : vector<256x2048xf32>
    %integer_pow3A_25 = arith.mulf %add3A_24, %integer_pow3A : vector<256x2048xf32>
    %mul3A = arith.constant 4.471500e-02 : f32
    %mul3A_26 = vector.broadcast %mul3A : f32 to vector<256x2048xf32>
    %mul3A_27 = arith.mulf %mul3A_26, %integer_pow3A_25 : vector<256x2048xf32>
    %add3A_28 = arith.addf %add3A_24, %mul3A_27 : vector<256x2048xf32>
    %mul3A_29 = arith.constant 0.797884583 : f32
    %mul3A_30 = vector.broadcast %mul3A_29 : f32 to vector<256x2048xf32>
    %mul3A_31 = arith.mulf %mul3A_30, %add3A_28 : vector<256x2048xf32>
    %tanh3A = math.tanh %mul3A_31 : vector<256x2048xf32>
    %add3A_32 = arith.constant 1.000000e+00 : f32
    %add3A_33 = vector.broadcast %add3A_32 : f32 to vector<256x2048xf32>
    %add3A_34 = arith.addf %add3A_33, %tanh3A : vector<256x2048xf32>
    %mul3A_35 = arith.constant 5.000000e-01 : f32
    %mul3A_36 = vector.broadcast %mul3A_35 : f32 to vector<256x2048xf32>
    %mul3A_37 = arith.mulf %mul3A_36, %add3A_34 : vector<256x2048xf32>
    %mul3A_38 = arith.mulf %add3A_24, %mul3A_37 : vector<256x2048xf32>
    %get3A_39 = arith.constant 0 : index
    %get3A_40 = arith.constant 0 : index
    %get3A_41 = arith.constant 0 : index
    %get3A_42 = vector.load %arg7[%get3A_39, %get3A_40, %get3A_41] : memref<1x2048x1024xf32, #tpu.memory_space<vmem>>, vector<1x2048x1024xf32>
    %get3A_43 = vector.shape_cast %get3A_42 : vector<1x2048x1024xf32> to vector<2048x1024xf32>
    %dot_general3A_44 = arith.constant dense<0.000000e+00> : vector<256x1024xf32>
    %dot_general3A_45 = tpu.matmul %mul3A_38, %get3A_43, %dot_general3A_44 {dimension_numbers = #tpu.dot_dimension_numbers<[1], [0], [0], [1], [0, 0, 1, 1], [], []>, transpose_lhs_hint = false} : vector<256x2048xf32>, vector<2048x1024xf32>, vector<256x1024xf32> -> vector<256x1024xf32>
    %get3A_46 = arith.constant 0 : index
    %get3A_47 = arith.constant 0 : index
    %get3A_48 = arith.constant 0 : index
    %get3A_49 = vector.load %arg8[%get3A_46, %get3A_47, %get3A_48] : memref<1x1x1024xf32, #tpu.memory_space<vmem>>, vector<1x1x1024xf32>
    %get3A_50 = vector.shape_cast %get3A_49 : vector<1x1x1024xf32> to vector<1x1024xf32>
    %add3A_51 = vector.broadcast %get3A_50 : vector<1x1024xf32> to vector<256x1024xf32>
    %add3A_52 = arith.addf %dot_general3A_45, %add3A_51 : vector<256x1024xf32>
    %get3A_53 = arith.constant 0 : index
    %get3A_54 = arith.constant 0 : index
    %get3A_55 = arith.constant 0 : index
    %get3A_56 = vector.load %arg9[%get3A_53, %get3A_54, %get3A_55] : memref<1x256x1xf32, #tpu.memory_space<vmem>>, vector<1x256x1xf32>
    %get3A_57 = vector.shape_cast %get3A_56 : vector<1x256x1xf32> to vector<256x1xf32>
    %mul3A_58 = vector.broadcast %get3A_57 : vector<256x1xf32> to vector<256x1024xf32>
    %mul3A_59 = arith.mulf %add3A_52, %mul3A_58 : vector<256x1024xf32>
    %swap3A = arith.constant 0 : index
    %swap3A_60 = arith.constant 0 : index
    %swap3A_61 = vector.load %arg10[%swap3A, %swap3A_60] : memref<256x1024xf32, #tpu.memory_space<vmem>>, vector<256x1024xf32>
    tpu.vector_store %arg10[%swap3A, %swap3A_60], %mul3A_59 {strides = array<i32>} : memref<256x1024xf32, #tpu.memory_space<vmem>>, vector<256x1024xf32>,
    return
  }
  func.func @transform_1(%arg0: i32) -> (i32, i32) {
    %c0_i32 = arith.constant 0 : i32
    %c0_i32_0 = arith.constant 0 : i32
    return %arg0, %c0_i32 : i32, i32
  }
  func.func @transform_2(%arg0: i32) -> (i32, i32) {
    %c0_i32 = arith.constant 0 : i32
    %c0_i32_0 = arith.constant 0 : i32
    return %arg0, %c0_i32 : i32, i32
  }
  func.func @transform_3(%arg0: i32) -> (i32, i32, i32) {
    %add3A = arith.constant 30 : i32
    %add3A_0 = arith.addi %arg0, %add3A : i32
    %jit3A = arith.constant 5 : i32
    %div3A = arith.divsi %add3A_0, %jit3A : i32
    %sign3A = arith.constant 0 : i32
    %sign3A_1 = arith.cmpi sgt, %add3A_0, %sign3A : i32
    %sign3A_2 = arith.extui %sign3A_1 : i1 to i32
    %sign3A_3 = arith.constant 0 : i32
    %sign3A_4 = arith.cmpi slt, %add3A_0, %sign3A_3 : i32
    %sign3A_5 = arith.extui %sign3A_4 : i1 to i32
    %sign3A_6 = arith.subi %sign3A_2, %sign3A_5 : i32
    %sign3A_7 = arith.constant 0 : i32
    %sign3A_8 = arith.cmpi sgt, %jit3A, %sign3A_7 : i32
    %sign3A_9 = arith.extui %sign3A_8 : i1 to i32
    %sign3A_10 = arith.constant 0 : i32
    %sign3A_11 = arith.cmpi slt, %jit3A, %sign3A_10 : i32
    %sign3A_12 = arith.extui %sign3A_11 : i1 to i32
    %sign3A_13 = arith.subi %sign3A_9, %sign3A_12 : i32
    %ne3A = arith.cmpi ne, %sign3A_6, %sign3A_13 : i32
    %rem3A = arith.remsi %add3A_0, %jit3A : i32
    %ne3A_14 = arith.constant 0 : i32
    %ne3A_15 = arith.cmpi ne, %rem3A, %ne3A_14 : i32
    %and3A = arith.andi %ne3A, %ne3A_15 : i1
    %sub3A = arith.constant 1 : i32
    %sub3A_16 = arith.subi %div3A, %sub3A : i32
    %select_n3A = arith.select %and3A, %sub3A_16, %div3A : i32
    %min3A = arith.constant 7 : i32
    %min3A_17 = arith.minsi %select_n3A, %min3A : i32
    %c0_i32 = arith.constant 0 : i32
    %c0_i32_18 = arith.constant 0 : i32
    %c0_i32_19 = arith.constant 0 : i32
    return %min3A_17, %c0_i32, %c0_i32_18 : i32, i32, i32
  }
  func.func @transform_4(%arg0: i32) -> (i32, i32, i32) {
    %add3A = arith.constant 30 : i32
    %add3A_0 = arith.addi %arg0, %add3A : i32
    %jit3A = arith.constant 5 : i32
    %div3A = arith.divsi %add3A_0, %jit3A : i32
    %sign3A = arith.constant 0 : i32
    %sign3A_1 = arith.cmpi sgt, %add3A_0, %sign3A : i32
    %sign3A_2 = arith.extui %sign3A_1 : i1 to i32
    %sign3A_3 = arith.constant 0 : i32
    %sign3A_4 = arith.cmpi slt, %add3A_0, %sign3A_3 : i32
    %sign3A_5 = arith.extui %sign3A_4 : i1 to i32
    %sign3A_6 = arith.subi %sign3A_2, %sign3A_5 : i32
    %sign3A_7 = arith.constant 0 : i32
    %sign3A_8 = arith.cmpi sgt, %jit3A, %sign3A_7 : i32
    %sign3A_9 = arith.extui %sign3A_8 : i1 to i32
    %sign3A_10 = arith.constant 0 : i32
    %sign3A_11 = arith.cmpi slt, %jit3A, %sign3A_10 : i32
    %sign3A_12 = arith.extui %sign3A_11 : i1 to i32
    %sign3A_13 = arith.subi %sign3A_9, %sign3A_12 : i32
    %ne3A = arith.cmpi ne, %sign3A_6, %sign3A_13 : i32
    %rem3A = arith.remsi %add3A_0, %jit3A : i32
    %ne3A_14 = arith.constant 0 : i32
    %ne3A_15 = arith.cmpi ne, %rem3A, %ne3A_14 : i32
    %and3A = arith.andi %ne3A, %ne3A_15 : i1
    %sub3A = arith.constant 1 : i32
    %sub3A_16 = arith.subi %div3A, %sub3A : i32
    %select_n3A = arith.select %and3A, %sub3A_16, %div3A : i32
    %min3A = arith.constant 7 : i32
    %min3A_17 = arith.minsi %select_n3A, %min3A : i32
    %c0_i32 = arith.constant 0 : i32
    %c0_i32_18 = arith.constant 0 : i32
    %c0_i32_19 = arith.constant 0 : i32
    return %min3A_17, %c0_i32, %c0_i32_18 : i32, i32, i32
  }
  func.func @transform_5(%arg0: i32) -> (i32, i32, i32) {
    %add3A = arith.constant 30 : i32
    %add3A_0 = arith.addi %arg0, %add3A : i32
    %jit3A = arith.constant 5 : i32
    %div3A = arith.divsi %add3A_0, %jit3A : i32
    %sign3A = arith.constant 0 : i32
    %sign3A_1 = arith.cmpi sgt, %add3A_0, %sign3A : i32
    %sign3A_2 = arith.extui %sign3A_1 : i1 to i32
    %sign3A_3 = arith.constant 0 : i32
    %sign3A_4 = arith.cmpi slt, %add3A_0, %sign3A_3 : i32
    %sign3A_5 = arith.extui %sign3A_4 : i1 to i32
    %sign3A_6 = arith.subi %sign3A_2, %sign3A_5 : i32
    %sign3A_7 = arith.constant 0 : i32
    %sign3A_8 = arith.cmpi sgt, %jit3A, %sign3A_7 : i32
    %sign3A_9 = arith.extui %sign3A_8 : i1 to i32
    %sign3A_10 = arith.constant 0 : i32
    %sign3A_11 = arith.cmpi slt, %jit3A, %sign3A_10 : i32
    %sign3A_12 = arith.extui %sign3A_11 : i1 to i32
    %sign3A_13 = arith.subi %sign3A_9, %sign3A_12 : i32
    %ne3A = arith.cmpi ne, %sign3A_6, %sign3A_13 : i32
    %rem3A = arith.remsi %add3A_0, %jit3A : i32
    %ne3A_14 = arith.constant 0 : i32
    %ne3A_15 = arith.cmpi ne, %rem3A, %ne3A_14 : i32
    %and3A = arith.andi %ne3A, %ne3A_15 : i1
    %sub3A = arith.constant 1 : i32
    %sub3A_16 = arith.subi %div3A, %sub3A : i32
    %select_n3A = arith.select %and3A, %sub3A_16, %div3A : i32
    %min3A = arith.constant 7 : i32
    %min3A_17 = arith.minsi %select_n3A, %min3A : i32
    %c0_i32 = arith.constant 0 : i32
    %c0_i32_18 = arith.constant 0 : i32
    %c0_i32_19 = arith.constant 0 : i32
    return %min3A_17, %c0_i32, %c0_i32_18 : i32, i32, i32
  }
  func.func @transform_6(%arg0: i32) -> (i32, i32, i32) {
    %add3A = arith.constant 30 : i32
    %add3A_0 = arith.addi %arg0, %add3A : i32
    %jit3A = arith.constant 5 : i32
    %div3A = arith.divsi %add3A_0, %jit3A : i32
    %sign3A = arith.constant 0 : i32
    %sign3A_1 = arith.cmpi sgt, %add3A_0, %sign3A : i32
    %sign3A_2 = arith.extui %sign3A_1 : i1 to i32
    %sign3A_3 = arith.constant 0 : i32
    %sign3A_4 = arith.cmpi slt, %add3A_0, %sign3A_3 : i32
    %sign3A_5 = arith.extui %sign3A_4 : i1 to i32
    %sign3A_6 = arith.subi %sign3A_2, %sign3A_5 : i32
    %sign3A_7 = arith.constant 0 : i32
    %sign3A_8 = arith.cmpi sgt, %jit3A, %sign3A_7 : i32
    %sign3A_9 = arith.extui %sign3A_8 : i1 to i32
    %sign3A_10 = arith.constant 0 : i32
    %sign3A_11 = arith.cmpi slt, %jit3A, %sign3A_10 : i32
    %sign3A_12 = arith.extui %sign3A_11 : i1 to i32
    %sign3A_13 = arith.subi %sign3A_9, %sign3A_12 : i32
    %ne3A = arith.cmpi ne, %sign3A_6, %sign3A_13 : i32
    %rem3A = arith.remsi %add3A_0, %jit3A : i32
    %ne3A_14 = arith.constant 0 : i32
    %ne3A_15 = arith.cmpi ne, %rem3A, %ne3A_14 : i32
    %and3A = arith.andi %ne3A, %ne3A_15 : i1
    %sub3A = arith.constant 1 : i32
    %sub3A_16 = arith.subi %div3A, %sub3A : i32
    %select_n3A = arith.select %and3A, %sub3A_16, %div3A : i32
    %min3A = arith.constant 7 : i32
    %min3A_17 = arith.minsi %select_n3A, %min3A : i32
    %c0_i32 = arith.constant 0 : i32
    %c0_i32_18 = arith.constant 0 : i32
    %c0_i32_19 = arith.constant 0 : i32
    return %min3A_17, %c0_i32, %c0_i32_18 : i32, i32, i32
  }
  func.func @transform_7(%arg0: i32) -> (i32, i32, i32) {
    %add3A = arith.constant 30 : i32
    %add3A_0 = arith.addi %arg0, %add3A : i32
    %jit3A = arith.constant 5 : i32
    %div3A = arith.divsi %add3A_0, %jit3A : i32
    %sign3A = arith.constant 0 : i32
    %sign3A_1 = arith.cmpi sgt, %add3A_0, %sign3A : i32
    %sign3A_2 = arith.extui %sign3A_1 : i1 to i32
    %sign3A_3 = arith.constant 0 : i32
    %sign3A_4 = arith.cmpi slt, %add3A_0, %sign3A_3 : i32
    %sign3A_5 = arith.extui %sign3A_4 : i1 to i32
    %sign3A_6 = arith.subi %sign3A_2, %sign3A_5 : i32
    %sign3A_7 = arith.constant 0 : i32
    %sign3A_8 = arith.cmpi sgt, %jit3A, %sign3A_7 : i32
    %sign3A_9 = arith.extui %sign3A_8 : i1 to i32
    %sign3A_10 = arith.constant 0 : i32
    %sign3A_11 = arith.cmpi slt, %jit3A, %sign3A_10 : i32
    %sign3A_12 = arith.extui %sign3A_11 : i1 to i32
    %sign3A_13 = arith.subi %sign3A_9, %sign3A_12 : i32
    %ne3A = arith.cmpi ne, %sign3A_6, %sign3A_13 : i32
    %rem3A = arith.remsi %add3A_0, %jit3A : i32
    %ne3A_14 = arith.constant 0 : i32
    %ne3A_15 = arith.cmpi ne, %rem3A, %ne3A_14 : i32
    %and3A = arith.andi %ne3A, %ne3A_15 : i1
    %sub3A = arith.constant 1 : i32
    %sub3A_16 = arith.subi %div3A, %sub3A : i32
    %select_n3A = arith.select %and3A, %sub3A_16, %div3A : i32
    %min3A = arith.constant 7 : i32
    %min3A_17 = arith.minsi %select_n3A, %min3A : i32
    %c0_i32 = arith.constant 0 : i32
    %c0_i32_18 = arith.constant 0 : i32
    %c0_i32_19 = arith.constant 0 : i32
    return %min3A_17, %c0_i32, %c0_i32_18 : i32, i32, i32
  }
  func.func @transform_8(%arg0: i32) -> (i32, i32, i32) {
    %add3A = arith.constant 30 : i32
    %add3A_0 = arith.addi %arg0, %add3A : i32
    %c0_i32 = arith.constant 0 : i32
    %c0_i32_1 = arith.constant 0 : i32
    %c0_i32_2 = arith.constant 0 : i32
    return %add3A_0, %c0_i32, %c0_i32_1 : i32, i32, i32
  }
  func.func @transform_9(%arg0: i32) -> (i32, i32) {
    %add3A = arith.constant 30 : i32
    %add3A_0 = arith.addi %arg0, %add3A : i32
    %c0_i32 = arith.constant 0 : i32
    %c0_i32_1 = arith.constant 0 : i32
    return %add3A_0, %c0_i32 : i32, i32
  }
}

module attributes {stable_mosaic.version = 14 : i64} {
  func.func @_shared_body(%arg0: i32, %arg1: memref<256x1024xf32, #tpu.memory_space<vmem>>, %arg2: memref<256x1024xf32, #tpu.memory_space<vmem>>, %arg3: memref<1024x2048xf32, #tpu.memory_space<vmem>>, %arg4: memref<1024x2048xf32, #tpu.memory_space<vmem>>, %arg5: memref<1x2048xf32, #tpu.memory_space<vmem>>, %arg6: memref<2048x1024xf32, #tpu.memory_space<vmem>>, %arg7: memref<1x1024xf32, #tpu.memory_space<vmem>>, %arg8: memref<256x1024xf32, #tpu.memory_space<vmem>>) attributes {dimension_semantics = [#tpu.dimension_semantics<arbitrary>], iteration_bounds = array<i64: 16>, scalar_prefetch = 0 : i64, scratch_operands = 0 : i64, tpu.core_type = #tpu.core_type<tc>, window_params = [{transform_indices = @transform_0, window_bounds = array<i64: 256, 1024>}, {transform_indices = @transform_1, window_bounds = array<i64: 256, 1024>}, {pipeline_mode = #tpu.pipeline_mode<synchronous>, transform_indices = @transform_2, window_bounds = array<i64: 1024, 2048>}, {pipeline_mode = #tpu.pipeline_mode<synchronous>, transform_indices = @transform_3, window_bounds = array<i64: 1024, 2048>}, {pipeline_mode = #tpu.pipeline_mode<synchronous>, transform_indices = @transform_4, window_bounds = array<i64: 1, 2048>}, {pipeline_mode = #tpu.pipeline_mode<synchronous>, transform_indices = @transform_5, window_bounds = array<i64: 2048, 1024>}, {pipeline_mode = #tpu.pipeline_mode<synchronous>, transform_indices = @transform_6, window_bounds = array<i64: 1, 1024>}, {transform_indices = @transform_7, window_bounds = array<i64: 256, 1024>}]} {
    %get3A = arith.constant 0 : index
    %get3A_0 = arith.constant 0 : index
    %get3A_1 = vector.load %arg1[%get3A, %get3A_0] : memref<256x1024xf32, #tpu.memory_space<vmem>>, vector<256x1024xf32>
    %get3A_2 = arith.constant 0 : index
    %get3A_3 = arith.constant 0 : index
    %get3A_4 = vector.load %arg3[%get3A_2, %get3A_3] : memref<1024x2048xf32, #tpu.memory_space<vmem>>, vector<1024x2048xf32>
    %dot_general3A = arith.constant dense<0.000000e+00> : vector<256x2048xf32>
    %dot_general3A_5 = tpu.matmul %get3A_1, %get3A_4, %dot_general3A {dimension_numbers = #tpu.dot_dimension_numbers<[1], [0], [0], [1], [0, 0, 1, 1], [], []>, transpose_lhs_hint = false} : vector<256x1024xf32>, vector<1024x2048xf32>, vector<256x2048xf32> -> vector<256x2048xf32>
    %get3A_6 = arith.constant 0 : index
    %get3A_7 = arith.constant 0 : index
    %get3A_8 = vector.load %arg2[%get3A_6, %get3A_7] : memref<256x1024xf32, #tpu.memory_space<vmem>>, vector<256x1024xf32>
    %get3A_9 = arith.constant 0 : index
    %get3A_10 = arith.constant 0 : index
    %get3A_11 = vector.load %arg4[%get3A_9, %get3A_10] : memref<1024x2048xf32, #tpu.memory_space<vmem>>, vector<1024x2048xf32>
    %dot_general3A_12 = arith.constant dense<0.000000e+00> : vector<256x2048xf32>
    %dot_general3A_13 = tpu.matmul %get3A_8, %get3A_11, %dot_general3A_12 {dimension_numbers = #tpu.dot_dimension_numbers<[1], [0], [0], [1], [0, 0, 1, 1], [], []>, transpose_lhs_hint = false} : vector<256x1024xf32>, vector<1024x2048xf32>, vector<256x2048xf32> -> vector<256x2048xf32>
    %add3A = arith.addf %dot_general3A_5, %dot_general3A_13 : vector<256x2048xf32>
    %get3A_14 = arith.constant 0 : index
    %get3A_15 = arith.constant 0 : index
    %get3A_16 = vector.load %arg5[%get3A_14, %get3A_15] : memref<1x2048xf32, #tpu.memory_space<vmem>>, vector<1x2048xf32>
    %add3A_17 = vector.broadcast %get3A_16 : vector<1x2048xf32> to vector<256x2048xf32>
    %add3A_18 = arith.addf %add3A, %add3A_17 : vector<256x2048xf32>
    %integer_pow3A = arith.mulf %add3A_18, %add3A_18 : vector<256x2048xf32>
    %integer_pow3A_19 = arith.mulf %add3A_18, %integer_pow3A : vector<256x2048xf32>
    %mul3A = arith.constant 4.471500e-02 : f32
    %mul3A_20 = vector.broadcast %mul3A : f32 to vector<256x2048xf32>
    %mul3A_21 = arith.mulf %mul3A_20, %integer_pow3A_19 : vector<256x2048xf32>
    %add3A_22 = arith.addf %add3A_18, %mul3A_21 : vector<256x2048xf32>
    %mul3A_23 = arith.constant 0.797884583 : f32
    %mul3A_24 = vector.broadcast %mul3A_23 : f32 to vector<256x2048xf32>
    %mul3A_25 = arith.mulf %mul3A_24, %add3A_22 : vector<256x2048xf32>
    %tanh3A = math.tanh %mul3A_25 : vector<256x2048xf32>
    %add3A_26 = arith.constant 1.000000e+00 : f32
    %add3A_27 = vector.broadcast %add3A_26 : f32 to vector<256x2048xf32>
    %add3A_28 = arith.addf %add3A_27, %tanh3A : vector<256x2048xf32>
    %mul3A_29 = arith.constant 5.000000e-01 : f32
    %mul3A_30 = vector.broadcast %mul3A_29 : f32 to vector<256x2048xf32>
    %mul3A_31 = arith.mulf %mul3A_30, %add3A_28 : vector<256x2048xf32>
    %mul3A_32 = arith.mulf %add3A_18, %mul3A_31 : vector<256x2048xf32>
    %get3A_33 = arith.constant 0 : index
    %get3A_34 = arith.constant 0 : index
    %get3A_35 = vector.load %arg6[%get3A_33, %get3A_34] : memref<2048x1024xf32, #tpu.memory_space<vmem>>, vector<2048x1024xf32>
    %dot_general3A_36 = arith.constant dense<0.000000e+00> : vector<256x1024xf32>
    %dot_general3A_37 = tpu.matmul %mul3A_32, %get3A_35, %dot_general3A_36 {dimension_numbers = #tpu.dot_dimension_numbers<[1], [0], [0], [1], [0, 0, 1, 1], [], []>, transpose_lhs_hint = false} : vector<256x2048xf32>, vector<2048x1024xf32>, vector<256x1024xf32> -> vector<256x1024xf32>
    %get3A_38 = arith.constant 0 : index
    %get3A_39 = arith.constant 0 : index
    %get3A_40 = vector.load %arg7[%get3A_38, %get3A_39] : memref<1x1024xf32, #tpu.memory_space<vmem>>, vector<1x1024xf32>
    %add3A_41 = vector.broadcast %get3A_40 : vector<1x1024xf32> to vector<256x1024xf32>
    %add3A_42 = arith.addf %dot_general3A_37, %add3A_41 : vector<256x1024xf32>
    %swap3A = arith.constant 0 : index
    %swap3A_43 = arith.constant 0 : index
    %swap3A_44 = vector.load %arg8[%swap3A, %swap3A_43] : memref<256x1024xf32, #tpu.memory_space<vmem>>, vector<256x1024xf32>
    tpu.vector_store %arg8[%swap3A, %swap3A_43], %add3A_42 {strides = array<i32>} : memref<256x1024xf32, #tpu.memory_space<vmem>>, vector<256x1024xf32>,
    return
  }
  func.func @transform_0(%arg0: i32) -> (i32, i32) {
    %c0_i32 = arith.constant 0 : i32
    %c0_i32_0 = arith.constant 0 : i32
    return %arg0, %c0_i32 : i32, i32
  }
  func.func @transform_1(%arg0: i32) -> (i32, i32) {
    %c0_i32 = arith.constant 0 : i32
    %c0_i32_0 = arith.constant 0 : i32
    return %arg0, %c0_i32 : i32, i32
  }
  func.func @transform_2(%arg0: i32) -> (i32, i32) {
    %c0_i32 = arith.constant 0 : i32
    %c0_i32_0 = arith.constant 0 : i32
    %c0_i32_1 = arith.constant 0 : i32
    return %c0_i32, %c0_i32_0 : i32, i32
  }
  func.func @transform_3(%arg0: i32) -> (i32, i32) {
    %c0_i32 = arith.constant 0 : i32
    %c0_i32_0 = arith.constant 0 : i32
    %c0_i32_1 = arith.constant 0 : i32
    return %c0_i32, %c0_i32_0 : i32, i32
  }
  func.func @transform_4(%arg0: i32) -> (i32, i32) {
    %c0_i32 = arith.constant 0 : i32
    %c0_i32_0 = arith.constant 0 : i32
    %c0_i32_1 = arith.constant 0 : i32
    return %c0_i32, %c0_i32_0 : i32, i32
  }
  func.func @transform_5(%arg0: i32) -> (i32, i32) {
    %c0_i32 = arith.constant 0 : i32
    %c0_i32_0 = arith.constant 0 : i32
    %c0_i32_1 = arith.constant 0 : i32
    return %c0_i32, %c0_i32_0 : i32, i32
  }
  func.func @transform_6(%arg0: i32) -> (i32, i32) {
    %c0_i32 = arith.constant 0 : i32
    %c0_i32_0 = arith.constant 0 : i32
    %c0_i32_1 = arith.constant 0 : i32
    return %c0_i32, %c0_i32_0 : i32, i32
  }
  func.func @transform_7(%arg0: i32) -> (i32, i32) {
    %c0_i32 = arith.constant 0 : i32
    %c0_i32_0 = arith.constant 0 : i32
    return %arg0, %c0_i32 : i32, i32
  }
}

module attributes {stable_mosaic.version = 14 : i64} {
  func.func @_combine_body(%arg0: i32, %arg1: memref<256x1024xf32, #tpu.memory_space<vmem>>, %arg2: memref<1x256x1xf32, #tpu.memory_space<vmem>>, %arg3: memref<256x1024xf32, #tpu.memory_space<vmem>>, %arg4: memref<256x1024xf32, #tpu.memory_space<vmem>>, %arg5: memref<256x1024xf32, #tpu.memory_space<vmem>>) attributes {dimension_semantics = [#tpu.dimension_semantics<arbitrary>], iteration_bounds = array<i64: 16>, scalar_prefetch = 0 : i64, scratch_operands = 0 : i64, tpu.core_type = #tpu.core_type<tc>, window_params = [{transform_indices = @transform_0, window_bounds = array<i64: 256, 1024>}, {transform_indices = @transform_1, window_bounds = array<i64: 1, 256, 1>}, {transform_indices = @transform_2, window_bounds = array<i64: 256, 1024>}, {transform_indices = @transform_3, window_bounds = array<i64: 256, 1024>}, {transform_indices = @transform_4, window_bounds = array<i64: 256, 1024>}]} {
    %get3A = arith.constant 0 : index
    %get3A_0 = arith.constant 0 : index
    %get3A_1 = arith.constant 0 : index
    %get3A_2 = vector.load %arg2[%get3A, %get3A_0, %get3A_1] : memref<1x256x1xf32, #tpu.memory_space<vmem>>, vector<1x256x1xf32>
    %get3A_3 = vector.shape_cast %get3A_2 : vector<1x256x1xf32> to vector<256x1xf32>
    %get3A_4 = arith.constant 0 : index
    %get3A_5 = arith.constant 0 : index
    %get3A_6 = vector.load %arg1[%get3A_4, %get3A_5] : memref<256x1024xf32, #tpu.memory_space<vmem>>, vector<256x1024xf32>
    %get3A_7 = arith.constant 0 : index
    %get3A_8 = arith.constant 0 : index
    %get3A_9 = vector.load %arg3[%get3A_7, %get3A_8] : memref<256x1024xf32, #tpu.memory_space<vmem>>, vector<256x1024xf32>
    %get3A_10 = arith.constant 0 : index
    %get3A_11 = arith.constant 0 : index
    %get3A_12 = vector.load %arg4[%get3A_10, %get3A_11] : memref<256x1024xf32, #tpu.memory_space<vmem>>, vector<256x1024xf32>
    %add3A = arith.addf %get3A_9, %get3A_12 : vector<256x1024xf32>
    %mul3A = arith.constant 2.000000e+00 : f32
    %mul3A_13 = vector.broadcast %mul3A : f32 to vector<256x1024xf32>
    %mul3A_14 = arith.mulf %mul3A_13, %add3A : vector<256x1024xf32>
    %add3A_15 = arith.addf %get3A_6, %mul3A_14 : vector<256x1024xf32>
    %mul3A_16 = vector.broadcast %get3A_3 : vector<256x1xf32> to vector<256x1024xf32>
    %mul3A_17 = arith.mulf %mul3A_16, %add3A_15 : vector<256x1024xf32>
    %div3A = arith.constant 3.000000e+00 : f32
    %div3A_18 = vector.broadcast %div3A : f32 to vector<256x1024xf32>
    %div3A_19 = arith.divf %mul3A_17, %div3A_18 : vector<256x1024xf32>
    %swap3A = arith.constant 0 : index
    %swap3A_20 = arith.constant 0 : index
    %swap3A_21 = vector.load %arg5[%swap3A, %swap3A_20] : memref<256x1024xf32, #tpu.memory_space<vmem>>, vector<256x1024xf32>
    tpu.vector_store %arg5[%swap3A, %swap3A_20], %div3A_19 {strides = array<i32>} : memref<256x1024xf32, #tpu.memory_space<vmem>>, vector<256x1024xf32>,
    return
  }
  func.func @transform_0(%arg0: i32) -> (i32, i32) {
    %c0_i32 = arith.constant 0 : i32
    %c0_i32_0 = arith.constant 0 : i32
    return %arg0, %c0_i32 : i32, i32
  }
  func.func @transform_1(%arg0: i32) -> (i32, i32, i32) {
    %c0_i32 = arith.constant 0 : i32
    %c0_i32_0 = arith.constant 0 : i32
    %c0_i32_1 = arith.constant 0 : i32
    return %arg0, %c0_i32, %c0_i32_0 : i32, i32, i32
  }
  func.func @transform_2(%arg0: i32) -> (i32, i32) {
    %c0_i32 = arith.constant 0 : i32
    %c0_i32_0 = arith.constant 0 : i32
    return %arg0, %c0_i32 : i32, i32
  }
  func.func @transform_3(%arg0: i32) -> (i32, i32) {
    %c0_i32 = arith.constant 0 : i32
    %c0_i32_0 = arith.constant 0 : i32
    return %arg0, %c0_i32 : i32, i32
  }
  func.func @transform_4(%arg0: i32) -> (i32, i32) {
    %c0_i32 = arith.constant 0 : i32
    %c0_i32_0 = arith.constant 0 : i32
    return %arg0, %c0_i32 : i32, i32
  }
}

</mosaic_0001>

<sc_bundles>
// kernel: kernel.15.cloned.1.call-start
scs
__scs_entry_jumppad:
0x0: {  	(pc) =	sbr.rel $0x88, $3  }
0x1: {  	(tag) =	ssettag $0x0;
	lr =	simm.s32 $0x1  }
0x2: {  	[smem:$0x3F93] =	sst lr;
	_ =	strace $0xD0000000  }
0x3: {  	_ = 	snop  }
0x4: {  	_ = 	snop  }
0x5: {  	_ = 	snop  }
0x6: {  	_ = 	snop  }
0x7: {  	_ = 	snop  }
__scs_overlays_trampoline_lowered:
0x8: {  	[smem:$0x3FA2] =	sst s0  }
0x9: {  	[smem:$0x3FA3] =	sst s1  }
0xa: {  	[smem:$0x3FA4] =	sst s2  }
0xb: {  	[smem:$0x3FA5] =	sst s3  }
0xc: {  	[smem:$0x3FA6] =	sst s4  }
0xd: {  	[smem:$0x3FA7] =	sst s5  }
0xe: {  	[smem:$0x3FA8] =	sst s6  }
0xf: {  	[smem:$0x3FA9] =	sst s7  }
0x10: {  	[smem:$0x3FAA] =	sst s8  }
0x11: {  	[smem:$0x3FAB] =	sst s9;
	s0 =	simm.s32 @!p0 $0x0  }
0x12: {  	s1 =	sld [smem:$0x3F91];
	s0 =	simm.s32 @p0 $0x1  }
0x13: {  	[smem:$0x3FAC] =	sst s0;
	s0 =	simm.s32 @!p1 $0x0  }
0x14: {  	s2 =	sld [smem:$0x3F90];
	s0 =	simm.s32 @p1 $0x1  }
0x15: {  	[smem:$0x3FAD] =	sst s0;
	s0 =	simm.s32 @!p2 $0x0  }
0x16: {  	s3 =	sld [smem:$0x3FDB];
	s0 =	simm.s32 @p2 $0x1  }
0x17: {  	s4 =	simm.s32 $0x1BF5;
	[smem:$0x3FAF] =	sst s0  }
0x18: {  	s0 =	sld [smem:$0x3F92];
	_ =	swait.ge [sflag:s4], $0x0  }
0x19: {  	s7 =	sld [smem:$0x3F93]  }
0x1a: {  	s8 =	sadd.s32 $0xFFFFE003, lr  }
0x1b: {  	s9 =	sadd.s32 $0xFFFFFEF7, lr;
	s5 =	simm.s32 $0xFFFFFFFF;
	p2 =	slt.u32 s8, $0xFFFFF086  }
0x1c: {  	p1 =	slt.u32 s9, $0xF7A;
	s5 =	simm.s32 @!p2 $0x0  }
0x1d: {  	s5 =	simm.s32 @p1 $0x1;
	p0 =	seq.s32 s7, s2  }
0x1e: {  	s7 =	smul.u32 @!p0 $0xF7A, s2;
	p2 =	seq.s32 @!p0 s5, $0x0  }
0x1f: {  	s9 =	smul.u32 $0xF7A, s1;
	s8 =	simm.s32 @!p0 $0x1BF5;
	p2 =	por !p2, p0  }
0x20: {  	[sflag:s8] =	ssyncset.s32 @!p0 $0xFFFFF086;
	s6 =	sadd.s32 @!p0 s3, s7;
	s7 =	simm.s32 @!p0 $0x108  }
0x21: {  	s3 =	sadd.s32 s3, s9;
	s6 =	sadd.s32 @!p0 $0x88, s6;
	s7 =	simm.s32 @p2 $0x1082  }
0x22: {  	[simem:s7], [sflag:s8] =	dma.local @!p0 [hbm:s6], $0xF7A  }
0x23: {  	s9 =	sor.u32 $0xD0000000, s2;
	s6 =	simm.s32 $0x108;
	_ =	swait.ge @!p0 [sflag:s8], $0x0  }
0x24: {  	s3 =	sadd.s32 $0x88, s3;
	s6 =	simm.s32 @!p1 $0x1082;
	[sflag:s4] =	ssyncset.s32 $0xFFFFF086  }
0x25: {  	[simem:s6], [sflag:s4] =	dma.local [hbm:s3], $0xF7A  }
0x26: {  	[smem:$0x3F93] =	sst s1;
	(tag) =	ssettag s2;
	_ =	strace s9  }
0x27: {  	s1 =	sld [smem:$0x3FA3]  }
0x28: {  	s2 =	sld [smem:$0x3FA4]  }
0x29: {  	s4 =	sld [smem:$0x3FA6]  }
0x2a: {  	p0 =	seq.s32 s5, $0x0;
	s5 =	sld [smem:$0x3FA7]  }
0x2b: {  	s6 =	sld [smem:$0x3FA8]  }
0x2c: {  	s7 =	sld [smem:$0x3FA9]  }
0x2d: {  	s3 =	simm.s32 $0x108;
	s8 =	sld [smem:$0x3FAA]  }
0x2e: {  	s3 =	simm.s32 @!p0 $0x1082;
	s9 =	sld [smem:$0x3FAB]  }
0x2f: {  	lr =	sadd.s32 s0, s3;
	s0 =	sld [smem:$0x3FA2]  }
0x30: {  	s3 =	sld [smem:$0x3FA5]  }
0x31: {  	[smem:$0x3FAE] =	sst s10  }
0x32: {  	s10 =	sld [smem:$0x3FAC];
	_ =	sdelay $0x3  }
0x33: {  	p0 =	seq.s32 s10, $0x1;
	s10 =	sld [smem:$0x3FAE];
	_ =	sdelay $0x3  }
0x34: {  	[smem:$0x3FAE] =	sst s10  }
0x35: {  	s10 =	sld [smem:$0x3FAD];
	_ =	sdelay $0x3  }
0x36: {  	p1 =	seq.s32 s10, $0x1;
	s10 =	sld [smem:$0x3FAE];
	_ =	sdelay $0x3  }
0x37: {  	[smem:$0x3FAE] =	sst s10  }
0x38: {  	s10 =	sld [smem:$0x3FAF]  }
0x39: {  	_ = 	snop;
	(pc) =	sbr.ind lr, $3  }
0x3a: {  	_ = 	snop  }
0x3b: {  	_ = 	snop  }
0x3c: {  	p2 =	seq.s32 s10, $0x1;
	s10 =	sld [smem:$0x3FAE]  }
0x3d: {  	_ =	shalt  }
0x3e: {  	_ =	shalt  }
0x3f: {  	_ =	shalt  }
0x40: {  	_ =	shalt  }
0x41: {  	_ =	shalt  }
0x42: {  	_ =	shalt  }
0x43: {  	_ =	shalt  }
0x44: {  	_ =	shalt  }
0x45: {  	_ =	shalt  }
0x46: {  	_ =	shalt  }
0x47: {  	_ =	shalt  }
0x48: {  	_ =	shalt  }
0x49: {  	_ =	shalt  }
0x4a: {  	_ =	shalt  }
0x4b: {  	_ =	shalt  }
0x4c: {  	_ =	shalt  }
0x4d: {  	_ =	shalt  }
0x4e: {  	_ =	shalt  }
0x4f: {  	_ =	shalt  }
0x50: {  	_ =	shalt  }
0x51: {  	_ =	shalt  }
0x52: {  	_ =	shalt  }
0x53: {  	_ =	shalt  }
0x54: {  	_ =	shalt  }
0x55: {  	_ =	shalt  }
0x56: {  	_ =	shalt  }
0x57: {  	_ =	shalt  }
0x58: {  	_ =	shalt  }
0x59: {  	_ =	shalt  }
0x5a: {  	_ =	shalt  }
0x5b: {  	_ =	shalt  }
0x5c: {  	_ =	shalt  }
0x5d: {  	_ =	shalt  }
0x5e: {  	_ =	shalt  }
0x5f: {  	_ =	shalt  }
0x60: {  	_ =	shalt  }
0x61: {  	_ =	shalt  }
0x62: {  	_ =	shalt  }
0x63: {  	_ =	shalt  }
0x64: {  	_ =	shalt  }
0x65: {  	_ =	shalt  }
0x66: {  	_ =	shalt  }
0x67: {  	_ =	shalt  }
0x68: {  	_ =	shalt  }
0x69: {  	_ =	shalt  }
0x6a: {  	_ =	shalt  }
0x6b: {  	_ =	shalt  }
0x6c: {  	_ =	shalt  }
0x6d: {  	_ =	shalt  }
0x6e: {  	_ =	shalt  }
0x6f: {  	_ =	shalt  }
0x70: {  	_ =	shalt  }
0x71: {  	_ =	shalt  }
0x72: {  	_ =	shalt  }
0x73: {  	_ =	shalt  }
0x74: {  	_ =	shalt  }
0x75: {  	_ =	shalt  }
0x76: {  	_ =	shalt  }
0x77: {  	_ =	shalt  }
0x78: {  	_ =	shalt  }
0x79: {  	_ =	shalt  }
0x7a: {  	_ =	shalt  }
0x7b: {  	_ =	shalt  }
0x7c: {  	_ =	shalt  }
0x7d: {  	_ =	shalt  }
0x7e: {  	_ =	shalt  }
0x7f: {  	_ =	shalt  }
0x80: {  	_ =	shalt  }
0x81: {  	_ =	shalt  }
0x82: {  	_ =	shalt  }
0x83: {  	_ =	shalt  }
0x84: {  	_ =	shalt  }
0x85: {  	_ =	shalt  }
0x86: {  	_ =	shalt  }
0x87: {  	_ =	shalt  }
.Lfunc_end0:
.L_simem_size_0:
called_computation_lowered:
.L_overlay_start_0:
0x88: {  	s2 =	sld [smem:$0x3FD9]  }
0x89: {  	s3 =	sld [smem:$0x3FFE];
	_ =	sdelay $0x1  }
0x8a: {  	s1 =	srdreg.scid  }
0x8b: {  	s0 =	sand.u32 $0x1, s1  }
0x8c: {  	s17 =	sshll.u32 s0, $0xA;
	s2 =	sadd.s32 s3, s2  }
0x8d: {  	s2 =	sadd.s32 s2, s17  }
0x8e: {  	[smem:$0x3FBA] =	sst s2  }
0x8f: {  	_ = 	snop  }
0x90: {  	s2 =	sld [smem:$0x3FD0];
	(tm) =	ssettm $0x1  }
0x91: {  	s18 =	sld [smem:$0x3FFB];
	_ =	sdelay $0x3  }
0x92: {  	_ =	strace s18  }
0x93: {  	s3 =	sld [smem:$0x3FFC];
	_ =	sdelay $0x3  }
0x94: {  	_ =	strace s3  }
0x95: {  	s3 =	sld [smem:$0x3FFD];
	_ =	sdelay $0x3  }
0x96: {  	_ =	strace s3  }
0x97: {  	_ =	strace $0x8FFFFFFF  }
0x98: {  	s19 =	sld [smem:$0x3FDB];
	_ =	sdelay $0x1  }
0x99: {  	s4 =	simm.s32 $_scs_section_size  }
0x9a: {  	s5 =	simm.s32 $_size__tile_overlayer_lowered;
	s6 =	simm.s32 $_tile_overlayer_lowered  }
0x9b: {  	s22 =	simm.s32 $0x1BFF;
	s21 =	sshll.u32 s6, $0x1;
	s3 =	sadd.s32 s4, s19  }
0x9c: {  	s7 =	simm.s32 $0x0;
	s20 =	sshll.u32 s5, $0x1;
	s5 =	sadd.s32 s21, s3  }
0x9d: {  	[timem:s7], [sflag:s22] =	dma.local [hbm:s5], s20  }
0x9e: {  	_ =	swait.ge [sflag:s22], s20  }
0x9f: {  	s4 =	ssub.s32 $0x0, s20;
	[sflag:s22] =	ssyncset.done $0x0  }
0xa0: {  	[sflag:s22] =	ssyncadd.s32 s4;
	_ =	sdelay $0x1  }
0xa1: {  	s23 =	simm.s32 $0x1B8B  }
0xa2: {  	_ =	swait.ge [sflag:s23], $0x1  }
0xa3: {  	[sflag:s23] =	ssyncset.done $0x0  }
0xa4: {  	s25 =	simm.s32 $0x1B8E;
	s24 =	sld [smem:$0x3FFE];
	[sflag:s23] =	ssyncadd.s32 $0xFFFFFFFF  }
0xa5: {  	s26 =	simm.s32 $execute0_lowered;
	[smem:$0x3FD2] =	sst s25  }
0xa6: {  	s5 =	sshll.u32 s26, $0x1;
	_ =	strace $0x80000046;
	[dreg:$0x1] =	wrdreg $0xFFFFFFFF  }
0xa7: {  	s28 =	simm.s32 $_size_execute0_lowered;
	s3 =	sadd.s32 s3, s5;
	[dreg:$0x0] =	wrdreg $0x0  }
0xa8: {  	s5 =	sshll.u32 s28, $0x1;
	[dreg:$0x2] =	wrdreg s3  }
0xa9: {  	[dreg:$0x3] =	wrdreg s5  }
0xaa: {  	[dreg:$0x4] =	wrdreg $0xC0  }
0xab: {  	_ =	task [dreg:s7], $0x5FFFF  }
0xac: {  	[dreg:$0x1] =	wrdreg $0xFFFFFFFF  }
0xad: {  	[dreg:$0x0] =	wrdreg $0x60  }
0xae: {  	[dreg:$0x2] =	wrdreg s24  }
0xaf: {  	[dreg:$0x3] =	wrdreg s2  }
0xb0: {  	[dreg:$0x4] =	wrdreg $0x9  }
0xb1: {  	_ =	task.clear_ibuf [dreg:s7], $0x5FFFF;
	_ =	strace $0x90000046  }
0xb2: {  	s29 =	simm.s32 $0x9;
	_ =	strace $0x80000048  }
0xb3: {  	_ =	swait.ge [sflag:s29], $0x1  }
0xb4: {  	[sflag:s29] =	ssyncadd.s32 $0xFFFFFFFF  }
0xb5: {  	_ =	strace $0x90000048  }
0xb6: {  	_ =	sfence  }
0xb7: {  	s30 =	sld [smem:$0x0];
	_ =	sdelay $0x2  }
0xb8: {  	s31 =	sshll.u32 s1, $0xD;
	s1 =	sshrl.u32 s1, $0x2  }
0xb9: {  	s3 =	sand.u32 $0x4000, s31;
	s1 =	sadd.s32 s1, s30  }
0xba: {  	s0 =	sor.u32 s3, s0;
	s1 =	sshll.u32 s1, $0x11  }
0xbb: {  	s0 =	sor.u32 s1, s0  }
0xbc: {  	s0 =	sadd.s32 $0x8F2B, s0  }
0xbd: {  	[sflag:s0] =	ssyncadd.remote.s32 $0x1  }
0xbe: {  	_ =	sfence.sel $0xFFFF  }
0xbf: {  	[dreg:$0x0] =	wrdreg $0xFFFFFFFF;
	(pc) =	sbr.abs _section_cstart, $3  }
0xc0: {  	[dreg:$0x1] =	wrdreg $0xFFFFFFFF  }
0xc1: {  	_ =	task.clear_ibuf [dreg:s7], $0x2FFFF;
	_ =	strace $0x9FFFFFFF  }
0xc2: {  	(tm) =	ssettm $0x7FFFFFFF  }
0xc3: {  	_ =	shalt  }
tec
execute0_lowered:
.L_overlay_start_1:
0x0: {  	(tag) =	ssettag $0x1  }
0x1: {  	s0 =	srdreg.scid  }
0x2: {  	s4 =	sand.u32 $0x1, s0;
	s0 =	stileid.u32  }
0x3: {  	s3 =	sshll.u32 s0, $0x1;
	s5 =	ssub.s32 $0x0, s4  }
0x4: {  	p0 =	sne.s32 s3, s5  }
.Ltmp0:
0x5: {  	_ = 	snop;
	(pc) =	sbr.rel @p0 .LBB2_7-.Ltmp0, $4  }
0x6: {  	_ = 	snop  }
0x7: {  	s7 =	rddreg [dreg:$0x0]  }
0x8: {  	s2 =	rddreg [dreg:$0x1]  }
0x9: {  	s1 =	rddreg [dreg:$0x2];
	_ =	strace $0x80000047  }
0xa: {  	s3 =	sadd.s32 $0x2E00, s7;
	s8 =	ssub.s32 $0x2, s4  }
0xb: {  	s4 =	sadd.s32 $0x2C00, s7;
	s5 =	sadd.s32 $0x3000, s7;
	s6 =	sadd.s32 $0x3800, s7  }
0xc: {  	s7 =	sadd.s32 $0x3200, s7;
	s10 =	simm.s32 $0x1;
	s11 =	simm.s32 $0x1000  }
0xd: {  	s12 =	simm.s32 $0x2000;
	s13 =	simm.s32 $0x3000;
	s9 =	sshrl.u32 s8, $0x1  }
0xe: {  	s14 =	simm.s32 $0x4000;
	s15 =	simm.s32 $0x6900;
	s8 =	ssub.s32 s8, s9  }
0xf: {  	v0 =	vimm.s32 $0x0;
	v1 =	vimm.f32 $0.0e+00;
	v2 =	vlaneseq.u32;
	s16 =	simm.s32 $0x0;
	s9 =	simm.s32 $0x0;
	s8 =	smax.u32 s8, $0x1  }
.LBB2_2:
0x10: {  	[tilespmem:s9], [sflag:$0x1] =	stream.linear.gather [hbm4b:s3+s9], $0x1000, $0x38;
	[tilespmem:$0x9200] =	vst v63  }
0x11: {  	_ =	swait.ge [sflag:s10], $0x1000  }
0x12: {  	[sflag:s10] =	ssyncset.done $0x0  }
0x13: {  	[sflag:s10] =	ssyncadd.s32 $0xFFFFF000  }
0x14: {  	[tilespmem:s11], [sflag:$0x1] =	stream.linear.gather [hbm4b:s4+s9], $0x1000, $0x38;
	[tilespmem:$0x9200] =	vst v63  }
0x15: {  	_ =	swait.ge [sflag:s10], $0x1000  }
0x16: {  	[sflag:s10] =	ssyncset.done $0x0  }
0x17: {  	[sflag:s10] =	ssyncadd.s32 $0xFFFFF000  }
0x18: {  	[tilespmem:s12], [sflag:$0x1] =	stream.linear.gather [hbm4b:s5+s9], $0x1000, $0x38;
	[tilespmem:$0x9200] =	vst v63  }
0x19: {  	_ =	swait.ge [sflag:s10], $0x1000  }
0x1a: {  	[sflag:s10] =	ssyncset.done $0x0  }
0x1b: {  	[sflag:s10] =	ssyncadd.s32 $0xFFFFF000  }
0x1c: {  	[tilespmem:s13], [sflag:$0x1] =	stream.linear.gather [hbm4b:s2+s9], $0x1000, $0x38;
	[tilespmem:$0x9200] =	vst v63  }
0x1d: {  	_ =	swait.ge [sflag:s10], $0x1000  }
0x1e: {  	[sflag:s10] =	ssyncset.done $0x0  }
0x1f: {  	s17 =	simm.s32 $0x0;
	[sflag:s10] =	ssyncadd.s32 $0xFFFFF000  }
.LBB2_3:
0x20: {  	p0 =	sne.s32 s17, $0xA3C0  }
.Ltmp1:
0x21: {  	_ = 	snop;
	(pc) =	sbr.rel @p0 .LBB2_3-.Ltmp1, $4  }
0x22: {  	_ = 	snop  }
0x23: {  	s18 =	sshra.s32 s17, $0x2  }
0x24: {  	[tilespmem:s18+$0x4000] =	vst v0  }
0x25: {  	s17 =	sadd.s32 $0x40, s17;
	[tilespmem:s18+$0x6900] =	vst v1  }
0x26: {  	s17 =	simm.s32 $0x0;
	s18 =	simm.s32 $0x2000  }
0x27: {  	s19 =	simm.s32 $0x1000;
	s20 =	simm.s32 $0x3000;
	s21 =	simm.s32 $0x0  }
.LBB2_5:
0x28: {  	v3 =	vld [tilespmem:s17+$0x0];
	_ =	sdelay $0x4  }
0x29: {  	vm0 =	vlt.s32 v3, $0x2800;
	_ =	sdelay $0x4  }
0x2a: {  	v4 =	vor.u32 s21, v2  }
0x2b: {  	[tilespmem:v3+s14+$0x0] =	vst.idx.msk vm0, v4  }
0x2c: {  	v5 =	vld [tilespmem:s18+$0x0];
	_ =	sdelay $0x4  }
0x2d: {  	[tilespmem:v3+s15+$0x0] =	vst.idx.msk vm0, v5  }
0x2e: {  	v3 =	vld [tilespmem:s19+$0x0];
	_ =	sdelay $0x4  }
0x2f: {  	vm15 =	vlt.s32 v3, $0x2800;
	_ =	sdelay $0x5  }
0x30: {  	[tilespmem:v3+s14+$0x0] =	vst.idx.msk vm15, v4  }
0x31: {  	p0 =	sne.s32 s21, $0xFF0;
	v4 =	vld [tilespmem:s20+$0x0]  }
.Ltmp2:
0x32: {  	_ = 	snop;
	(pc) =	sbr.rel @p0 .LBB2_5-.Ltmp2, $3  }
0x33: {  	_ =	sdelay $0x1  }
0x34: {  	s17 =	sadd.s32 $0x10, s17;
	s21 =	sadd.s32 $0x10, s21  }
0x35: {  	s18 =	sadd.s32 $0x10, s18;
	s19 =	sadd.s32 $0x10, s19;
	s20 =	sadd.s32 $0x10, s20;
	[tilespmem:v3+s15+$0x0] =	vst.idx.msk vm15, v4  }
0x36: {  	[hbm4b:s6+s9] =	stream.linear.scatter [tilespmem:s14], [sflag:$0x1], $0x2900, $0x38;
	[tilespmem:$0x9200] =	vst v63  }
0x37: {  	s16 =	sadd.s32 $0x1, s16;
	_ =	swait.ge [sflag:s10], $0x2900  }
0x38: {  	p0 =	sne.s32 s16, s8;
	[sflag:s10] =	ssyncset.done $0x0  }
.Ltmp3:
0x39: {  	[sflag:s10] =	ssyncadd.s32 $0xFFFFD700;
	(pc) =	sbr.rel @p0 .LBB2_2-.Ltmp3, $4  }
0x3a: {  	[hbm4b:s7+s9] =	stream.linear.scatter [tilespmem:s15], [sflag:$0x1], $0x2900, $0x38;
	[tilespmem:$0x9200] =	vst v63  }
0x3b: {  	_ =	swait.ge [sflag:s10], $0x2900  }
0x3c: {  	[sflag:s10] =	ssyncset.done $0x0  }
0x3d: {  	[sflag:s10] =	ssyncadd.s32 $0xFFFFD700  }
.LBB2_7:
0x3e: {  	_ =	sfence.sel $0x180000  }
0x3f: {  	[bflag:$0x0] =	sbarrier.arrive $0xFFFF  }
0x40: {  	p0 =	sne.s32 s0, $0x0;
	_ =	strace $0x90000047  }
0x41: {  	s0 =	sadd.s32 @!p0 $0x100000, s1;
	[bflag:$0x2] =	sbarrier.arrive $0xFFFF  }
0x42: {  	[sflag:s0] =	ssyncadd.tile.s32 @!p0 $0x1;
	_ =	shalt  }
.Lfunc_end2:
_tile_overlayer_lowered:
.L_overlay_start_2:
0x43: {  	(tag) =	ssettag $0x2  }
0x44: {  	s0 =	rddreg [dreg:$0x0];
	s2 =	stileid.u32  }
0x45: {  	s1 =	rddreg [dreg:$0x1];
	p0 =	sne.s32 s2, $0x0  }
0x46: {  	s3 =	rddreg [dreg:$0x2];
	[bflag:$0x3] =	sbarrier.arrive $0xFFFF;
	s2 =	simm.s32 @!p0 $0x1C01  }
0x47: {  	[timem:s3], [sflag:s2] =	dma.local @!p0 [hbm:s0], s1  }
0x48: {  	s0 =	simm.s32 @!p0 $0x1  }
0x49: {  	_ =	swait.ge @!p0 [sflag:s0], s1  }
0x4a: {  	s1 =	ssub.s32 @!p0 $0x0, s1;
	[sflag:s0] =	ssyncset.done @!p0 $0x0  }
0x4b: {  	[sflag:s0] =	ssyncadd.s32 @!p0 s1  }
0x4c: {  	[bflag:$0x3] =	sbarrier.arrive $0xFFFF  }
0x4d: {  	_ =	shalt  }

// kernel: kernel.18.cloned.1.call-start
scs
__scs_entry_jumppad:
0x0: {  	(pc) =	sbr.rel $0x88, $3  }
0x1: {  	(tag) =	ssettag $0x0;
	lr =	simm.s32 $0x1  }
0x2: {  	[smem:$0x3F93] =	sst lr;
	_ =	strace $0xD0000000  }
0x3: {  	_ = 	snop  }
0x4: {  	_ = 	snop  }
0x5: {  	_ = 	snop  }
0x6: {  	_ = 	snop  }
0x7: {  	_ = 	snop  }
__scs_overlays_trampoline_lowered:
0x8: {  	[smem:$0x3FA2] =	sst s0  }
0x9: {  	[smem:$0x3FA3] =	sst s1  }
0xa: {  	[smem:$0x3FA4] =	sst s2  }
0xb: {  	[smem:$0x3FA5] =	sst s3  }
0xc: {  	[smem:$0x3FA6] =	sst s4  }
0xd: {  	[smem:$0x3FA7] =	sst s5  }
0xe: {  	[smem:$0x3FA8] =	sst s6  }
0xf: {  	[smem:$0x3FA9] =	sst s7  }
0x10: {  	[smem:$0x3FAA] =	sst s8  }
0x11: {  	[smem:$0x3FAB] =	sst s9;
	s0 =	simm.s32 @!p0 $0x0  }
0x12: {  	s1 =	sld [smem:$0x3F91];
	s0 =	simm.s32 @p0 $0x1  }
0x13: {  	[smem:$0x3FAC] =	sst s0;
	s0 =	simm.s32 @!p1 $0x0  }
0x14: {  	s2 =	sld [smem:$0x3F90];
	s0 =	simm.s32 @p1 $0x1  }
0x15: {  	[smem:$0x3FAD] =	sst s0;
	s0 =	simm.s32 @!p2 $0x0  }
0x16: {  	s3 =	sld [smem:$0x3FDB];
	s0 =	simm.s32 @p2 $0x1  }
0x17: {  	s4 =	simm.s32 $0x1BF5;
	[smem:$0x3FAF] =	sst s0  }
0x18: {  	s0 =	sld [smem:$0x3F92];
	_ =	swait.ge [sflag:s4], $0x0  }
0x19: {  	s7 =	sld [smem:$0x3F93]  }
0x1a: {  	s8 =	sadd.s32 $0xFFFFE003, lr  }
0x1b: {  	s9 =	sadd.s32 $0xFFFFFEF7, lr;
	s5 =	simm.s32 $0xFFFFFFFF;
	p2 =	slt.u32 s8, $0xFFFFF086  }
0x1c: {  	p1 =	slt.u32 s9, $0xF7A;
	s5 =	simm.s32 @!p2 $0x0  }
0x1d: {  	s5 =	simm.s32 @p1 $0x1;
	p0 =	seq.s32 s7, s2  }
0x1e: {  	s7 =	smul.u32 @!p0 $0xF7A, s2;
	p2 =	seq.s32 @!p0 s5, $0x0  }
0x1f: {  	s9 =	smul.u32 $0xF7A, s1;
	s8 =	simm.s32 @!p0 $0x1BF5;
	p2 =	por !p2, p0  }
0x20: {  	[sflag:s8] =	ssyncset.s32 @!p0 $0xFFFFF086;
	s6 =	sadd.s32 @!p0 s3, s7;
	s7 =	simm.s32 @!p0 $0x108  }
0x21: {  	s3 =	sadd.s32 s3, s9;
	s6 =	sadd.s32 @!p0 $0x88, s6;
	s7 =	simm.s32 @p2 $0x1082  }
0x22: {  	[simem:s7], [sflag:s8] =	dma.local @!p0 [hbm:s6], $0xF7A  }
0x23: {  	s9 =	sor.u32 $0xD0000000, s2;
	s6 =	simm.s32 $0x108;
	_ =	swait.ge @!p0 [sflag:s8], $0x0  }
0x24: {  	s3 =	sadd.s32 $0x88, s3;
	s6 =	simm.s32 @!p1 $0x1082;
	[sflag:s4] =	ssyncset.s32 $0xFFFFF086  }
0x25: {  	[simem:s6], [sflag:s4] =	dma.local [hbm:s3], $0xF7A  }
0x26: {  	[smem:$0x3F93] =	sst s1;
	(tag) =	ssettag s2;
	_ =	strace s9  }
0x27: {  	s1 =	sld [smem:$0x3FA3]  }
0x28: {  	s2 =	sld [smem:$0x3FA4]  }
0x29: {  	s4 =	sld [smem:$0x3FA6]  }
0x2a: {  	p0 =	seq.s32 s5, $0x0;
	s5 =	sld [smem:$0x3FA7]  }
0x2b: {  	s6 =	sld [smem:$0x3FA8]  }
0x2c: {  	s7 =	sld [smem:$0x3FA9]  }
0x2d: {  	s3 =	simm.s32 $0x108;
	s8 =	sld [smem:$0x3FAA]  }
0x2e: {  	s3 =	simm.s32 @!p0 $0x1082;
	s9 =	sld [smem:$0x3FAB]  }
0x2f: {  	lr =	sadd.s32 s0, s3;
	s0 =	sld [smem:$0x3FA2]  }
0x30: {  	s3 =	sld [smem:$0x3FA5]  }
0x31: {  	[smem:$0x3FAE] =	sst s10  }
0x32: {  	s10 =	sld [smem:$0x3FAC];
	_ =	sdelay $0x3  }
0x33: {  	p0 =	seq.s32 s10, $0x1;
	s10 =	sld [smem:$0x3FAE];
	_ =	sdelay $0x3  }
0x34: {  	[smem:$0x3FAE] =	sst s10  }
0x35: {  	s10 =	sld [smem:$0x3FAD];
	_ =	sdelay $0x3  }
0x36: {  	p1 =	seq.s32 s10, $0x1;
	s10 =	sld [smem:$0x3FAE];
	_ =	sdelay $0x3  }
0x37: {  	[smem:$0x3FAE] =	sst s10  }
0x38: {  	s10 =	sld [smem:$0x3FAF]  }
0x39: {  	_ = 	snop;
	(pc) =	sbr.ind lr, $3  }
0x3a: {  	_ = 	snop  }
0x3b: {  	_ = 	snop  }
0x3c: {  	p2 =	seq.s32 s10, $0x1;
	s10 =	sld [smem:$0x3FAE]  }
0x3d: {  	_ =	shalt  }
0x3e: {  	_ =	shalt  }
0x3f: {  	_ =	shalt  }
0x40: {  	_ =	shalt  }
0x41: {  	_ =	shalt  }
0x42: {  	_ =	shalt  }
0x43: {  	_ =	shalt  }
0x44: {  	_ =	shalt  }
0x45: {  	_ =	shalt  }
0x46: {  	_ =	shalt  }
0x47: {  	_ =	shalt  }
0x48: {  	_ =	shalt  }
0x49: {  	_ =	shalt  }
0x4a: {  	_ =	shalt  }
0x4b: {  	_ =	shalt  }
0x4c: {  	_ =	shalt  }
0x4d: {  	_ =	shalt  }
0x4e: {  	_ =	shalt  }
0x4f: {  	_ =	shalt  }
0x50: {  	_ =	shalt  }
0x51: {  	_ =	shalt  }
0x52: {  	_ =	shalt  }
0x53: {  	_ =	shalt  }
0x54: {  	_ =	shalt  }
0x55: {  	_ =	shalt  }
0x56: {  	_ =	shalt  }
0x57: {  	_ =	shalt  }
0x58: {  	_ =	shalt  }
0x59: {  	_ =	shalt  }
0x5a: {  	_ =	shalt  }
0x5b: {  	_ =	shalt  }
0x5c: {  	_ =	shalt  }
0x5d: {  	_ =	shalt  }
0x5e: {  	_ =	shalt  }
0x5f: {  	_ =	shalt  }
0x60: {  	_ =	shalt  }
0x61: {  	_ =	shalt  }
0x62: {  	_ =	shalt  }
0x63: {  	_ =	shalt  }
0x64: {  	_ =	shalt  }
0x65: {  	_ =	shalt  }
0x66: {  	_ =	shalt  }
0x67: {  	_ =	shalt  }
0x68: {  	_ =	shalt  }
0x69: {  	_ =	shalt  }
0x6a: {  	_ =	shalt  }
0x6b: {  	_ =	shalt  }
0x6c: {  	_ =	shalt  }
0x6d: {  	_ =	shalt  }
0x6e: {  	_ =	shalt  }
0x6f: {  	_ =	shalt  }
0x70: {  	_ =	shalt  }
0x71: {  	_ =	shalt  }
0x72: {  	_ =	shalt  }
0x73: {  	_ =	shalt  }
0x74: {  	_ =	shalt  }
0x75: {  	_ =	shalt  }
0x76: {  	_ =	shalt  }
0x77: {  	_ =	shalt  }
0x78: {  	_ =	shalt  }
0x79: {  	_ =	shalt  }
0x7a: {  	_ =	shalt  }
0x7b: {  	_ =	shalt  }
0x7c: {  	_ =	shalt  }
0x7d: {  	_ =	shalt  }
0x7e: {  	_ =	shalt  }
0x7f: {  	_ =	shalt  }
0x80: {  	_ =	shalt  }
0x81: {  	_ =	shalt  }
0x82: {  	_ =	shalt  }
0x83: {  	_ =	shalt  }
0x84: {  	_ =	shalt  }
0x85: {  	_ =	shalt  }
0x86: {  	_ =	shalt  }
0x87: {  	_ =	shalt  }
.Lfunc_end0:
.L_simem_size_0:
called_computation.1_lowered:
.L_overlay_start_0:
0x88: {  	s2 =	sld [smem:$0x3FD9]  }
0x89: {  	s3 =	sld [smem:$0x3FFE];
	_ =	sdelay $0x1  }
0x8a: {  	s1 =	srdreg.scid  }
0x8b: {  	s0 =	sand.u32 $0x1, s1  }
0x8c: {  	s17 =	sshll.u32 s0, $0xA;
	s2 =	sadd.s32 s3, s2  }
0x8d: {  	s2 =	sadd.s32 s2, s17  }
0x8e: {  	[smem:$0x3FBA] =	sst s2  }
0x8f: {  	_ = 	snop  }
0x90: {  	s2 =	sld [smem:$0x3FC9]  }
0x91: {  	s18 =	sld [smem:$0x3FC8];
	(tm) =	ssettm $0x1  }
0x92: {  	s4 =	sld [smem:$0x3FFB];
	_ =	sdelay $0x3  }
0x93: {  	_ =	strace s4  }
0x94: {  	s4 =	sld [smem:$0x3FFC];
	_ =	sdelay $0x3  }
0x95: {  	_ =	strace s4  }
0x96: {  	s4 =	sld [smem:$0x3FFD];
	_ =	sdelay $0x3  }
0x97: {  	_ =	strace s4  }
0x98: {  	_ =	strace $0x8FFFFFFF  }
0x99: {  	s19 =	sld [smem:$0x3FDB];
	_ =	sdelay $0x1  }
0x9a: {  	s5 =	simm.s32 $_scs_section_size  }
0x9b: {  	s6 =	simm.s32 $_size__tile_overlayer_lowered;
	s7 =	simm.s32 $_tile_overlayer_lowered  }
0x9c: {  	s22 =	simm.s32 $0x1BFF;
	s21 =	sshll.u32 s7, $0x1;
	s4 =	sadd.s32 s5, s19  }
0x9d: {  	s8 =	simm.s32 $0x0;
	s20 =	sshll.u32 s6, $0x1;
	s6 =	sadd.s32 s21, s4  }
0x9e: {  	[timem:s8], [sflag:s22] =	dma.local [hbm:s6], s20  }
0x9f: {  	_ =	swait.ge [sflag:s22], s20  }
0xa0: {  	s5 =	ssub.s32 $0x0, s20;
	[sflag:s22] =	ssyncset.done $0x0  }
0xa1: {  	[sflag:s22] =	ssyncadd.s32 s5;
	_ =	sdelay $0x1  }
0xa2: {  	s23 =	simm.s32 $0x1B8B  }
0xa3: {  	_ =	swait.ge [sflag:s23], $0x1  }
0xa4: {  	[sflag:s23] =	ssyncset.done $0x0  }
0xa5: {  	s25 =	simm.s32 $0x1B8E;
	s24 =	sld [smem:$0x3FFE];
	[sflag:s23] =	ssyncadd.s32 $0xFFFFFFFF  }
0xa6: {  	s26 =	simm.s32 $execute0_lowered;
	[smem:$0x3FD2] =	sst s25  }
0xa7: {  	s6 =	sshll.u32 s26, $0x1;
	_ =	strace $0x80000049;
	[dreg:$0x1] =	wrdreg $0xFFFFFFFF  }
0xa8: {  	s28 =	simm.s32 $_size_execute0_lowered;
	s4 =	sadd.s32 s4, s6;
	[dreg:$0x0] =	wrdreg $0x0  }
0xa9: {  	s6 =	sshll.u32 s28, $0x1;
	[dreg:$0x2] =	wrdreg s4  }
0xaa: {  	[dreg:$0x3] =	wrdreg s6  }
0xab: {  	[dreg:$0x4] =	wrdreg $0xC0  }
0xac: {  	_ =	task [dreg:s8], $0x5FFFF  }
0xad: {  	[dreg:$0x1] =	wrdreg $0xFFFFFFFF  }
0xae: {  	[dreg:$0x0] =	wrdreg $0x60  }
0xaf: {  	[dreg:$0x2] =	wrdreg s24  }
0xb0: {  	[dreg:$0x3] =	wrdreg s2  }
0xb1: {  	[dreg:$0x4] =	wrdreg s18  }
0xb2: {  	[dreg:$0x5] =	wrdreg $0x9  }
0xb3: {  	_ =	task.clear_ibuf [dreg:s8], $0x6FFFF;
	_ =	strace $0x90000049  }
0xb4: {  	s29 =	simm.s32 $0x9;
	_ =	strace $0x8000004B  }
0xb5: {  	_ =	swait.ge [sflag:s29], $0x1  }
0xb6: {  	[sflag:s29] =	ssyncadd.s32 $0xFFFFFFFF  }
0xb7: {  	_ =	strace $0x9000004B  }
0xb8: {  	_ =	sfence  }
0xb9: {  	s30 =	sld [smem:$0x0];
	_ =	sdelay $0x2  }
0xba: {  	s31 =	sshll.u32 s1, $0xD;
	s1 =	sshrl.u32 s1, $0x2  }
0xbb: {  	s3 =	sand.u32 $0x4000, s31;
	s1 =	sadd.s32 s1, s30  }
0xbc: {  	s0 =	sor.u32 s3, s0;
	s1 =	sshll.u32 s1, $0x11  }
0xbd: {  	s0 =	sor.u32 s1, s0  }
0xbe: {  	s0 =	sadd.s32 $0x8F2B, s0  }
0xbf: {  	[sflag:s0] =	ssyncadd.remote.s32 $0x1  }
0xc0: {  	_ =	sfence.sel $0xFFFF  }
0xc1: {  	[dreg:$0x0] =	wrdreg $0xFFFFFFFF;
	(pc) =	sbr.abs _section_cstart, $3  }
0xc2: {  	[dreg:$0x1] =	wrdreg $0xFFFFFFFF  }
0xc3: {  	_ =	task.clear_ibuf [dreg:s8], $0x2FFFF;
	_ =	strace $0x9FFFFFFF  }
0xc4: {  	(tm) =	ssettm $0x7FFFFFFF  }
0xc5: {  	_ =	shalt  }
tec
execute0_lowered:
.L_overlay_start_1:
0x0: {  	(tag) =	ssettag $0x1  }
0x1: {  	s0 =	srdreg.scid  }
0x2: {  	s2 =	stileid.u32;
	s1 =	rddreg [dreg:$0x0];
	s5 =	simm.s32 $0x0  }
0x3: {  	s18 =	simm.s32 $0x5;
	s19 =	simm.s32 $0x80;
	s15 =	simm.s32 $0xD880  }
0x4: {  	s29 =	simm.s32 $0x11880;
	s30 =	simm.s32 $0x6080;
	s31 =	simm.s32 $0x12080  }
0x5: {  	s20 =	simm.s32 $0x1;
	s21 =	simm.s32 $0x6;
	s22 =	simm.s32 $0x3  }
0x6: {  	s16 =	simm.s32 $0x2;
	s3 =	sshll.u32 s2, $0x1;
	s2 =	rddreg [dreg:$0x1]  }
0x7: {  	s17 =	simm.s32 $0x4;
	s0 =	sand.u32 $0x1, s0;
	[smem:$0x7FF] =	sst s5  }
0x8: {  	s28 =	simm.s32 $0x1880;
	s7 =	sor.u32 s0, s3;
	s3 =	rddreg [dreg:$0x2]  }
0x9: {  	_ =	strace $0x8000004A;
	s0 =	ssub.s32 $0x2, s0;
	s4 =	smul.u32 $0x50, s7  }
0xa: {  	s10 =	sadd.s32 $0x200, s2;
	s9 =	sshrl.u32 s0, $0x1;
	s11 =	smul.u32 $0x14000, s7  }
0xb: {  	s7 =	sadd.s32 $0x53E00, s1;
	s12 =	sadd.s32 $0x100, s3;
	s13 =	sadd.s32 $0x200, s3  }
0xc: {  	s14 =	sadd.s32 $0x300, s3;
	s0 =	ssub.s32 s0, s9;
	s9 =	sadd.s32 $0x100, s2  }
0xd: {  	s6 =	sshrl.u32 s4, $0x3;
	s25 =	sshrl.u32 s11, $0x3;
	s0 =	smax.u32 s0, $0x1  }
0xe: {  	s8 =	sadd.s32 s6, s1;
	s6 =	sadd.s32 $0x3E00, s1;
	s1 =	sadd.s32 $0x2400, s25  }
.Ltmp0:
0xf: {  	[dreg:$0x7] =	wrdreg s0;
	s24 =	sadd.s32 $0x3800, s8;
	(pc) =	sbr.rel .LBB2_1-.Ltmp0, $4  }
0x10: {  	s11 =	sadd.s32 $0x300, s2;
	s26 =	sadd.s32 s6, s1;
	[dreg:$0x4] =	wrdreg s24  }
0x11: {  	v2 =	vlaneseq.u32;
	s25 =	simm.s32 $0x1080;
	s1 =	sadd.s32 s7, s1;
	[dreg:$0x5] =	wrdreg s26  }
0x12: {  	vm0 =	vmmov $0xffff;
	v1 =	vshrl.u32 v2, $0x3;
	s0 =	simm.s32 $0xC880;
	s8 =	simm.s32 $0xD080;
	[dreg:$0x6] =	wrdreg s1  }
0x13: {  	v0 =	vand.u32 $0x7, v2;
	v2 =	vor.u32 $0x8, v2;
	v1 =	vmul.u32 $0x8, v1;
	s24 =	simm.s32 $0x880;
	s1 =	simm.s32 $0xC080;
	s26 =	simm.s32 $0x0  }
.LBB2_6:
0x14: {  	v3 =	vld.msk [tilespmem:$0x48], $0xff;
	_ =	sdelay $0x4  }
0x15: {  	v4 =	vshll.u32 v3, $0x3  }
0x16: {  	v3 =	vand.u32 $0x7, v3;
	v4 =	vand.u32 $0xFFFFFFC0, v4  }
0x17: {  	v3 =	vor.u32 v3, v4  }
0x18: {  	v3 =	vperm.xlane v3, v0;
	_ =	sdelay $0x1  }
0x19: {  	v3 =	vadd.s32 v1, v3;
	_ =	sdelay $0x4  }
0x1a: {  	[tilespmem:s19], [sflag:$0x1] =	stream.indirect_vreg.gather [hbm4b:s2+s5], $0x80, v3, vm0, $0xb8;
	[tilespmem:$0x18080] =	vst v63  }
0x1b: {  	s24 =	simm.s32 $0x880  }
0x1c: {  	[tilespmem:s24], [sflag:$0x1] =	stream.indirect_vreg.gather [hbm4b:s9+s5], $0x80, v3, vm0, $0xb8;
	[tilespmem:$0x18080] =	vst v63  }
0x1d: {  	s25 =	simm.s32 $0x1080  }
0x1e: {  	[tilespmem:s25], [sflag:$0x1] =	stream.indirect_vreg.gather [hbm4b:s10+s5], $0x80, v3, vm0, $0xb8;
	[tilespmem:$0x18080] =	vst v63  }
0x1f: {  	s23 =	simm.s32 $0x1880  }
0x20: {  	[tilespmem:s23], [sflag:$0x1] =	stream.indirect_vreg.gather [hbm4b:s11+s5], $0x80, v3, vm0, $0xb8;
	[tilespmem:$0x18080] =	vst v63  }
0x21: {  	v3 =	vld.msk [tilespmem:$0x48], $0xff;
	_ =	sdelay $0x4  }
0x22: {  	v63 =	vshll.u32 v3, $0x3  }
0x23: {  	v3 =	vand.u32 $0x7, v3;
	v4 =	vand.u32 $0xFFFFFFC0, v63  }
0x24: {  	v3 =	vor.u32 v3, v4  }
0x25: {  	v3 =	vperm.xlane v3, v0;
	_ =	sdelay $0x1  }
0x26: {  	v3 =	vadd.s32 v1, v3;
	_ =	sdelay $0x4  }
0x27: {  	[tilespmem:s1], [sflag:$0x3] =	stream.indirect_vreg.gather [hbm4b:s3+s5], $0x80, v3, vm0, $0xb8;
	[tilespmem:$0x18080] =	vst v63  }
0x28: {  	_ = 	snop  }
0x29: {  	[tilespmem:s0], [sflag:$0x3] =	stream.indirect_vreg.gather [hbm4b:s12+s5], $0x80, v3, vm0, $0xb8;
	[tilespmem:$0x18080] =	vst v63  }
0x2a: {  	_ = 	snop  }
0x2b: {  	[tilespmem:s8], [sflag:$0x3] =	stream.indirect_vreg.gather [hbm4b:s13+s5], $0x80, v3, vm0, $0xb8;
	[tilespmem:$0x18080] =	vst v63  }
0x2c: {  	_ = 	snop  }
0x2d: {  	[tilespmem:s15], [sflag:$0x3] =	stream.indirect_vreg.gather [hbm4b:s14+s5], $0x80, v3, vm0, $0xb8;
	[tilespmem:$0x18080] =	vst v63  }
0x2e: {  	_ =	swait.ge [sflag:s20], $0x2000  }
0x2f: {  	[sflag:s20] =	ssyncset.done $0x0  }
0x30: {  	s26 =	rddreg [dreg:$0x5];
	[sflag:s20] =	ssyncadd.s32 $0xFFFFE000  }
0x31: {  	[hbm4b:s26+s5] =	stream.linear.scatter [tilespmem:s19], [sflag:$0x5], $0x2000, $0x38;
	[tilespmem:$0x18080] =	vst v63  }
0x32: {  	_ =	swait.ge [sflag:s18], $0x2000  }
0x33: {  	[sflag:s18] =	ssyncset.done $0x0  }
0x34: {  	[sflag:s18] =	ssyncadd.s32 $0xFFFFE000  }
0x35: {  	_ =	swait.ge [sflag:s22], $0x2000  }
0x36: {  	[sflag:s22] =	ssyncset.done $0x0  }
0x37: {  	s26 =	rddreg [dreg:$0x6];
	[sflag:s22] =	ssyncadd.s32 $0xFFFFE000  }
0x38: {  	[hbm4b:s26+s5] =	stream.linear.scatter [tilespmem:s1], [sflag:$0x5], $0x2000, $0x38;
	[tilespmem:$0x18080] =	vst v63  }
0x39: {  	_ =	swait.ge [sflag:s18], $0x2000  }
0x3a: {  	s26 =	rddreg [dreg:$0x8]  }
0x3b: {  	s23 =	rddreg [dreg:$0x7];
	s26 =	sadd.s32 $0x1, s26  }
0x3c: {  	p0 =	sne.s32 s26, s23  }
.Ltmp1:
0x3d: {  	_ = 	snop;
	(pc) =	sbr.rel @!p0 .LBB2_7-.Ltmp1, $3  }
0x3e: {  	_ =	sdelay $0x1  }
0x3f: {  	[sflag:s18] =	ssyncset.done $0x0  }
0x40: {  	[sflag:s18] =	ssyncadd.s32 $0xFFFFE000  }
.LBB2_1:
0x41: {  	[dreg:$0x8] =	wrdreg s26  }
0x42: {  	s23 =	rddreg [dreg:$0x4]  }
0x43: {  	[tilespmem:s5], [sflag:$0x5] =	stream.linear.gather [hbm4b:s23+s5], $0x50, $0x38;
	[tilespmem:$0x18080] =	vst v63  }
0x44: {  	_ =	swait.ge [sflag:s18], $0x50  }
0x45: {  	[sflag:s18] =	ssyncset.done $0x0  }
0x46: {  	[sflag:s18] =	ssyncadd.s32 $0xFFFFFFB0  }
0x47: {  	v3 =	vld [tilespmem:$0x0];
	_ =	sdelay $0x4  }
0x48: {  	v4 =	vshll.u32 v3, $0x3  }
0x49: {  	v3 =	vand.u32 $0x7, v3;
	v4 =	vand.u32 $0xFFFFFFC0, v4  }
0x4a: {  	v3 =	vor.u32 v3, v4  }
0x4b: {  	v4 =	vperm.xlane v3, v0;
	_ =	sdelay $0x1  }
0x4c: {  	v4 =	vadd.s32 v1, v4;
	_ =	sdelay $0x4  }
0x4d: {  	[tilespmem:s19], [sflag:$0x1] =	stream.indirect_vreg.gather [hbm4b:s2+s5], $0x80, v4, vm0, $0xb8;
	[tilespmem:$0x18080] =	vst v63  }
0x4e: {  	v3 =	vperm.xlane v3, v2  }
0x4f: {  	[tilespmem:s24], [sflag:$0x1] =	stream.indirect_vreg.gather [hbm4b:s9+s5], $0x80, v4, vm0, $0xb8;
	[tilespmem:$0x18080] =	vst v63  }
0x50: {  	v3 =	vadd.s32 v1, v3  }
0x51: {  	[tilespmem:s25], [sflag:$0x1] =	stream.indirect_vreg.gather [hbm4b:s10+s5], $0x80, v4, vm0, $0xb8;
	[tilespmem:$0x18080] =	vst v63  }
0x52: {  	s26 =	simm.s32 $0x1880  }
0x53: {  	[tilespmem:s26], [sflag:$0x1] =	stream.indirect_vreg.gather [hbm4b:s11+s5], $0x80, v4, vm0, $0xb8;
	[tilespmem:$0x18080] =	vst v63  }
0x54: {  	s24 =	simm.s32 $0x2080  }
0x55: {  	[tilespmem:s24], [sflag:$0x1] =	stream.indirect_vreg.gather [hbm4b:s2+s5], $0x80, v3, vm0, $0xb8;
	[tilespmem:$0x18080] =	vst v63  }
0x56: {  	s25 =	simm.s32 $0x2880  }
0x57: {  	[tilespmem:s25], [sflag:$0x1] =	stream.indirect_vreg.gather [hbm4b:s9+s5], $0x80, v3, vm0, $0xb8;
	[tilespmem:$0x18080] =	vst v63  }
0x58: {  	s26 =	simm.s32 $0x3080  }
0x59: {  	[tilespmem:s26], [sflag:$0x1] =	stream.indirect_vreg.gather [hbm4b:s10+s5], $0x80, v3, vm0, $0xb8;
	[tilespmem:$0x18080] =	vst v63  }
0x5a: {  	s24 =	simm.s32 $0x3880  }
0x5b: {  	[tilespmem:s24], [sflag:$0x1] =	stream.indirect_vreg.gather [hbm4b:s11+s5], $0x80, v3, vm0, $0xb8;
	[tilespmem:$0x18080] =	vst v63  }
0x5c: {  	v3 =	vld.msk [tilespmem:$0x10], $0xff;
	_ =	sdelay $0x4  }
0x5d: {  	v61 =	vshll.u32 v3, $0x3  }
0x5e: {  	v3 =	vand.u32 $0x7, v3;
	v4 =	vand.u32 $0xFFFFFFC0, v61  }
0x5f: {  	v3 =	vor.u32 v3, v4  }
0x60: {  	v3 =	vperm.xlane v3, v0;
	_ =	sdelay $0x1  }
0x61: {  	v3 =	vadd.s32 v1, v3;
	_ =	sdelay $0x3  }
0x62: {  	s25 =	simm.s32 $0x4080  }
0x63: {  	[tilespmem:s25], [sflag:$0x1] =	stream.indirect_vreg.gather [hbm4b:s2+s5], $0x80, v3, vm0, $0xb8;
	[tilespmem:$0x18080] =	vst v63  }
0x64: {  	s26 =	simm.s32 $0x4880  }
0x65: {  	[tilespmem:s26], [sflag:$0x1] =	stream.indirect_vreg.gather [hbm4b:s9+s5], $0x80, v3, vm0, $0xb8;
	[tilespmem:$0x18080] =	vst v63  }
0x66: {  	s24 =	simm.s32 $0x5080  }
0x67: {  	[tilespmem:s24], [sflag:$0x1] =	stream.indirect_vreg.gather [hbm4b:s10+s5], $0x80, v3, vm0, $0xb8;
	[tilespmem:$0x18080] =	vst v63  }
0x68: {  	s25 =	simm.s32 $0x5880  }
0x69: {  	[tilespmem:s25], [sflag:$0x1] =	stream.indirect_vreg.gather [hbm4b:s11+s5], $0x80, v3, vm0, $0xb8;
	[tilespmem:$0x18080] =	vst v63  }
0x6a: {  	v3 =	vld [tilespmem:$0x0];
	_ =	sdelay $0x4  }
0x6b: {  	v62 =	vshll.u32 v3, $0x3  }
0x6c: {  	v3 =	vand.u32 $0x7, v3;
	v4 =	vand.u32 $0xFFFFFFC0, v62  }
0x6d: {  	v3 =	vor.u32 v3, v4  }
0x6e: {  	v4 =	vperm.xlane v3, v0;
	_ =	sdelay $0x1  }
0x6f: {  	v4 =	vadd.s32 v1, v4;
	_ =	sdelay $0x4  }
0x70: {  	[tilespmem:s1], [sflag:$0x3] =	stream.indirect_vreg.gather [hbm4b:s3+s5], $0x80, v4, vm0, $0xb8;
	[tilespmem:$0x18080] =	vst v63  }
0x71: {  	v3 =	vperm.xlane v3, v2  }
0x72: {  	[tilespmem:s0], [sflag:$0x3] =	stream.indirect_vreg.gather [hbm4b:s12+s5], $0x80, v4, vm0, $0xb8;
	[tilespmem:$0x18080] =	vst v63  }
0x73: {  	v3 =	vadd.s32 v1, v3  }
0x74: {  	[tilespmem:s8], [sflag:$0x3] =	stream.indirect_vreg.gather [hbm4b:s13+s5], $0x80, v4, vm0, $0xb8;
	[tilespmem:$0x18080] =	vst v63  }
0x75: {  	_ = 	snop  }
0x76: {  	[tilespmem:s15], [sflag:$0x3] =	stream.indirect_vreg.gather [hbm4b:s14+s5], $0x80, v4, vm0, $0xb8;
	[tilespmem:$0x18080] =	vst v63  }
0x77: {  	s26 =	simm.s32 $0xE080  }
0x78: {  	[tilespmem:s26], [sflag:$0x3] =	stream.indirect_vreg.gather [hbm4b:s3+s5], $0x80, v3, vm0, $0xb8;
	[tilespmem:$0x18080] =	vst v63  }
0x79: {  	s24 =	simm.s32 $0xE880  }
0x7a: {  	[tilespmem:s24], [sflag:$0x3] =	stream.indirect_vreg.gather [hbm4b:s12+s5], $0x80, v3, vm0, $0xb8;
	[tilespmem:$0x18080] =	vst v63  }
0x7b: {  	s25 =	simm.s32 $0xF080  }
0x7c: {  	[tilespmem:s25], [sflag:$0x3] =	stream.indirect_vreg.gather [hbm4b:s13+s5], $0x80, v3, vm0, $0xb8;
	[tilespmem:$0x18080] =	vst v63  }
0x7d: {  	s26 =	simm.s32 $0xF880  }
0x7e: {  	[tilespmem:s26], [sflag:$0x3] =	stream.indirect_vreg.gather [hbm4b:s14+s5], $0x80, v3, vm0, $0xb8;
	[tilespmem:$0x18080] =	vst v63  }
0x7f: {  	v3 =	vld.msk [tilespmem:$0x10], $0xff;
	_ =	sdelay $0x4  }
0x80: {  	v63 =	vshll.u32 v3, $0x3  }
0x81: {  	v3 =	vand.u32 $0x7, v3;
	v4 =	vand.u32 $0xFFFFFFC0, v63  }
0x82: {  	v3 =	vor.u32 v3, v4  }
0x83: {  	v3 =	vperm.xlane v3, v0;
	_ =	sdelay $0x1  }
0x84: {  	v3 =	vadd.s32 v1, v3;
	_ =	sdelay $0x3  }
0x85: {  	s24 =	simm.s32 $0x10080  }
0x86: {  	[tilespmem:s24], [sflag:$0x3] =	stream.indirect_vreg.gather [hbm4b:s3+s5], $0x80, v3, vm0, $0xb8;
	[tilespmem:$0x18080] =	vst v63  }
0x87: {  	s25 =	simm.s32 $0x10880  }
0x88: {  	[tilespmem:s25], [sflag:$0x3] =	stream.indirect_vreg.gather [hbm4b:s12+s5], $0x80, v3, vm0, $0xb8;
	[tilespmem:$0x18080] =	vst v63  }
0x89: {  	s26 =	simm.s32 $0x11080  }
0x8a: {  	[tilespmem:s26], [sflag:$0x3] =	stream.indirect_vreg.gather [hbm4b:s13+s5], $0x80, v3, vm0, $0xb8;
	[tilespmem:$0x18080] =	vst v63  }
0x8b: {  	p0 =	por $0x1, $0x1;
	s24 =	simm.s32 $0x0  }
0x8c: {  	[tilespmem:s29], [sflag:$0x3] =	stream.indirect_vreg.gather [hbm4b:s14+s5], $0x80, v3, vm0, $0xb8;
	[tilespmem:$0x18080] =	vst v63  }
.LBB2_2:
.Ltmp2:
0x8d: {  	(pc) =	sbr.rel @!p0 .LBB2_4-.Ltmp2, $2  }
0x8e: {  	_ =	sdelay $0x2  }
0x8f: {  	s23 =	sshllo.u32 s24, $0x1  }
0x90: {  	s25 =	smul.u32 $0x60, s23;
	_ =	sdelay $0x1  }
0x91: {  	s25 =	sshra.s32 s25, $0x2  }
0x92: {  	v3 =	vld [tilespmem:s25+$0x0];
	_ =	sdelay $0x4  }
0x93: {  	v4 =	vshll.u32 v3, $0x3  }
0x94: {  	v3 =	vand.u32 $0x7, v3;
	v4 =	vand.u32 $0xFFFFFFC0, v4  }
0x95: {  	v3 =	vor.u32 v3, v4  }
0x96: {  	v4 =	vperm.xlane v3, v0;
	_ =	sdelay $0x1  }
0x97: {  	v4 =	vadd.s32 v1, v4;
	_ =	sdelay $0x4  }
0x98: {  	[tilespmem:s30], [sflag:$0x2] =	stream.indirect_vreg.gather [hbm4b:s2+s5], $0x80, v4, vm0, $0xb8;
	[tilespmem:$0x18080] =	vst v63  }
0x99: {  	s29 =	simm.s32 $0x6880;
	v3 =	vperm.xlane v3, v2  }
0x9a: {  	[tilespmem:s29], [sflag:$0x2] =	stream.indirect_vreg.gather [hbm4b:s9+s5], $0x80, v4, vm0, $0xb8;
	[tilespmem:$0x18080] =	vst v63  }
0x9b: {  	s0 =	simm.s32 $0x7080;
	v3 =	vadd.s32 v1, v3  }
0x9c: {  	[tilespmem:s0], [sflag:$0x2] =	stream.indirect_vreg.gather [hbm4b:s10+s5], $0x80, v4, vm0, $0xb8;
	[tilespmem:$0x18080] =	vst v63  }
0x9d: {  	s8 =	simm.s32 $0x7880  }
0x9e: {  	[tilespmem:s8], [sflag:$0x2] =	stream.indirect_vreg.gather [hbm4b:s11+s5], $0x80, v4, vm0, $0xb8;
	[tilespmem:$0x18080] =	vst v63  }
0x9f: {  	s15 =	simm.s32 $0x8080  }
0xa0: {  	[tilespmem:s15], [sflag:$0x2] =	stream.indirect_vreg.gather [hbm4b:s2+s5], $0x80, v3, vm0, $0xb8;
	[tilespmem:$0x18080] =	vst v63  }
0xa1: {  	s26 =	simm.s32 $0x8880  }
0xa2: {  	[tilespmem:s26], [sflag:$0x2] =	stream.indirect_vreg.gather [hbm4b:s9+s5], $0x80, v3, vm0, $0xb8;
	[tilespmem:$0x18080] =	vst v63  }
0xa3: {  	s26 =	simm.s32 $0x9080  }
0xa4: {  	[tilespmem:s26], [sflag:$0x2] =	stream.indirect_vreg.gather [hbm4b:s10+s5], $0x80, v3, vm0, $0xb8;
	[tilespmem:$0x18080] =	vst v63  }
0xa5: {  	s26 =	simm.s32 $0x9880  }
0xa6: {  	[tilespmem:s26], [sflag:$0x2] =	stream.indirect_vreg.gather [hbm4b:s11+s5], $0x80, v3, vm0, $0xb8;
	[tilespmem:$0x18080] =	vst v63  }
0xa7: {  	v3 =	vld.msk [tilespmem:s25+$0x10], $0xff;
	_ =	sdelay $0x4  }
0xa8: {  	v61 =	vshll.u32 v3, $0x3  }
0xa9: {  	v3 =	vand.u32 $0x7, v3;
	v4 =	vand.u32 $0xFFFFFFC0, v61  }
0xaa: {  	v3 =	vor.u32 v3, v4  }
0xab: {  	v3 =	vperm.xlane v3, v0;
	_ =	sdelay $0x1  }
0xac: {  	v3 =	vadd.s32 v1, v3;
	_ =	sdelay $0x3  }
0xad: {  	s26 =	simm.s32 $0xA080  }
0xae: {  	[tilespmem:s26], [sflag:$0x2] =	stream.indirect_vreg.gather [hbm4b:s2+s5], $0x80, v3, vm0, $0xb8;
	[tilespmem:$0x18080] =	vst v63  }
0xaf: {  	s26 =	simm.s32 $0xA880  }
0xb0: {  	[tilespmem:s26], [sflag:$0x2] =	stream.indirect_vreg.gather [hbm4b:s9+s5], $0x80, v3, vm0, $0xb8;
	[tilespmem:$0x18080] =	vst v63  }
0xb1: {  	s26 =	simm.s32 $0xB080  }
0xb2: {  	[tilespmem:s26], [sflag:$0x2] =	stream.indirect_vreg.gather [hbm4b:s10+s5], $0x80, v3, vm0, $0xb8;
	[tilespmem:$0x18080] =	vst v63  }
0xb3: {  	s26 =	simm.s32 $0xB880  }
0xb4: {  	[tilespmem:s26], [sflag:$0x2] =	stream.indirect_vreg.gather [hbm4b:s11+s5], $0x80, v3, vm0, $0xb8;
	[tilespmem:$0x18080] =	vst v63  }
0xb5: {  	v3 =	vld [tilespmem:s25+$0x0];
	_ =	sdelay $0x4  }
0xb6: {  	v62 =	vshll.u32 v3, $0x3  }
0xb7: {  	v3 =	vand.u32 $0x7, v3;
	v4 =	vand.u32 $0xFFFFFFC0, v62  }
0xb8: {  	v3 =	vor.u32 v3, v4  }
0xb9: {  	v4 =	vperm.xlane v3, v0;
	_ =	sdelay $0x1  }
0xba: {  	v4 =	vadd.s32 v1, v4;
	_ =	sdelay $0x4  }
0xbb: {  	[tilespmem:s31], [sflag:$0x4] =	stream.indirect_vreg.gather [hbm4b:s3+s5], $0x80, v4, vm0, $0xb8;
	[tilespmem:$0x18080] =	vst v63  }
0xbc: {  	s26 =	simm.s32 $0x12880;
	v3 =	vperm.xlane v3, v2  }
0xbd: {  	[tilespmem:s26], [sflag:$0x4] =	stream.indirect_vreg.gather [hbm4b:s12+s5], $0x80, v4, vm0, $0xb8;
	[tilespmem:$0x18080] =	vst v63  }
0xbe: {  	v3 =	vadd.s32 v1, v3;
	s26 =	simm.s32 $0x13080  }
0xbf: {  	[tilespmem:s26], [sflag:$0x4] =	stream.indirect_vreg.gather [hbm4b:s13+s5], $0x80, v4, vm0, $0xb8;
	[tilespmem:$0x18080] =	vst v63  }
0xc0: {  	s26 =	simm.s32 $0x13880  }
0xc1: {  	[tilespmem:s26], [sflag:$0x4] =	stream.indirect_vreg.gather [hbm4b:s14+s5], $0x80, v4, vm0, $0xb8;
	[tilespmem:$0x18080] =	vst v63  }
0xc2: {  	s26 =	simm.s32 $0x14080  }
0xc3: {  	[tilespmem:s26], [sflag:$0x4] =	stream.indirect_vreg.gather [hbm4b:s3+s5], $0x80, v3, vm0, $0xb8;
	[tilespmem:$0x18080] =	vst v63  }
0xc4: {  	s26 =	simm.s32 $0x14880  }
0xc5: {  	[tilespmem:s26], [sflag:$0x4] =	stream.indirect_vreg.gather [hbm4b:s12+s5], $0x80, v3, vm0, $0xb8;
	[tilespmem:$0x18080] =	vst v63  }
0xc6: {  	s26 =	simm.s32 $0x15080  }
0xc7: {  	[tilespmem:s26], [sflag:$0x4] =	stream.indirect_vreg.gather [hbm4b:s13+s5], $0x80, v3, vm0, $0xb8;
	[tilespmem:$0x18080] =	vst v63  }
0xc8: {  	s26 =	simm.s32 $0x15880  }
0xc9: {  	[tilespmem:s26], [sflag:$0x4] =	stream.indirect_vreg.gather [hbm4b:s14+s5], $0x80, v3, vm0, $0xb8;
	[tilespmem:$0x18080] =	vst v63  }
0xca: {  	v3 =	vld.msk [tilespmem:s25+$0x10], $0xff;
	_ =	sdelay $0x4  }
0xcb: {  	v63 =	vshll.u32 v3, $0x3  }
0xcc: {  	v3 =	vand.u32 $0x7, v3;
	v4 =	vand.u32 $0xFFFFFFC0, v63  }
0xcd: {  	v3 =	vor.u32 v3, v4  }
0xce: {  	v3 =	vperm.xlane v3, v0;
	_ =	sdelay $0x1  }
0xcf: {  	v3 =	vadd.s32 v1, v3;
	_ =	sdelay $0x3  }
0xd0: {  	s26 =	simm.s32 $0x16080  }
0xd1: {  	[tilespmem:s26], [sflag:$0x4] =	stream.indirect_vreg.gather [hbm4b:s3+s5], $0x80, v3, vm0, $0xb8;
	[tilespmem:$0x18080] =	vst v63  }
0xd2: {  	s26 =	simm.s32 $0x16880  }
0xd3: {  	[tilespmem:s26], [sflag:$0x4] =	stream.indirect_vreg.gather [hbm4b:s12+s5], $0x80, v3, vm0, $0xb8;
	[tilespmem:$0x18080] =	vst v63  }
0xd4: {  	s29 =	simm.s32 $0x11880;
	s0 =	simm.s32 $0xC880;
	s26 =	simm.s32 $0x17080  }
0xd5: {  	[tilespmem:s26], [sflag:$0x4] =	stream.indirect_vreg.gather [hbm4b:s13+s5], $0x80, v3, vm0, $0xb8;
	[tilespmem:$0x18080] =	vst v63  }
0xd6: {  	s8 =	simm.s32 $0xD080;
	s15 =	simm.s32 $0xD880;
	s26 =	simm.s32 $0x17880  }
0xd7: {  	[tilespmem:s26], [sflag:$0x4] =	stream.indirect_vreg.gather [hbm4b:s14+s5], $0x80, v3, vm0, $0xb8;
	[tilespmem:$0x18080] =	vst v63  }
.LBB2_4:
0xd8: {  	s24 =	smul.u32 $0x30, s24;
	_ =	sdelay $0x1  }
0xd9: {  	_ =	swait.ge [sflag:s20], $0x6000;
	s24 =	sadd.s32 s4, s24  }
0xda: {  	[sflag:s20] =	ssyncset.done $0x0;
	s24 =	sshll.u32 s24, $0x7  }
0xdb: {  	[sflag:s20] =	ssyncadd.s32 $0xFFFFA000;
	s25 =	sadd.s32 s6, s24  }
0xdc: {  	[hbm4b:s25+s5] =	stream.linear.scatter [tilespmem:s19], [sflag:$0x6], $0x6000, $0x38;
	[tilespmem:$0x18080] =	vst v63  }
0xdd: {  	_ =	swait.ge [sflag:s21], $0x6000  }
0xde: {  	[sflag:s21] =	ssyncset.done $0x0  }
0xdf: {  	[sflag:s21] =	ssyncadd.s32 $0xFFFFA000  }
0xe0: {  	_ =	swait.ge [sflag:s22], $0x6000  }
0xe1: {  	[sflag:s22] =	ssyncset.done $0x0  }
.Ltmp3:
0xe2: {  	s24 =	sadd.s32 s7, s24;
	[sflag:s22] =	ssyncadd.s32 $0xFFFFA000;
	(pc) =	sbr.rel @!p0 .LBB2_6-.Ltmp3, $4  }
0xe3: {  	[hbm4b:s24+s5] =	stream.linear.scatter [tilespmem:s1], [sflag:$0x6], $0x6000, $0x38;
	[tilespmem:$0x18080] =	vst v63  }
0xe4: {  	_ =	swait.ge [sflag:s21], $0x6000  }
0xe5: {  	[sflag:s21] =	ssyncset.done $0x0  }
0xe6: {  	[sflag:s21] =	ssyncadd.s32 $0xFFFFA000  }
0xe7: {  	v3 =	vld [tilespmem:$0x30];
	_ =	sdelay $0x4  }
0xe8: {  	v4 =	vshll.u32 v3, $0x3  }
0xe9: {  	v3 =	vand.u32 $0x7, v3;
	v4 =	vand.u32 $0xFFFFFFC0, v4  }
0xea: {  	v3 =	vor.u32 v3, v4  }
0xeb: {  	v4 =	vperm.xlane v3, v0;
	_ =	sdelay $0x1  }
0xec: {  	v4 =	vadd.s32 v1, v4;
	_ =	sdelay $0x4  }
0xed: {  	[tilespmem:s19], [sflag:$0x1] =	stream.indirect_vreg.gather [hbm4b:s2+s5], $0x80, v4, vm0, $0xb8;
	[tilespmem:$0x18080] =	vst v63  }
0xee: {  	s24 =	simm.s32 $0x880;
	v3 =	vperm.xlane v3, v2  }
0xef: {  	[tilespmem:s24], [sflag:$0x1] =	stream.indirect_vreg.gather [hbm4b:s9+s5], $0x80, v4, vm0, $0xb8;
	[tilespmem:$0x18080] =	vst v63  }
0xf0: {  	s26 =	simm.s32 $0x1080;
	v3 =	vadd.s32 v1, v3  }
0xf1: {  	[tilespmem:s26], [sflag:$0x1] =	stream.indirect_vreg.gather [hbm4b:s10+s5], $0x80, v4, vm0, $0xb8;
	[tilespmem:$0x18080] =	vst v63  }
0xf2: {  	_ = 	snop  }
0xf3: {  	[tilespmem:s28], [sflag:$0x1] =	stream.indirect_vreg.gather [hbm4b:s11+s5], $0x80, v4, vm0, $0xb8;
	[tilespmem:$0x18080] =	vst v63  }
0xf4: {  	s25 =	simm.s32 $0x2080  }
0xf5: {  	[tilespmem:s25], [sflag:$0x1] =	stream.indirect_vreg.gather [hbm4b:s2+s5], $0x80, v3, vm0, $0xb8;
	[tilespmem:$0x18080] =	vst v63  }
0xf6: {  	s26 =	simm.s32 $0x2880  }
0xf7: {  	[tilespmem:s26], [sflag:$0x1] =	stream.indirect_vreg.gather [hbm4b:s9+s5], $0x80, v3, vm0, $0xb8;
	[tilespmem:$0x18080] =	vst v63  }
0xf8: {  	s25 =	simm.s32 $0x3080  }
0xf9: {  	[tilespmem:s25], [sflag:$0x1] =	stream.indirect_vreg.gather [hbm4b:s10+s5], $0x80, v3, vm0, $0xb8;
	[tilespmem:$0x18080] =	vst v63  }
0xfa: {  	s26 =	simm.s32 $0x3880  }
0xfb: {  	[tilespmem:s26], [sflag:$0x1] =	stream.indirect_vreg.gather [hbm4b:s11+s5], $0x80, v3, vm0, $0xb8;
	[tilespmem:$0x18080] =	vst v63  }
0xfc: {  	v3 =	vld.msk [tilespmem:$0x40], $0xff;
	_ =	sdelay $0x4  }
0xfd: {  	v61 =	vshll.u32 v3, $0x3  }
0xfe: {  	v3 =	vand.u32 $0x7, v3;
	v4 =	vand.u32 $0xFFFFFFC0, v61  }
0xff: {  	v3 =	vor.u32 v3, v4  }
0x100: {  	v3 =	vperm.xlane v3, v0;
	_ =	sdelay $0x1  }
0x101: {  	v3 =	vadd.s32 v1, v3;
	_ =	sdelay $0x3  }
0x102: {  	s25 =	simm.s32 $0x4080  }
0x103: {  	[tilespmem:s25], [sflag:$0x1] =	stream.indirect_vreg.gather [hbm4b:s2+s5], $0x80, v3, vm0, $0xb8;
	[tilespmem:$0x18080] =	vst v63  }
0x104: {  	s26 =	simm.s32 $0x4880  }
0x105: {  	[tilespmem:s26], [sflag:$0x1] =	stream.indirect_vreg.gather [hbm4b:s9+s5], $0x80, v3, vm0, $0xb8;
	[tilespmem:$0x18080] =	vst v63  }
0x106: {  	s25 =	simm.s32 $0x5080  }
0x107: {  	[tilespmem:s25], [sflag:$0x1] =	stream.indirect_vreg.gather [hbm4b:s10+s5], $0x80, v3, vm0, $0xb8;
	[tilespmem:$0x18080] =	vst v63  }
0x108: {  	s26 =	simm.s32 $0x5880  }
0x109: {  	[tilespmem:s26], [sflag:$0x1] =	stream.indirect_vreg.gather [hbm4b:s11+s5], $0x80, v3, vm0, $0xb8;
	[tilespmem:$0x18080] =	vst v63  }
0x10a: {  	v3 =	vld [tilespmem:$0x30];
	_ =	sdelay $0x4  }
0x10b: {  	v62 =	vshll.u32 v3, $0x3  }
0x10c: {  	v3 =	vand.u32 $0x7, v3;
	v4 =	vand.u32 $0xFFFFFFC0, v62  }
0x10d: {  	v3 =	vor.u32 v3, v4  }
0x10e: {  	v4 =	vperm.xlane v3, v0;
	_ =	sdelay $0x1  }
0x10f: {  	v4 =	vadd.s32 v1, v4;
	_ =	sdelay $0x4  }
0x110: {  	[tilespmem:s1], [sflag:$0x3] =	stream.indirect_vreg.gather [hbm4b:s3+s5], $0x80, v4, vm0, $0xb8;
	[tilespmem:$0x18080] =	vst v63  }
0x111: {  	v3 =	vperm.xlane v3, v2  }
0x112: {  	[tilespmem:s0], [sflag:$0x3] =	stream.indirect_vreg.gather [hbm4b:s12+s5], $0x80, v4, vm0, $0xb8;
	[tilespmem:$0x18080] =	vst v63  }
0x113: {  	v3 =	vadd.s32 v1, v3  }
0x114: {  	[tilespmem:s8], [sflag:$0x3] =	stream.indirect_vreg.gather [hbm4b:s13+s5], $0x80, v4, vm0, $0xb8;
	[tilespmem:$0x18080] =	vst v63  }
0x115: {  	_ = 	snop  }
0x116: {  	[tilespmem:s15], [sflag:$0x3] =	stream.indirect_vreg.gather [hbm4b:s14+s5], $0x80, v4, vm0, $0xb8;
	[tilespmem:$0x18080] =	vst v63  }
0x117: {  	s25 =	simm.s32 $0xE080  }
0x118: {  	[tilespmem:s25], [sflag:$0x3] =	stream.indirect_vreg.gather [hbm4b:s3+s5], $0x80, v3, vm0, $0xb8;
	[tilespmem:$0x18080] =	vst v63  }
0x119: {  	s26 =	simm.s32 $0xE880  }
0x11a: {  	[tilespmem:s26], [sflag:$0x3] =	stream.indirect_vreg.gather [hbm4b:s12+s5], $0x80, v3, vm0, $0xb8;
	[tilespmem:$0x18080] =	vst v63  }
0x11b: {  	s25 =	simm.s32 $0xF080  }
0x11c: {  	[tilespmem:s25], [sflag:$0x3] =	stream.indirect_vreg.gather [hbm4b:s13+s5], $0x80, v3, vm0, $0xb8;
	[tilespmem:$0x18080] =	vst v63  }
0x11d: {  	s26 =	simm.s32 $0xF880  }
0x11e: {  	[tilespmem:s26], [sflag:$0x3] =	stream.indirect_vreg.gather [hbm4b:s14+s5], $0x80, v3, vm0, $0xb8;
	[tilespmem:$0x18080] =	vst v63  }
0x11f: {  	v3 =	vld.msk [tilespmem:$0x40], $0xff;
	_ =	sdelay $0x4  }
0x120: {  	v63 =	vshll.u32 v3, $0x3  }
0x121: {  	v3 =	vand.u32 $0x7, v3;
	v4 =	vand.u32 $0xFFFFFFC0, v63  }
0x122: {  	v3 =	vor.u32 v3, v4  }
0x123: {  	v3 =	vperm.xlane v3, v0;
	_ =	sdelay $0x1  }
0x124: {  	v3 =	vadd.s32 v1, v3;
	_ =	sdelay $0x3  }
0x125: {  	s25 =	simm.s32 $0x10080  }
0x126: {  	[tilespmem:s25], [sflag:$0x3] =	stream.indirect_vreg.gather [hbm4b:s3+s5], $0x80, v3, vm0, $0xb8;
	[tilespmem:$0x18080] =	vst v63  }
0x127: {  	s26 =	simm.s32 $0x10880  }
0x128: {  	[tilespmem:s26], [sflag:$0x3] =	stream.indirect_vreg.gather [hbm4b:s12+s5], $0x80, v3, vm0, $0xb8;
	[tilespmem:$0x18080] =	vst v63  }
0x129: {  	s25 =	simm.s32 $0x11080  }
0x12a: {  	[tilespmem:s25], [sflag:$0x3] =	stream.indirect_vreg.gather [hbm4b:s13+s5], $0x80, v3, vm0, $0xb8;
	[tilespmem:$0x18080] =	vst v63  }
0x12b: {  	s23 =	smul.u32 $0x18, s23  }
0x12c: {  	[tilespmem:s29], [sflag:$0x3] =	stream.indirect_vreg.gather [hbm4b:s14+s5], $0x80, v3, vm0, $0xb8;
	[tilespmem:$0x18080] =	vst v63  }
0x12d: {  	s23 =	sadd.s32 s4, s23;
	_ =	swait.ge [sflag:s16], $0x6000  }
0x12e: {  	s23 =	sshll.u32 s23, $0x7;
	[sflag:s16] =	ssyncset.done $0x0  }
0x12f: {  	s26 =	sadd.s32 s6, s23;
	[sflag:s16] =	ssyncadd.s32 $0xFFFFA000  }
0x130: {  	[hbm4b:s26+s5] =	stream.linear.scatter [tilespmem:s30], [sflag:$0x6], $0x6000, $0x38;
	[tilespmem:$0x18080] =	vst v63  }
0x131: {  	_ =	swait.ge [sflag:s21], $0x6000  }
0x132: {  	[sflag:s21] =	ssyncset.done $0x0  }
0x133: {  	[sflag:s21] =	ssyncadd.s32 $0xFFFFA000  }
0x134: {  	_ =	swait.ge [sflag:s17], $0x6000  }
0x135: {  	[sflag:s17] =	ssyncset.done $0x0  }
.Ltmp4:
0x136: {  	s23 =	sadd.s32 s7, s23;
	[sflag:s17] =	ssyncadd.s32 $0xFFFFA000;
	(pc) =	sbr.rel .LBB2_2-.Ltmp4, $4  }
0x137: {  	[hbm4b:s23+s5] =	stream.linear.scatter [tilespmem:s31], [sflag:$0x5], $0x6000, $0x38;
	[tilespmem:$0x18080] =	vst v63  }
0x138: {  	_ =	swait.ge [sflag:s18], $0x6000  }
0x139: {  	[sflag:s18] =	ssyncset.done $0x0  }
0x13a: {  	p0 =	por $0x0, $0x0;
	s24 =	simm.s32 $0x1;
	[sflag:s18] =	ssyncadd.s32 $0xFFFFA000  }
.LBB2_7:
0x13b: {  	_ =	sfence.sel $0x180000  }
0x13c: {  	[bflag:$0x0] =	sbarrier.arrive $0xFFFF  }
0x13d: {  	_ =	strace $0x9000004A  }
0x13e: {  	s0 =	stileid.u32;
	[bflag:$0x2] =	sbarrier.arrive $0xFFFF  }
0x13f: {  	p0 =	sne.s32 s0, $0x0;
	s0 =	rddreg [dreg:$0x3]  }
0x140: {  	s0 =	sadd.s32 @!p0 $0x100000, s0  }
0x141: {  	[sflag:s0] =	ssyncadd.tile.s32 @!p0 $0x1;
	_ =	shalt  }
.Lfunc_end2:
_tile_overlayer_lowered:
.L_overlay_start_2:
0x142: {  	(tag) =	ssettag $0x2  }
0x143: {  	s0 =	rddreg [dreg:$0x0];
	s2 =	stileid.u32  }
0x144: {  	s1 =	rddreg [dreg:$0x1];
	p0 =	sne.s32 s2, $0x0  }
0x145: {  	s3 =	rddreg [dreg:$0x2];
	[bflag:$0x3] =	sbarrier.arrive $0xFFFF;
	s2 =	simm.s32 @!p0 $0x1C05  }
0x146: {  	[timem:s3], [sflag:s2] =	dma.local @!p0 [hbm:s0], s1  }
0x147: {  	s0 =	simm.s32 @!p0 $0x5  }
0x148: {  	_ =	swait.ge @!p0 [sflag:s0], s1  }
0x149: {  	s1 =	ssub.s32 @!p0 $0x0, s1;
	[sflag:s0] =	ssyncset.done @!p0 $0x0  }
0x14a: {  	[sflag:s0] =	ssyncadd.s32 @!p0 s1  }
0x14b: {  	[bflag:$0x3] =	sbarrier.arrive $0xFFFF  }
0x14c: {  	_ =	shalt  }

// kernel: kernel.21.cloned.1.call-start
scs
__scs_entry_jumppad:
0x0: {  	(pc) =	sbr.rel $0x88, $3  }
0x1: {  	(tag) =	ssettag $0x0;
	lr =	simm.s32 $0x1  }
0x2: {  	[smem:$0x3F93] =	sst lr;
	_ =	strace $0xD0000000  }
0x3: {  	_ = 	snop  }
0x4: {  	_ = 	snop  }
0x5: {  	_ = 	snop  }
0x6: {  	_ = 	snop  }
0x7: {  	_ = 	snop  }
__scs_overlays_trampoline_lowered:
0x8: {  	[smem:$0x3FA2] =	sst s0  }
0x9: {  	[smem:$0x3FA3] =	sst s1  }
0xa: {  	[smem:$0x3FA4] =	sst s2  }
0xb: {  	[smem:$0x3FA5] =	sst s3  }
0xc: {  	[smem:$0x3FA6] =	sst s4  }
0xd: {  	[smem:$0x3FA7] =	sst s5  }
0xe: {  	[smem:$0x3FA8] =	sst s6  }
0xf: {  	[smem:$0x3FA9] =	sst s7  }
0x10: {  	[smem:$0x3FAA] =	sst s8  }
0x11: {  	[smem:$0x3FAB] =	sst s9;
	s0 =	simm.s32 @!p0 $0x0  }
0x12: {  	s1 =	sld [smem:$0x3F91];
	s0 =	simm.s32 @p0 $0x1  }
0x13: {  	[smem:$0x3FAC] =	sst s0;
	s0 =	simm.s32 @!p1 $0x0  }
0x14: {  	s2 =	sld [smem:$0x3F90];
	s0 =	simm.s32 @p1 $0x1  }
0x15: {  	[smem:$0x3FAD] =	sst s0;
	s0 =	simm.s32 @!p2 $0x0  }
0x16: {  	s3 =	sld [smem:$0x3FDB];
	s0 =	simm.s32 @p2 $0x1  }
0x17: {  	s4 =	simm.s32 $0x1BF5;
	[smem:$0x3FAF] =	sst s0  }
0x18: {  	s0 =	sld [smem:$0x3F92];
	_ =	swait.ge [sflag:s4], $0x0  }
0x19: {  	s7 =	sld [smem:$0x3F93]  }
0x1a: {  	s8 =	sadd.s32 $0xFFFFE003, lr  }
0x1b: {  	s9 =	sadd.s32 $0xFFFFFEF7, lr;
	s5 =	simm.s32 $0xFFFFFFFF;
	p2 =	slt.u32 s8, $0xFFFFF086  }
0x1c: {  	p1 =	slt.u32 s9, $0xF7A;
	s5 =	simm.s32 @!p2 $0x0  }
0x1d: {  	s5 =	simm.s32 @p1 $0x1;
	p0 =	seq.s32 s7, s2  }
0x1e: {  	s7 =	smul.u32 @!p0 $0xF7A, s2;
	p2 =	seq.s32 @!p0 s5, $0x0  }
0x1f: {  	s9 =	smul.u32 $0xF7A, s1;
	s8 =	simm.s32 @!p0 $0x1BF5;
	p2 =	por !p2, p0  }
0x20: {  	[sflag:s8] =	ssyncset.s32 @!p0 $0xFFFFF086;
	s6 =	sadd.s32 @!p0 s3, s7;
	s7 =	simm.s32 @!p0 $0x108  }
0x21: {  	s3 =	sadd.s32 s3, s9;
	s6 =	sadd.s32 @!p0 $0x88, s6;
	s7 =	simm.s32 @p2 $0x1082  }
0x22: {  	[simem:s7], [sflag:s8] =	dma.local @!p0 [hbm:s6], $0xF7A  }
0x23: {  	s9 =	sor.u32 $0xD0000000, s2;
	s6 =	simm.s32 $0x108;
	_ =	swait.ge @!p0 [sflag:s8], $0x0  }
0x24: {  	s3 =	sadd.s32 $0x88, s3;
	s6 =	simm.s32 @!p1 $0x1082;
	[sflag:s4] =	ssyncset.s32 $0xFFFFF086  }
0x25: {  	[simem:s6], [sflag:s4] =	dma.local [hbm:s3], $0xF7A  }
0x26: {  	[smem:$0x3F93] =	sst s1;
	(tag) =	ssettag s2;
	_ =	strace s9  }
0x27: {  	s1 =	sld [smem:$0x3FA3]  }
0x28: {  	s2 =	sld [smem:$0x3FA4]  }
0x29: {  	s4 =	sld [smem:$0x3FA6]  }
0x2a: {  	p0 =	seq.s32 s5, $0x0;
	s5 =	sld [smem:$0x3FA7]  }
0x2b: {  	s6 =	sld [smem:$0x3FA8]  }
0x2c: {  	s7 =	sld [smem:$0x3FA9]  }
0x2d: {  	s3 =	simm.s32 $0x108;
	s8 =	sld [smem:$0x3FAA]  }
0x2e: {  	s3 =	simm.s32 @!p0 $0x1082;
	s9 =	sld [smem:$0x3FAB]  }
0x2f: {  	lr =	sadd.s32 s0, s3;
	s0 =	sld [smem:$0x3FA2]  }
0x30: {  	s3 =	sld [smem:$0x3FA5]  }
0x31: {  	[smem:$0x3FAE] =	sst s10  }
0x32: {  	s10 =	sld [smem:$0x3FAC];
	_ =	sdelay $0x3  }
0x33: {  	p0 =	seq.s32 s10, $0x1;
	s10 =	sld [smem:$0x3FAE];
	_ =	sdelay $0x3  }
0x34: {  	[smem:$0x3FAE] =	sst s10  }
0x35: {  	s10 =	sld [smem:$0x3FAD];
	_ =	sdelay $0x3  }
0x36: {  	p1 =	seq.s32 s10, $0x1;
	s10 =	sld [smem:$0x3FAE];
	_ =	sdelay $0x3  }
0x37: {  	[smem:$0x3FAE] =	sst s10  }
0x38: {  	s10 =	sld [smem:$0x3FAF]  }
0x39: {  	_ = 	snop;
	(pc) =	sbr.ind lr, $3  }
0x3a: {  	_ = 	snop  }
0x3b: {  	_ = 	snop  }
0x3c: {  	p2 =	seq.s32 s10, $0x1;
	s10 =	sld [smem:$0x3FAE]  }
0x3d: {  	_ =	shalt  }
0x3e: {  	_ =	shalt  }
0x3f: {  	_ =	shalt  }
0x40: {  	_ =	shalt  }
0x41: {  	_ =	shalt  }
0x42: {  	_ =	shalt  }
0x43: {  	_ =	shalt  }
0x44: {  	_ =	shalt  }
0x45: {  	_ =	shalt  }
0x46: {  	_ =	shalt  }
0x47: {  	_ =	shalt  }
0x48: {  	_ =	shalt  }
0x49: {  	_ =	shalt  }
0x4a: {  	_ =	shalt  }
0x4b: {  	_ =	shalt  }
0x4c: {  	_ =	shalt  }
0x4d: {  	_ =	shalt  }
0x4e: {  	_ =	shalt  }
0x4f: {  	_ =	shalt  }
0x50: {  	_ =	shalt  }
0x51: {  	_ =	shalt  }
0x52: {  	_ =	shalt  }
0x53: {  	_ =	shalt  }
0x54: {  	_ =	shalt  }
0x55: {  	_ =	shalt  }
0x56: {  	_ =	shalt  }
0x57: {  	_ =	shalt  }
0x58: {  	_ =	shalt  }
0x59: {  	_ =	shalt  }
0x5a: {  	_ =	shalt  }
0x5b: {  	_ =	shalt  }
0x5c: {  	_ =	shalt  }
0x5d: {  	_ =	shalt  }
0x5e: {  	_ =	shalt  }
0x5f: {  	_ =	shalt  }
0x60: {  	_ =	shalt  }
0x61: {  	_ =	shalt  }
0x62: {  	_ =	shalt  }
0x63: {  	_ =	shalt  }
0x64: {  	_ =	shalt  }
0x65: {  	_ =	shalt  }
0x66: {  	_ =	shalt  }
0x67: {  	_ =	shalt  }
0x68: {  	_ =	shalt  }
0x69: {  	_ =	shalt  }
0x6a: {  	_ =	shalt  }
0x6b: {  	_ =	shalt  }
0x6c: {  	_ =	shalt  }
0x6d: {  	_ =	shalt  }
0x6e: {  	_ =	shalt  }
0x6f: {  	_ =	shalt  }
0x70: {  	_ =	shalt  }
0x71: {  	_ =	shalt  }
0x72: {  	_ =	shalt  }
0x73: {  	_ =	shalt  }
0x74: {  	_ =	shalt  }
0x75: {  	_ =	shalt  }
0x76: {  	_ =	shalt  }
0x77: {  	_ =	shalt  }
0x78: {  	_ =	shalt  }
0x79: {  	_ =	shalt  }
0x7a: {  	_ =	shalt  }
0x7b: {  	_ =	shalt  }
0x7c: {  	_ =	shalt  }
0x7d: {  	_ =	shalt  }
0x7e: {  	_ =	shalt  }
0x7f: {  	_ =	shalt  }
0x80: {  	_ =	shalt  }
0x81: {  	_ =	shalt  }
0x82: {  	_ =	shalt  }
0x83: {  	_ =	shalt  }
0x84: {  	_ =	shalt  }
0x85: {  	_ =	shalt  }
0x86: {  	_ =	shalt  }
0x87: {  	_ =	shalt  }
.Lfunc_end0:
.L_simem_size_0:
called_computation.2_lowered:
.L_overlay_start_0:
0x88: {  	s2 =	sld [smem:$0x3FD9]  }
0x89: {  	s3 =	sld [smem:$0x3FFE];
	_ =	sdelay $0x1  }
0x8a: {  	s1 =	srdreg.scid  }
0x8b: {  	s0 =	sand.u32 $0x1, s1  }
0x8c: {  	s17 =	sshll.u32 s0, $0xA;
	s2 =	sadd.s32 s3, s2  }
0x8d: {  	s2 =	sadd.s32 s2, s17  }
0x8e: {  	[smem:$0x3FBA] =	sst s2  }
0x8f: {  	_ = 	snop  }
0x90: {  	s18 =	sld [smem:$0x3FC9]  }
0x91: {  	s4 =	sld [smem:$0x3FC8];
	(tm) =	ssettm $0x1  }
0x92: {  	s19 =	sld [smem:$0x3FFB];
	_ =	sdelay $0x3  }
0x93: {  	_ =	strace s19  }
0x94: {  	s2 =	sld [smem:$0x3FFC];
	_ =	sdelay $0x3  }
0x95: {  	_ =	strace s2  }
0x96: {  	s2 =	sld [smem:$0x3FFD];
	_ =	sdelay $0x3  }
0x97: {  	_ =	strace s2  }
0x98: {  	_ =	strace $0x8FFFFFFF  }
0x99: {  	s20 =	sld [smem:$0x3FDB];
	_ =	sdelay $0x1  }
0x9a: {  	s5 =	simm.s32 $_scs_section_size  }
0x9b: {  	s6 =	simm.s32 $_size__tile_overlayer_lowered;
	s7 =	simm.s32 $_tile_overlayer_lowered  }
0x9c: {  	s8 =	simm.s32 $0x1BFF;
	s21 =	sshll.u32 s7, $0x1;
	s5 =	sadd.s32 s5, s20  }
0x9d: {  	s22 =	simm.s32 $0x0;
	s6 =	sshll.u32 s6, $0x1;
	s7 =	sadd.s32 s21, s5  }
0x9e: {  	[timem:s22], [sflag:s8] =	dma.local [hbm:s7], s6  }
0x9f: {  	_ =	swait.ge [sflag:s8], s6  }
0xa0: {  	s6 =	ssub.s32 $0x0, s6;
	[sflag:s8] =	ssyncset.done $0x0  }
0xa1: {  	[sflag:s8] =	ssyncadd.s32 s6;
	_ =	sdelay $0x1  }
0xa2: {  	s23 =	simm.s32 $0x1B8B  }
0xa3: {  	_ =	swait.ge [sflag:s23], $0x1  }
0xa4: {  	[sflag:s23] =	ssyncset.done $0x0  }
0xa5: {  	[sflag:s23] =	ssyncadd.s32 $0xFFFFFFFF  }
0xa6: {  	s6 =	sld [smem:$0x0]  }
0xa7: {  	s7 =	sand.u32 $0xFFFFFFFE, s1  }
0xa8: {  	p0 =	sne.s32 s1, s7  }
0xa9: {  	s7 =	sshll.u32 @p0 s7, $0xE  }
0xaa: {  	s7 =	sadd.s32 @p0 $0x11B8D, s7;
	s8 =	sshll.u32 @p0 s6, $0x11  }
0xab: {  	s7 =	sor.u32 @p0 s8, s7  }
0xac: {  	[sflag:s7] =	ssyncadd.remote.s32 @p0 $0x1;
	_ =	sdelay $0x1  }
0xad: {  	s7 =	simm.s32 @p0 $0x1B8D  }
0xae: {  	_ =	swait.eq @p0 [sflag:s7], $0x1  }
0xaf: {  	[sflag:s7] =	ssyncadd.s32 @p0 $0xFFFFFFFF  }
0xb0: {  	s8 =	sshll.u32 @!p0 s1, $0xE  }
0xb1: {  	s8 =	sor.u32 @!p0 $0x4000, s8;
	s7 =	simm.s32 @!p0 $0x1B8D  }
0xb2: {  	s6 =	sshll.u32 @!p0 s6, $0x11;
	s8 =	sadd.s32 @!p0 $0x11B8D, s8;
	_ =	swait.eq @!p0 [sflag:s7], $0x1  }
0xb3: {  	s6 =	sor.u32 @!p0 s6, s8;
	[sflag:s7] =	ssyncadd.s32 @!p0 $0xFFFFFFFF  }
0xb4: {  	s25 =	simm.s32 $0x1B8E;
	s24 =	sld [smem:$0x3FFE];
	[sflag:s6] =	ssyncadd.remote.s32 @!p0 $0x1  }
0xb5: {  	s26 =	simm.s32 $execute0_lowered;
	[smem:$0x3FD2] =	sst s25  }
0xb6: {  	s7 =	sshll.u32 s26, $0x1;
	_ =	strace $0x8000004C;
	[dreg:$0x1] =	wrdreg $0xFFFFFFFF  }
0xb7: {  	s28 =	simm.s32 $_size_execute0_lowered;
	s5 =	sadd.s32 s5, s7;
	[dreg:$0x0] =	wrdreg $0x0  }
0xb8: {  	s7 =	sshll.u32 s28, $0x1;
	[dreg:$0x2] =	wrdreg s5  }
0xb9: {  	[dreg:$0x3] =	wrdreg s7  }
0xba: {  	[dreg:$0x4] =	wrdreg $0xC0  }
0xbb: {  	_ =	task [dreg:s22], $0x5FFFF  }
0xbc: {  	[dreg:$0x1] =	wrdreg $0xFFFFFFFF  }
0xbd: {  	[dreg:$0x0] =	wrdreg $0x60  }
0xbe: {  	[dreg:$0x2] =	wrdreg s24  }
0xbf: {  	[dreg:$0x3] =	wrdreg s18  }
0xc0: {  	[dreg:$0x4] =	wrdreg s4  }
0xc1: {  	[dreg:$0x5] =	wrdreg $0xA  }
0xc2: {  	_ =	task.clear_ibuf [dreg:s22], $0x6FFFF;
	_ =	strace $0x9000004C  }
0xc3: {  	s29 =	simm.s32 $0xA;
	_ =	strace $0x8000004E  }
0xc4: {  	_ =	swait.ge [sflag:s29], $0x1  }
0xc5: {  	[sflag:s29] =	ssyncadd.s32 $0xFFFFFFFF  }
0xc6: {  	_ =	strace $0x9000004E  }
0xc7: {  	_ =	sfence  }
0xc8: {  	s30 =	sld [smem:$0x0];
	_ =	sdelay $0x2  }
0xc9: {  	s31 =	sshll.u32 s1, $0xD;
	s1 =	sshrl.u32 s1, $0x2  }
0xca: {  	s4 =	sand.u32 $0x4000, s31;
	s1 =	sadd.s32 s1, s30  }
0xcb: {  	s0 =	sor.u32 s4, s0;
	s1 =	sshll.u32 s1, $0x11  }
0xcc: {  	s0 =	sor.u32 s1, s0  }
0xcd: {  	s0 =	sadd.s32 $0x8F2B, s0  }
0xce: {  	[sflag:s0] =	ssyncadd.remote.s32 $0x1  }
0xcf: {  	_ =	sfence.sel $0xFFFF  }
0xd0: {  	[dreg:$0x0] =	wrdreg $0xFFFFFFFF;
	(pc) =	sbr.abs _section_cstart, $3  }
0xd1: {  	[dreg:$0x1] =	wrdreg $0xFFFFFFFF  }
0xd2: {  	_ =	task.clear_ibuf [dreg:s22], $0x2FFFF;
	_ =	strace $0x9FFFFFFF  }
0xd3: {  	(tm) =	ssettm $0x7FFFFFFF  }
tec
execute0_lowered:
.L_overlay_start_1:
0x0: {  	(tag) =	ssettag $0x1  }
0x1: {  	s0 =	rddreg [dreg:$0x0]  }
0x2: {  	s2 =	rddreg [dreg:$0x1]  }
0x3: {  	s1 =	srdreg.scid;
	s4 =	stileid.u32  }
0x4: {  	s3 =	rddreg [dreg:$0x2];
	s18 =	simm.s32 $0x5;
	s19 =	simm.s32 $0x80  }
0x5: {  	s15 =	simm.s32 $0xD880;
	s29 =	simm.s32 $0x11880;
	s30 =	simm.s32 $0x6080  }
0x6: {  	s31 =	simm.s32 $0x12080;
	s20 =	simm.s32 $0x1;
	s21 =	simm.s32 $0x6  }
0x7: {  	s22 =	simm.s32 $0x3;
	s16 =	simm.s32 $0x2;
	s17 =	simm.s32 $0x4  }
0x8: {  	s28 =	simm.s32 $0x1880;
	s1 =	sand.u32 $0x1, s1;
	s5 =	sshll.u32 s4, $0x1  }
0x9: {  	s4 =	simm.s32 $0x0;
	s6 =	sadd.s32 $0xA3E00, s0;
	s10 =	sadd.s32 $0x200, s2  }
0xa: {  	s12 =	sadd.s32 $0x100, s3;
	s13 =	sadd.s32 $0x200, s3;
	s7 =	sor.u32 s1, s5  }
0xb: {  	s14 =	sadd.s32 $0x300, s3;
	s1 =	ssub.s32 $0x2, s1;
	s5 =	smul.u32 $0x50, s7  }
0xc: {  	[smem:$0x7FF] =	sst s4;
	s9 =	sshrl.u32 s1, $0x1;
	s11 =	smul.u32 $0x14000, s7  }
0xd: {  	_ =	strace $0x8000004D;
	s7 =	sadd.s32 $0xF3E00, s0;
	s23 =	ssub.s32 s1, s9  }
0xe: {  	s9 =	sadd.s32 $0x100, s2;
	s8 =	sshrl.u32 s5, $0x3;
	s25 =	sshrl.u32 s11, $0x3  }
0xf: {  	s8 =	sadd.s32 s0, s8;
	s1 =	sadd.s32 $0x2400, s25;
	s0 =	smax.u32 s23, $0x1  }
.Ltmp0:
0x10: {  	s24 =	sadd.s32 $0x3940, s8;
	[dreg:$0x7] =	wrdreg s0;
	(pc) =	sbr.rel .LBB2_1-.Ltmp0, $4  }
0x11: {  	s11 =	sadd.s32 $0x300, s2;
	s26 =	sadd.s32 s6, s1;
	[dreg:$0x4] =	wrdreg s24  }
0x12: {  	v2 =	vlaneseq.u32;
	s25 =	simm.s32 $0x1080;
	s1 =	sadd.s32 s7, s1;
	[dreg:$0x5] =	wrdreg s26  }
0x13: {  	vm0 =	vmmov $0xffff;
	v1 =	vshrl.u32 v2, $0x3;
	s0 =	simm.s32 $0xC880;
	s8 =	simm.s32 $0xD080;
	[dreg:$0x6] =	wrdreg s1  }
0x14: {  	v0 =	vand.u32 $0x7, v2;
	v2 =	vor.u32 $0x8, v2;
	v1 =	vmul.u32 $0x8, v1;
	s24 =	simm.s32 $0x880;
	s1 =	simm.s32 $0xC080;
	s26 =	simm.s32 $0x0  }
.LBB2_6:
0x15: {  	v3 =	vld.msk [tilespmem:$0x48], $0xff;
	_ =	sdelay $0x4  }
0x16: {  	v4 =	vshll.u32 v3, $0x3  }
0x17: {  	v3 =	vand.u32 $0x7, v3;
	v4 =	vand.u32 $0xFFFFFFC0, v4  }
0x18: {  	v3 =	vor.u32 v3, v4  }
0x19: {  	v3 =	vperm.xlane v3, v0;
	_ =	sdelay $0x1  }
0x1a: {  	v3 =	vadd.s32 v1, v3;
	_ =	sdelay $0x4  }
0x1b: {  	[tilespmem:s19], [sflag:$0x1] =	stream.indirect_vreg.gather [hbm4b:s2+s4], $0x80, v3, vm0, $0xb8;
	[tilespmem:$0x18080] =	vst v63  }
0x1c: {  	s24 =	simm.s32 $0x880  }
0x1d: {  	[tilespmem:s24], [sflag:$0x1] =	stream.indirect_vreg.gather [hbm4b:s9+s4], $0x80, v3, vm0, $0xb8;
	[tilespmem:$0x18080] =	vst v63  }
0x1e: {  	s25 =	simm.s32 $0x1080  }
0x1f: {  	[tilespmem:s25], [sflag:$0x1] =	stream.indirect_vreg.gather [hbm4b:s10+s4], $0x80, v3, vm0, $0xb8;
	[tilespmem:$0x18080] =	vst v63  }
0x20: {  	s23 =	simm.s32 $0x1880  }
0x21: {  	[tilespmem:s23], [sflag:$0x1] =	stream.indirect_vreg.gather [hbm4b:s11+s4], $0x80, v3, vm0, $0xb8;
	[tilespmem:$0x18080] =	vst v63  }
0x22: {  	v3 =	vld.msk [tilespmem:$0x48], $0xff;
	_ =	sdelay $0x4  }
0x23: {  	v63 =	vshll.u32 v3, $0x3  }
0x24: {  	v3 =	vand.u32 $0x7, v3;
	v4 =	vand.u32 $0xFFFFFFC0, v63  }
0x25: {  	v3 =	vor.u32 v3, v4  }
0x26: {  	v3 =	vperm.xlane v3, v0;
	_ =	sdelay $0x1  }
0x27: {  	v3 =	vadd.s32 v1, v3;
	_ =	sdelay $0x4  }
0x28: {  	[tilespmem:s1], [sflag:$0x3] =	stream.indirect_vreg.gather [hbm4b:s3+s4], $0x80, v3, vm0, $0xb8;
	[tilespmem:$0x18080] =	vst v63  }
0x29: {  	_ = 	snop  }
0x2a: {  	[tilespmem:s0], [sflag:$0x3] =	stream.indirect_vreg.gather [hbm4b:s12+s4], $0x80, v3, vm0, $0xb8;
	[tilespmem:$0x18080] =	vst v63  }
0x2b: {  	_ = 	snop  }
0x2c: {  	[tilespmem:s8], [sflag:$0x3] =	stream.indirect_vreg.gather [hbm4b:s13+s4], $0x80, v3, vm0, $0xb8;
	[tilespmem:$0x18080] =	vst v63  }
0x2d: {  	_ = 	snop  }
0x2e: {  	[tilespmem:s15], [sflag:$0x3] =	stream.indirect_vreg.gather [hbm4b:s14+s4], $0x80, v3, vm0, $0xb8;
	[tilespmem:$0x18080] =	vst v63  }
0x2f: {  	_ =	swait.ge [sflag:s20], $0x2000  }
0x30: {  	[sflag:s20] =	ssyncset.done $0x0  }
0x31: {  	s26 =	rddreg [dreg:$0x5];
	[sflag:s20] =	ssyncadd.s32 $0xFFFFE000  }
0x32: {  	[hbm4b:s26+s4] =	stream.linear.scatter [tilespmem:s19], [sflag:$0x5], $0x2000, $0x38;
	[tilespmem:$0x18080] =	vst v63  }
0x33: {  	_ =	swait.ge [sflag:s18], $0x2000  }
0x34: {  	[sflag:s18] =	ssyncset.done $0x0  }
0x35: {  	[sflag:s18] =	ssyncadd.s32 $0xFFFFE000  }
0x36: {  	_ =	swait.ge [sflag:s22], $0x2000  }
0x37: {  	[sflag:s22] =	ssyncset.done $0x0  }
0x38: {  	s26 =	rddreg [dreg:$0x6];
	[sflag:s22] =	ssyncadd.s32 $0xFFFFE000  }
0x39: {  	[hbm4b:s26+s4] =	stream.linear.scatter [tilespmem:s1], [sflag:$0x5], $0x2000, $0x38;
	[tilespmem:$0x18080] =	vst v63  }
0x3a: {  	_ =	swait.ge [sflag:s18], $0x2000  }
0x3b: {  	s26 =	rddreg [dreg:$0x8]  }
0x3c: {  	s23 =	rddreg [dreg:$0x7];
	s26 =	sadd.s32 $0x1, s26  }
0x3d: {  	p0 =	sne.s32 s26, s23  }
.Ltmp1:
0x3e: {  	_ = 	snop;
	(pc) =	sbr.rel @!p0 .LBB2_7-.Ltmp1, $3  }
0x3f: {  	_ =	sdelay $0x1  }
0x40: {  	[sflag:s18] =	ssyncset.done $0x0  }
0x41: {  	[sflag:s18] =	ssyncadd.s32 $0xFFFFE000  }
.LBB2_1:
0x42: {  	[dreg:$0x8] =	wrdreg s26  }
0x43: {  	s23 =	rddreg [dreg:$0x4]  }
0x44: {  	[tilespmem:s4], [sflag:$0x5] =	stream.linear.gather [hbm4b:s23+s4], $0x50, $0x38;
	[tilespmem:$0x18080] =	vst v63  }
0x45: {  	_ =	swait.ge [sflag:s18], $0x50  }
0x46: {  	[sflag:s18] =	ssyncset.done $0x0  }
0x47: {  	[sflag:s18] =	ssyncadd.s32 $0xFFFFFFB0  }
0x48: {  	v3 =	vld [tilespmem:$0x0];
	_ =	sdelay $0x4  }
0x49: {  	v4 =	vshll.u32 v3, $0x3  }
0x4a: {  	v3 =	vand.u32 $0x7, v3;
	v4 =	vand.u32 $0xFFFFFFC0, v4  }
0x4b: {  	v3 =	vor.u32 v3, v4  }
0x4c: {  	v4 =	vperm.xlane v3, v0;
	_ =	sdelay $0x1  }
0x4d: {  	v4 =	vadd.s32 v1, v4;
	_ =	sdelay $0x4  }
0x4e: {  	[tilespmem:s19], [sflag:$0x1] =	stream.indirect_vreg.gather [hbm4b:s2+s4], $0x80, v4, vm0, $0xb8;
	[tilespmem:$0x18080] =	vst v63  }
0x4f: {  	v3 =	vperm.xlane v3, v2  }
0x50: {  	[tilespmem:s24], [sflag:$0x1] =	stream.indirect_vreg.gather [hbm4b:s9+s4], $0x80, v4, vm0, $0xb8;
	[tilespmem:$0x18080] =	vst v63  }
0x51: {  	v3 =	vadd.s32 v1, v3  }
0x52: {  	[tilespmem:s25], [sflag:$0x1] =	stream.indirect_vreg.gather [hbm4b:s10+s4], $0x80, v4, vm0, $0xb8;
	[tilespmem:$0x18080] =	vst v63  }
0x53: {  	s26 =	simm.s32 $0x1880  }
0x54: {  	[tilespmem:s26], [sflag:$0x1] =	stream.indirect_vreg.gather [hbm4b:s11+s4], $0x80, v4, vm0, $0xb8;
	[tilespmem:$0x18080] =	vst v63  }
0x55: {  	s24 =	simm.s32 $0x2080  }
0x56: {  	[tilespmem:s24], [sflag:$0x1] =	stream.indirect_vreg.gather [hbm4b:s2+s4], $0x80, v3, vm0, $0xb8;
	[tilespmem:$0x18080] =	vst v63  }
0x57: {  	s25 =	simm.s32 $0x2880  }
0x58: {  	[tilespmem:s25], [sflag:$0x1] =	stream.indirect_vreg.gather [hbm4b:s9+s4], $0x80, v3, vm0, $0xb8;
	[tilespmem:$0x18080] =	vst v63  }
0x59: {  	s26 =	simm.s32 $0x3080  }
0x5a: {  	[tilespmem:s26], [sflag:$0x1] =	stream.indirect_vreg.gather [hbm4b:s10+s4], $0x80, v3, vm0, $0xb8;
	[tilespmem:$0x18080] =	vst v63  }
0x5b: {  	s24 =	simm.s32 $0x3880  }
0x5c: {  	[tilespmem:s24], [sflag:$0x1] =	stream.indirect_vreg.gather [hbm4b:s11+s4], $0x80, v3, vm0, $0xb8;
	[tilespmem:$0x18080] =	vst v63  }
0x5d: {  	v3 =	vld.msk [tilespmem:$0x10], $0xff;
	_ =	sdelay $0x4  }
0x5e: {  	v61 =	vshll.u32 v3, $0x3  }
0x5f: {  	v3 =	vand.u32 $0x7, v3;
	v4 =	vand.u32 $0xFFFFFFC0, v61  }
0x60: {  	v3 =	vor.u32 v3, v4  }
0x61: {  	v3 =	vperm.xlane v3, v0;
	_ =	sdelay $0x1  }
0x62: {  	v3 =	vadd.s32 v1, v3;
	_ =	sdelay $0x3  }
0x63: {  	s25 =	simm.s32 $0x4080  }
0x64: {  	[tilespmem:s25], [sflag:$0x1] =	stream.indirect_vreg.gather [hbm4b:s2+s4], $0x80, v3, vm0, $0xb8;
	[tilespmem:$0x18080] =	vst v63  }
0x65: {  	s26 =	simm.s32 $0x4880  }
0x66: {  	[tilespmem:s26], [sflag:$0x1] =	stream.indirect_vreg.gather [hbm4b:s9+s4], $0x80, v3, vm0, $0xb8;
	[tilespmem:$0x18080] =	vst v63  }
0x67: {  	s24 =	simm.s32 $0x5080  }
0x68: {  	[tilespmem:s24], [sflag:$0x1] =	stream.indirect_vreg.gather [hbm4b:s10+s4], $0x80, v3, vm0, $0xb8;
	[tilespmem:$0x18080] =	vst v63  }
0x69: {  	s25 =	simm.s32 $0x5880  }
0x6a: {  	[tilespmem:s25], [sflag:$0x1] =	stream.indirect_vreg.gather [hbm4b:s11+s4], $0x80, v3, vm0, $0xb8;
	[tilespmem:$0x18080] =	vst v63  }
0x6b: {  	v3 =	vld [tilespmem:$0x0];
	_ =	sdelay $0x4  }
0x6c: {  	v62 =	vshll.u32 v3, $0x3  }
0x6d: {  	v3 =	vand.u32 $0x7, v3;
	v4 =	vand.u32 $0xFFFFFFC0, v62  }
0x6e: {  	v3 =	vor.u32 v3, v4  }
0x6f: {  	v4 =	vperm.xlane v3, v0;
	_ =	sdelay $0x1  }
0x70: {  	v4 =	vadd.s32 v1, v4;
	_ =	sdelay $0x4  }
0x71: {  	[tilespmem:s1], [sflag:$0x3] =	stream.indirect_vreg.gather [hbm4b:s3+s4], $0x80, v4, vm0, $0xb8;
	[tilespmem:$0x18080] =	vst v63  }
0x72: {  	v3 =	vperm.xlane v3, v2  }
0x73: {  	[tilespmem:s0], [sflag:$0x3] =	stream.indirect_vreg.gather [hbm4b:s12+s4], $0x80, v4, vm0, $0xb8;
	[tilespmem:$0x18080] =	vst v63  }
0x74: {  	v3 =	vadd.s32 v1, v3  }
0x75: {  	[tilespmem:s8], [sflag:$0x3] =	stream.indirect_vreg.gather [hbm4b:s13+s4], $0x80, v4, vm0, $0xb8;
	[tilespmem:$0x18080] =	vst v63  }
0x76: {  	_ = 	snop  }
0x77: {  	[tilespmem:s15], [sflag:$0x3] =	stream.indirect_vreg.gather [hbm4b:s14+s4], $0x80, v4, vm0, $0xb8;
	[tilespmem:$0x18080] =	vst v63  }
0x78: {  	s26 =	simm.s32 $0xE080  }
0x79: {  	[tilespmem:s26], [sflag:$0x3] =	stream.indirect_vreg.gather [hbm4b:s3+s4], $0x80, v3, vm0, $0xb8;
	[tilespmem:$0x18080] =	vst v63  }
0x7a: {  	s24 =	simm.s32 $0xE880  }
0x7b: {  	[tilespmem:s24], [sflag:$0x3] =	stream.indirect_vreg.gather [hbm4b:s12+s4], $0x80, v3, vm0, $0xb8;
	[tilespmem:$0x18080] =	vst v63  }
0x7c: {  	s25 =	simm.s32 $0xF080  }
0x7d: {  	[tilespmem:s25], [sflag:$0x3] =	stream.indirect_vreg.gather [hbm4b:s13+s4], $0x80, v3, vm0, $0xb8;
	[tilespmem:$0x18080] =	vst v63  }
0x7e: {  	s26 =	simm.s32 $0xF880  }
0x7f: {  	[tilespmem:s26], [sflag:$0x3] =	stream.indirect_vreg.gather [hbm4b:s14+s4], $0x80, v3, vm0, $0xb8;
	[tilespmem:$0x18080] =	vst v63  }
0x80: {  	v3 =	vld.msk [tilespmem:$0x10], $0xff;
	_ =	sdelay $0x4  }
0x81: {  	v63 =	vshll.u32 v3, $0x3  }
0x82: {  	v3 =	vand.u32 $0x7, v3;
	v4 =	vand.u32 $0xFFFFFFC0, v63  }
0x83: {  	v3 =	vor.u32 v3, v4  }
0x84: {  	v3 =	vperm.xlane v3, v0;
	_ =	sdelay $0x1  }
0x85: {  	v3 =	vadd.s32 v1, v3;
	_ =	sdelay $0x3  }
0x86: {  	s24 =	simm.s32 $0x10080  }
0x87: {  	[tilespmem:s24], [sflag:$0x3] =	stream.indirect_vreg.gather [hbm4b:s3+s4], $0x80, v3, vm0, $0xb8;
	[tilespmem:$0x18080] =	vst v63  }
0x88: {  	s25 =	simm.s32 $0x10880  }
0x89: {  	[tilespmem:s25], [sflag:$0x3] =	stream.indirect_vreg.gather [hbm4b:s12+s4], $0x80, v3, vm0, $0xb8;
	[tilespmem:$0x18080] =	vst v63  }
0x8a: {  	s26 =	simm.s32 $0x11080  }
0x8b: {  	[tilespmem:s26], [sflag:$0x3] =	stream.indirect_vreg.gather [hbm4b:s13+s4], $0x80, v3, vm0, $0xb8;
	[tilespmem:$0x18080] =	vst v63  }
0x8c: {  	p0 =	por $0x1, $0x1;
	s24 =	simm.s32 $0x0  }
0x8d: {  	[tilespmem:s29], [sflag:$0x3] =	stream.indirect_vreg.gather [hbm4b:s14+s4], $0x80, v3, vm0, $0xb8;
	[tilespmem:$0x18080] =	vst v63  }
.LBB2_2:
.Ltmp2:
0x8e: {  	(pc) =	sbr.rel @!p0 .LBB2_4-.Ltmp2, $2  }
0x8f: {  	_ =	sdelay $0x2  }
0x90: {  	s23 =	sshllo.u32 s24, $0x1  }
0x91: {  	s25 =	smul.u32 $0x60, s23;
	_ =	sdelay $0x1  }
0x92: {  	s25 =	sshra.s32 s25, $0x2  }
0x93: {  	v3 =	vld [tilespmem:s25+$0x0];
	_ =	sdelay $0x4  }
0x94: {  	v4 =	vshll.u32 v3, $0x3  }
0x95: {  	v3 =	vand.u32 $0x7, v3;
	v4 =	vand.u32 $0xFFFFFFC0, v4  }
0x96: {  	v3 =	vor.u32 v3, v4  }
0x97: {  	v4 =	vperm.xlane v3, v0;
	_ =	sdelay $0x1  }
0x98: {  	v4 =	vadd.s32 v1, v4;
	_ =	sdelay $0x4  }
0x99: {  	[tilespmem:s30], [sflag:$0x2] =	stream.indirect_vreg.gather [hbm4b:s2+s4], $0x80, v4, vm0, $0xb8;
	[tilespmem:$0x18080] =	vst v63  }
0x9a: {  	s29 =	simm.s32 $0x6880;
	v3 =	vperm.xlane v3, v2  }
0x9b: {  	[tilespmem:s29], [sflag:$0x2] =	stream.indirect_vreg.gather [hbm4b:s9+s4], $0x80, v4, vm0, $0xb8;
	[tilespmem:$0x18080] =	vst v63  }
0x9c: {  	s0 =	simm.s32 $0x7080;
	v3 =	vadd.s32 v1, v3  }
0x9d: {  	[tilespmem:s0], [sflag:$0x2] =	stream.indirect_vreg.gather [hbm4b:s10+s4], $0x80, v4, vm0, $0xb8;
	[tilespmem:$0x18080] =	vst v63  }
0x9e: {  	s8 =	simm.s32 $0x7880  }
0x9f: {  	[tilespmem:s8], [sflag:$0x2] =	stream.indirect_vreg.gather [hbm4b:s11+s4], $0x80, v4, vm0, $0xb8;
	[tilespmem:$0x18080] =	vst v63  }
0xa0: {  	s15 =	simm.s32 $0x8080  }
0xa1: {  	[tilespmem:s15], [sflag:$0x2] =	stream.indirect_vreg.gather [hbm4b:s2+s4], $0x80, v3, vm0, $0xb8;
	[tilespmem:$0x18080] =	vst v63  }
0xa2: {  	s26 =	simm.s32 $0x8880  }
0xa3: {  	[tilespmem:s26], [sflag:$0x2] =	stream.indirect_vreg.gather [hbm4b:s9+s4], $0x80, v3, vm0, $0xb8;
	[tilespmem:$0x18080] =	vst v63  }
0xa4: {  	s26 =	simm.s32 $0x9080  }
0xa5: {  	[tilespmem:s26], [sflag:$0x2] =	stream.indirect_vreg.gather [hbm4b:s10+s4], $0x80, v3, vm0, $0xb8;
	[tilespmem:$0x18080] =	vst v63  }
0xa6: {  	s26 =	simm.s32 $0x9880  }
0xa7: {  	[tilespmem:s26], [sflag:$0x2] =	stream.indirect_vreg.gather [hbm4b:s11+s4], $0x80, v3, vm0, $0xb8;
	[tilespmem:$0x18080] =	vst v63  }
0xa8: {  	v3 =	vld.msk [tilespmem:s25+$0x10], $0xff;
	_ =	sdelay $0x4  }
0xa9: {  	v61 =	vshll.u32 v3, $0x3  }
0xaa: {  	v3 =	vand.u32 $0x7, v3;
	v4 =	vand.u32 $0xFFFFFFC0, v61  }
0xab: {  	v3 =	vor.u32 v3, v4  }
0xac: {  	v3 =	vperm.xlane v3, v0;
	_ =	sdelay $0x1  }
0xad: {  	v3 =	vadd.s32 v1, v3;
	_ =	sdelay $0x3  }
0xae: {  	s26 =	simm.s32 $0xA080  }
0xaf: {  	[tilespmem:s26], [sflag:$0x2] =	stream.indirect_vreg.gather [hbm4b:s2+s4], $0x80, v3, vm0, $0xb8;
	[tilespmem:$0x18080] =	vst v63  }
0xb0: {  	s26 =	simm.s32 $0xA880  }
0xb1: {  	[tilespmem:s26], [sflag:$0x2] =	stream.indirect_vreg.gather [hbm4b:s9+s4], $0x80, v3, vm0, $0xb8;
	[tilespmem:$0x18080] =	vst v63  }
0xb2: {  	s26 =	simm.s32 $0xB080  }
0xb3: {  	[tilespmem:s26], [sflag:$0x2] =	stream.indirect_vreg.gather [hbm4b:s10+s4], $0x80, v3, vm0, $0xb8;
	[tilespmem:$0x18080] =	vst v63  }
0xb4: {  	s26 =	simm.s32 $0xB880  }
0xb5: {  	[tilespmem:s26], [sflag:$0x2] =	stream.indirect_vreg.gather [hbm4b:s11+s4], $0x80, v3, vm0, $0xb8;
	[tilespmem:$0x18080] =	vst v63  }
0xb6: {  	v3 =	vld [tilespmem:s25+$0x0];
	_ =	sdelay $0x4  }
0xb7: {  	v62 =	vshll.u32 v3, $0x3  }
0xb8: {  	v3 =	vand.u32 $0x7, v3;
	v4 =	vand.u32 $0xFFFFFFC0, v62  }
0xb9: {  	v3 =	vor.u32 v3, v4  }
0xba: {  	v4 =	vperm.xlane v3, v0;
	_ =	sdelay $0x1  }
0xbb: {  	v4 =	vadd.s32 v1, v4;
	_ =	sdelay $0x4  }
0xbc: {  	[tilespmem:s31], [sflag:$0x4] =	stream.indirect_vreg.gather [hbm4b:s3+s4], $0x80, v4, vm0, $0xb8;
	[tilespmem:$0x18080] =	vst v63  }
0xbd: {  	s26 =	simm.s32 $0x12880;
	v3 =	vperm.xlane v3, v2  }
0xbe: {  	[tilespmem:s26], [sflag:$0x4] =	stream.indirect_vreg.gather [hbm4b:s12+s4], $0x80, v4, vm0, $0xb8;
	[tilespmem:$0x18080] =	vst v63  }
0xbf: {  	v3 =	vadd.s32 v1, v3;
	s26 =	simm.s32 $0x13080  }
0xc0: {  	[tilespmem:s26], [sflag:$0x4] =	stream.indirect_vreg.gather [hbm4b:s13+s4], $0x80, v4, vm0, $0xb8;
	[tilespmem:$0x18080] =	vst v63  }
0xc1: {  	s26 =	simm.s32 $0x13880  }
0xc2: {  	[tilespmem:s26], [sflag:$0x4] =	stream.indirect_vreg.gather [hbm4b:s14+s4], $0x80, v4, vm0, $0xb8;
	[tilespmem:$0x18080] =	vst v63  }
0xc3: {  	s26 =	simm.s32 $0x14080  }
0xc4: {  	[tilespmem:s26], [sflag:$0x4] =	stream.indirect_vreg.gather [hbm4b:s3+s4], $0x80, v3, vm0, $0xb8;
	[tilespmem:$0x18080] =	vst v63  }
0xc5: {  	s26 =	simm.s32 $0x14880  }
0xc6: {  	[tilespmem:s26], [sflag:$0x4] =	stream.indirect_vreg.gather [hbm4b:s12+s4], $0x80, v3, vm0, $0xb8;
	[tilespmem:$0x18080] =	vst v63  }
0xc7: {  	s26 =	simm.s32 $0x15080  }
0xc8: {  	[tilespmem:s26], [sflag:$0x4] =	stream.indirect_vreg.gather [hbm4b:s13+s4], $0x80, v3, vm0, $0xb8;
	[tilespmem:$0x18080] =	vst v63  }
0xc9: {  	s26 =	simm.s32 $0x15880  }
0xca: {  	[tilespmem:s26], [sflag:$0x4] =	stream.indirect_vreg.gather [hbm4b:s14+s4], $0x80, v3, vm0, $0xb8;
	[tilespmem:$0x18080] =	vst v63  }
0xcb: {  	v3 =	vld.msk [tilespmem:s25+$0x10], $0xff;
	_ =	sdelay $0x4  }
0xcc: {  	v63 =	vshll.u32 v3, $0x3  }
0xcd: {  	v3 =	vand.u32 $0x7, v3;
	v4 =	vand.u32 $0xFFFFFFC0, v63  }
0xce: {  	v3 =	vor.u32 v3, v4  }
0xcf: {  	v3 =	vperm.xlane v3, v0;
	_ =	sdelay $0x1  }
0xd0: {  	v3 =	vadd.s32 v1, v3;
	_ =	sdelay $0x3  }
0xd1: {  	s26 =	simm.s32 $0x16080  }
0xd2: {  	[tilespmem:s26], [sflag:$0x4] =	stream.indirect_vreg.gather [hbm4b:s3+s4], $0x80, v3, vm0, $0xb8;
	[tilespmem:$0x18080] =	vst v63  }
0xd3: {  	s26 =	simm.s32 $0x16880  }
0xd4: {  	[tilespmem:s26], [sflag:$0x4] =	stream.indirect_vreg.gather [hbm4b:s12+s4], $0x80, v3, vm0, $0xb8;
	[tilespmem:$0x18080] =	vst v63  }
0xd5: {  	s29 =	simm.s32 $0x11880;
	s0 =	simm.s32 $0xC880;
	s26 =	simm.s32 $0x17080  }
0xd6: {  	[tilespmem:s26], [sflag:$0x4] =	stream.indirect_vreg.gather [hbm4b:s13+s4], $0x80, v3, vm0, $0xb8;
	[tilespmem:$0x18080] =	vst v63  }
0xd7: {  	s8 =	simm.s32 $0xD080;
	s15 =	simm.s32 $0xD880;
	s26 =	simm.s32 $0x17880  }
0xd8: {  	[tilespmem:s26], [sflag:$0x4] =	stream.indirect_vreg.gather [hbm4b:s14+s4], $0x80, v3, vm0, $0xb8;
	[tilespmem:$0x18080] =	vst v63  }
.LBB2_4:
0xd9: {  	s24 =	smul.u32 $0x30, s24;
	_ =	sdelay $0x1  }
0xda: {  	_ =	swait.ge [sflag:s20], $0x6000;
	s24 =	sadd.s32 s5, s24  }
0xdb: {  	[sflag:s20] =	ssyncset.done $0x0;
	s24 =	sshll.u32 s24, $0x7  }
0xdc: {  	[sflag:s20] =	ssyncadd.s32 $0xFFFFA000;
	s25 =	sadd.s32 s6, s24  }
0xdd: {  	[hbm4b:s25+s4] =	stream.linear.scatter [tilespmem:s19], [sflag:$0x6], $0x6000, $0x38;
	[tilespmem:$0x18080] =	vst v63  }
0xde: {  	_ =	swait.ge [sflag:s21], $0x6000  }
0xdf: {  	[sflag:s21] =	ssyncset.done $0x0  }
0xe0: {  	[sflag:s21] =	ssyncadd.s32 $0xFFFFA000  }
0xe1: {  	_ =	swait.ge [sflag:s22], $0x6000  }
0xe2: {  	[sflag:s22] =	ssyncset.done $0x0  }
.Ltmp3:
0xe3: {  	s24 =	sadd.s32 s7, s24;
	[sflag:s22] =	ssyncadd.s32 $0xFFFFA000;
	(pc) =	sbr.rel @!p0 .LBB2_6-.Ltmp3, $4  }
0xe4: {  	[hbm4b:s24+s4] =	stream.linear.scatter [tilespmem:s1], [sflag:$0x6], $0x6000, $0x38;
	[tilespmem:$0x18080] =	vst v63  }
0xe5: {  	_ =	swait.ge [sflag:s21], $0x6000  }
0xe6: {  	[sflag:s21] =	ssyncset.done $0x0  }
0xe7: {  	[sflag:s21] =	ssyncadd.s32 $0xFFFFA000  }
0xe8: {  	v3 =	vld [tilespmem:$0x30];
	_ =	sdelay $0x4  }
0xe9: {  	v4 =	vshll.u32 v3, $0x3  }
0xea: {  	v3 =	vand.u32 $0x7, v3;
	v4 =	vand.u32 $0xFFFFFFC0, v4  }
0xeb: {  	v3 =	vor.u32 v3, v4  }
0xec: {  	v4 =	vperm.xlane v3, v0;
	_ =	sdelay $0x1  }
0xed: {  	v4 =	vadd.s32 v1, v4;
	_ =	sdelay $0x4  }
0xee: {  	[tilespmem:s19], [sflag:$0x1] =	stream.indirect_vreg.gather [hbm4b:s2+s4], $0x80, v4, vm0, $0xb8;
	[tilespmem:$0x18080] =	vst v63  }
0xef: {  	s24 =	simm.s32 $0x880;
	v3 =	vperm.xlane v3, v2  }
0xf0: {  	[tilespmem:s24], [sflag:$0x1] =	stream.indirect_vreg.gather [hbm4b:s9+s4], $0x80, v4, vm0, $0xb8;
	[tilespmem:$0x18080] =	vst v63  }
0xf1: {  	s26 =	simm.s32 $0x1080;
	v3 =	vadd.s32 v1, v3  }
0xf2: {  	[tilespmem:s26], [sflag:$0x1] =	stream.indirect_vreg.gather [hbm4b:s10+s4], $0x80, v4, vm0, $0xb8;
	[tilespmem:$0x18080] =	vst v63  }
0xf3: {  	_ = 	snop  }
0xf4: {  	[tilespmem:s28], [sflag:$0x1] =	stream.indirect_vreg.gather [hbm4b:s11+s4], $0x80, v4, vm0, $0xb8;
	[tilespmem:$0x18080] =	vst v63  }
0xf5: {  	s25 =	simm.s32 $0x2080  }
0xf6: {  	[tilespmem:s25], [sflag:$0x1] =	stream.indirect_vreg.gather [hbm4b:s2+s4], $0x80, v3, vm0, $0xb8;
	[tilespmem:$0x18080] =	vst v63  }
0xf7: {  	s26 =	simm.s32 $0x2880  }
0xf8: {  	[tilespmem:s26], [sflag:$0x1] =	stream.indirect_vreg.gather [hbm4b:s9+s4], $0x80, v3, vm0, $0xb8;
	[tilespmem:$0x18080] =	vst v63  }
0xf9: {  	s25 =	simm.s32 $0x3080  }
0xfa: {  	[tilespmem:s25], [sflag:$0x1] =	stream.indirect_vreg.gather [hbm4b:s10+s4], $0x80, v3, vm0, $0xb8;
	[tilespmem:$0x18080] =	vst v63  }
0xfb: {  	s26 =	simm.s32 $0x3880  }
0xfc: {  	[tilespmem:s26], [sflag:$0x1] =	stream.indirect_vreg.gather [hbm4b:s11+s4], $0x80, v3, vm0, $0xb8;
	[tilespmem:$0x18080] =	vst v63  }
0xfd: {  	v3 =	vld.msk [tilespmem:$0x40], $0xff;
	_ =	sdelay $0x4  }
0xfe: {  	v61 =	vshll.u32 v3, $0x3  }
0xff: {  	v3 =	vand.u32 $0x7, v3;
	v4 =	vand.u32 $0xFFFFFFC0, v61  }
0x100: {  	v3 =	vor.u32 v3, v4  }
0x101: {  	v3 =	vperm.xlane v3, v0;
	_ =	sdelay $0x1  }
0x102: {  	v3 =	vadd.s32 v1, v3;
	_ =	sdelay $0x3  }
0x103: {  	s25 =	simm.s32 $0x4080  }
0x104: {  	[tilespmem:s25], [sflag:$0x1] =	stream.indirect_vreg.gather [hbm4b:s2+s4], $0x80, v3, vm0, $0xb8;
	[tilespmem:$0x18080] =	vst v63  }
0x105: {  	s26 =	simm.s32 $0x4880  }
0x106: {  	[tilespmem:s26], [sflag:$0x1] =	stream.indirect_vreg.gather [hbm4b:s9+s4], $0x80, v3, vm0, $0xb8;
	[tilespmem:$0x18080] =	vst v63  }
0x107: {  	s25 =	simm.s32 $0x5080  }
0x108: {  	[tilespmem:s25], [sflag:$0x1] =	stream.indirect_vreg.gather [hbm4b:s10+s4], $0x80, v3, vm0, $0xb8;
	[tilespmem:$0x18080] =	vst v63  }
0x109: {  	s26 =	simm.s32 $0x5880  }
0x10a: {  	[tilespmem:s26], [sflag:$0x1] =	stream.indirect_vreg.gather [hbm4b:s11+s4], $0x80, v3, vm0, $0xb8;
	[tilespmem:$0x18080] =	vst v63  }
0x10b: {  	v3 =	vld [tilespmem:$0x30];
	_ =	sdelay $0x4  }
0x10c: {  	v62 =	vshll.u32 v3, $0x3  }
0x10d: {  	v3 =	vand.u32 $0x7, v3;
	v4 =	vand.u32 $0xFFFFFFC0, v62  }
0x10e: {  	v3 =	vor.u32 v3, v4  }
0x10f: {  	v4 =	vperm.xlane v3, v0;
	_ =	sdelay $0x1  }
0x110: {  	v4 =	vadd.s32 v1, v4;
	_ =	sdelay $0x4  }
0x111: {  	[tilespmem:s1], [sflag:$0x3] =	stream.indirect_vreg.gather [hbm4b:s3+s4], $0x80, v4, vm0, $0xb8;
	[tilespmem:$0x18080] =	vst v63  }
0x112: {  	v3 =	vperm.xlane v3, v2  }
0x113: {  	[tilespmem:s0], [sflag:$0x3] =	stream.indirect_vreg.gather [hbm4b:s12+s4], $0x80, v4, vm0, $0xb8;
	[tilespmem:$0x18080] =	vst v63  }
0x114: {  	v3 =	vadd.s32 v1, v3  }
0x115: {  	[tilespmem:s8], [sflag:$0x3] =	stream.indirect_vreg.gather [hbm4b:s13+s4], $0x80, v4, vm0, $0xb8;
	[tilespmem:$0x18080] =	vst v63  }
0x116: {  	_ = 	snop  }
0x117: {  	[tilespmem:s15], [sflag:$0x3] =	stream.indirect_vreg.gather [hbm4b:s14+s4], $0x80, v4, vm0, $0xb8;
	[tilespmem:$0x18080] =	vst v63  }
0x118: {  	s25 =	simm.s32 $0xE080  }
0x119: {  	[tilespmem:s25], [sflag:$0x3] =	stream.indirect_vreg.gather [hbm4b:s3+s4], $0x80, v3, vm0, $0xb8;
	[tilespmem:$0x18080] =	vst v63  }
0x11a: {  	s26 =	simm.s32 $0xE880  }
0x11b: {  	[tilespmem:s26], [sflag:$0x3] =	stream.indirect_vreg.gather [hbm4b:s12+s4], $0x80, v3, vm0, $0xb8;
	[tilespmem:$0x18080] =	vst v63  }
0x11c: {  	s25 =	simm.s32 $0xF080  }
0x11d: {  	[tilespmem:s25], [sflag:$0x3] =	stream.indirect_vreg.gather [hbm4b:s13+s4], $0x80, v3, vm0, $0xb8;
	[tilespmem:$0x18080] =	vst v63  }
0x11e: {  	s26 =	simm.s32 $0xF880  }
0x11f: {  	[tilespmem:s26], [sflag:$0x3] =	stream.indirect_vreg.gather [hbm4b:s14+s4], $0x80, v3, vm0, $0xb8;
	[tilespmem:$0x18080] =	vst v63  }
0x120: {  	v3 =	vld.msk [tilespmem:$0x40], $0xff;
	_ =	sdelay $0x4  }
0x121: {  	v63 =	vshll.u32 v3, $0x3  }
0x122: {  	v3 =	vand.u32 $0x7, v3;
	v4 =	vand.u32 $0xFFFFFFC0, v63  }
0x123: {  	v3 =	vor.u32 v3, v4  }
0x124: {  	v3 =	vperm.xlane v3, v0;
	_ =	sdelay $0x1  }
0x125: {  	v3 =	vadd.s32 v1, v3;
	_ =	sdelay $0x3  }
0x126: {  	s25 =	simm.s32 $0x10080  }
0x127: {  	[tilespmem:s25], [sflag:$0x3] =	stream.indirect_vreg.gather [hbm4b:s3+s4], $0x80, v3, vm0, $0xb8;
	[tilespmem:$0x18080] =	vst v63  }
0x128: {  	s26 =	simm.s32 $0x10880  }
0x129: {  	[tilespmem:s26], [sflag:$0x3] =	stream.indirect_vreg.gather [hbm4b:s12+s4], $0x80, v3, vm0, $0xb8;
	[tilespmem:$0x18080] =	vst v63  }
0x12a: {  	s25 =	simm.s32 $0x11080  }
0x12b: {  	[tilespmem:s25], [sflag:$0x3] =	stream.indirect_vreg.gather [hbm4b:s13+s4], $0x80, v3, vm0, $0xb8;
	[tilespmem:$0x18080] =	vst v63  }
0x12c: {  	s23 =	smul.u32 $0x18, s23  }
0x12d: {  	[tilespmem:s29], [sflag:$0x3] =	stream.indirect_vreg.gather [hbm4b:s14+s4], $0x80, v3, vm0, $0xb8;
	[tilespmem:$0x18080] =	vst v63  }
0x12e: {  	s23 =	sadd.s32 s5, s23;
	_ =	swait.ge [sflag:s16], $0x6000  }
0x12f: {  	s23 =	sshll.u32 s23, $0x7;
	[sflag:s16] =	ssyncset.done $0x0  }
0x130: {  	s26 =	sadd.s32 s6, s23;
	[sflag:s16] =	ssyncadd.s32 $0xFFFFA000  }
0x131: {  	[hbm4b:s26+s4] =	stream.linear.scatter [tilespmem:s30], [sflag:$0x6], $0x6000, $0x38;
	[tilespmem:$0x18080] =	vst v63  }
0x132: {  	_ =	swait.ge [sflag:s21], $0x6000  }
0x133: {  	[sflag:s21] =	ssyncset.done $0x0  }
0x134: {  	[sflag:s21] =	ssyncadd.s32 $0xFFFFA000  }
0x135: {  	_ =	swait.ge [sflag:s17], $0x6000  }
0x136: {  	[sflag:s17] =	ssyncset.done $0x0  }
.Ltmp4:
0x137: {  	s23 =	sadd.s32 s7, s23;
	[sflag:s17] =	ssyncadd.s32 $0xFFFFA000;
	(pc) =	sbr.rel .LBB2_2-.Ltmp4, $4  }
0x138: {  	[hbm4b:s23+s4] =	stream.linear.scatter [tilespmem:s31], [sflag:$0x5], $0x6000, $0x38;
	[tilespmem:$0x18080] =	vst v63  }
0x139: {  	_ =	swait.ge [sflag:s18], $0x6000  }
0x13a: {  	[sflag:s18] =	ssyncset.done $0x0  }
0x13b: {  	p0 =	por $0x0, $0x0;
	s24 =	simm.s32 $0x1;
	[sflag:s18] =	ssyncadd.s32 $0xFFFFA000  }
.LBB2_7:
0x13c: {  	_ =	sfence.sel $0x180000  }
0x13d: {  	[bflag:$0x0] =	sbarrier.arrive $0xFFFF  }
0x13e: {  	_ =	strace $0x9000004D  }
0x13f: {  	s0 =	stileid.u32;
	[bflag:$0x2] =	sbarrier.arrive $0xFFFF  }
0x140: {  	p0 =	sne.s32 s0, $0x0;
	s0 =	rddreg [dreg:$0x3]  }
0x141: {  	s0 =	sadd.s32 @!p0 $0x100000, s0  }
0x142: {  	[sflag:s0] =	ssyncadd.tile.s32 @!p0 $0x1;
	_ =	shalt  }
.Lfunc_end2:
_tile_overlayer_lowered:
.L_overlay_start_2:
0x143: {  	(tag) =	ssettag $0x2  }
0x144: {  	s0 =	rddreg [dreg:$0x0];
	s2 =	stileid.u32  }
0x145: {  	s1 =	rddreg [dreg:$0x1];
	p0 =	sne.s32 s2, $0x0  }
0x146: {  	s3 =	rddreg [dreg:$0x2];
	[bflag:$0x3] =	sbarrier.arrive $0xFFFF;
	s2 =	simm.s32 @!p0 $0x1C05  }
0x147: {  	[timem:s3], [sflag:s2] =	dma.local @!p0 [hbm:s0], s1  }
0x148: {  	s0 =	simm.s32 @!p0 $0x5  }
0x149: {  	_ =	swait.ge @!p0 [sflag:s0], s1  }
0x14a: {  	s1 =	ssub.s32 @!p0 $0x0, s1;
	[sflag:s0] =	ssyncset.done @!p0 $0x0  }
0x14b: {  	[sflag:s0] =	ssyncadd.s32 @!p0 s1  }
0x14c: {  	[bflag:$0x3] =	sbarrier.arrive $0xFFFF  }
0x14d: {  	_ =	shalt  }

// kernel: kernel.24.cloned.1.call-start
scs
__scs_entry_jumppad:
0x0: {  	(pc) =	sbr.rel $0x88, $3  }
0x1: {  	(tag) =	ssettag $0x0;
	lr =	simm.s32 $0x1  }
0x2: {  	[smem:$0x3F93] =	sst lr;
	_ =	strace $0xD0000000  }
0x3: {  	_ = 	snop  }
0x4: {  	_ = 	snop  }
0x5: {  	_ = 	snop  }
0x6: {  	_ = 	snop  }
0x7: {  	_ = 	snop  }
__scs_overlays_trampoline_lowered:
0x8: {  	[smem:$0x3FA2] =	sst s0  }
0x9: {  	[smem:$0x3FA3] =	sst s1  }
0xa: {  	[smem:$0x3FA4] =	sst s2  }
0xb: {  	[smem:$0x3FA5] =	sst s3  }
0xc: {  	[smem:$0x3FA6] =	sst s4  }
0xd: {  	[smem:$0x3FA7] =	sst s5  }
0xe: {  	[smem:$0x3FA8] =	sst s6  }
0xf: {  	[smem:$0x3FA9] =	sst s7  }
0x10: {  	[smem:$0x3FAA] =	sst s8  }
0x11: {  	[smem:$0x3FAB] =	sst s9;
	s0 =	simm.s32 @!p0 $0x0  }
0x12: {  	s1 =	sld [smem:$0x3F91];
	s0 =	simm.s32 @p0 $0x1  }
0x13: {  	[smem:$0x3FAC] =	sst s0;
	s0 =	simm.s32 @!p1 $0x0  }
0x14: {  	s2 =	sld [smem:$0x3F90];
	s0 =	simm.s32 @p1 $0x1  }
0x15: {  	[smem:$0x3FAD] =	sst s0;
	s0 =	simm.s32 @!p2 $0x0  }
0x16: {  	s3 =	sld [smem:$0x3FDB];
	s0 =	simm.s32 @p2 $0x1  }
0x17: {  	s4 =	simm.s32 $0x1BF5;
	[smem:$0x3FAF] =	sst s0  }
0x18: {  	s0 =	sld [smem:$0x3F92];
	_ =	swait.ge [sflag:s4], $0x0  }
0x19: {  	s7 =	sld [smem:$0x3F93]  }
0x1a: {  	s8 =	sadd.s32 $0xFFFFE003, lr  }
0x1b: {  	s9 =	sadd.s32 $0xFFFFFEF7, lr;
	s5 =	simm.s32 $0xFFFFFFFF;
	p2 =	slt.u32 s8, $0xFFFFF086  }
0x1c: {  	p1 =	slt.u32 s9, $0xF7A;
	s5 =	simm.s32 @!p2 $0x0  }
0x1d: {  	s5 =	simm.s32 @p1 $0x1;
	p0 =	seq.s32 s7, s2  }
0x1e: {  	s7 =	smul.u32 @!p0 $0xF7A, s2;
	p2 =	seq.s32 @!p0 s5, $0x0  }
0x1f: {  	s9 =	smul.u32 $0xF7A, s1;
	s8 =	simm.s32 @!p0 $0x1BF5;
	p2 =	por !p2, p0  }
0x20: {  	[sflag:s8] =	ssyncset.s32 @!p0 $0xFFFFF086;
	s6 =	sadd.s32 @!p0 s3, s7;
	s7 =	simm.s32 @!p0 $0x108  }
0x21: {  	s3 =	sadd.s32 s3, s9;
	s6 =	sadd.s32 @!p0 $0x88, s6;
	s7 =	simm.s32 @p2 $0x1082  }
0x22: {  	[simem:s7], [sflag:s8] =	dma.local @!p0 [hbm:s6], $0xF7A  }
0x23: {  	s9 =	sor.u32 $0xD0000000, s2;
	s6 =	simm.s32 $0x108;
	_ =	swait.ge @!p0 [sflag:s8], $0x0  }
0x24: {  	s3 =	sadd.s32 $0x88, s3;
	s6 =	simm.s32 @!p1 $0x1082;
	[sflag:s4] =	ssyncset.s32 $0xFFFFF086  }
0x25: {  	[simem:s6], [sflag:s4] =	dma.local [hbm:s3], $0xF7A  }
0x26: {  	[smem:$0x3F93] =	sst s1;
	(tag) =	ssettag s2;
	_ =	strace s9  }
0x27: {  	s1 =	sld [smem:$0x3FA3]  }
0x28: {  	s2 =	sld [smem:$0x3FA4]  }
0x29: {  	s4 =	sld [smem:$0x3FA6]  }
0x2a: {  	p0 =	seq.s32 s5, $0x0;
	s5 =	sld [smem:$0x3FA7]  }
0x2b: {  	s6 =	sld [smem:$0x3FA8]  }
0x2c: {  	s7 =	sld [smem:$0x3FA9]  }
0x2d: {  	s3 =	simm.s32 $0x108;
	s8 =	sld [smem:$0x3FAA]  }
0x2e: {  	s3 =	simm.s32 @!p0 $0x1082;
	s9 =	sld [smem:$0x3FAB]  }
0x2f: {  	lr =	sadd.s32 s0, s3;
	s0 =	sld [smem:$0x3FA2]  }
0x30: {  	s3 =	sld [smem:$0x3FA5]  }
0x31: {  	[smem:$0x3FAE] =	sst s10  }
0x32: {  	s10 =	sld [smem:$0x3FAC];
	_ =	sdelay $0x3  }
0x33: {  	p0 =	seq.s32 s10, $0x1;
	s10 =	sld [smem:$0x3FAE];
	_ =	sdelay $0x3  }
0x34: {  	[smem:$0x3FAE] =	sst s10  }
0x35: {  	s10 =	sld [smem:$0x3FAD];
	_ =	sdelay $0x3  }
0x36: {  	p1 =	seq.s32 s10, $0x1;
	s10 =	sld [smem:$0x3FAE];
	_ =	sdelay $0x3  }
0x37: {  	[smem:$0x3FAE] =	sst s10  }
0x38: {  	s10 =	sld [smem:$0x3FAF]  }
0x39: {  	_ = 	snop;
	(pc) =	sbr.ind lr, $3  }
0x3a: {  	_ = 	snop  }
0x3b: {  	_ = 	snop  }
0x3c: {  	p2 =	seq.s32 s10, $0x1;
	s10 =	sld [smem:$0x3FAE]  }
0x3d: {  	_ =	shalt  }
0x3e: {  	_ =	shalt  }
0x3f: {  	_ =	shalt  }
0x40: {  	_ =	shalt  }
0x41: {  	_ =	shalt  }
0x42: {  	_ =	shalt  }
0x43: {  	_ =	shalt  }
0x44: {  	_ =	shalt  }
0x45: {  	_ =	shalt  }
0x46: {  	_ =	shalt  }
0x47: {  	_ =	shalt  }
0x48: {  	_ =	shalt  }
0x49: {  	_ =	shalt  }
0x4a: {  	_ =	shalt  }
0x4b: {  	_ =	shalt  }
0x4c: {  	_ =	shalt  }
0x4d: {  	_ =	shalt  }
0x4e: {  	_ =	shalt  }
0x4f: {  	_ =	shalt  }
0x50: {  	_ =	shalt  }
0x51: {  	_ =	shalt  }
0x52: {  	_ =	shalt  }
0x53: {  	_ =	shalt  }
0x54: {  	_ =	shalt  }
0x55: {  	_ =	shalt  }
0x56: {  	_ =	shalt  }
0x57: {  	_ =	shalt  }
0x58: {  	_ =	shalt  }
0x59: {  	_ =	shalt  }
0x5a: {  	_ =	shalt  }
0x5b: {  	_ =	shalt  }
0x5c: {  	_ =	shalt  }
0x5d: {  	_ =	shalt  }
0x5e: {  	_ =	shalt  }
0x5f: {  	_ =	shalt  }
0x60: {  	_ =	shalt  }
0x61: {  	_ =	shalt  }
0x62: {  	_ =	shalt  }
0x63: {  	_ =	shalt  }
0x64: {  	_ =	shalt  }
0x65: {  	_ =	shalt  }
0x66: {  	_ =	shalt  }
0x67: {  	_ =	shalt  }
0x68: {  	_ =	shalt  }
0x69: {  	_ =	shalt  }
0x6a: {  	_ =	shalt  }
0x6b: {  	_ =	shalt  }
0x6c: {  	_ =	shalt  }
0x6d: {  	_ =	shalt  }
0x6e: {  	_ =	shalt  }
0x6f: {  	_ =	shalt  }
0x70: {  	_ =	shalt  }
0x71: {  	_ =	shalt  }
0x72: {  	_ =	shalt  }
0x73: {  	_ =	shalt  }
0x74: {  	_ =	shalt  }
0x75: {  	_ =	shalt  }
0x76: {  	_ =	shalt  }
0x77: {  	_ =	shalt  }
0x78: {  	_ =	shalt  }
0x79: {  	_ =	shalt  }
0x7a: {  	_ =	shalt  }
0x7b: {  	_ =	shalt  }
0x7c: {  	_ =	shalt  }
0x7d: {  	_ =	shalt  }
0x7e: {  	_ =	shalt  }
0x7f: {  	_ =	shalt  }
0x80: {  	_ =	shalt  }
0x81: {  	_ =	shalt  }
0x82: {  	_ =	shalt  }
0x83: {  	_ =	shalt  }
0x84: {  	_ =	shalt  }
0x85: {  	_ =	shalt  }
0x86: {  	_ =	shalt  }
0x87: {  	_ =	shalt  }
.Lfunc_end0:
.L_simem_size_0:
called_computation.3_lowered:
.L_overlay_start_0:
0x88: {  	s2 =	sld [smem:$0x3FD9]  }
0x89: {  	s3 =	sld [smem:$0x3FFE];
	_ =	sdelay $0x1  }
0x8a: {  	s1 =	srdreg.scid  }
0x8b: {  	s0 =	sand.u32 $0x1, s1  }
0x8c: {  	s17 =	sshll.u32 s0, $0xA;
	s2 =	sadd.s32 s3, s2  }
0x8d: {  	s2 =	sadd.s32 s2, s17  }
0x8e: {  	[smem:$0x3FBA] =	sst s2  }
0x8f: {  	_ = 	snop  }
0x90: {  	s18 =	sld [smem:$0x3FC9]  }
0x91: {  	s4 =	sld [smem:$0x3FC8];
	(tm) =	ssettm $0x1  }
0x92: {  	s19 =	sld [smem:$0x3FFB];
	_ =	sdelay $0x3  }
0x93: {  	_ =	strace s19  }
0x94: {  	s2 =	sld [smem:$0x3FFC];
	_ =	sdelay $0x3  }
0x95: {  	_ =	strace s2  }
0x96: {  	s2 =	sld [smem:$0x3FFD];
	_ =	sdelay $0x3  }
0x97: {  	_ =	strace s2  }
0x98: {  	_ =	strace $0x8FFFFFFF  }
0x99: {  	s20 =	sld [smem:$0x3FDB];
	_ =	sdelay $0x1  }
0x9a: {  	s5 =	simm.s32 $_scs_section_size  }
0x9b: {  	s6 =	simm.s32 $_size__tile_overlayer_lowered;
	s7 =	simm.s32 $_tile_overlayer_lowered  }
0x9c: {  	s8 =	simm.s32 $0x1BFF;
	s21 =	sshll.u32 s7, $0x1;
	s5 =	sadd.s32 s5, s20  }
0x9d: {  	s22 =	simm.s32 $0x0;
	s6 =	sshll.u32 s6, $0x1;
	s7 =	sadd.s32 s21, s5  }
0x9e: {  	[timem:s22], [sflag:s8] =	dma.local [hbm:s7], s6  }
0x9f: {  	_ =	swait.ge [sflag:s8], s6  }
0xa0: {  	s6 =	ssub.s32 $0x0, s6;
	[sflag:s8] =	ssyncset.done $0x0  }
0xa1: {  	[sflag:s8] =	ssyncadd.s32 s6;
	_ =	sdelay $0x1  }
0xa2: {  	s23 =	simm.s32 $0x1B8B  }
0xa3: {  	_ =	swait.ge [sflag:s23], $0x1  }
0xa4: {  	[sflag:s23] =	ssyncset.done $0x0  }
0xa5: {  	[sflag:s23] =	ssyncadd.s32 $0xFFFFFFFF  }
0xa6: {  	s6 =	sld [smem:$0x0]  }
0xa7: {  	s7 =	sand.u32 $0xFFFFFFFE, s1  }
0xa8: {  	p0 =	sne.s32 s1, s7  }
0xa9: {  	s7 =	sshll.u32 @p0 s7, $0xE  }
0xaa: {  	s7 =	sadd.s32 @p0 $0x11B8D, s7;
	s8 =	sshll.u32 @p0 s6, $0x11  }
0xab: {  	s7 =	sor.u32 @p0 s8, s7  }
0xac: {  	[sflag:s7] =	ssyncadd.remote.s32 @p0 $0x1;
	_ =	sdelay $0x1  }
0xad: {  	s7 =	simm.s32 @p0 $0x1B8D  }
0xae: {  	_ =	swait.eq @p0 [sflag:s7], $0x1  }
0xaf: {  	[sflag:s7] =	ssyncadd.s32 @p0 $0xFFFFFFFF  }
0xb0: {  	s8 =	sshll.u32 @!p0 s1, $0xE  }
0xb1: {  	s8 =	sor.u32 @!p0 $0x4000, s8;
	s7 =	simm.s32 @!p0 $0x1B8D  }
0xb2: {  	s6 =	sshll.u32 @!p0 s6, $0x11;
	s8 =	sadd.s32 @!p0 $0x11B8D, s8;
	_ =	swait.eq @!p0 [sflag:s7], $0x1  }
0xb3: {  	s6 =	sor.u32 @!p0 s6, s8;
	[sflag:s7] =	ssyncadd.s32 @!p0 $0xFFFFFFFF  }
0xb4: {  	s25 =	simm.s32 $0x1B8E;
	s24 =	sld [smem:$0x3FFE];
	[sflag:s6] =	ssyncadd.remote.s32 @!p0 $0x1  }
0xb5: {  	s26 =	simm.s32 $execute0_lowered;
	[smem:$0x3FD2] =	sst s25  }
0xb6: {  	s7 =	sshll.u32 s26, $0x1;
	_ =	strace $0x8000004F;
	[dreg:$0x1] =	wrdreg $0xFFFFFFFF  }
0xb7: {  	s28 =	simm.s32 $_size_execute0_lowered;
	s5 =	sadd.s32 s5, s7;
	[dreg:$0x0] =	wrdreg $0x0  }
0xb8: {  	s7 =	sshll.u32 s28, $0x1;
	[dreg:$0x2] =	wrdreg s5  }
0xb9: {  	[dreg:$0x3] =	wrdreg s7  }
0xba: {  	[dreg:$0x4] =	wrdreg $0xC0  }
0xbb: {  	_ =	task [dreg:s22], $0x5FFFF  }
0xbc: {  	[dreg:$0x1] =	wrdreg $0xFFFFFFFF  }
0xbd: {  	[dreg:$0x0] =	wrdreg $0x60  }
0xbe: {  	[dreg:$0x2] =	wrdreg s24  }
0xbf: {  	[dreg:$0x3] =	wrdreg s18  }
0xc0: {  	[dreg:$0x4] =	wrdreg s4  }
0xc1: {  	[dreg:$0x5] =	wrdreg $0xB  }
0xc2: {  	_ =	task.clear_ibuf [dreg:s22], $0x6FFFF;
	_ =	strace $0x9000004F  }
0xc3: {  	s29 =	simm.s32 $0xB;
	_ =	strace $0x80000051  }
0xc4: {  	_ =	swait.ge [sflag:s29], $0x1  }
0xc5: {  	[sflag:s29] =	ssyncadd.s32 $0xFFFFFFFF  }
0xc6: {  	_ =	strace $0x90000051  }
0xc7: {  	_ =	sfence  }
0xc8: {  	s30 =	sld [smem:$0x0];
	_ =	sdelay $0x2  }
0xc9: {  	s31 =	sshll.u32 s1, $0xD;
	s1 =	sshrl.u32 s1, $0x2  }
0xca: {  	s4 =	sand.u32 $0x4000, s31;
	s1 =	sadd.s32 s1, s30  }
0xcb: {  	s0 =	sor.u32 s4, s0;
	s1 =	sshll.u32 s1, $0x11  }
0xcc: {  	s0 =	sor.u32 s1, s0  }
0xcd: {  	s0 =	sadd.s32 $0x8F2B, s0  }
0xce: {  	[sflag:s0] =	ssyncadd.remote.s32 $0x1  }
0xcf: {  	_ =	sfence.sel $0xFFFF  }
0xd0: {  	[dreg:$0x0] =	wrdreg $0xFFFFFFFF;
	(pc) =	sbr.abs _section_cstart, $3  }
0xd1: {  	[dreg:$0x1] =	wrdreg $0xFFFFFFFF  }
0xd2: {  	_ =	task.clear_ibuf [dreg:s22], $0x2FFFF;
	_ =	strace $0x9FFFFFFF  }
0xd3: {  	(tm) =	ssettm $0x7FFFFFFF  }
tec
execute0_lowered:
.L_overlay_start_1:
0x0: {  	(tag) =	ssettag $0x1  }
0x1: {  	s0 =	rddreg [dreg:$0x0]  }
0x2: {  	s2 =	rddreg [dreg:$0x1]  }
0x3: {  	s1 =	srdreg.scid;
	s4 =	stileid.u32  }
0x4: {  	s3 =	rddreg [dreg:$0x2];
	s18 =	simm.s32 $0x5;
	s19 =	simm.s32 $0x80  }
0x5: {  	s15 =	simm.s32 $0xD880;
	s29 =	simm.s32 $0x11880;
	s30 =	simm.s32 $0x6080  }
0x6: {  	s31 =	simm.s32 $0x12080;
	s20 =	simm.s32 $0x1;
	s21 =	simm.s32 $0x6  }
0x7: {  	s22 =	simm.s32 $0x3;
	s16 =	simm.s32 $0x2;
	s17 =	simm.s32 $0x4  }
0x8: {  	s28 =	simm.s32 $0x1880;
	s1 =	sand.u32 $0x1, s1;
	s5 =	sshll.u32 s4, $0x1  }
0x9: {  	s4 =	simm.s32 $0x0;
	s6 =	sadd.s32 $0x143E00, s0;
	s10 =	sadd.s32 $0x200, s2  }
0xa: {  	s12 =	sadd.s32 $0x100, s3;
	s13 =	sadd.s32 $0x200, s3;
	s7 =	sor.u32 s1, s5  }
0xb: {  	s14 =	sadd.s32 $0x300, s3;
	s1 =	ssub.s32 $0x2, s1;
	s5 =	smul.u32 $0x50, s7  }
0xc: {  	[smem:$0x7FF] =	sst s4;
	s9 =	sshrl.u32 s1, $0x1;
	s11 =	smul.u32 $0x14000, s7  }
0xd: {  	_ =	strace $0x80000050;
	s7 =	sadd.s32 $0x193E00, s0;
	s23 =	ssub.s32 s1, s9  }
0xe: {  	s9 =	sadd.s32 $0x100, s2;
	s8 =	sshrl.u32 s5, $0x3;
	s25 =	sshrl.u32 s11, $0x3  }
0xf: {  	s8 =	sadd.s32 s0, s8;
	s1 =	sadd.s32 $0x2400, s25;
	s0 =	smax.u32 s23, $0x1  }
.Ltmp0:
0x10: {  	s24 =	sadd.s32 $0x3A80, s8;
	[dreg:$0x7] =	wrdreg s0;
	(pc) =	sbr.rel .LBB2_1-.Ltmp0, $4  }
0x11: {  	s11 =	sadd.s32 $0x300, s2;
	s26 =	sadd.s32 s6, s1;
	[dreg:$0x4] =	wrdreg s24  }
0x12: {  	v2 =	vlaneseq.u32;
	s25 =	simm.s32 $0x1080;
	s1 =	sadd.s32 s7, s1;
	[dreg:$0x5] =	wrdreg s26  }
0x13: {  	vm0 =	vmmov $0xffff;
	v1 =	vshrl.u32 v2, $0x3;
	s0 =	simm.s32 $0xC880;
	s8 =	simm.s32 $0xD080;
	[dreg:$0x6] =	wrdreg s1  }
0x14: {  	v0 =	vand.u32 $0x7, v2;
	v2 =	vor.u32 $0x8, v2;
	v1 =	vmul.u32 $0x8, v1;
	s24 =	simm.s32 $0x880;
	s1 =	simm.s32 $0xC080;
	s26 =	simm.s32 $0x0  }
.LBB2_6:
0x15: {  	v3 =	vld.msk [tilespmem:$0x48], $0xff;
	_ =	sdelay $0x4  }
0x16: {  	v4 =	vshll.u32 v3, $0x3  }
0x17: {  	v3 =	vand.u32 $0x7, v3;
	v4 =	vand.u32 $0xFFFFFFC0, v4  }
0x18: {  	v3 =	vor.u32 v3, v4  }
0x19: {  	v3 =	vperm.xlane v3, v0;
	_ =	sdelay $0x1  }
0x1a: {  	v3 =	vadd.s32 v1, v3;
	_ =	sdelay $0x4  }
0x1b: {  	[tilespmem:s19], [sflag:$0x1] =	stream.indirect_vreg.gather [hbm4b:s2+s4], $0x80, v3, vm0, $0xb8;
	[tilespmem:$0x18080] =	vst v63  }
0x1c: {  	s24 =	simm.s32 $0x880  }
0x1d: {  	[tilespmem:s24], [sflag:$0x1] =	stream.indirect_vreg.gather [hbm4b:s9+s4], $0x80, v3, vm0, $0xb8;
	[tilespmem:$0x18080] =	vst v63  }
0x1e: {  	s25 =	simm.s32 $0x1080  }
0x1f: {  	[tilespmem:s25], [sflag:$0x1] =	stream.indirect_vreg.gather [hbm4b:s10+s4], $0x80, v3, vm0, $0xb8;
	[tilespmem:$0x18080] =	vst v63  }
0x20: {  	s23 =	simm.s32 $0x1880  }
0x21: {  	[tilespmem:s23], [sflag:$0x1] =	stream.indirect_vreg.gather [hbm4b:s11+s4], $0x80, v3, vm0, $0xb8;
	[tilespmem:$0x18080] =	vst v63  }
0x22: {  	v3 =	vld.msk [tilespmem:$0x48], $0xff;
	_ =	sdelay $0x4  }
0x23: {  	v63 =	vshll.u32 v3, $0x3  }
0x24: {  	v3 =	vand.u32 $0x7, v3;
	v4 =	vand.u32 $0xFFFFFFC0, v63  }
0x25: {  	v3 =	vor.u32 v3, v4  }
0x26: {  	v3 =	vperm.xlane v3, v0;
	_ =	sdelay $0x1  }
0x27: {  	v3 =	vadd.s32 v1, v3;
	_ =	sdelay $0x4  }
0x28: {  	[tilespmem:s1], [sflag:$0x3] =	stream.indirect_vreg.gather [hbm4b:s3+s4], $0x80, v3, vm0, $0xb8;
	[tilespmem:$0x18080] =	vst v63  }
0x29: {  	_ = 	snop  }
0x2a: {  	[tilespmem:s0], [sflag:$0x3] =	stream.indirect_vreg.gather [hbm4b:s12+s4], $0x80, v3, vm0, $0xb8;
	[tilespmem:$0x18080] =	vst v63  }
0x2b: {  	_ = 	snop  }
0x2c: {  	[tilespmem:s8], [sflag:$0x3] =	stream.indirect_vreg.gather [hbm4b:s13+s4], $0x80, v3, vm0, $0xb8;
	[tilespmem:$0x18080] =	vst v63  }
0x2d: {  	_ = 	snop  }
0x2e: {  	[tilespmem:s15], [sflag:$0x3] =	stream.indirect_vreg.gather [hbm4b:s14+s4], $0x80, v3, vm0, $0xb8;
	[tilespmem:$0x18080] =	vst v63  }
0x2f: {  	_ =	swait.ge [sflag:s20], $0x2000  }
0x30: {  	[sflag:s20] =	ssyncset.done $0x0  }
0x31: {  	s26 =	rddreg [dreg:$0x5];
	[sflag:s20] =	ssyncadd.s32 $0xFFFFE000  }
0x32: {  	[hbm4b:s26+s4] =	stream.linear.scatter [tilespmem:s19], [sflag:$0x5], $0x2000, $0x38;
	[tilespmem:$0x18080] =	vst v63  }
0x33: {  	_ =	swait.ge [sflag:s18], $0x2000  }
0x34: {  	[sflag:s18] =	ssyncset.done $0x0  }
0x35: {  	[sflag:s18] =	ssyncadd.s32 $0xFFFFE000  }
0x36: {  	_ =	swait.ge [sflag:s22], $0x2000  }
0x37: {  	[sflag:s22] =	ssyncset.done $0x0  }
0x38: {  	s26 =	rddreg [dreg:$0x6];
	[sflag:s22] =	ssyncadd.s32 $0xFFFFE000  }
0x39: {  	[hbm4b:s26+s4] =	stream.linear.scatter [tilespmem:s1], [sflag:$0x5], $0x2000, $0x38;
	[tilespmem:$0x18080] =	vst v63  }
0x3a: {  	_ =	swait.ge [sflag:s18], $0x2000  }
0x3b: {  	s26 =	rddreg [dreg:$0x8]  }
0x3c: {  	s23 =	rddreg [dreg:$0x7];
	s26 =	sadd.s32 $0x1, s26  }
0x3d: {  	p0 =	sne.s32 s26, s23  }
.Ltmp1:
0x3e: {  	_ = 	snop;
	(pc) =	sbr.rel @!p0 .LBB2_7-.Ltmp1, $3  }
0x3f: {  	_ =	sdelay $0x1  }
0x40: {  	[sflag:s18] =	ssyncset.done $0x0  }
0x41: {  	[sflag:s18] =	ssyncadd.s32 $0xFFFFE000  }
.LBB2_1:
0x42: {  	[dreg:$0x8] =	wrdreg s26  }
0x43: {  	s23 =	rddreg [dreg:$0x4]  }
0x44: {  	[tilespmem:s4], [sflag:$0x5] =	stream.linear.gather [hbm4b:s23+s4], $0x50, $0x38;
	[tilespmem:$0x18080] =	vst v63  }
0x45: {  	_ =	swait.ge [sflag:s18], $0x50  }
0x46: {  	[sflag:s18] =	ssyncset.done $0x0  }
0x47: {  	[sflag:s18] =	ssyncadd.s32 $0xFFFFFFB0  }
0x48: {  	v3 =	vld [tilespmem:$0x0];
	_ =	sdelay $0x4  }
0x49: {  	v4 =	vshll.u32 v3, $0x3  }
0x4a: {  	v3 =	vand.u32 $0x7, v3;
	v4 =	vand.u32 $0xFFFFFFC0, v4  }
0x4b: {  	v3 =	vor.u32 v3, v4  }
0x4c: {  	v4 =	vperm.xlane v3, v0;
	_ =	sdelay $0x1  }
0x4d: {  	v4 =	vadd.s32 v1, v4;
	_ =	sdelay $0x4  }
0x4e: {  	[tilespmem:s19], [sflag:$0x1] =	stream.indirect_vreg.gather [hbm4b:s2+s4], $0x80, v4, vm0, $0xb8;
	[tilespmem:$0x18080] =	vst v63  }
0x4f: {  	v3 =	vperm.xlane v3, v2  }
0x50: {  	[tilespmem:s24], [sflag:$0x1] =	stream.indirect_vreg.gather [hbm4b:s9+s4], $0x80, v4, vm0, $0xb8;
	[tilespmem:$0x18080] =	vst v63  }
0x51: {  	v3 =	vadd.s32 v1, v3  }
0x52: {  	[tilespmem:s25], [sflag:$0x1] =	stream.indirect_vreg.gather [hbm4b:s10+s4], $0x80, v4, vm0, $0xb8;
	[tilespmem:$0x18080] =	vst v63  }
0x53: {  	s26 =	simm.s32 $0x1880  }
0x54: {  	[tilespmem:s26], [sflag:$0x1] =	stream.indirect_vreg.gather [hbm4b:s11+s4], $0x80, v4, vm0, $0xb8;
	[tilespmem:$0x18080] =	vst v63  }
0x55: {  	s24 =	simm.s32 $0x2080  }
0x56: {  	[tilespmem:s24], [sflag:$0x1] =	stream.indirect_vreg.gather [hbm4b:s2+s4], $0x80, v3, vm0, $0xb8;
	[tilespmem:$0x18080] =	vst v63  }
0x57: {  	s25 =	simm.s32 $0x2880  }
0x58: {  	[tilespmem:s25], [sflag:$0x1] =	stream.indirect_vreg.gather [hbm4b:s9+s4], $0x80, v3, vm0, $0xb8;
	[tilespmem:$0x18080] =	vst v63  }
0x59: {  	s26 =	simm.s32 $0x3080  }
0x5a: {  	[tilespmem:s26], [sflag:$0x1] =	stream.indirect_vreg.gather [hbm4b:s10+s4], $0x80, v3, vm0, $0xb8;
	[tilespmem:$0x18080] =	vst v63  }
0x5b: {  	s24 =	simm.s32 $0x3880  }
0x5c: {  	[tilespmem:s24], [sflag:$0x1] =	stream.indirect_vreg.gather [hbm4b:s11+s4], $0x80, v3, vm0, $0xb8;
	[tilespmem:$0x18080] =	vst v63  }
0x5d: {  	v3 =	vld.msk [tilespmem:$0x10], $0xff;
	_ =	sdelay $0x4  }
0x5e: {  	v61 =	vshll.u32 v3, $0x3  }
0x5f: {  	v3 =	vand.u32 $0x7, v3;
	v4 =	vand.u32 $0xFFFFFFC0, v61  }
0x60: {  	v3 =	vor.u32 v3, v4  }
0x61: {  	v3 =	vperm.xlane v3, v0;
	_ =	sdelay $0x1  }
0x62: {  	v3 =	vadd.s32 v1, v3;
	_ =	sdelay $0x3  }
0x63: {  	s25 =	simm.s32 $0x4080  }
0x64: {  	[tilespmem:s25], [sflag:$0x1] =	stream.indirect_vreg.gather [hbm4b:s2+s4], $0x80, v3, vm0, $0xb8;
	[tilespmem:$0x18080] =	vst v63  }
0x65: {  	s26 =	simm.s32 $0x4880  }
0x66: {  	[tilespmem:s26], [sflag:$0x1] =	stream.indirect_vreg.gather [hbm4b:s9+s4], $0x80, v3, vm0, $0xb8;
	[tilespmem:$0x18080] =	vst v63  }
0x67: {  	s24 =	simm.s32 $0x5080  }
0x68: {  	[tilespmem:s24], [sflag:$0x1] =	stream.indirect_vreg.gather [hbm4b:s10+s4], $0x80, v3, vm0, $0xb8;
	[tilespmem:$0x18080] =	vst v63  }
0x69: {  	s25 =	simm.s32 $0x5880  }
0x6a: {  	[tilespmem:s25], [sflag:$0x1] =	stream.indirect_vreg.gather [hbm4b:s11+s4], $0x80, v3, vm0, $0xb8;
	[tilespmem:$0x18080] =	vst v63  }
0x6b: {  	v3 =	vld [tilespmem:$0x0];
	_ =	sdelay $0x4  }
0x6c: {  	v62 =	vshll.u32 v3, $0x3  }
0x6d: {  	v3 =	vand.u32 $0x7, v3;
	v4 =	vand.u32 $0xFFFFFFC0, v62  }
0x6e: {  	v3 =	vor.u32 v3, v4  }
0x6f: {  	v4 =	vperm.xlane v3, v0;
	_ =	sdelay $0x1  }
0x70: {  	v4 =	vadd.s32 v1, v4;
	_ =	sdelay $0x4  }
0x71: {  	[tilespmem:s1], [sflag:$0x3] =	stream.indirect_vreg.gather [hbm4b:s3+s4], $0x80, v4, vm0, $0xb8;
	[tilespmem:$0x18080] =	vst v63  }
0x72: {  	v3 =	vperm.xlane v3, v2  }
0x73: {  	[tilespmem:s0], [sflag:$0x3] =	stream.indirect_vreg.gather [hbm4b:s12+s4], $0x80, v4, vm0, $0xb8;
	[tilespmem:$0x18080] =	vst v63  }
0x74: {  	v3 =	vadd.s32 v1, v3  }
0x75: {  	[tilespmem:s8], [sflag:$0x3] =	stream.indirect_vreg.gather [hbm4b:s13+s4], $0x80, v4, vm0, $0xb8;
	[tilespmem:$0x18080] =	vst v63  }
0x76: {  	_ = 	snop  }
0x77: {  	[tilespmem:s15], [sflag:$0x3] =	stream.indirect_vreg.gather [hbm4b:s14+s4], $0x80, v4, vm0, $0xb8;
	[tilespmem:$0x18080] =	vst v63  }
0x78: {  	s26 =	simm.s32 $0xE080  }
0x79: {  	[tilespmem:s26], [sflag:$0x3] =	stream.indirect_vreg.gather [hbm4b:s3+s4], $0x80, v3, vm0, $0xb8;
	[tilespmem:$0x18080] =	vst v63  }
0x7a: {  	s24 =	simm.s32 $0xE880  }
0x7b: {  	[tilespmem:s24], [sflag:$0x3] =	stream.indirect_vreg.gather [hbm4b:s12+s4], $0x80, v3, vm0, $0xb8;
	[tilespmem:$0x18080] =	vst v63  }
0x7c: {  	s25 =	simm.s32 $0xF080  }
0x7d: {  	[tilespmem:s25], [sflag:$0x3] =	stream.indirect_vreg.gather [hbm4b:s13+s4], $0x80, v3, vm0, $0xb8;
	[tilespmem:$0x18080] =	vst v63  }
0x7e: {  	s26 =	simm.s32 $0xF880  }
0x7f: {  	[tilespmem:s26], [sflag:$0x3] =	stream.indirect_vreg.gather [hbm4b:s14+s4], $0x80, v3, vm0, $0xb8;
	[tilespmem:$0x18080] =	vst v63  }
0x80: {  	v3 =	vld.msk [tilespmem:$0x10], $0xff;
	_ =	sdelay $0x4  }
0x81: {  	v63 =	vshll.u32 v3, $0x3  }
0x82: {  	v3 =	vand.u32 $0x7, v3;
	v4 =	vand.u32 $0xFFFFFFC0, v63  }
0x83: {  	v3 =	vor.u32 v3, v4  }
0x84: {  	v3 =	vperm.xlane v3, v0;
	_ =	sdelay $0x1  }
0x85: {  	v3 =	vadd.s32 v1, v3;
	_ =	sdelay $0x3  }
0x86: {  	s24 =	simm.s32 $0x10080  }
0x87: {  	[tilespmem:s24], [sflag:$0x3] =	stream.indirect_vreg.gather [hbm4b:s3+s4], $0x80, v3, vm0, $0xb8;
	[tilespmem:$0x18080] =	vst v63  }
0x88: {  	s25 =	simm.s32 $0x10880  }
0x89: {  	[tilespmem:s25], [sflag:$0x3] =	stream.indirect_vreg.gather [hbm4b:s12+s4], $0x80, v3, vm0, $0xb8;
	[tilespmem:$0x18080] =	vst v63  }
0x8a: {  	s26 =	simm.s32 $0x11080  }
0x8b: {  	[tilespmem:s26], [sflag:$0x3] =	stream.indirect_vreg.gather [hbm4b:s13+s4], $0x80, v3, vm0, $0xb8;
	[tilespmem:$0x18080] =	vst v63  }
0x8c: {  	p0 =	por $0x1, $0x1;
	s24 =	simm.s32 $0x0  }
0x8d: {  	[tilespmem:s29], [sflag:$0x3] =	stream.indirect_vreg.gather [hbm4b:s14+s4], $0x80, v3, vm0, $0xb8;
	[tilespmem:$0x18080] =	vst v63  }
.LBB2_2:
.Ltmp2:
0x8e: {  	(pc) =	sbr.rel @!p0 .LBB2_4-.Ltmp2, $2  }
0x8f: {  	_ =	sdelay $0x2  }
0x90: {  	s23 =	sshllo.u32 s24, $0x1  }
0x91: {  	s25 =	smul.u32 $0x60, s23;
	_ =	sdelay $0x1  }
0x92: {  	s25 =	sshra.s32 s25, $0x2  }
0x93: {  	v3 =	vld [tilespmem:s25+$0x0];
	_ =	sdelay $0x4  }
0x94: {  	v4 =	vshll.u32 v3, $0x3  }
0x95: {  	v3 =	vand.u32 $0x7, v3;
	v4 =	vand.u32 $0xFFFFFFC0, v4  }
0x96: {  	v3 =	vor.u32 v3, v4  }
0x97: {  	v4 =	vperm.xlane v3, v0;
	_ =	sdelay $0x1  }
0x98: {  	v4 =	vadd.s32 v1, v4;
	_ =	sdelay $0x4  }
0x99: {  	[tilespmem:s30], [sflag:$0x2] =	stream.indirect_vreg.gather [hbm4b:s2+s4], $0x80, v4, vm0, $0xb8;
	[tilespmem:$0x18080] =	vst v63  }
0x9a: {  	s29 =	simm.s32 $0x6880;
	v3 =	vperm.xlane v3, v2  }
0x9b: {  	[tilespmem:s29], [sflag:$0x2] =	stream.indirect_vreg.gather [hbm4b:s9+s4], $0x80, v4, vm0, $0xb8;
	[tilespmem:$0x18080] =	vst v63  }
0x9c: {  	s0 =	simm.s32 $0x7080;
	v3 =	vadd.s32 v1, v3  }
0x9d: {  	[tilespmem:s0], [sflag:$0x2] =	stream.indirect_vreg.gather [hbm4b:s10+s4], $0x80, v4, vm0, $0xb8;
	[tilespmem:$0x18080] =	vst v63  }
0x9e: {  	s8 =	simm.s32 $0x7880  }
0x9f: {  	[tilespmem:s8], [sflag:$0x2] =	stream.indirect_vreg.gather [hbm4b:s11+s4], $0x80, v4, vm0, $0xb8;
	[tilespmem:$0x18080] =	vst v63  }
0xa0: {  	s15 =	simm.s32 $0x8080  }
0xa1: {  	[tilespmem:s15], [sflag:$0x2] =	stream.indirect_vreg.gather [hbm4b:s2+s4], $0x80, v3, vm0, $0xb8;
	[tilespmem:$0x18080] =	vst v63  }
0xa2: {  	s26 =	simm.s32 $0x8880  }
0xa3: {  	[tilespmem:s26], [sflag:$0x2] =	stream.indirect_vreg.gather [hbm4b:s9+s4], $0x80, v3, vm0, $0xb8;
	[tilespmem:$0x18080] =	vst v63  }
0xa4: {  	s26 =	simm.s32 $0x9080  }
0xa5: {  	[tilespmem:s26], [sflag:$0x2] =	stream.indirect_vreg.gather [hbm4b:s10+s4], $0x80, v3, vm0, $0xb8;
	[tilespmem:$0x18080] =	vst v63  }
0xa6: {  	s26 =	simm.s32 $0x9880  }
0xa7: {  	[tilespmem:s26], [sflag:$0x2] =	stream.indirect_vreg.gather [hbm4b:s11+s4], $0x80, v3, vm0, $0xb8;
	[tilespmem:$0x18080] =	vst v63  }
0xa8: {  	v3 =	vld.msk [tilespmem:s25+$0x10], $0xff;
	_ =	sdelay $0x4  }
0xa9: {  	v61 =	vshll.u32 v3, $0x3  }
0xaa: {  	v3 =	vand.u32 $0x7, v3;
	v4 =	vand.u32 $0xFFFFFFC0, v61  }
0xab: {  	v3 =	vor.u32 v3, v4  }
0xac: {  	v3 =	vperm.xlane v3, v0;
	_ =	sdelay $0x1  }
0xad: {  	v3 =	vadd.s32 v1, v3;
	_ =	sdelay $0x3  }
0xae: {  	s26 =	simm.s32 $0xA080  }
0xaf: {  	[tilespmem:s26], [sflag:$0x2] =	stream.indirect_vreg.gather [hbm4b:s2+s4], $0x80, v3, vm0, $0xb8;
	[tilespmem:$0x18080] =	vst v63  }
0xb0: {  	s26 =	simm.s32 $0xA880  }
0xb1: {  	[tilespmem:s26], [sflag:$0x2] =	stream.indirect_vreg.gather [hbm4b:s9+s4], $0x80, v3, vm0, $0xb8;
	[tilespmem:$0x18080] =	vst v63  }
0xb2: {  	s26 =	simm.s32 $0xB080  }
0xb3: {  	[tilespmem:s26], [sflag:$0x2] =	stream.indirect_vreg.gather [hbm4b:s10+s4], $0x80, v3, vm0, $0xb8;
	[tilespmem:$0x18080] =	vst v63  }
0xb4: {  	s26 =	simm.s32 $0xB880  }
0xb5: {  	[tilespmem:s26], [sflag:$0x2] =	stream.indirect_vreg.gather [hbm4b:s11+s4], $0x80, v3, vm0, $0xb8;
	[tilespmem:$0x18080] =	vst v63  }
0xb6: {  	v3 =	vld [tilespmem:s25+$0x0];
	_ =	sdelay $0x4  }
0xb7: {  	v62 =	vshll.u32 v3, $0x3  }
0xb8: {  	v3 =	vand.u32 $0x7, v3;
	v4 =	vand.u32 $0xFFFFFFC0, v62  }
0xb9: {  	v3 =	vor.u32 v3, v4  }
0xba: {  	v4 =	vperm.xlane v3, v0;
	_ =	sdelay $0x1  }
0xbb: {  	v4 =	vadd.s32 v1, v4;
	_ =	sdelay $0x4  }
0xbc: {  	[tilespmem:s31], [sflag:$0x4] =	stream.indirect_vreg.gather [hbm4b:s3+s4], $0x80, v4, vm0, $0xb8;
	[tilespmem:$0x18080] =	vst v63  }
0xbd: {  	s26 =	simm.s32 $0x12880;
	v3 =	vperm.xlane v3, v2  }
0xbe: {  	[tilespmem:s26], [sflag:$0x4] =	stream.indirect_vreg.gather [hbm4b:s12+s4], $0x80, v4, vm0, $0xb8;
	[tilespmem:$0x18080] =	vst v63  }
0xbf: {  	v3 =	vadd.s32 v1, v3;
	s26 =	simm.s32 $0x13080  }
0xc0: {  	[tilespmem:s26], [sflag:$0x4] =	stream.indirect_vreg.gather [hbm4b:s13+s4], $0x80, v4, vm0, $0xb8;
	[tilespmem:$0x18080] =	vst v63  }
0xc1: {  	s26 =	simm.s32 $0x13880  }
0xc2: {  	[tilespmem:s26], [sflag:$0x4] =	stream.indirect_vreg.gather [hbm4b:s14+s4], $0x80, v4, vm0, $0xb8;
	[tilespmem:$0x18080] =	vst v63  }
0xc3: {  	s26 =	simm.s32 $0x14080  }
0xc4: {  	[tilespmem:s26], [sflag:$0x4] =	stream.indirect_vreg.gather [hbm4b:s3+s4], $0x80, v3, vm0, $0xb8;
	[tilespmem:$0x18080] =	vst v63  }
0xc5: {  	s26 =	simm.s32 $0x14880  }
0xc6: {  	[tilespmem:s26], [sflag:$0x4] =	stream.indirect_vreg.gather [hbm4b:s12+s4], $0x80, v3, vm0, $0xb8;
	[tilespmem:$0x18080] =	vst v63  }
0xc7: {  	s26 =	simm.s32 $0x15080  }
0xc8: {  	[tilespmem:s26], [sflag:$0x4] =	stream.indirect_vreg.gather [hbm4b:s13+s4], $0x80, v3, vm0, $0xb8;
	[tilespmem:$0x18080] =	vst v63  }
0xc9: {  	s26 =	simm.s32 $0x15880  }
0xca: {  	[tilespmem:s26], [sflag:$0x4] =	stream.indirect_vreg.gather [hbm4b:s14+s4], $0x80, v3, vm0, $0xb8;
	[tilespmem:$0x18080] =	vst v63  }
0xcb: {  	v3 =	vld.msk [tilespmem:s25+$0x10], $0xff;
	_ =	sdelay $0x4  }
0xcc: {  	v63 =	vshll.u32 v3, $0x3  }
0xcd: {  	v3 =	vand.u32 $0x7, v3;
	v4 =	vand.u32 $0xFFFFFFC0, v63  }
0xce: {  	v3 =	vor.u32 v3, v4  }
0xcf: {  	v3 =	vperm.xlane v3, v0;
	_ =	sdelay $0x1  }
0xd0: {  	v3 =	vadd.s32 v1, v3;
	_ =	sdelay $0x3  }
0xd1: {  	s26 =	simm.s32 $0x16080  }
0xd2: {  	[tilespmem:s26], [sflag:$0x4] =	stream.indirect_vreg.gather [hbm4b:s3+s4], $0x80, v3, vm0, $0xb8;
	[tilespmem:$0x18080] =	vst v63  }
0xd3: {  	s26 =	simm.s32 $0x16880  }
0xd4: {  	[tilespmem:s26], [sflag:$0x4] =	stream.indirect_vreg.gather [hbm4b:s12+s4], $0x80, v3, vm0, $0xb8;
	[tilespmem:$0x18080] =	vst v63  }
0xd5: {  	s29 =	simm.s32 $0x11880;
	s0 =	simm.s32 $0xC880;
	s26 =	simm.s32 $0x17080  }
0xd6: {  	[tilespmem:s26], [sflag:$0x4] =	stream.indirect_vreg.gather [hbm4b:s13+s4], $0x80, v3, vm0, $0xb8;
	[tilespmem:$0x18080] =	vst v63  }
0xd7: {  	s8 =	simm.s32 $0xD080;
	s15 =	simm.s32 $0xD880;
	s26 =	simm.s32 $0x17880  }
0xd8: {  	[tilespmem:s26], [sflag:$0x4] =	stream.indirect_vreg.gather [hbm4b:s14+s4], $0x80, v3, vm0, $0xb8;
	[tilespmem:$0x18080] =	vst v63  }
.LBB2_4:
0xd9: {  	s24 =	smul.u32 $0x30, s24;
	_ =	sdelay $0x1  }
0xda: {  	_ =	swait.ge [sflag:s20], $0x6000;
	s24 =	sadd.s32 s5, s24  }
0xdb: {  	[sflag:s20] =	ssyncset.done $0x0;
	s24 =	sshll.u32 s24, $0x7  }
0xdc: {  	[sflag:s20] =	ssyncadd.s32 $0xFFFFA000;
	s25 =	sadd.s32 s6, s24  }
0xdd: {  	[hbm4b:s25+s4] =	stream.linear.scatter [tilespmem:s19], [sflag:$0x6], $0x6000, $0x38;
	[tilespmem:$0x18080] =	vst v63  }
0xde: {  	_ =	swait.ge [sflag:s21], $0x6000  }
0xdf: {  	[sflag:s21] =	ssyncset.done $0x0  }
0xe0: {  	[sflag:s21] =	ssyncadd.s32 $0xFFFFA000  }
0xe1: {  	_ =	swait.ge [sflag:s22], $0x6000  }
0xe2: {  	[sflag:s22] =	ssyncset.done $0x0  }
.Ltmp3:
0xe3: {  	s24 =	sadd.s32 s7, s24;
	[sflag:s22] =	ssyncadd.s32 $0xFFFFA000;
	(pc) =	sbr.rel @!p0 .LBB2_6-.Ltmp3, $4  }
0xe4: {  	[hbm4b:s24+s4] =	stream.linear.scatter [tilespmem:s1], [sflag:$0x6], $0x6000, $0x38;
	[tilespmem:$0x18080] =	vst v63  }
0xe5: {  	_ =	swait.ge [sflag:s21], $0x6000  }
0xe6: {  	[sflag:s21] =	ssyncset.done $0x0  }
0xe7: {  	[sflag:s21] =	ssyncadd.s32 $0xFFFFA000  }
0xe8: {  	v3 =	vld [tilespmem:$0x30];
	_ =	sdelay $0x4  }
0xe9: {  	v4 =	vshll.u32 v3, $0x3  }
0xea: {  	v3 =	vand.u32 $0x7, v3;
	v4 =	vand.u32 $0xFFFFFFC0, v4  }
0xeb: {  	v3 =	vor.u32 v3, v4  }
0xec: {  	v4 =	vperm.xlane v3, v0;
	_ =	sdelay $0x1  }
0xed: {  	v4 =	vadd.s32 v1, v4;
	_ =	sdelay $0x4  }
0xee: {  	[tilespmem:s19], [sflag:$0x1] =	stream.indirect_vreg.gather [hbm4b:s2+s4], $0x80, v4, vm0, $0xb8;
	[tilespmem:$0x18080] =	vst v63  }
0xef: {  	s24 =	simm.s32 $0x880;
	v3 =	vperm.xlane v3, v2  }
0xf0: {  	[tilespmem:s24], [sflag:$0x1] =	stream.indirect_vreg.gather [hbm4b:s9+s4], $0x80, v4, vm0, $0xb8;
	[tilespmem:$0x18080] =	vst v63  }
0xf1: {  	s26 =	simm.s32 $0x1080;
	v3 =	vadd.s32 v1, v3  }
0xf2: {  	[tilespmem:s26], [sflag:$0x1] =	stream.indirect_vreg.gather [hbm4b:s10+s4], $0x80, v4, vm0, $0xb8;
	[tilespmem:$0x18080] =	vst v63  }
0xf3: {  	_ = 	snop  }
0xf4: {  	[tilespmem:s28], [sflag:$0x1] =	stream.indirect_vreg.gather [hbm4b:s11+s4], $0x80, v4, vm0, $0xb8;
	[tilespmem:$0x18080] =	vst v63  }
0xf5: {  	s25 =	simm.s32 $0x2080  }
0xf6: {  	[tilespmem:s25], [sflag:$0x1] =	stream.indirect_vreg.gather [hbm4b:s2+s4], $0x80, v3, vm0, $0xb8;
	[tilespmem:$0x18080] =	vst v63  }
0xf7: {  	s26 =	simm.s32 $0x2880  }
0xf8: {  	[tilespmem:s26], [sflag:$0x1] =	stream.indirect_vreg.gather [hbm4b:s9+s4], $0x80, v3, vm0, $0xb8;
	[tilespmem:$0x18080] =	vst v63  }
0xf9: {  	s25 =	simm.s32 $0x3080  }
0xfa: {  	[tilespmem:s25], [sflag:$0x1] =	stream.indirect_vreg.gather [hbm4b:s10+s4], $0x80, v3, vm0, $0xb8;
	[tilespmem:$0x18080] =	vst v63  }
0xfb: {  	s26 =	simm.s32 $0x3880  }
0xfc: {  	[tilespmem:s26], [sflag:$0x1] =	stream.indirect_vreg.gather [hbm4b:s11+s4], $0x80, v3, vm0, $0xb8;
	[tilespmem:$0x18080] =	vst v63  }
0xfd: {  	v3 =	vld.msk [tilespmem:$0x40], $0xff;
	_ =	sdelay $0x4  }
0xfe: {  	v61 =	vshll.u32 v3, $0x3  }
0xff: {  	v3 =	vand.u32 $0x7, v3;
	v4 =	vand.u32 $0xFFFFFFC0, v61  }
0x100: {  	v3 =	vor.u32 v3, v4  }
0x101: {  	v3 =	vperm.xlane v3, v0;
	_ =	sdelay $0x1  }
0x102: {  	v3 =	vadd.s32 v1, v3;
	_ =	sdelay $0x3  }
0x103: {  	s25 =	simm.s32 $0x4080  }
0x104: {  	[tilespmem:s25], [sflag:$0x1] =	stream.indirect_vreg.gather [hbm4b:s2+s4], $0x80, v3, vm0, $0xb8;
	[tilespmem:$0x18080] =	vst v63  }
0x105: {  	s26 =	simm.s32 $0x4880  }
0x106: {  	[tilespmem:s26], [sflag:$0x1] =	stream.indirect_vreg.gather [hbm4b:s9+s4], $0x80, v3, vm0, $0xb8;
	[tilespmem:$0x18080] =	vst v63  }
0x107: {  	s25 =	simm.s32 $0x5080  }
0x108: {  	[tilespmem:s25], [sflag:$0x1] =	stream.indirect_vreg.gather [hbm4b:s10+s4], $0x80, v3, vm0, $0xb8;
	[tilespmem:$0x18080] =	vst v63  }
0x109: {  	s26 =	simm.s32 $0x5880  }
0x10a: {  	[tilespmem:s26], [sflag:$0x1] =	stream.indirect_vreg.gather [hbm4b:s11+s4], $0x80, v3, vm0, $0xb8;
	[tilespmem:$0x18080] =	vst v63  }
0x10b: {  	v3 =	vld [tilespmem:$0x30];
	_ =	sdelay $0x4  }
0x10c: {  	v62 =	vshll.u32 v3, $0x3  }
0x10d: {  	v3 =	vand.u32 $0x7, v3;
	v4 =	vand.u32 $0xFFFFFFC0, v62  }
0x10e: {  	v3 =	vor.u32 v3, v4  }
0x10f: {  	v4 =	vperm.xlane v3, v0;
	_ =	sdelay $0x1  }
0x110: {  	v4 =	vadd.s32 v1, v4;
	_ =	sdelay $0x4  }
0x111: {  	[tilespmem:s1], [sflag:$0x3] =	stream.indirect_vreg.gather [hbm4b:s3+s4], $0x80, v4, vm0, $0xb8;
	[tilespmem:$0x18080] =	vst v63  }
0x112: {  	v3 =	vperm.xlane v3, v2  }
0x113: {  	[tilespmem:s0], [sflag:$0x3] =	stream.indirect_vreg.gather [hbm4b:s12+s4], $0x80, v4, vm0, $0xb8;
	[tilespmem:$0x18080] =	vst v63  }
0x114: {  	v3 =	vadd.s32 v1, v3  }
0x115: {  	[tilespmem:s8], [sflag:$0x3] =	stream.indirect_vreg.gather [hbm4b:s13+s4], $0x80, v4, vm0, $0xb8;
	[tilespmem:$0x18080] =	vst v63  }
0x116: {  	_ = 	snop  }
0x117: {  	[tilespmem:s15], [sflag:$0x3] =	stream.indirect_vreg.gather [hbm4b:s14+s4], $0x80, v4, vm0, $0xb8;
	[tilespmem:$0x18080] =	vst v63  }
0x118: {  	s25 =	simm.s32 $0xE080  }
0x119: {  	[tilespmem:s25], [sflag:$0x3] =	stream.indirect_vreg.gather [hbm4b:s3+s4], $0x80, v3, vm0, $0xb8;
	[tilespmem:$0x18080] =	vst v63  }
0x11a: {  	s26 =	simm.s32 $0xE880  }
0x11b: {  	[tilespmem:s26], [sflag:$0x3] =	stream.indirect_vreg.gather [hbm4b:s12+s4], $0x80, v3, vm0, $0xb8;
	[tilespmem:$0x18080] =	vst v63  }
0x11c: {  	s25 =	simm.s32 $0xF080  }
0x11d: {  	[tilespmem:s25], [sflag:$0x3] =	stream.indirect_vreg.gather [hbm4b:s13+s4], $0x80, v3, vm0, $0xb8;
	[tilespmem:$0x18080] =	vst v63  }
0x11e: {  	s26 =	simm.s32 $0xF880  }
0x11f: {  	[tilespmem:s26], [sflag:$0x3] =	stream.indirect_vreg.gather [hbm4b:s14+s4], $0x80, v3, vm0, $0xb8;
	[tilespmem:$0x18080] =	vst v63  }
0x120: {  	v3 =	vld.msk [tilespmem:$0x40], $0xff;
	_ =	sdelay $0x4  }
0x121: {  	v63 =	vshll.u32 v3, $0x3  }
0x122: {  	v3 =	vand.u32 $0x7, v3;
	v4 =	vand.u32 $0xFFFFFFC0, v63  }
0x123: {  	v3 =	vor.u32 v3, v4  }
0x124: {  	v3 =	vperm.xlane v3, v0;
	_ =	sdelay $0x1  }
0x125: {  	v3 =	vadd.s32 v1, v3;
	_ =	sdelay $0x3  }
0x126: {  	s25 =	simm.s32 $0x10080  }
0x127: {  	[tilespmem:s25], [sflag:$0x3] =	stream.indirect_vreg.gather [hbm4b:s3+s4], $0x80, v3, vm0, $0xb8;
	[tilespmem:$0x18080] =	vst v63  }
0x128: {  	s26 =	simm.s32 $0x10880  }
0x129: {  	[tilespmem:s26], [sflag:$0x3] =	stream.indirect_vreg.gather [hbm4b:s12+s4], $0x80, v3, vm0, $0xb8;
	[tilespmem:$0x18080] =	vst v63  }
0x12a: {  	s25 =	simm.s32 $0x11080  }
0x12b: {  	[tilespmem:s25], [sflag:$0x3] =	stream.indirect_vreg.gather [hbm4b:s13+s4], $0x80, v3, vm0, $0xb8;
	[tilespmem:$0x18080] =	vst v63  }
0x12c: {  	s23 =	smul.u32 $0x18, s23  }
0x12d: {  	[tilespmem:s29], [sflag:$0x3] =	stream.indirect_vreg.gather [hbm4b:s14+s4], $0x80, v3, vm0, $0xb8;
	[tilespmem:$0x18080] =	vst v63  }
0x12e: {  	s23 =	sadd.s32 s5, s23;
	_ =	swait.ge [sflag:s16], $0x6000  }
0x12f: {  	s23 =	sshll.u32 s23, $0x7;
	[sflag:s16] =	ssyncset.done $0x0  }
0x130: {  	s26 =	sadd.s32 s6, s23;
	[sflag:s16] =	ssyncadd.s32 $0xFFFFA000  }
0x131: {  	[hbm4b:s26+s4] =	stream.linear.scatter [tilespmem:s30], [sflag:$0x6], $0x6000, $0x38;
	[tilespmem:$0x18080] =	vst v63  }
0x132: {  	_ =	swait.ge [sflag:s21], $0x6000  }
0x133: {  	[sflag:s21] =	ssyncset.done $0x0  }
0x134: {  	[sflag:s21] =	ssyncadd.s32 $0xFFFFA000  }
0x135: {  	_ =	swait.ge [sflag:s17], $0x6000  }
0x136: {  	[sflag:s17] =	ssyncset.done $0x0  }
.Ltmp4:
0x137: {  	s23 =	sadd.s32 s7, s23;
	[sflag:s17] =	ssyncadd.s32 $0xFFFFA000;
	(pc) =	sbr.rel .LBB2_2-.Ltmp4, $4  }
0x138: {  	[hbm4b:s23+s4] =	stream.linear.scatter [tilespmem:s31], [sflag:$0x5], $0x6000, $0x38;
	[tilespmem:$0x18080] =	vst v63  }
0x139: {  	_ =	swait.ge [sflag:s18], $0x6000  }
0x13a: {  	[sflag:s18] =	ssyncset.done $0x0  }
0x13b: {  	p0 =	por $0x0, $0x0;
	s24 =	simm.s32 $0x1;
	[sflag:s18] =	ssyncadd.s32 $0xFFFFA000  }
.LBB2_7:
0x13c: {  	_ =	sfence.sel $0x180000  }
0x13d: {  	[bflag:$0x0] =	sbarrier.arrive $0xFFFF  }
0x13e: {  	_ =	strace $0x90000050  }
0x13f: {  	s0 =	stileid.u32;
	[bflag:$0x2] =	sbarrier.arrive $0xFFFF  }
0x140: {  	p0 =	sne.s32 s0, $0x0;
	s0 =	rddreg [dreg:$0x3]  }
0x141: {  	s0 =	sadd.s32 @!p0 $0x100000, s0  }
0x142: {  	[sflag:s0] =	ssyncadd.tile.s32 @!p0 $0x1;
	_ =	shalt  }
.Lfunc_end2:
_tile_overlayer_lowered:
.L_overlay_start_2:
0x143: {  	(tag) =	ssettag $0x2  }
0x144: {  	s0 =	rddreg [dreg:$0x0];
	s2 =	stileid.u32  }
0x145: {  	s1 =	rddreg [dreg:$0x1];
	p0 =	sne.s32 s2, $0x0  }
0x146: {  	s3 =	rddreg [dreg:$0x2];
	[bflag:$0x3] =	sbarrier.arrive $0xFFFF;
	s2 =	simm.s32 @!p0 $0x1C05  }
0x147: {  	[timem:s3], [sflag:s2] =	dma.local @!p0 [hbm:s0], s1  }
0x148: {  	s0 =	simm.s32 @!p0 $0x5  }
0x149: {  	_ =	swait.ge @!p0 [sflag:s0], s1  }
0x14a: {  	s1 =	ssub.s32 @!p0 $0x0, s1;
	[sflag:s0] =	ssyncset.done @!p0 $0x0  }
0x14b: {  	[sflag:s0] =	ssyncadd.s32 @!p0 s1  }
0x14c: {  	[bflag:$0x3] =	sbarrier.arrive $0xFFFF  }
0x14d: {  	_ =	shalt  }

// kernel: kernel.27.cloned.1.call-start
scs
__scs_entry_jumppad:
0x0: {  	(pc) =	sbr.rel $0x88, $3  }
0x1: {  	(tag) =	ssettag $0x0;
	lr =	simm.s32 $0x1  }
0x2: {  	[smem:$0x3F93] =	sst lr;
	_ =	strace $0xD0000000  }
0x3: {  	_ = 	snop  }
0x4: {  	_ = 	snop  }
0x5: {  	_ = 	snop  }
0x6: {  	_ = 	snop  }
0x7: {  	_ = 	snop  }
__scs_overlays_trampoline_lowered:
0x8: {  	[smem:$0x3FA2] =	sst s0  }
0x9: {  	[smem:$0x3FA3] =	sst s1  }
0xa: {  	[smem:$0x3FA4] =	sst s2  }
0xb: {  	[smem:$0x3FA5] =	sst s3  }
0xc: {  	[smem:$0x3FA6] =	sst s4  }
0xd: {  	[smem:$0x3FA7] =	sst s5  }
0xe: {  	[smem:$0x3FA8] =	sst s6  }
0xf: {  	[smem:$0x3FA9] =	sst s7  }
0x10: {  	[smem:$0x3FAA] =	sst s8  }
0x11: {  	[smem:$0x3FAB] =	sst s9;
	s0 =	simm.s32 @!p0 $0x0  }
0x12: {  	s1 =	sld [smem:$0x3F91];
	s0 =	simm.s32 @p0 $0x1  }
0x13: {  	[smem:$0x3FAC] =	sst s0;
	s0 =	simm.s32 @!p1 $0x0  }
0x14: {  	s2 =	sld [smem:$0x3F90];
	s0 =	simm.s32 @p1 $0x1  }
0x15: {  	[smem:$0x3FAD] =	sst s0;
	s0 =	simm.s32 @!p2 $0x0  }
0x16: {  	s3 =	sld [smem:$0x3FDB];
	s0 =	simm.s32 @p2 $0x1  }
0x17: {  	s4 =	simm.s32 $0x1BF5;
	[smem:$0x3FAF] =	sst s0  }
0x18: {  	s0 =	sld [smem:$0x3F92];
	_ =	swait.ge [sflag:s4], $0x0  }
0x19: {  	s7 =	sld [smem:$0x3F93]  }
0x1a: {  	s8 =	sadd.s32 $0xFFFFE003, lr  }
0x1b: {  	s9 =	sadd.s32 $0xFFFFFEF7, lr;
	s5 =	simm.s32 $0xFFFFFFFF;
	p2 =	slt.u32 s8, $0xFFFFF086  }
0x1c: {  	p1 =	slt.u32 s9, $0xF7A;
	s5 =	simm.s32 @!p2 $0x0  }
0x1d: {  	s5 =	simm.s32 @p1 $0x1;
	p0 =	seq.s32 s7, s2  }
0x1e: {  	s7 =	smul.u32 @!p0 $0xF7A, s2;
	p2 =	seq.s32 @!p0 s5, $0x0  }
0x1f: {  	s9 =	smul.u32 $0xF7A, s1;
	s8 =	simm.s32 @!p0 $0x1BF5;
	p2 =	por !p2, p0  }
0x20: {  	[sflag:s8] =	ssyncset.s32 @!p0 $0xFFFFF086;
	s6 =	sadd.s32 @!p0 s3, s7;
	s7 =	simm.s32 @!p0 $0x108  }
0x21: {  	s3 =	sadd.s32 s3, s9;
	s6 =	sadd.s32 @!p0 $0x88, s6;
	s7 =	simm.s32 @p2 $0x1082  }
0x22: {  	[simem:s7], [sflag:s8] =	dma.local @!p0 [hbm:s6], $0xF7A  }
0x23: {  	s9 =	sor.u32 $0xD0000000, s2;
	s6 =	simm.s32 $0x108;
	_ =	swait.ge @!p0 [sflag:s8], $0x0  }
0x24: {  	s3 =	sadd.s32 $0x88, s3;
	s6 =	simm.s32 @!p1 $0x1082;
	[sflag:s4] =	ssyncset.s32 $0xFFFFF086  }
0x25: {  	[simem:s6], [sflag:s4] =	dma.local [hbm:s3], $0xF7A  }
0x26: {  	[smem:$0x3F93] =	sst s1;
	(tag) =	ssettag s2;
	_ =	strace s9  }
0x27: {  	s1 =	sld [smem:$0x3FA3]  }
0x28: {  	s2 =	sld [smem:$0x3FA4]  }
0x29: {  	s4 =	sld [smem:$0x3FA6]  }
0x2a: {  	p0 =	seq.s32 s5, $0x0;
	s5 =	sld [smem:$0x3FA7]  }
0x2b: {  	s6 =	sld [smem:$0x3FA8]  }
0x2c: {  	s7 =	sld [smem:$0x3FA9]  }
0x2d: {  	s3 =	simm.s32 $0x108;
	s8 =	sld [smem:$0x3FAA]  }
0x2e: {  	s3 =	simm.s32 @!p0 $0x1082;
	s9 =	sld [smem:$0x3FAB]  }
0x2f: {  	lr =	sadd.s32 s0, s3;
	s0 =	sld [smem:$0x3FA2]  }
0x30: {  	s3 =	sld [smem:$0x3FA5]  }
0x31: {  	[smem:$0x3FAE] =	sst s10  }
0x32: {  	s10 =	sld [smem:$0x3FAC];
	_ =	sdelay $0x3  }
0x33: {  	p0 =	seq.s32 s10, $0x1;
	s10 =	sld [smem:$0x3FAE];
	_ =	sdelay $0x3  }
0x34: {  	[smem:$0x3FAE] =	sst s10  }
0x35: {  	s10 =	sld [smem:$0x3FAD];
	_ =	sdelay $0x3  }
0x36: {  	p1 =	seq.s32 s10, $0x1;
	s10 =	sld [smem:$0x3FAE];
	_ =	sdelay $0x3  }
0x37: {  	[smem:$0x3FAE] =	sst s10  }
0x38: {  	s10 =	sld [smem:$0x3FAF]  }
0x39: {  	_ = 	snop;
	(pc) =	sbr.ind lr, $3  }
0x3a: {  	_ = 	snop  }
0x3b: {  	_ = 	snop  }
0x3c: {  	p2 =	seq.s32 s10, $0x1;
	s10 =	sld [smem:$0x3FAE]  }
0x3d: {  	_ =	shalt  }
0x3e: {  	_ =	shalt  }
0x3f: {  	_ =	shalt  }
0x40: {  	_ =	shalt  }
0x41: {  	_ =	shalt  }
0x42: {  	_ =	shalt  }
0x43: {  	_ =	shalt  }
0x44: {  	_ =	shalt  }
0x45: {  	_ =	shalt  }
0x46: {  	_ =	shalt  }
0x47: {  	_ =	shalt  }
0x48: {  	_ =	shalt  }
0x49: {  	_ =	shalt  }
0x4a: {  	_ =	shalt  }
0x4b: {  	_ =	shalt  }
0x4c: {  	_ =	shalt  }
0x4d: {  	_ =	shalt  }
0x4e: {  	_ =	shalt  }
0x4f: {  	_ =	shalt  }
0x50: {  	_ =	shalt  }
0x51: {  	_ =	shalt  }
0x52: {  	_ =	shalt  }
0x53: {  	_ =	shalt  }
0x54: {  	_ =	shalt  }
0x55: {  	_ =	shalt  }
0x56: {  	_ =	shalt  }
0x57: {  	_ =	shalt  }
0x58: {  	_ =	shalt  }
0x59: {  	_ =	shalt  }
0x5a: {  	_ =	shalt  }
0x5b: {  	_ =	shalt  }
0x5c: {  	_ =	shalt  }
0x5d: {  	_ =	shalt  }
0x5e: {  	_ =	shalt  }
0x5f: {  	_ =	shalt  }
0x60: {  	_ =	shalt  }
0x61: {  	_ =	shalt  }
0x62: {  	_ =	shalt  }
0x63: {  	_ =	shalt  }
0x64: {  	_ =	shalt  }
0x65: {  	_ =	shalt  }
0x66: {  	_ =	shalt  }
0x67: {  	_ =	shalt  }
0x68: {  	_ =	shalt  }
0x69: {  	_ =	shalt  }
0x6a: {  	_ =	shalt  }
0x6b: {  	_ =	shalt  }
0x6c: {  	_ =	shalt  }
0x6d: {  	_ =	shalt  }
0x6e: {  	_ =	shalt  }
0x6f: {  	_ =	shalt  }
0x70: {  	_ =	shalt  }
0x71: {  	_ =	shalt  }
0x72: {  	_ =	shalt  }
0x73: {  	_ =	shalt  }
0x74: {  	_ =	shalt  }
0x75: {  	_ =	shalt  }
0x76: {  	_ =	shalt  }
0x77: {  	_ =	shalt  }
0x78: {  	_ =	shalt  }
0x79: {  	_ =	shalt  }
0x7a: {  	_ =	shalt  }
0x7b: {  	_ =	shalt  }
0x7c: {  	_ =	shalt  }
0x7d: {  	_ =	shalt  }
0x7e: {  	_ =	shalt  }
0x7f: {  	_ =	shalt  }
0x80: {  	_ =	shalt  }
0x81: {  	_ =	shalt  }
0x82: {  	_ =	shalt  }
0x83: {  	_ =	shalt  }
0x84: {  	_ =	shalt  }
0x85: {  	_ =	shalt  }
0x86: {  	_ =	shalt  }
0x87: {  	_ =	shalt  }
.Lfunc_end0:
.L_simem_size_0:
called_computation.4_lowered:
.L_overlay_start_0:
0x88: {  	s2 =	sld [smem:$0x3FD9]  }
0x89: {  	s3 =	sld [smem:$0x3FFE];
	_ =	sdelay $0x1  }
0x8a: {  	s1 =	srdreg.scid  }
0x8b: {  	s0 =	sand.u32 $0x1, s1  }
0x8c: {  	s17 =	sshll.u32 s0, $0xA;
	s2 =	sadd.s32 s3, s2  }
0x8d: {  	s2 =	sadd.s32 s2, s17  }
0x8e: {  	[smem:$0x3FBA] =	sst s2  }
0x8f: {  	_ = 	snop  }
0x90: {  	s18 =	sld [smem:$0x3FC9]  }
0x91: {  	s4 =	sld [smem:$0x3FC8]  }
0x92: {  	s5 =	sld [smem:$0x3FD0];
	(tm) =	ssettm $0x1  }
0x93: {  	s19 =	sld [smem:$0x3FFB];
	_ =	sdelay $0x3  }
0x94: {  	_ =	strace s19  }
0x95: {  	s2 =	sld [smem:$0x3FFC];
	_ =	sdelay $0x3  }
0x96: {  	_ =	strace s2  }
0x97: {  	s2 =	sld [smem:$0x3FFD];
	_ =	sdelay $0x3  }
0x98: {  	_ =	strace s2  }
0x99: {  	_ =	strace $0x8FFFFFFF  }
0x9a: {  	s20 =	sld [smem:$0x3FDB];
	_ =	sdelay $0x1  }
0x9b: {  	s6 =	simm.s32 $_scs_section_size  }
0x9c: {  	s7 =	simm.s32 $_size__tile_overlayer_lowered;
	s8 =	simm.s32 $_tile_overlayer_lowered  }
0x9d: {  	s9 =	simm.s32 $0x1BFF;
	s21 =	sshll.u32 s8, $0x1;
	s6 =	sadd.s32 s6, s20  }
0x9e: {  	s22 =	simm.s32 $0x0;
	s7 =	sshll.u32 s7, $0x1;
	s8 =	sadd.s32 s21, s6  }
0x9f: {  	[timem:s22], [sflag:s9] =	dma.local [hbm:s8], s7  }
0xa0: {  	_ =	swait.ge [sflag:s9], s7  }
0xa1: {  	s7 =	ssub.s32 $0x0, s7;
	[sflag:s9] =	ssyncset.done $0x0  }
0xa2: {  	[sflag:s9] =	ssyncadd.s32 s7;
	_ =	sdelay $0x1  }
0xa3: {  	s23 =	simm.s32 $0x1B8B  }
0xa4: {  	_ =	swait.ge [sflag:s23], $0x1  }
0xa5: {  	[sflag:s23] =	ssyncset.done $0x0  }
0xa6: {  	[sflag:s23] =	ssyncadd.s32 $0xFFFFFFFF  }
0xa7: {  	s7 =	sld [smem:$0x0]  }
0xa8: {  	s8 =	sand.u32 $0xFFFFFFFE, s1  }
0xa9: {  	p0 =	sne.s32 s1, s8  }
0xaa: {  	s8 =	sshll.u32 @p0 s8, $0xE  }
0xab: {  	s8 =	sadd.s32 @p0 $0x11B8D, s8;
	s9 =	sshll.u32 @p0 s7, $0x11  }
0xac: {  	s8 =	sor.u32 @p0 s9, s8  }
0xad: {  	[sflag:s8] =	ssyncadd.remote.s32 @p0 $0x1;
	_ =	sdelay $0x1  }
0xae: {  	s8 =	simm.s32 @p0 $0x1B8D  }
0xaf: {  	_ =	swait.eq @p0 [sflag:s8], $0x1  }
0xb0: {  	[sflag:s8] =	ssyncadd.s32 @p0 $0xFFFFFFFF  }
0xb1: {  	s9 =	sshll.u32 @!p0 s1, $0xE  }
0xb2: {  	s9 =	sor.u32 @!p0 $0x4000, s9;
	s8 =	simm.s32 @!p0 $0x1B8D  }
0xb3: {  	s7 =	sshll.u32 @!p0 s7, $0x11;
	s9 =	sadd.s32 @!p0 $0x11B8D, s9;
	_ =	swait.eq @!p0 [sflag:s8], $0x1  }
0xb4: {  	s7 =	sor.u32 @!p0 s7, s9;
	[sflag:s8] =	ssyncadd.s32 @!p0 $0xFFFFFFFF  }
0xb5: {  	s25 =	simm.s32 $0x1B8E;
	s24 =	sld [smem:$0x3FFE];
	[sflag:s7] =	ssyncadd.remote.s32 @!p0 $0x1  }
0xb6: {  	s26 =	simm.s32 $execute0_lowered;
	[smem:$0x3FD2] =	sst s25  }
0xb7: {  	s8 =	sshll.u32 s26, $0x1;
	_ =	strace $0x80000052;
	[dreg:$0x1] =	wrdreg $0xFFFFFFFF  }
0xb8: {  	s28 =	simm.s32 $_size_execute0_lowered;
	s6 =	sadd.s32 s6, s8;
	[dreg:$0x0] =	wrdreg $0x0  }
0xb9: {  	s8 =	sshll.u32 s28, $0x1;
	[dreg:$0x2] =	wrdreg s6  }
0xba: {  	[dreg:$0x3] =	wrdreg s8  }
0xbb: {  	[dreg:$0x4] =	wrdreg $0xC0  }
0xbc: {  	_ =	task [dreg:s22], $0x5FFFF  }
0xbd: {  	[dreg:$0x1] =	wrdreg $0xFFFFFFFF  }
0xbe: {  	[dreg:$0x0] =	wrdreg $0x60  }
0xbf: {  	[dreg:$0x2] =	wrdreg s24  }
0xc0: {  	[dreg:$0x3] =	wrdreg s18  }
0xc1: {  	[dreg:$0x4] =	wrdreg s4  }
0xc2: {  	[dreg:$0x5] =	wrdreg s5  }
0xc3: {  	[dreg:$0x6] =	wrdreg $0xC  }
0xc4: {  	_ =	task.clear_ibuf [dreg:s22], $0x7FFFF;
	_ =	strace $0x90000052  }
0xc5: {  	s29 =	simm.s32 $0xC;
	_ =	strace $0x80000054  }
0xc6: {  	_ =	swait.ge [sflag:s29], $0x1  }
0xc7: {  	[sflag:s29] =	ssyncadd.s32 $0xFFFFFFFF  }
0xc8: {  	_ =	strace $0x90000054  }
0xc9: {  	_ =	sfence  }
0xca: {  	s30 =	sld [smem:$0x0];
	_ =	sdelay $0x2  }
0xcb: {  	s31 =	sshll.u32 s1, $0xD;
	s1 =	sshrl.u32 s1, $0x2  }
0xcc: {  	s4 =	sand.u32 $0x4000, s31;
	s1 =	sadd.s32 s1, s30  }
0xcd: {  	s0 =	sor.u32 s4, s0;
	s1 =	sshll.u32 s1, $0x11  }
0xce: {  	s0 =	sor.u32 s1, s0  }
0xcf: {  	s0 =	sadd.s32 $0x8F2B, s0  }
0xd0: {  	[sflag:s0] =	ssyncadd.remote.s32 $0x1  }
0xd1: {  	_ =	sfence.sel $0xFFFF  }
0xd2: {  	[dreg:$0x0] =	wrdreg $0xFFFFFFFF;
	(pc) =	sbr.abs _section_cstart, $3  }
0xd3: {  	[dreg:$0x1] =	wrdreg $0xFFFFFFFF  }
0xd4: {  	_ =	task.clear_ibuf [dreg:s22], $0x2FFFF;
	_ =	strace $0x9FFFFFFF  }
0xd5: {  	(tm) =	ssettm $0x7FFFFFFF  }
tec
execute0_lowered:
.L_overlay_start_1:
0x0: {  	(tag) =	ssettag $0x1  }
0x1: {  	s0 =	rddreg [dreg:$0x0]  }
0x2: {  	s1 =	rddreg [dreg:$0x1]  }
0x3: {  	s2 =	srdreg.scid;
	s4 =	stileid.u32  }
0x4: {  	s3 =	rddreg [dreg:$0x2];
	s18 =	simm.s32 $0x5;
	s19 =	simm.s32 $0x80  }
0x5: {  	s20 =	simm.s32 $0x880;
	s21 =	simm.s32 $0x1080;
	s23 =	simm.s32 $0x12080  }
0x6: {  	s24 =	simm.s32 $0x1;
	s30 =	simm.s32 $0x2;
	s31 =	simm.s32 $0x4  }
0x7: {  	s2 =	sand.u32 $0x1, s2;
	s5 =	sshll.u32 s4, $0x1;
	s4 =	rddreg [dreg:$0x3]  }
0x8: {  	s10 =	sadd.s32 $0x200, s1;
	s12 =	sadd.s32 $0x100, s3;
	s13 =	sadd.s32 $0x200, s3  }
0x9: {  	s14 =	sadd.s32 $0x300, s3;
	s7 =	sor.u32 s2, s5;
	s5 =	simm.s32 $0x0  }
0xa: {  	s2 =	ssub.s32 $0x2, s2;
	s6 =	smul.u32 $0x58, s7;
	[smem:$0x7FF] =	sst s5  }
0xb: {  	s9 =	sshrl.u32 s2, $0x1;
	s11 =	smul.u32 $0x16000, s7;
	s7 =	sadd.s32 $0x1E3E00, s0  }
0xc: {  	_ =	strace $0x80000053;
	s25 =	ssub.s32 s2, s9;
	s9 =	sadd.s32 $0x100, s1  }
0xd: {  	s8 =	sshrl.u32 s6, $0x3;
	s28 =	sshrl.u32 s11, $0x3;
	s11 =	sadd.s32 $0x300, s1  }
.Ltmp0:
0xe: {  	s8 =	sadd.s32 s0, s8;
	s0 =	smax.u32 s25, $0x1;
	(pc) =	sbr.rel .LBB2_1-.Ltmp0, $4  }
0xf: {  	s2 =	sadd.s32 $0x2400, s28;
	s26 =	sadd.s32 $0x3BC0, s8;
	[dreg:$0x8] =	wrdreg s0  }
0x10: {  	v2 =	vlaneseq.u32;
	s25 =	simm.s32 $0x6;
	s29 =	sadd.s32 s4, s2;
	[dreg:$0x5] =	wrdreg s26  }
0x11: {  	vm0 =	vmmov $0xffff;
	v1 =	vshrl.u32 v2, $0x3;
	s2 =	sadd.s32 s7, s2;
	s8 =	simm.s32 $0x0;
	[dreg:$0x6] =	wrdreg s29  }
0x12: {  	v0 =	vand.u32 $0x7, v2;
	v2 =	vor.u32 $0x8, v2;
	v1 =	vmul.u32 $0x8, v1;
	[dreg:$0x7] =	wrdreg s2;
	s2 =	simm.s32 $0xC080;
	s26 =	simm.s32 $0x3  }
.LBB2_6:
0x13: {  	v3 =	vld [tilespmem:$0x48];
	_ =	sdelay $0x4  }
0x14: {  	v4 =	vshll.u32 v3, $0x3  }
0x15: {  	v3 =	vand.u32 $0x7, v3;
	v4 =	vand.u32 $0xFFFFFFC0, v4  }
0x16: {  	v3 =	vor.u32 v3, v4  }
0x17: {  	v4 =	vperm.xlane v3, v0;
	_ =	sdelay $0x1  }
0x18: {  	v4 =	vadd.s32 v1, v4;
	_ =	sdelay $0x4  }
0x19: {  	[tilespmem:s19], [sflag:$0x1] =	stream.indirect_vreg.gather [hbm4b:s1+s5], $0x80, v4, vm0, $0xb8;
	[tilespmem:$0x18080] =	vst v63  }
0x1a: {  	s20 =	simm.s32 $0x880;
	v3 =	vperm.xlane v3, v2  }
0x1b: {  	[tilespmem:s20], [sflag:$0x1] =	stream.indirect_vreg.gather [hbm4b:s9+s5], $0x80, v4, vm0, $0xb8;
	[tilespmem:$0x18080] =	vst v63  }
0x1c: {  	s21 =	simm.s32 $0x1080;
	v3 =	vadd.s32 v1, v3  }
0x1d: {  	[tilespmem:s21], [sflag:$0x1] =	stream.indirect_vreg.gather [hbm4b:s10+s5], $0x80, v4, vm0, $0xb8;
	[tilespmem:$0x18080] =	vst v63  }
0x1e: {  	s0 =	simm.s32 $0x1880  }
0x1f: {  	[tilespmem:s0], [sflag:$0x1] =	stream.indirect_vreg.gather [hbm4b:s11+s5], $0x80, v4, vm0, $0xb8;
	[tilespmem:$0x18080] =	vst v63  }
0x20: {  	s8 =	simm.s32 $0x2080  }
0x21: {  	[tilespmem:s8], [sflag:$0x1] =	stream.indirect_vreg.gather [hbm4b:s1+s5], $0x80, v3, vm0, $0xb8;
	[tilespmem:$0x18080] =	vst v63  }
0x22: {  	s15 =	simm.s32 $0x2880  }
0x23: {  	[tilespmem:s15], [sflag:$0x1] =	stream.indirect_vreg.gather [hbm4b:s9+s5], $0x80, v3, vm0, $0xb8;
	[tilespmem:$0x18080] =	vst v63  }
0x24: {  	s16 =	simm.s32 $0x3080  }
0x25: {  	[tilespmem:s16], [sflag:$0x1] =	stream.indirect_vreg.gather [hbm4b:s10+s5], $0x80, v3, vm0, $0xb8;
	[tilespmem:$0x18080] =	vst v63  }
0x26: {  	s17 =	simm.s32 $0x3880  }
0x27: {  	[tilespmem:s17], [sflag:$0x1] =	stream.indirect_vreg.gather [hbm4b:s11+s5], $0x80, v3, vm0, $0xb8;
	[tilespmem:$0x18080] =	vst v63  }
0x28: {  	v3 =	vld [tilespmem:$0x48];
	_ =	sdelay $0x4  }
0x29: {  	v63 =	vshll.u32 v3, $0x3  }
0x2a: {  	v3 =	vand.u32 $0x7, v3;
	v4 =	vand.u32 $0xFFFFFFC0, v63  }
0x2b: {  	v3 =	vor.u32 v3, v4  }
0x2c: {  	v4 =	vperm.xlane v3, v0;
	_ =	sdelay $0x1  }
0x2d: {  	v4 =	vadd.s32 v1, v4;
	_ =	sdelay $0x4  }
0x2e: {  	[tilespmem:s2], [sflag:$0x3] =	stream.indirect_vreg.gather [hbm4b:s3+s5], $0x80, v4, vm0, $0xb8;
	[tilespmem:$0x18080] =	vst v63  }
0x2f: {  	s22 =	simm.s32 $0xC880;
	v3 =	vperm.xlane v3, v2  }
0x30: {  	[tilespmem:s22], [sflag:$0x3] =	stream.indirect_vreg.gather [hbm4b:s12+s5], $0x80, v4, vm0, $0xb8;
	[tilespmem:$0x18080] =	vst v63  }
0x31: {  	s28 =	simm.s32 $0xD080;
	v3 =	vadd.s32 v1, v3  }
0x32: {  	[tilespmem:s28], [sflag:$0x3] =	stream.indirect_vreg.gather [hbm4b:s13+s5], $0x80, v4, vm0, $0xb8;
	[tilespmem:$0x18080] =	vst v63  }
0x33: {  	s29 =	simm.s32 $0xD880  }
0x34: {  	[tilespmem:s29], [sflag:$0x3] =	stream.indirect_vreg.gather [hbm4b:s14+s5], $0x80, v4, vm0, $0xb8;
	[tilespmem:$0x18080] =	vst v63  }
0x35: {  	s8 =	simm.s32 $0xE080  }
0x36: {  	[tilespmem:s8], [sflag:$0x3] =	stream.indirect_vreg.gather [hbm4b:s3+s5], $0x80, v3, vm0, $0xb8;
	[tilespmem:$0x18080] =	vst v63  }
0x37: {  	s15 =	simm.s32 $0xE880  }
0x38: {  	[tilespmem:s15], [sflag:$0x3] =	stream.indirect_vreg.gather [hbm4b:s12+s5], $0x80, v3, vm0, $0xb8;
	[tilespmem:$0x18080] =	vst v63  }
0x39: {  	s16 =	simm.s32 $0xF080  }
0x3a: {  	[tilespmem:s16], [sflag:$0x3] =	stream.indirect_vreg.gather [hbm4b:s13+s5], $0x80, v3, vm0, $0xb8;
	[tilespmem:$0x18080] =	vst v63  }
0x3b: {  	s17 =	simm.s32 $0xF880  }
0x3c: {  	[tilespmem:s17], [sflag:$0x3] =	stream.indirect_vreg.gather [hbm4b:s14+s5], $0x80, v3, vm0, $0xb8;
	[tilespmem:$0x18080] =	vst v63  }
0x3d: {  	_ =	swait.ge [sflag:s24], $0x4000  }
0x3e: {  	[sflag:s24] =	ssyncset.done $0x0  }
0x3f: {  	s22 =	rddreg [dreg:$0x6];
	[sflag:s24] =	ssyncadd.s32 $0xFFFFC000  }
0x40: {  	[hbm4b:s22+s5] =	stream.linear.scatter [tilespmem:s19], [sflag:$0x5], $0x4000, $0x38;
	[tilespmem:$0x18080] =	vst v63  }
0x41: {  	_ =	swait.ge [sflag:s18], $0x4000  }
0x42: {  	[sflag:s18] =	ssyncset.done $0x0  }
0x43: {  	[sflag:s18] =	ssyncadd.s32 $0xFFFFC000  }
0x44: {  	_ =	swait.ge [sflag:s26], $0x4000  }
0x45: {  	[sflag:s26] =	ssyncset.done $0x0  }
0x46: {  	s28 =	rddreg [dreg:$0x7];
	[sflag:s26] =	ssyncadd.s32 $0xFFFFC000  }
0x47: {  	[hbm4b:s28+s5] =	stream.linear.scatter [tilespmem:s2], [sflag:$0x5], $0x4000, $0x38;
	[tilespmem:$0x18080] =	vst v63  }
0x48: {  	_ =	swait.ge [sflag:s18], $0x4000  }
0x49: {  	s8 =	rddreg [dreg:$0x9]  }
0x4a: {  	s29 =	rddreg [dreg:$0x8];
	s8 =	sadd.s32 $0x1, s8  }
0x4b: {  	p0 =	sne.s32 s8, s29  }
.Ltmp1:
0x4c: {  	_ = 	snop;
	(pc) =	sbr.rel @!p0 .LBB2_7-.Ltmp1, $3  }
0x4d: {  	_ =	sdelay $0x1  }
0x4e: {  	[sflag:s18] =	ssyncset.done $0x0  }
0x4f: {  	[sflag:s18] =	ssyncadd.s32 $0xFFFFC000  }
.LBB2_1:
0x50: {  	[dreg:$0x9] =	wrdreg s8  }
0x51: {  	s0 =	rddreg [dreg:$0x5]  }
0x52: {  	[tilespmem:s5], [sflag:$0x5] =	stream.linear.gather [hbm4b:s0+s5], $0x58, $0x38;
	[tilespmem:$0x18080] =	vst v63  }
0x53: {  	_ =	swait.ge [sflag:s18], $0x58  }
0x54: {  	[sflag:s18] =	ssyncset.done $0x0  }
0x55: {  	[sflag:s18] =	ssyncadd.s32 $0xFFFFFFA8  }
0x56: {  	v3 =	vld [tilespmem:$0x0];
	_ =	sdelay $0x4  }
0x57: {  	v4 =	vshll.u32 v3, $0x3  }
0x58: {  	v3 =	vand.u32 $0x7, v3;
	v4 =	vand.u32 $0xFFFFFFC0, v4  }
0x59: {  	v3 =	vor.u32 v3, v4  }
0x5a: {  	v4 =	vperm.xlane v3, v0;
	_ =	sdelay $0x1  }
0x5b: {  	v4 =	vadd.s32 v1, v4;
	_ =	sdelay $0x4  }
0x5c: {  	[tilespmem:s19], [sflag:$0x1] =	stream.indirect_vreg.gather [hbm4b:s1+s5], $0x80, v4, vm0, $0xb8;
	[tilespmem:$0x18080] =	vst v63  }
0x5d: {  	v3 =	vperm.xlane v3, v2  }
0x5e: {  	[tilespmem:s20], [sflag:$0x1] =	stream.indirect_vreg.gather [hbm4b:s9+s5], $0x80, v4, vm0, $0xb8;
	[tilespmem:$0x18080] =	vst v63  }
0x5f: {  	v3 =	vadd.s32 v1, v3  }
0x60: {  	[tilespmem:s21], [sflag:$0x1] =	stream.indirect_vreg.gather [hbm4b:s10+s5], $0x80, v4, vm0, $0xb8;
	[tilespmem:$0x18080] =	vst v63  }
0x61: {  	s8 =	simm.s32 $0x1880  }
0x62: {  	[tilespmem:s8], [sflag:$0x1] =	stream.indirect_vreg.gather [hbm4b:s11+s5], $0x80, v4, vm0, $0xb8;
	[tilespmem:$0x18080] =	vst v63  }
0x63: {  	s17 =	simm.s32 $0x2080  }
0x64: {  	[tilespmem:s17], [sflag:$0x1] =	stream.indirect_vreg.gather [hbm4b:s1+s5], $0x80, v3, vm0, $0xb8;
	[tilespmem:$0x18080] =	vst v63  }
0x65: {  	s15 =	simm.s32 $0x2880  }
0x66: {  	[tilespmem:s15], [sflag:$0x1] =	stream.indirect_vreg.gather [hbm4b:s9+s5], $0x80, v3, vm0, $0xb8;
	[tilespmem:$0x18080] =	vst v63  }
0x67: {  	s22 =	simm.s32 $0x3080  }
0x68: {  	[tilespmem:s22], [sflag:$0x1] =	stream.indirect_vreg.gather [hbm4b:s10+s5], $0x80, v3, vm0, $0xb8;
	[tilespmem:$0x18080] =	vst v63  }
0x69: {  	s16 =	simm.s32 $0x3880  }
0x6a: {  	[tilespmem:s16], [sflag:$0x1] =	stream.indirect_vreg.gather [hbm4b:s11+s5], $0x80, v3, vm0, $0xb8;
	[tilespmem:$0x18080] =	vst v63  }
0x6b: {  	v3 =	vld.msk [tilespmem:$0x10], $0xff;
	_ =	sdelay $0x4  }
0x6c: {  	v61 =	vshll.u32 v3, $0x3  }
0x6d: {  	v3 =	vand.u32 $0x7, v3;
	v4 =	vand.u32 $0xFFFFFFC0, v61  }
0x6e: {  	v3 =	vor.u32 v3, v4  }
0x6f: {  	v3 =	vperm.xlane v3, v0;
	_ =	sdelay $0x1  }
0x70: {  	v3 =	vadd.s32 v1, v3;
	_ =	sdelay $0x3  }
0x71: {  	s16 =	simm.s32 $0x4080  }
0x72: {  	[tilespmem:s16], [sflag:$0x1] =	stream.indirect_vreg.gather [hbm4b:s1+s5], $0x80, v3, vm0, $0xb8;
	[tilespmem:$0x18080] =	vst v63  }
0x73: {  	s17 =	simm.s32 $0x4880  }
0x74: {  	[tilespmem:s17], [sflag:$0x1] =	stream.indirect_vreg.gather [hbm4b:s9+s5], $0x80, v3, vm0, $0xb8;
	[tilespmem:$0x18080] =	vst v63  }
0x75: {  	s16 =	simm.s32 $0x5080  }
0x76: {  	[tilespmem:s16], [sflag:$0x1] =	stream.indirect_vreg.gather [hbm4b:s10+s5], $0x80, v3, vm0, $0xb8;
	[tilespmem:$0x18080] =	vst v63  }
0x77: {  	s17 =	simm.s32 $0x5880  }
0x78: {  	[tilespmem:s17], [sflag:$0x1] =	stream.indirect_vreg.gather [hbm4b:s11+s5], $0x80, v3, vm0, $0xb8;
	[tilespmem:$0x18080] =	vst v63  }
0x79: {  	v3 =	vld [tilespmem:$0x0];
	_ =	sdelay $0x4  }
0x7a: {  	v62 =	vshll.u32 v3, $0x3  }
0x7b: {  	v3 =	vand.u32 $0x7, v3;
	v4 =	vand.u32 $0xFFFFFFC0, v62  }
0x7c: {  	v3 =	vor.u32 v3, v4  }
0x7d: {  	v4 =	vperm.xlane v3, v0;
	_ =	sdelay $0x1  }
0x7e: {  	v4 =	vadd.s32 v1, v4;
	_ =	sdelay $0x4  }
0x7f: {  	[tilespmem:s2], [sflag:$0x3] =	stream.indirect_vreg.gather [hbm4b:s3+s5], $0x80, v4, vm0, $0xb8;
	[tilespmem:$0x18080] =	vst v63  }
0x80: {  	s20 =	simm.s32 $0xC880;
	v3 =	vperm.xlane v3, v2  }
0x81: {  	[tilespmem:s20], [sflag:$0x3] =	stream.indirect_vreg.gather [hbm4b:s12+s5], $0x80, v4, vm0, $0xb8;
	[tilespmem:$0x18080] =	vst v63  }
0x82: {  	s21 =	simm.s32 $0xD080;
	v3 =	vadd.s32 v1, v3  }
0x83: {  	[tilespmem:s21], [sflag:$0x3] =	stream.indirect_vreg.gather [hbm4b:s13+s5], $0x80, v4, vm0, $0xb8;
	[tilespmem:$0x18080] =	vst v63  }
0x84: {  	s28 =	simm.s32 $0xD880  }
0x85: {  	[tilespmem:s28], [sflag:$0x3] =	stream.indirect_vreg.gather [hbm4b:s14+s5], $0x80, v4, vm0, $0xb8;
	[tilespmem:$0x18080] =	vst v63  }
0x86: {  	s22 =	simm.s32 $0xE080  }
0x87: {  	[tilespmem:s22], [sflag:$0x3] =	stream.indirect_vreg.gather [hbm4b:s3+s5], $0x80, v3, vm0, $0xb8;
	[tilespmem:$0x18080] =	vst v63  }
0x88: {  	s29 =	simm.s32 $0xE880  }
0x89: {  	[tilespmem:s29], [sflag:$0x3] =	stream.indirect_vreg.gather [hbm4b:s12+s5], $0x80, v3, vm0, $0xb8;
	[tilespmem:$0x18080] =	vst v63  }
0x8a: {  	s8 =	simm.s32 $0xF080  }
0x8b: {  	[tilespmem:s8], [sflag:$0x3] =	stream.indirect_vreg.gather [hbm4b:s13+s5], $0x80, v3, vm0, $0xb8;
	[tilespmem:$0x18080] =	vst v63  }
0x8c: {  	s15 =	simm.s32 $0xF880  }
0x8d: {  	[tilespmem:s15], [sflag:$0x3] =	stream.indirect_vreg.gather [hbm4b:s14+s5], $0x80, v3, vm0, $0xb8;
	[tilespmem:$0x18080] =	vst v63  }
0x8e: {  	v3 =	vld.msk [tilespmem:$0x10], $0xff;
	_ =	sdelay $0x4  }
0x8f: {  	v63 =	vshll.u32 v3, $0x3  }
0x90: {  	v3 =	vand.u32 $0x7, v3;
	v4 =	vand.u32 $0xFFFFFFC0, v63  }
0x91: {  	v3 =	vor.u32 v3, v4  }
0x92: {  	v3 =	vperm.xlane v3, v0;
	_ =	sdelay $0x1  }
0x93: {  	v3 =	vadd.s32 v1, v3;
	_ =	sdelay $0x3  }
0x94: {  	s21 =	simm.s32 $0x10080  }
0x95: {  	[tilespmem:s21], [sflag:$0x3] =	stream.indirect_vreg.gather [hbm4b:s3+s5], $0x80, v3, vm0, $0xb8;
	[tilespmem:$0x18080] =	vst v63  }
0x96: {  	p0 =	por $0x1, $0x1;
	s15 =	simm.s32 $0x10880  }
0x97: {  	[tilespmem:s15], [sflag:$0x3] =	stream.indirect_vreg.gather [hbm4b:s12+s5], $0x80, v3, vm0, $0xb8;
	[tilespmem:$0x18080] =	vst v63  }
0x98: {  	s16 =	simm.s32 $0xD080;
	s17 =	simm.s32 $0xD880;
	s20 =	simm.s32 $0x11080  }
0x99: {  	[tilespmem:s20], [sflag:$0x3] =	stream.indirect_vreg.gather [hbm4b:s13+s5], $0x80, v3, vm0, $0xb8;
	[tilespmem:$0x18080] =	vst v63  }
0x9a: {  	s28 =	simm.s32 $0xE080;
	s22 =	simm.s32 $0xE880;
	s21 =	simm.s32 $0x11880  }
0x9b: {  	[tilespmem:s21], [sflag:$0x3] =	stream.indirect_vreg.gather [hbm4b:s14+s5], $0x80, v3, vm0, $0xb8;
	[tilespmem:$0x18080] =	vst v63  }
0x9c: {  	s29 =	simm.s32 $0xF080;
	s8 =	simm.s32 $0xF880;
	s21 =	simm.s32 $0x0  }
.LBB2_2:
.Ltmp2:
0x9d: {  	(pc) =	sbr.rel @!p0 .LBB2_4-.Ltmp2, $2  }
0x9e: {  	_ =	sdelay $0x2  }
0x9f: {  	s20 =	sshllo.u32 s21, $0x1  }
0xa0: {  	s0 =	smul.u32 $0x60, s20;
	_ =	sdelay $0x1  }
0xa1: {  	s0 =	sshra.s32 s0, $0x2  }
0xa2: {  	v3 =	vld [tilespmem:s0+$0x0];
	_ =	sdelay $0x4  }
0xa3: {  	v4 =	vshll.u32 v3, $0x3  }
0xa4: {  	v3 =	vand.u32 $0x7, v3;
	v4 =	vand.u32 $0xFFFFFFC0, v4  }
0xa5: {  	v3 =	vor.u32 v3, v4  }
0xa6: {  	v4 =	vperm.xlane v3, v0;
	_ =	sdelay $0x1  }
0xa7: {  	v4 =	vadd.s32 v1, v4;
	_ =	sdelay $0x3  }
0xa8: {  	s23 =	simm.s32 $0x6080  }
0xa9: {  	[tilespmem:s23], [sflag:$0x2] =	stream.indirect_vreg.gather [hbm4b:s1+s5], $0x80, v4, vm0, $0xb8;
	[tilespmem:$0x18080] =	vst v63  }
0xaa: {  	s15 =	simm.s32 $0x6880;
	v3 =	vperm.xlane v3, v2  }
0xab: {  	[tilespmem:s15], [sflag:$0x2] =	stream.indirect_vreg.gather [hbm4b:s9+s5], $0x80, v4, vm0, $0xb8;
	[tilespmem:$0x18080] =	vst v63  }
0xac: {  	v3 =	vadd.s32 v1, v3;
	s15 =	simm.s32 $0x7080  }
0xad: {  	[tilespmem:s15], [sflag:$0x2] =	stream.indirect_vreg.gather [hbm4b:s10+s5], $0x80, v4, vm0, $0xb8;
	[tilespmem:$0x18080] =	vst v63  }
0xae: {  	s15 =	simm.s32 $0x7880  }
0xaf: {  	[tilespmem:s15], [sflag:$0x2] =	stream.indirect_vreg.gather [hbm4b:s11+s5], $0x80, v4, vm0, $0xb8;
	[tilespmem:$0x18080] =	vst v63  }
0xb0: {  	s15 =	simm.s32 $0x8080  }
0xb1: {  	[tilespmem:s15], [sflag:$0x2] =	stream.indirect_vreg.gather [hbm4b:s1+s5], $0x80, v3, vm0, $0xb8;
	[tilespmem:$0x18080] =	vst v63  }
0xb2: {  	s15 =	simm.s32 $0x8880  }
0xb3: {  	[tilespmem:s15], [sflag:$0x2] =	stream.indirect_vreg.gather [hbm4b:s9+s5], $0x80, v3, vm0, $0xb8;
	[tilespmem:$0x18080] =	vst v63  }
0xb4: {  	s15 =	simm.s32 $0x9080  }
0xb5: {  	[tilespmem:s15], [sflag:$0x2] =	stream.indirect_vreg.gather [hbm4b:s10+s5], $0x80, v3, vm0, $0xb8;
	[tilespmem:$0x18080] =	vst v63  }
0xb6: {  	s15 =	simm.s32 $0x9880  }
0xb7: {  	[tilespmem:s15], [sflag:$0x2] =	stream.indirect_vreg.gather [hbm4b:s11+s5], $0x80, v3, vm0, $0xb8;
	[tilespmem:$0x18080] =	vst v63  }
0xb8: {  	v3 =	vld.msk [tilespmem:s0+$0x10], $0xff;
	_ =	sdelay $0x4  }
0xb9: {  	v61 =	vshll.u32 v3, $0x3  }
0xba: {  	v3 =	vand.u32 $0x7, v3;
	v4 =	vand.u32 $0xFFFFFFC0, v61  }
0xbb: {  	v3 =	vor.u32 v3, v4  }
0xbc: {  	v3 =	vperm.xlane v3, v0;
	_ =	sdelay $0x1  }
0xbd: {  	v3 =	vadd.s32 v1, v3;
	_ =	sdelay $0x3  }
0xbe: {  	s15 =	simm.s32 $0xA080  }
0xbf: {  	[tilespmem:s15], [sflag:$0x2] =	stream.indirect_vreg.gather [hbm4b:s1+s5], $0x80, v3, vm0, $0xb8;
	[tilespmem:$0x18080] =	vst v63  }
0xc0: {  	s15 =	simm.s32 $0xA880  }
0xc1: {  	[tilespmem:s15], [sflag:$0x2] =	stream.indirect_vreg.gather [hbm4b:s9+s5], $0x80, v3, vm0, $0xb8;
	[tilespmem:$0x18080] =	vst v63  }
0xc2: {  	s15 =	simm.s32 $0xB080  }
0xc3: {  	[tilespmem:s15], [sflag:$0x2] =	stream.indirect_vreg.gather [hbm4b:s10+s5], $0x80, v3, vm0, $0xb8;
	[tilespmem:$0x18080] =	vst v63  }
0xc4: {  	s15 =	simm.s32 $0xB880  }
0xc5: {  	[tilespmem:s15], [sflag:$0x2] =	stream.indirect_vreg.gather [hbm4b:s11+s5], $0x80, v3, vm0, $0xb8;
	[tilespmem:$0x18080] =	vst v63  }
0xc6: {  	v3 =	vld [tilespmem:s0+$0x0];
	_ =	sdelay $0x4  }
0xc7: {  	v62 =	vshll.u32 v3, $0x3  }
0xc8: {  	v3 =	vand.u32 $0x7, v3;
	v4 =	vand.u32 $0xFFFFFFC0, v62  }
0xc9: {  	v3 =	vor.u32 v3, v4  }
0xca: {  	v4 =	vperm.xlane v3, v0;
	_ =	sdelay $0x1  }
0xcb: {  	v4 =	vadd.s32 v1, v4;
	_ =	sdelay $0x3  }
0xcc: {  	s23 =	simm.s32 $0x12080  }
0xcd: {  	[tilespmem:s23], [sflag:$0x4] =	stream.indirect_vreg.gather [hbm4b:s3+s5], $0x80, v4, vm0, $0xb8;
	[tilespmem:$0x18080] =	vst v63  }
0xce: {  	s15 =	simm.s32 $0x12880;
	v3 =	vperm.xlane v3, v2  }
0xcf: {  	[tilespmem:s15], [sflag:$0x4] =	stream.indirect_vreg.gather [hbm4b:s12+s5], $0x80, v4, vm0, $0xb8;
	[tilespmem:$0x18080] =	vst v63  }
0xd0: {  	v3 =	vadd.s32 v1, v3;
	s15 =	simm.s32 $0x13080  }
0xd1: {  	[tilespmem:s15], [sflag:$0x4] =	stream.indirect_vreg.gather [hbm4b:s13+s5], $0x80, v4, vm0, $0xb8;
	[tilespmem:$0x18080] =	vst v63  }
0xd2: {  	s15 =	simm.s32 $0x13880  }
0xd3: {  	[tilespmem:s15], [sflag:$0x4] =	stream.indirect_vreg.gather [hbm4b:s14+s5], $0x80, v4, vm0, $0xb8;
	[tilespmem:$0x18080] =	vst v63  }
0xd4: {  	s15 =	simm.s32 $0x14080  }
0xd5: {  	[tilespmem:s15], [sflag:$0x4] =	stream.indirect_vreg.gather [hbm4b:s3+s5], $0x80, v3, vm0, $0xb8;
	[tilespmem:$0x18080] =	vst v63  }
0xd6: {  	s15 =	simm.s32 $0x14880  }
0xd7: {  	[tilespmem:s15], [sflag:$0x4] =	stream.indirect_vreg.gather [hbm4b:s12+s5], $0x80, v3, vm0, $0xb8;
	[tilespmem:$0x18080] =	vst v63  }
0xd8: {  	s15 =	simm.s32 $0x15080  }
0xd9: {  	[tilespmem:s15], [sflag:$0x4] =	stream.indirect_vreg.gather [hbm4b:s13+s5], $0x80, v3, vm0, $0xb8;
	[tilespmem:$0x18080] =	vst v63  }
0xda: {  	s15 =	simm.s32 $0x15880  }
0xdb: {  	[tilespmem:s15], [sflag:$0x4] =	stream.indirect_vreg.gather [hbm4b:s14+s5], $0x80, v3, vm0, $0xb8;
	[tilespmem:$0x18080] =	vst v63  }
0xdc: {  	v3 =	vld.msk [tilespmem:s0+$0x10], $0xff;
	_ =	sdelay $0x4  }
0xdd: {  	v63 =	vshll.u32 v3, $0x3  }
0xde: {  	v3 =	vand.u32 $0x7, v3;
	v4 =	vand.u32 $0xFFFFFFC0, v63  }
0xdf: {  	v3 =	vor.u32 v3, v4  }
0xe0: {  	v3 =	vperm.xlane v3, v0;
	_ =	sdelay $0x1  }
0xe1: {  	v3 =	vadd.s32 v1, v3;
	_ =	sdelay $0x3  }
0xe2: {  	s15 =	simm.s32 $0x16080  }
0xe3: {  	[tilespmem:s15], [sflag:$0x4] =	stream.indirect_vreg.gather [hbm4b:s3+s5], $0x80, v3, vm0, $0xb8;
	[tilespmem:$0x18080] =	vst v63  }
0xe4: {  	s15 =	simm.s32 $0x16880  }
0xe5: {  	[tilespmem:s15], [sflag:$0x4] =	stream.indirect_vreg.gather [hbm4b:s12+s5], $0x80, v3, vm0, $0xb8;
	[tilespmem:$0x18080] =	vst v63  }
0xe6: {  	s15 =	simm.s32 $0x17080  }
0xe7: {  	[tilespmem:s15], [sflag:$0x4] =	stream.indirect_vreg.gather [hbm4b:s13+s5], $0x80, v3, vm0, $0xb8;
	[tilespmem:$0x18080] =	vst v63  }
0xe8: {  	s15 =	simm.s32 $0x17880  }
0xe9: {  	[tilespmem:s15], [sflag:$0x4] =	stream.indirect_vreg.gather [hbm4b:s14+s5], $0x80, v3, vm0, $0xb8;
	[tilespmem:$0x18080] =	vst v63  }
.LBB2_4:
0xea: {  	s0 =	smul.u32 $0x30, s21;
	_ =	sdelay $0x1  }
0xeb: {  	_ =	swait.ge [sflag:s24], $0x6000;
	s0 =	sadd.s32 s6, s0  }
0xec: {  	[sflag:s24] =	ssyncset.done $0x0;
	s0 =	sshll.u32 s0, $0x7  }
0xed: {  	[sflag:s24] =	ssyncadd.s32 $0xFFFFA000;
	s15 =	sadd.s32 s4, s0  }
0xee: {  	[hbm4b:s15+s5] =	stream.linear.scatter [tilespmem:s19], [sflag:$0x6], $0x6000, $0x38;
	[tilespmem:$0x18080] =	vst v63  }
0xef: {  	_ =	swait.ge [sflag:s25], $0x6000  }
0xf0: {  	[sflag:s25] =	ssyncset.done $0x0  }
0xf1: {  	[sflag:s25] =	ssyncadd.s32 $0xFFFFA000  }
0xf2: {  	_ =	swait.ge [sflag:s26], $0x6000  }
0xf3: {  	[sflag:s26] =	ssyncset.done $0x0  }
.Ltmp3:
0xf4: {  	s0 =	sadd.s32 s7, s0;
	[sflag:s26] =	ssyncadd.s32 $0xFFFFA000;
	(pc) =	sbr.rel @!p0 .LBB2_6-.Ltmp3, $4  }
0xf5: {  	[hbm4b:s0+s5] =	stream.linear.scatter [tilespmem:s2], [sflag:$0x6], $0x6000, $0x38;
	[tilespmem:$0x18080] =	vst v63  }
0xf6: {  	_ =	swait.ge [sflag:s25], $0x6000  }
0xf7: {  	[sflag:s25] =	ssyncset.done $0x0  }
0xf8: {  	[sflag:s25] =	ssyncadd.s32 $0xFFFFA000  }
0xf9: {  	v3 =	vld [tilespmem:$0x30];
	_ =	sdelay $0x4  }
0xfa: {  	v4 =	vshll.u32 v3, $0x3  }
0xfb: {  	v3 =	vand.u32 $0x7, v3;
	v4 =	vand.u32 $0xFFFFFFC0, v4  }
0xfc: {  	v3 =	vor.u32 v3, v4  }
0xfd: {  	v4 =	vperm.xlane v3, v0;
	_ =	sdelay $0x1  }
0xfe: {  	v4 =	vadd.s32 v1, v4;
	_ =	sdelay $0x4  }
0xff: {  	[tilespmem:s19], [sflag:$0x1] =	stream.indirect_vreg.gather [hbm4b:s1+s5], $0x80, v4, vm0, $0xb8;
	[tilespmem:$0x18080] =	vst v63  }
0x100: {  	s0 =	simm.s32 $0x880;
	v3 =	vperm.xlane v3, v2  }
0x101: {  	[tilespmem:s0], [sflag:$0x1] =	stream.indirect_vreg.gather [hbm4b:s9+s5], $0x80, v4, vm0, $0xb8;
	[tilespmem:$0x18080] =	vst v63  }
0x102: {  	s15 =	simm.s32 $0x1080;
	v3 =	vadd.s32 v1, v3  }
0x103: {  	[tilespmem:s15], [sflag:$0x1] =	stream.indirect_vreg.gather [hbm4b:s10+s5], $0x80, v4, vm0, $0xb8;
	[tilespmem:$0x18080] =	vst v63  }
0x104: {  	s21 =	simm.s32 $0x1880  }
0x105: {  	[tilespmem:s21], [sflag:$0x1] =	stream.indirect_vreg.gather [hbm4b:s11+s5], $0x80, v4, vm0, $0xb8;
	[tilespmem:$0x18080] =	vst v63  }
0x106: {  	s15 =	simm.s32 $0x2080  }
0x107: {  	[tilespmem:s15], [sflag:$0x1] =	stream.indirect_vreg.gather [hbm4b:s1+s5], $0x80, v3, vm0, $0xb8;
	[tilespmem:$0x18080] =	vst v63  }
0x108: {  	s21 =	simm.s32 $0x2880  }
0x109: {  	[tilespmem:s21], [sflag:$0x1] =	stream.indirect_vreg.gather [hbm4b:s9+s5], $0x80, v3, vm0, $0xb8;
	[tilespmem:$0x18080] =	vst v63  }
0x10a: {  	s15 =	simm.s32 $0x3080  }
0x10b: {  	[tilespmem:s15], [sflag:$0x1] =	stream.indirect_vreg.gather [hbm4b:s10+s5], $0x80, v3, vm0, $0xb8;
	[tilespmem:$0x18080] =	vst v63  }
0x10c: {  	s21 =	simm.s32 $0x3880  }
0x10d: {  	[tilespmem:s21], [sflag:$0x1] =	stream.indirect_vreg.gather [hbm4b:s11+s5], $0x80, v3, vm0, $0xb8;
	[tilespmem:$0x18080] =	vst v63  }
0x10e: {  	v3 =	vld.msk [tilespmem:$0x40], $0xff;
	_ =	sdelay $0x4  }
0x10f: {  	v61 =	vshll.u32 v3, $0x3  }
0x110: {  	v3 =	vand.u32 $0x7, v3;
	v4 =	vand.u32 $0xFFFFFFC0, v61  }
0x111: {  	v3 =	vor.u32 v3, v4  }
0x112: {  	v3 =	vperm.xlane v3, v0;
	_ =	sdelay $0x1  }
0x113: {  	v3 =	vadd.s32 v1, v3;
	_ =	sdelay $0x3  }
0x114: {  	s15 =	simm.s32 $0x4080  }
0x115: {  	[tilespmem:s15], [sflag:$0x1] =	stream.indirect_vreg.gather [hbm4b:s1+s5], $0x80, v3, vm0, $0xb8;
	[tilespmem:$0x18080] =	vst v63  }
0x116: {  	s21 =	simm.s32 $0x4880  }
0x117: {  	[tilespmem:s21], [sflag:$0x1] =	stream.indirect_vreg.gather [hbm4b:s9+s5], $0x80, v3, vm0, $0xb8;
	[tilespmem:$0x18080] =	vst v63  }
0x118: {  	s15 =	simm.s32 $0x5080  }
0x119: {  	[tilespmem:s15], [sflag:$0x1] =	stream.indirect_vreg.gather [hbm4b:s10+s5], $0x80, v3, vm0, $0xb8;
	[tilespmem:$0x18080] =	vst v63  }
0x11a: {  	s21 =	simm.s32 $0x5880  }
0x11b: {  	[tilespmem:s21], [sflag:$0x1] =	stream.indirect_vreg.gather [hbm4b:s11+s5], $0x80, v3, vm0, $0xb8;
	[tilespmem:$0x18080] =	vst v63  }
0x11c: {  	v3 =	vld [tilespmem:$0x30];
	_ =	sdelay $0x4  }
0x11d: {  	v62 =	vshll.u32 v3, $0x3  }
0x11e: {  	v3 =	vand.u32 $0x7, v3;
	v4 =	vand.u32 $0xFFFFFFC0, v62  }
0x11f: {  	v3 =	vor.u32 v3, v4  }
0x120: {  	v4 =	vperm.xlane v3, v0;
	_ =	sdelay $0x1  }
0x121: {  	v4 =	vadd.s32 v1, v4;
	_ =	sdelay $0x4  }
0x122: {  	[tilespmem:s2], [sflag:$0x3] =	stream.indirect_vreg.gather [hbm4b:s3+s5], $0x80, v4, vm0, $0xb8;
	[tilespmem:$0x18080] =	vst v63  }
0x123: {  	s15 =	simm.s32 $0xC880;
	v3 =	vperm.xlane v3, v2  }
0x124: {  	[tilespmem:s15], [sflag:$0x3] =	stream.indirect_vreg.gather [hbm4b:s12+s5], $0x80, v4, vm0, $0xb8;
	[tilespmem:$0x18080] =	vst v63  }
0x125: {  	v3 =	vadd.s32 v1, v3  }
0x126: {  	[tilespmem:s16], [sflag:$0x3] =	stream.indirect_vreg.gather [hbm4b:s13+s5], $0x80, v4, vm0, $0xb8;
	[tilespmem:$0x18080] =	vst v63  }
0x127: {  	_ = 	snop  }
0x128: {  	[tilespmem:s17], [sflag:$0x3] =	stream.indirect_vreg.gather [hbm4b:s14+s5], $0x80, v4, vm0, $0xb8;
	[tilespmem:$0x18080] =	vst v63  }
0x129: {  	_ = 	snop  }
0x12a: {  	[tilespmem:s28], [sflag:$0x3] =	stream.indirect_vreg.gather [hbm4b:s3+s5], $0x80, v3, vm0, $0xb8;
	[tilespmem:$0x18080] =	vst v63  }
0x12b: {  	_ = 	snop  }
0x12c: {  	[tilespmem:s22], [sflag:$0x3] =	stream.indirect_vreg.gather [hbm4b:s12+s5], $0x80, v3, vm0, $0xb8;
	[tilespmem:$0x18080] =	vst v63  }
0x12d: {  	_ = 	snop  }
0x12e: {  	[tilespmem:s29], [sflag:$0x3] =	stream.indirect_vreg.gather [hbm4b:s13+s5], $0x80, v3, vm0, $0xb8;
	[tilespmem:$0x18080] =	vst v63  }
0x12f: {  	_ = 	snop  }
0x130: {  	[tilespmem:s8], [sflag:$0x3] =	stream.indirect_vreg.gather [hbm4b:s14+s5], $0x80, v3, vm0, $0xb8;
	[tilespmem:$0x18080] =	vst v63  }
0x131: {  	v3 =	vld.msk [tilespmem:$0x40], $0xff;
	_ =	sdelay $0x4  }
0x132: {  	v63 =	vshll.u32 v3, $0x3  }
0x133: {  	v3 =	vand.u32 $0x7, v3;
	v4 =	vand.u32 $0xFFFFFFC0, v63  }
0x134: {  	v3 =	vor.u32 v3, v4  }
0x135: {  	v3 =	vperm.xlane v3, v0;
	_ =	sdelay $0x1  }
0x136: {  	v3 =	vadd.s32 v1, v3;
	_ =	sdelay $0x3  }
0x137: {  	s21 =	simm.s32 $0x10080  }
0x138: {  	[tilespmem:s21], [sflag:$0x3] =	stream.indirect_vreg.gather [hbm4b:s3+s5], $0x80, v3, vm0, $0xb8;
	[tilespmem:$0x18080] =	vst v63  }
0x139: {  	s15 =	simm.s32 $0x10880  }
0x13a: {  	[tilespmem:s15], [sflag:$0x3] =	stream.indirect_vreg.gather [hbm4b:s12+s5], $0x80, v3, vm0, $0xb8;
	[tilespmem:$0x18080] =	vst v63  }
0x13b: {  	s21 =	simm.s32 $0x11080  }
0x13c: {  	[tilespmem:s21], [sflag:$0x3] =	stream.indirect_vreg.gather [hbm4b:s13+s5], $0x80, v3, vm0, $0xb8;
	[tilespmem:$0x18080] =	vst v63  }
0x13d: {  	s15 =	smul.u32 $0x18, s20;
	s21 =	simm.s32 $0x11880  }
0x13e: {  	[tilespmem:s21], [sflag:$0x3] =	stream.indirect_vreg.gather [hbm4b:s14+s5], $0x80, v3, vm0, $0xb8;
	[tilespmem:$0x18080] =	vst v63  }
0x13f: {  	s0 =	sadd.s32 s6, s15;
	_ =	swait.ge [sflag:s30], $0x6000  }
0x140: {  	s0 =	sshll.u32 s0, $0x7;
	[sflag:s30] =	ssyncset.done $0x0  }
0x141: {  	s15 =	sadd.s32 s4, s0;
	s21 =	simm.s32 $0x6080;
	[sflag:s30] =	ssyncadd.s32 $0xFFFFA000  }
0x142: {  	[hbm4b:s15+s5] =	stream.linear.scatter [tilespmem:s21], [sflag:$0x6], $0x6000, $0x38;
	[tilespmem:$0x18080] =	vst v63  }
0x143: {  	_ =	swait.ge [sflag:s25], $0x6000  }
0x144: {  	[sflag:s25] =	ssyncset.done $0x0  }
0x145: {  	[sflag:s25] =	ssyncadd.s32 $0xFFFFA000  }
0x146: {  	_ =	swait.ge [sflag:s31], $0x6000  }
0x147: {  	[sflag:s31] =	ssyncset.done $0x0  }
.Ltmp4:
0x148: {  	s0 =	sadd.s32 s7, s0;
	[sflag:s31] =	ssyncadd.s32 $0xFFFFA000;
	(pc) =	sbr.rel .LBB2_2-.Ltmp4, $4  }
0x149: {  	[hbm4b:s0+s5] =	stream.linear.scatter [tilespmem:s23], [sflag:$0x5], $0x6000, $0x38;
	[tilespmem:$0x18080] =	vst v63  }
0x14a: {  	_ =	swait.ge [sflag:s18], $0x6000  }
0x14b: {  	[sflag:s18] =	ssyncset.done $0x0  }
0x14c: {  	p0 =	por $0x0, $0x0;
	s21 =	simm.s32 $0x1;
	[sflag:s18] =	ssyncadd.s32 $0xFFFFA000  }
.LBB2_7:
0x14d: {  	_ =	sfence.sel $0x180000  }
0x14e: {  	[bflag:$0x0] =	sbarrier.arrive $0xFFFF  }
0x14f: {  	_ =	strace $0x90000053  }
0x150: {  	s0 =	stileid.u32;
	[bflag:$0x2] =	sbarrier.arrive $0xFFFF  }
0x151: {  	p0 =	sne.s32 s0, $0x0;
	s0 =	rddreg [dreg:$0x4]  }
0x152: {  	s0 =	sadd.s32 @!p0 $0x100000, s0  }
0x153: {  	[sflag:s0] =	ssyncadd.tile.s32 @!p0 $0x1;
	_ =	shalt  }
.Lfunc_end2:
_tile_overlayer_lowered:
.L_overlay_start_2:
0x154: {  	(tag) =	ssettag $0x2  }
0x155: {  	s0 =	rddreg [dreg:$0x0];
	s2 =	stileid.u32  }
0x156: {  	s1 =	rddreg [dreg:$0x1];
	p0 =	sne.s32 s2, $0x0  }
0x157: {  	s3 =	rddreg [dreg:$0x2];
	[bflag:$0x3] =	sbarrier.arrive $0xFFFF;
	s2 =	simm.s32 @!p0 $0x1C05  }
0x158: {  	[timem:s3], [sflag:s2] =	dma.local @!p0 [hbm:s0], s1  }
0x159: {  	s0 =	simm.s32 @!p0 $0x5  }
0x15a: {  	_ =	swait.ge @!p0 [sflag:s0], s1  }
0x15b: {  	s1 =	ssub.s32 @!p0 $0x0, s1;
	[sflag:s0] =	ssyncset.done @!p0 $0x0  }
0x15c: {  	[sflag:s0] =	ssyncadd.s32 @!p0 s1  }
0x15d: {  	[bflag:$0x3] =	sbarrier.arrive $0xFFFF  }
0x15e: {  	_ =	shalt  }

// kernel: kernel.30.cloned.1.call-start
scs
__scs_entry_jumppad:
0x0: {  	(pc) =	sbr.rel $0x88, $3  }
0x1: {  	(tag) =	ssettag $0x0;
	lr =	simm.s32 $0x1  }
0x2: {  	[smem:$0x3F93] =	sst lr;
	_ =	strace $0xD0000000  }
0x3: {  	_ = 	snop  }
0x4: {  	_ = 	snop  }
0x5: {  	_ = 	snop  }
0x6: {  	_ = 	snop  }
0x7: {  	_ = 	snop  }
__scs_overlays_trampoline_lowered:
0x8: {  	[smem:$0x3FA2] =	sst s0  }
0x9: {  	[smem:$0x3FA3] =	sst s1  }
0xa: {  	[smem:$0x3FA4] =	sst s2  }
0xb: {  	[smem:$0x3FA5] =	sst s3  }
0xc: {  	[smem:$0x3FA6] =	sst s4  }
0xd: {  	[smem:$0x3FA7] =	sst s5  }
0xe: {  	[smem:$0x3FA8] =	sst s6  }
0xf: {  	[smem:$0x3FA9] =	sst s7  }
0x10: {  	[smem:$0x3FAA] =	sst s8  }
0x11: {  	[smem:$0x3FAB] =	sst s9;
	s0 =	simm.s32 @!p0 $0x0  }
0x12: {  	s1 =	sld [smem:$0x3F91];
	s0 =	simm.s32 @p0 $0x1  }
0x13: {  	[smem:$0x3FAC] =	sst s0;
	s0 =	simm.s32 @!p1 $0x0  }
0x14: {  	s2 =	sld [smem:$0x3F90];
	s0 =	simm.s32 @p1 $0x1  }
0x15: {  	[smem:$0x3FAD] =	sst s0;
	s0 =	simm.s32 @!p2 $0x0  }
0x16: {  	s3 =	sld [smem:$0x3FDB];
	s0 =	simm.s32 @p2 $0x1  }
0x17: {  	s4 =	simm.s32 $0x1BF5;
	[smem:$0x3FAF] =	sst s0  }
0x18: {  	s0 =	sld [smem:$0x3F92];
	_ =	swait.ge [sflag:s4], $0x0  }
0x19: {  	s7 =	sld [smem:$0x3F93]  }
0x1a: {  	s8 =	sadd.s32 $0xFFFFE003, lr  }
0x1b: {  	s9 =	sadd.s32 $0xFFFFFEF7, lr;
	s5 =	simm.s32 $0xFFFFFFFF;
	p2 =	slt.u32 s8, $0xFFFFF086  }
0x1c: {  	p1 =	slt.u32 s9, $0xF7A;
	s5 =	simm.s32 @!p2 $0x0  }
0x1d: {  	s5 =	simm.s32 @p1 $0x1;
	p0 =	seq.s32 s7, s2  }
0x1e: {  	s7 =	smul.u32 @!p0 $0xF7A, s2;
	p2 =	seq.s32 @!p0 s5, $0x0  }
0x1f: {  	s9 =	smul.u32 $0xF7A, s1;
	s8 =	simm.s32 @!p0 $0x1BF5;
	p2 =	por !p2, p0  }
0x20: {  	[sflag:s8] =	ssyncset.s32 @!p0 $0xFFFFF086;
	s6 =	sadd.s32 @!p0 s3, s7;
	s7 =	simm.s32 @!p0 $0x108  }
0x21: {  	s3 =	sadd.s32 s3, s9;
	s6 =	sadd.s32 @!p0 $0x88, s6;
	s7 =	simm.s32 @p2 $0x1082  }
0x22: {  	[simem:s7], [sflag:s8] =	dma.local @!p0 [hbm:s6], $0xF7A  }
0x23: {  	s9 =	sor.u32 $0xD0000000, s2;
	s6 =	simm.s32 $0x108;
	_ =	swait.ge @!p0 [sflag:s8], $0x0  }
0x24: {  	s3 =	sadd.s32 $0x88, s3;
	s6 =	simm.s32 @!p1 $0x1082;
	[sflag:s4] =	ssyncset.s32 $0xFFFFF086  }
0x25: {  	[simem:s6], [sflag:s4] =	dma.local [hbm:s3], $0xF7A  }
0x26: {  	[smem:$0x3F93] =	sst s1;
	(tag) =	ssettag s2;
	_ =	strace s9  }
0x27: {  	s1 =	sld [smem:$0x3FA3]  }
0x28: {  	s2 =	sld [smem:$0x3FA4]  }
0x29: {  	s4 =	sld [smem:$0x3FA6]  }
0x2a: {  	p0 =	seq.s32 s5, $0x0;
	s5 =	sld [smem:$0x3FA7]  }
0x2b: {  	s6 =	sld [smem:$0x3FA8]  }
0x2c: {  	s7 =	sld [smem:$0x3FA9]  }
0x2d: {  	s3 =	simm.s32 $0x108;
	s8 =	sld [smem:$0x3FAA]  }
0x2e: {  	s3 =	simm.s32 @!p0 $0x1082;
	s9 =	sld [smem:$0x3FAB]  }
0x2f: {  	lr =	sadd.s32 s0, s3;
	s0 =	sld [smem:$0x3FA2]  }
0x30: {  	s3 =	sld [smem:$0x3FA5]  }
0x31: {  	[smem:$0x3FAE] =	sst s10  }
0x32: {  	s10 =	sld [smem:$0x3FAC];
	_ =	sdelay $0x3  }
0x33: {  	p0 =	seq.s32 s10, $0x1;
	s10 =	sld [smem:$0x3FAE];
	_ =	sdelay $0x3  }
0x34: {  	[smem:$0x3FAE] =	sst s10  }
0x35: {  	s10 =	sld [smem:$0x3FAD];
	_ =	sdelay $0x3  }
0x36: {  	p1 =	seq.s32 s10, $0x1;
	s10 =	sld [smem:$0x3FAE];
	_ =	sdelay $0x3  }
0x37: {  	[smem:$0x3FAE] =	sst s10  }
0x38: {  	s10 =	sld [smem:$0x3FAF]  }
0x39: {  	_ = 	snop;
	(pc) =	sbr.ind lr, $3  }
0x3a: {  	_ = 	snop  }
0x3b: {  	_ = 	snop  }
0x3c: {  	p2 =	seq.s32 s10, $0x1;
	s10 =	sld [smem:$0x3FAE]  }
0x3d: {  	_ =	shalt  }
0x3e: {  	_ =	shalt  }
0x3f: {  	_ =	shalt  }
0x40: {  	_ =	shalt  }
0x41: {  	_ =	shalt  }
0x42: {  	_ =	shalt  }
0x43: {  	_ =	shalt  }
0x44: {  	_ =	shalt  }
0x45: {  	_ =	shalt  }
0x46: {  	_ =	shalt  }
0x47: {  	_ =	shalt  }
0x48: {  	_ =	shalt  }
0x49: {  	_ =	shalt  }
0x4a: {  	_ =	shalt  }
0x4b: {  	_ =	shalt  }
0x4c: {  	_ =	shalt  }
0x4d: {  	_ =	shalt  }
0x4e: {  	_ =	shalt  }
0x4f: {  	_ =	shalt  }
0x50: {  	_ =	shalt  }
0x51: {  	_ =	shalt  }
0x52: {  	_ =	shalt  }
0x53: {  	_ =	shalt  }
0x54: {  	_ =	shalt  }
0x55: {  	_ =	shalt  }
0x56: {  	_ =	shalt  }
0x57: {  	_ =	shalt  }
0x58: {  	_ =	shalt  }
0x59: {  	_ =	shalt  }
0x5a: {  	_ =	shalt  }
0x5b: {  	_ =	shalt  }
0x5c: {  	_ =	shalt  }
0x5d: {  	_ =	shalt  }
0x5e: {  	_ =	shalt  }
0x5f: {  	_ =	shalt  }
0x60: {  	_ =	shalt  }
0x61: {  	_ =	shalt  }
0x62: {  	_ =	shalt  }
0x63: {  	_ =	shalt  }
0x64: {  	_ =	shalt  }
0x65: {  	_ =	shalt  }
0x66: {  	_ =	shalt  }
0x67: {  	_ =	shalt  }
0x68: {  	_ =	shalt  }
0x69: {  	_ =	shalt  }
0x6a: {  	_ =	shalt  }
0x6b: {  	_ =	shalt  }
0x6c: {  	_ =	shalt  }
0x6d: {  	_ =	shalt  }
0x6e: {  	_ =	shalt  }
0x6f: {  	_ =	shalt  }
0x70: {  	_ =	shalt  }
0x71: {  	_ =	shalt  }
0x72: {  	_ =	shalt  }
0x73: {  	_ =	shalt  }
0x74: {  	_ =	shalt  }
0x75: {  	_ =	shalt  }
0x76: {  	_ =	shalt  }
0x77: {  	_ =	shalt  }
0x78: {  	_ =	shalt  }
0x79: {  	_ =	shalt  }
0x7a: {  	_ =	shalt  }
0x7b: {  	_ =	shalt  }
0x7c: {  	_ =	shalt  }
0x7d: {  	_ =	shalt  }
0x7e: {  	_ =	shalt  }
0x7f: {  	_ =	shalt  }
0x80: {  	_ =	shalt  }
0x81: {  	_ =	shalt  }
0x82: {  	_ =	shalt  }
0x83: {  	_ =	shalt  }
0x84: {  	_ =	shalt  }
0x85: {  	_ =	shalt  }
0x86: {  	_ =	shalt  }
0x87: {  	_ =	shalt  }
.Lfunc_end0:
.L_simem_size_0:
called_computation.5_lowered:
.L_overlay_start_0:
0x88: {  	s2 =	sld [smem:$0x3FD9]  }
0x89: {  	s3 =	sld [smem:$0x3FFE];
	_ =	sdelay $0x1  }
0x8a: {  	s1 =	srdreg.scid  }
0x8b: {  	s0 =	sand.u32 $0x1, s1  }
0x8c: {  	s16 =	sshll.u32 s0, $0xA;
	s2 =	sadd.s32 s3, s2  }
0x8d: {  	s2 =	sadd.s32 s2, s16  }
0x8e: {  	[smem:$0x3FBA] =	sst s2  }
0x8f: {  	_ = 	snop  }
0x90: {  	(tm) =	ssettm $0x1  }
0x91: {  	s17 =	sld [smem:$0x3FFB];
	_ =	sdelay $0x3  }
0x92: {  	_ =	strace s17  }
0x93: {  	s2 =	sld [smem:$0x3FFC];
	_ =	sdelay $0x3  }
0x94: {  	_ =	strace s2  }
0x95: {  	s2 =	sld [smem:$0x3FFD];
	_ =	sdelay $0x3  }
0x96: {  	_ =	strace s2  }
0x97: {  	_ =	strace $0x8FFFFFFF  }
0x98: {  	s18 =	sld [smem:$0x3FDB];
	_ =	sdelay $0x1  }
0x99: {  	s19 =	simm.s32 $_scs_section_size  }
0x9a: {  	s4 =	simm.s32 $_size__tile_overlayer_lowered;
	s5 =	simm.s32 $_tile_overlayer_lowered  }
0x9b: {  	s22 =	simm.s32 $0x1BFF;
	s21 =	sshll.u32 s5, $0x1;
	s2 =	sadd.s32 s19, s18  }
0x9c: {  	s6 =	simm.s32 $0x0;
	s20 =	sshll.u32 s4, $0x1;
	s4 =	sadd.s32 s21, s2  }
0x9d: {  	[timem:s6], [sflag:s22] =	dma.local [hbm:s4], s20  }
0x9e: {  	_ =	swait.ge [sflag:s22], s20  }
0x9f: {  	s3 =	ssub.s32 $0x0, s20;
	[sflag:s22] =	ssyncset.done $0x0  }
0xa0: {  	[sflag:s22] =	ssyncadd.s32 s3;
	_ =	sdelay $0x1  }
0xa1: {  	s23 =	simm.s32 $0x1B8B  }
0xa2: {  	_ =	swait.ge [sflag:s23], $0x1  }
0xa3: {  	[sflag:s23] =	ssyncset.done $0x0  }
0xa4: {  	s25 =	simm.s32 $0x1B8E;
	s24 =	sld [smem:$0x3FFE];
	[sflag:s23] =	ssyncadd.s32 $0xFFFFFFFF  }
0xa5: {  	s26 =	simm.s32 $execute0_lowered;
	[smem:$0x3FD2] =	sst s25  }
0xa6: {  	s4 =	sshll.u32 s26, $0x1;
	_ =	strace $0x80000055;
	[dreg:$0x1] =	wrdreg $0xFFFFFFFF  }
0xa7: {  	s28 =	simm.s32 $_size_execute0_lowered;
	s2 =	sadd.s32 s2, s4;
	[dreg:$0x0] =	wrdreg $0x0  }
0xa8: {  	s4 =	sshll.u32 s28, $0x1;
	[dreg:$0x2] =	wrdreg s2  }
0xa9: {  	[dreg:$0x3] =	wrdreg s4  }
0xaa: {  	[dreg:$0x4] =	wrdreg $0xC0  }
0xab: {  	_ =	task [dreg:s6], $0x5FFFF  }
0xac: {  	[dreg:$0x1] =	wrdreg $0xFFFFFFFF  }
0xad: {  	[dreg:$0x0] =	wrdreg $0x60  }
0xae: {  	[dreg:$0x2] =	wrdreg s24  }
0xaf: {  	[dreg:$0x3] =	wrdreg $0x9  }
0xb0: {  	_ =	task.clear_ibuf [dreg:s6], $0x4FFFF;
	_ =	strace $0x90000055  }
0xb1: {  	s29 =	simm.s32 $0x9;
	_ =	strace $0x80000057  }
0xb2: {  	_ =	swait.ge [sflag:s29], $0x1  }
0xb3: {  	[sflag:s29] =	ssyncadd.s32 $0xFFFFFFFF  }
0xb4: {  	_ =	strace $0x90000057  }
0xb5: {  	_ =	sfence  }
0xb6: {  	s30 =	sld [smem:$0x0];
	_ =	sdelay $0x2  }
0xb7: {  	s31 =	sshll.u32 s1, $0xD;
	s1 =	sshrl.u32 s1, $0x2  }
0xb8: {  	s3 =	sand.u32 $0x4000, s31;
	s1 =	sadd.s32 s1, s30  }
0xb9: {  	s0 =	sor.u32 s3, s0;
	s1 =	sshll.u32 s1, $0x11  }
0xba: {  	s0 =	sor.u32 s1, s0  }
0xbb: {  	s0 =	sadd.s32 $0x8F2B, s0  }
0xbc: {  	[sflag:s0] =	ssyncadd.remote.s32 $0x1  }
0xbd: {  	_ =	sfence.sel $0xFFFF  }
0xbe: {  	[dreg:$0x0] =	wrdreg $0xFFFFFFFF;
	(pc) =	sbr.abs _section_cstart, $3  }
0xbf: {  	[dreg:$0x1] =	wrdreg $0xFFFFFFFF  }
0xc0: {  	_ =	task.clear_ibuf [dreg:s6], $0x2FFFF;
	_ =	strace $0x9FFFFFFF  }
0xc1: {  	(tm) =	ssettm $0x7FFFFFFF  }
tec
execute0_lowered:
.L_overlay_start_1:
0x0: {  	(tag) =	ssettag $0x1  }
0x1: {  	s0 =	rddreg [dreg:$0x0]  }
0x2: {  	s1 =	srdreg.scid;
	s5 =	stileid.u32;
	s2 =	simm.s32 $0x0  }
0x3: {  	s10 =	simm.s32 $0x2;
	s12 =	simm.s32 $0x100;
	s13 =	simm.s32 $0x900  }
0x4: {  	s14 =	simm.s32 $0x1100;
	s15 =	simm.s32 $0x1900;
	s16 =	simm.s32 $0x2100  }
0x5: {  	s17 =	simm.s32 $0x2900;
	s18 =	simm.s32 $0x3100;
	s19 =	simm.s32 $0x3900  }
0x6: {  	s20 =	simm.s32 $0x4100;
	s21 =	simm.s32 $0x4900;
	s22 =	simm.s32 $0x5100  }
0x7: {  	s28 =	simm.s32 $0x7900;
	s29 =	simm.s32 $0x1;
	s30 =	simm.s32 $0x0  }
0x8: {  	s1 =	sand.u32 $0x1, s1;
	[smem:$0x7FF] =	sst s2;
	s23 =	sshll.u32 s5, $0xF  }
0x9: {  	s3 =	sshll.u32 s5, $0x8;
	s5 =	sadd.s32 $0x265B00, s0;
	s6 =	sadd.s32 $0x265C00, s0  }
0xa: {  	s4 =	sshll.u32 s1, $0x7;
	_ =	strace $0x80000056;
	s24 =	ssub.s32 $0x2, s1  }
0xb: {  	s8 =	sadd.s32 s23, s0;
	s1 =	sshll.u32 s1, $0xE;
	s23 =	simm.s32 $0x5900  }
0xc: {  	s3 =	sor.u32 s4, s3;
	s25 =	sshrl.u32 s24, $0x1;
	s1 =	sadd.s32 s1, s8  }
0xd: {  	s8 =	sadd.s32 $0x265D00, s0;
	s3 =	sshrl.u32 s3, $0x3;
	s9 =	ssub.s32 s24, s25  }
0xe: {  	s26 =	sadd.s32 $0x3000, s1;
	s31 =	sadd.s32 $0x83000, s1;
	s24 =	simm.s32 $0x6100  }
0xf: {  	v2 =	vlaneseq.u32;
	s25 =	simm.s32 $0x6900;
	s7 =	sadd.s32 s3, s0;
	[dreg:$0x2] =	wrdreg s26  }
0x10: {  	vm0 =	vmmov $0xffff;
	v1 =	vshrl.u32 v2, $0x3;
	s3 =	sadd.s32 $0x265A00, s0;
	s9 =	smax.u32 s9, $0x1;
	[dreg:$0x3] =	wrdreg s31  }
0x11: {  	v0 =	vand.u32 $0x7, v2;
	v2 =	vor.u32 $0x8, v2;
	v1 =	vmul.u32 $0x8, v1;
	s26 =	simm.s32 $0x7100;
	s4 =	sadd.s32 $0x2E00, s7;
	s7 =	sadd.s32 $0x2C00, s7  }
.LBB2_1:
0x12: {  	[tilespmem:s2], [sflag:$0x2] =	stream.linear.gather [hbm4b:s4+s2], $0x80, $0x38;
	[tilespmem:$0x8100] =	vst v63  }
0x13: {  	_ =	swait.ge [sflag:s10], $0x80  }
0x14: {  	[sflag:s10] =	ssyncset.done $0x0  }
0x15: {  	s0 =	simm.s32 $0x80;
	[sflag:s10] =	ssyncadd.s32 $0xFFFFFF80  }
0x16: {  	[tilespmem:s0], [sflag:$0x2] =	stream.linear.gather [hbm4b:s7+s2], $0x80, $0x38;
	[tilespmem:$0x8100] =	vst v63  }
0x17: {  	_ =	swait.ge [sflag:s10], $0x80  }
0x18: {  	s31 =	simm.s32 $0x90;
	[sflag:s10] =	ssyncset.done $0x0  }
0x19: {  	s1 =	simm.s32 $0x0;
	s0 =	simm.s32 $0x10;
	[sflag:s10] =	ssyncadd.s32 $0xFFFFFF80  }
.LBB2_2:
0x1a: {  	v3 =	vld [tilespmem:s0+$0xFFFFFFF0];
	_ =	sdelay $0x4  }
0x1b: {  	v4 =	vshll.u32 v3, $0x3  }
0x1c: {  	v3 =	vand.u32 $0x7, v3;
	v4 =	vand.u32 $0xFFFFFFC0, v4  }
0x1d: {  	v3 =	vor.u32 v3, v4  }
0x1e: {  	v4 =	vperm.xlane v3, v0;
	_ =	sdelay $0x1  }
0x1f: {  	v4 =	vadd.s32 v1, v4;
	_ =	sdelay $0x4  }
0x20: {  	[tilespmem:s12], [sflag:$0x1] =	stream.indirect_vreg.gather [hbm4b:s3+s2], $0x80, v4, vm0, $0xb8;
	[tilespmem:$0x8100] =	vst v63  }
0x21: {  	v3 =	vperm.xlane v3, v2  }
0x22: {  	[tilespmem:s13], [sflag:$0x1] =	stream.indirect_vreg.gather [hbm4b:s5+s2], $0x80, v4, vm0, $0xb8;
	[tilespmem:$0x8100] =	vst v63  }
0x23: {  	v3 =	vadd.s32 v1, v3  }
0x24: {  	[tilespmem:s14], [sflag:$0x1] =	stream.indirect_vreg.gather [hbm4b:s6+s2], $0x80, v4, vm0, $0xb8;
	[tilespmem:$0x8100] =	vst v63  }
0x25: {  	_ = 	snop  }
0x26: {  	[tilespmem:s15], [sflag:$0x1] =	stream.indirect_vreg.gather [hbm4b:s8+s2], $0x80, v4, vm0, $0xb8;
	[tilespmem:$0x8100] =	vst v63  }
0x27: {  	_ = 	snop  }
0x28: {  	[tilespmem:s16], [sflag:$0x1] =	stream.indirect_vreg.gather [hbm4b:s3+s2], $0x80, v3, vm0, $0xb8;
	[tilespmem:$0x8100] =	vst v63  }
0x29: {  	_ = 	snop  }
0x2a: {  	[tilespmem:s17], [sflag:$0x1] =	stream.indirect_vreg.gather [hbm4b:s5+s2], $0x80, v3, vm0, $0xb8;
	[tilespmem:$0x8100] =	vst v63  }
0x2b: {  	_ = 	snop  }
0x2c: {  	[tilespmem:s18], [sflag:$0x1] =	stream.indirect_vreg.gather [hbm4b:s6+s2], $0x80, v3, vm0, $0xb8;
	[tilespmem:$0x8100] =	vst v63  }
0x2d: {  	_ = 	snop  }
0x2e: {  	[tilespmem:s19], [sflag:$0x1] =	stream.indirect_vreg.gather [hbm4b:s8+s2], $0x80, v3, vm0, $0xb8;
	[tilespmem:$0x8100] =	vst v63  }
0x2f: {  	v3 =	vld [tilespmem:s0+$0x0];
	_ =	sdelay $0x4  }
0x30: {  	v61 =	vshll.u32 v3, $0x3  }
0x31: {  	v3 =	vand.u32 $0x7, v3;
	v4 =	vand.u32 $0xFFFFFFC0, v61  }
0x32: {  	v3 =	vor.u32 v3, v4  }
0x33: {  	v4 =	vperm.xlane v3, v0;
	_ =	sdelay $0x1  }
0x34: {  	v4 =	vadd.s32 v1, v4;
	_ =	sdelay $0x4  }
0x35: {  	[tilespmem:s20], [sflag:$0x1] =	stream.indirect_vreg.gather [hbm4b:s3+s2], $0x80, v4, vm0, $0xb8;
	[tilespmem:$0x8100] =	vst v63  }
0x36: {  	v3 =	vperm.xlane v3, v2  }
0x37: {  	[tilespmem:s21], [sflag:$0x1] =	stream.indirect_vreg.gather [hbm4b:s5+s2], $0x80, v4, vm0, $0xb8;
	[tilespmem:$0x8100] =	vst v63  }
0x38: {  	v3 =	vadd.s32 v1, v3  }
0x39: {  	[tilespmem:s22], [sflag:$0x1] =	stream.indirect_vreg.gather [hbm4b:s6+s2], $0x80, v4, vm0, $0xb8;
	[tilespmem:$0x8100] =	vst v63  }
0x3a: {  	_ = 	snop  }
0x3b: {  	[tilespmem:s23], [sflag:$0x1] =	stream.indirect_vreg.gather [hbm4b:s8+s2], $0x80, v4, vm0, $0xb8;
	[tilespmem:$0x8100] =	vst v63  }
0x3c: {  	_ = 	snop  }
0x3d: {  	[tilespmem:s24], [sflag:$0x1] =	stream.indirect_vreg.gather [hbm4b:s3+s2], $0x80, v3, vm0, $0xb8;
	[tilespmem:$0x8100] =	vst v63  }
0x3e: {  	_ = 	snop  }
0x3f: {  	[tilespmem:s25], [sflag:$0x1] =	stream.indirect_vreg.gather [hbm4b:s5+s2], $0x80, v3, vm0, $0xb8;
	[tilespmem:$0x8100] =	vst v63  }
0x40: {  	_ = 	snop  }
0x41: {  	[tilespmem:s26], [sflag:$0x1] =	stream.indirect_vreg.gather [hbm4b:s6+s2], $0x80, v3, vm0, $0xb8;
	[tilespmem:$0x8100] =	vst v63  }
0x42: {  	_ = 	snop  }
0x43: {  	[tilespmem:s28], [sflag:$0x1] =	stream.indirect_vreg.gather [hbm4b:s8+s2], $0x80, v3, vm0, $0xb8;
	[tilespmem:$0x8100] =	vst v63  }
0x44: {  	_ =	swait.ge [sflag:s29], $0x8000  }
0x45: {  	s11 =	rddreg [dreg:$0x2];
	[sflag:s29] =	ssyncset.done $0x0  }
0x46: {  	[sflag:s29] =	ssyncadd.s32 $0xFFFF8000;
	s11 =	sadd.s32 s1, s11  }
0x47: {  	[hbm4b:s11+s2] =	stream.linear.scatter [tilespmem:s12], [sflag:$0x2], $0x8000, $0x38;
	[tilespmem:$0x8100] =	vst v63  }
0x48: {  	_ =	swait.ge [sflag:s10], $0x8000  }
0x49: {  	[sflag:s10] =	ssyncset.done $0x0  }
0x4a: {  	[sflag:s10] =	ssyncadd.s32 $0xFFFF8000  }
0x4b: {  	v3 =	vld [tilespmem:s31+$0xFFFFFFF0];
	_ =	sdelay $0x4  }
0x4c: {  	v62 =	vshll.u32 v3, $0x3  }
0x4d: {  	v3 =	vand.u32 $0x7, v3;
	v4 =	vand.u32 $0xFFFFFFC0, v62  }
0x4e: {  	v3 =	vor.u32 v3, v4  }
0x4f: {  	v4 =	vperm.xlane v3, v0;
	_ =	sdelay $0x1  }
0x50: {  	v4 =	vadd.s32 v1, v4;
	_ =	sdelay $0x4  }
0x51: {  	[tilespmem:s12], [sflag:$0x1] =	stream.indirect_vreg.gather [hbm4b:s3+s2], $0x80, v4, vm0, $0xb8;
	[tilespmem:$0x8100] =	vst v63  }
0x52: {  	v3 =	vperm.xlane v3, v2  }
0x53: {  	[tilespmem:s13], [sflag:$0x1] =	stream.indirect_vreg.gather [hbm4b:s5+s2], $0x80, v4, vm0, $0xb8;
	[tilespmem:$0x8100] =	vst v63  }
0x54: {  	v3 =	vadd.s32 v1, v3  }
0x55: {  	[tilespmem:s14], [sflag:$0x1] =	stream.indirect_vreg.gather [hbm4b:s6+s2], $0x80, v4, vm0, $0xb8;
	[tilespmem:$0x8100] =	vst v63  }
0x56: {  	_ = 	snop  }
0x57: {  	[tilespmem:s15], [sflag:$0x1] =	stream.indirect_vreg.gather [hbm4b:s8+s2], $0x80, v4, vm0, $0xb8;
	[tilespmem:$0x8100] =	vst v63  }
0x58: {  	_ = 	snop  }
0x59: {  	[tilespmem:s16], [sflag:$0x1] =	stream.indirect_vreg.gather [hbm4b:s3+s2], $0x80, v3, vm0, $0xb8;
	[tilespmem:$0x8100] =	vst v63  }
0x5a: {  	_ = 	snop  }
0x5b: {  	[tilespmem:s17], [sflag:$0x1] =	stream.indirect_vreg.gather [hbm4b:s5+s2], $0x80, v3, vm0, $0xb8;
	[tilespmem:$0x8100] =	vst v63  }
0x5c: {  	_ = 	snop  }
0x5d: {  	[tilespmem:s18], [sflag:$0x1] =	stream.indirect_vreg.gather [hbm4b:s6+s2], $0x80, v3, vm0, $0xb8;
	[tilespmem:$0x8100] =	vst v63  }
0x5e: {  	_ = 	snop  }
0x5f: {  	[tilespmem:s19], [sflag:$0x1] =	stream.indirect_vreg.gather [hbm4b:s8+s2], $0x80, v3, vm0, $0xb8;
	[tilespmem:$0x8100] =	vst v63  }
0x60: {  	v3 =	vld [tilespmem:s31+$0x0];
	_ =	sdelay $0x4  }
0x61: {  	v63 =	vshll.u32 v3, $0x3  }
0x62: {  	v3 =	vand.u32 $0x7, v3;
	v4 =	vand.u32 $0xFFFFFFC0, v63  }
0x63: {  	v3 =	vor.u32 v3, v4  }
0x64: {  	v4 =	vperm.xlane v3, v0;
	_ =	sdelay $0x1  }
0x65: {  	v4 =	vadd.s32 v1, v4;
	_ =	sdelay $0x4  }
0x66: {  	[tilespmem:s20], [sflag:$0x1] =	stream.indirect_vreg.gather [hbm4b:s3+s2], $0x80, v4, vm0, $0xb8;
	[tilespmem:$0x8100] =	vst v63  }
0x67: {  	v3 =	vperm.xlane v3, v2  }
0x68: {  	[tilespmem:s21], [sflag:$0x1] =	stream.indirect_vreg.gather [hbm4b:s5+s2], $0x80, v4, vm0, $0xb8;
	[tilespmem:$0x8100] =	vst v63  }
0x69: {  	v3 =	vadd.s32 v1, v3  }
0x6a: {  	[tilespmem:s22], [sflag:$0x1] =	stream.indirect_vreg.gather [hbm4b:s6+s2], $0x80, v4, vm0, $0xb8;
	[tilespmem:$0x8100] =	vst v63  }
0x6b: {  	_ = 	snop  }
0x6c: {  	[tilespmem:s23], [sflag:$0x1] =	stream.indirect_vreg.gather [hbm4b:s8+s2], $0x80, v4, vm0, $0xb8;
	[tilespmem:$0x8100] =	vst v63  }
0x6d: {  	_ = 	snop  }
0x6e: {  	[tilespmem:s24], [sflag:$0x1] =	stream.indirect_vreg.gather [hbm4b:s3+s2], $0x80, v3, vm0, $0xb8;
	[tilespmem:$0x8100] =	vst v63  }
0x6f: {  	_ = 	snop  }
0x70: {  	[tilespmem:s25], [sflag:$0x1] =	stream.indirect_vreg.gather [hbm4b:s5+s2], $0x80, v3, vm0, $0xb8;
	[tilespmem:$0x8100] =	vst v63  }
0x71: {  	_ = 	snop  }
0x72: {  	[tilespmem:s26], [sflag:$0x1] =	stream.indirect_vreg.gather [hbm4b:s6+s2], $0x80, v3, vm0, $0xb8;
	[tilespmem:$0x8100] =	vst v63  }
0x73: {  	_ = 	snop  }
0x74: {  	[tilespmem:s28], [sflag:$0x1] =	stream.indirect_vreg.gather [hbm4b:s8+s2], $0x80, v3, vm0, $0xb8;
	[tilespmem:$0x8100] =	vst v63  }
0x75: {  	_ =	swait.ge [sflag:s29], $0x8000  }
0x76: {  	p0 =	sne.s32 s1, $0x3000;
	s11 =	rddreg [dreg:$0x3];
	[sflag:s29] =	ssyncset.done $0x0  }
.Ltmp0:
0x77: {  	[sflag:s29] =	ssyncadd.s32 $0xFFFF8000;
	s11 =	sadd.s32 s1, s11;
	(pc) =	sbr.rel @p0 .LBB2_2-.Ltmp0, $4  }
0x78: {  	[hbm4b:s11+s2] =	stream.linear.scatter [tilespmem:s12], [sflag:$0x2], $0x8000, $0x38;
	[tilespmem:$0x8100] =	vst v63  }
0x79: {  	_ =	swait.ge [sflag:s10], $0x8000  }
0x7a: {  	s0 =	sadd.s32 $0x20, s0;
	[sflag:s10] =	ssyncset.done $0x0  }
0x7b: {  	s31 =	sadd.s32 $0x20, s31;
	s1 =	sadd.s32 $0x1000, s1;
	[sflag:s10] =	ssyncadd.s32 $0xFFFF8000  }
0x7c: {  	s30 =	sadd.s32 $0x1, s30  }
0x7d: {  	p0 =	sne.s32 s30, s9  }
.Ltmp1:
0x7e: {  	_ = 	snop;
	(pc) =	sbr.rel @p0 .LBB2_1-.Ltmp1, $1  }
0x7f: {  	_ =	sdelay $0x3  }
0x80: {  	_ =	sfence.sel $0x180000  }
0x81: {  	[bflag:$0x0] =	sbarrier.arrive $0xFFFF  }
0x82: {  	_ =	strace $0x90000056  }
0x83: {  	s0 =	stileid.u32;
	[bflag:$0x2] =	sbarrier.arrive $0xFFFF  }
0x84: {  	p0 =	sne.s32 s0, $0x0;
	s0 =	rddreg [dreg:$0x1]  }
0x85: {  	s0 =	sadd.s32 @!p0 $0x100000, s0  }
0x86: {  	[sflag:s0] =	ssyncadd.tile.s32 @!p0 $0x1;
	_ =	shalt  }
.Lfunc_end2:
_tile_overlayer_lowered:
.L_overlay_start_2:
0x87: {  	(tag) =	ssettag $0x2  }
0x88: {  	s0 =	rddreg [dreg:$0x0];
	s2 =	stileid.u32  }
0x89: {  	s1 =	rddreg [dreg:$0x1];
	p0 =	sne.s32 s2, $0x0  }
0x8a: {  	s3 =	rddreg [dreg:$0x2];
	[bflag:$0x3] =	sbarrier.arrive $0xFFFF;
	s2 =	simm.s32 @!p0 $0x1C02  }
0x8b: {  	[timem:s3], [sflag:s2] =	dma.local @!p0 [hbm:s0], s1  }
0x8c: {  	s0 =	simm.s32 @!p0 $0x2  }
0x8d: {  	_ =	swait.ge @!p0 [sflag:s0], s1  }
0x8e: {  	s1 =	ssub.s32 @!p0 $0x0, s1;
	[sflag:s0] =	ssyncset.done @!p0 $0x0  }
0x8f: {  	[sflag:s0] =	ssyncadd.s32 @!p0 s1  }
0x90: {  	[bflag:$0x3] =	sbarrier.arrive $0xFFFF  }
0x91: {  	_ =	shalt  }

</sc_bundles>
